<compile_context>
chip_gen: v7x
topology: tpu7x:2x2x1
jax: 0.10.2.dev20260603
libtpu: 0.0.44.dev20260713+nightly
codegen_flags: <defaults>
</compile_context>

<pallas_src>
import functools
import math

import jax
import jax.numpy as jnp
from jax import lax
from jax.experimental import pallas as pl
from jax.experimental.pallas import tpu as pltpu
from jax.experimental.pallas import tpu_sc as plsc

VOCAB = 100000
EMBED = 64
MAX_LEN = 512
BATCH = 1024
SEQ = 200

NC, NS, L = 2, 16, 16
NW = NC * NS
BT = 128
NBT = BATCH // BT
NTASK = SEQ * NBT
TPW = NTASK // NW
NGB = BT // L


def _positional(max_len, d):
    position = jnp.arange(max_len, dtype=jnp.float32)[:, None]
    div = jnp.exp(
        jnp.arange(0, d, 2, dtype=jnp.float32) * (-math.log(10000.0) / d)
    )
    pe = jnp.zeros((max_len, d), jnp.float32)
    pe = pe.at[:, 0::2].set(jnp.sin(position * div))
    pe = pe.at[:, 1::2].set(jnp.cos(position * div))
    return pe


def _body(seq2, table, pe2, out, idx_all, rows0, rows1, outv0, outv1, pe_v,
          g0, g1, s0, s1):
    wid = lax.axis_index("s") * NC + lax.axis_index("c")
    pltpu.sync_copy(pe2, pe_v)
    t0 = wid * TPW
    pltpu.sync_copy(seq2.at[pl.ds(t0, TPW)], idx_all)

    iotas = [jnp.arange(L, dtype=jnp.int32) + g * L for g in range(NGB)]

    def start_gather(i, rows_ref, sem):
        pltpu.async_copy(table.at[idx_all.at[i]], rows_ref, sem)

    def wait_gather(rows_ref, sem):
        pltpu.make_async_copy(table.at[idx_all.at[0]], rows_ref, sem).wait()

    def task_sbt(r):
        return (r // 64) * 8 + r % 8, (r % 64) // 8

    def store_dst(r):
        s, bt = task_sbt(r)
        return out.at[s].at[:, bt]

    def start_store(r, outv_ref, sem):
        pltpu.async_copy(outv_ref, store_dst(r), sem)

    def wait_store(outv_ref, sem):
        pltpu.make_async_copy(outv_ref, store_dst(0), sem).wait()

    def compute(i, r, rows_ref, outv_ref):
        s, _ = task_sbt(r)
        ps = jnp.full((L,), s // 2, jnp.int32)
        poff = (s % 2) * EMBED
        nz = jnp.int32(0)
        for g in range(NGB):
            iv = idx_all[i, pl.ds(g * L, L)]
            nz = nz + plsc.all_reduce_population_count(iv == 0)[0]

        @pl.when(nz == 0)
        def _fast():
            @plsc.parallel_loop(0, EMBED, step=1, unroll=4)
            def ccol(c):
                pe_vec = plsc.load_gather(
                    pe_v, [ps, jnp.full((L,), poff + c, jnp.int32)]
                )
                cc = jnp.full((L,), c, jnp.int32)
                for g in range(NGB):
                    col = plsc.load_gather(rows_ref, [iotas[g], cc])
                    outv_ref[c // 8, c % 8, pl.ds(g * L, L)] = col + pe_vec

        @pl.when(nz > 0)
        def _masked():
            ws = []
            for g in range(NGB):
                iv = idx_all[i, pl.ds(g * L, L)]
                ws.append(
                    jnp.where(iv == 0, jnp.float32(0.0), jnp.float32(1.0))
                )

            @plsc.parallel_loop(0, EMBED, step=1, unroll=2)
            def ccol(c):
                pe_vec = plsc.load_gather(
                    pe_v, [ps, jnp.full((L,), poff + c, jnp.int32)]
                )
                cc = jnp.full((L,), c, jnp.int32)
                for g in range(NGB):
                    col = plsc.load_gather(rows_ref, [iotas[g], cc])
                    outv_ref[c // 8, c % 8, pl.ds(g * L, L)] = (
                        col * ws[g] + pe_vec
                    )

    start_gather(0, rows0, g0)

    def step(j, _):
        ia, ib = 2 * j, 2 * j + 1
        ra, rb = t0 + ia, t0 + ib

        start_gather(ib, rows1, g1)

        wait_gather(rows0, g0)

        @pl.when(j > 0)
        def _():
            wait_store(outv0, s0)

        compute(ia, ra, rows0, outv0)
        start_store(ra, outv0, s0)

        @pl.when(j < TPW // 2 - 1)
        def _():
            start_gather(ia + 2, rows0, g0)

        wait_gather(rows1, g1)

        @pl.when(j > 0)
        def _():
            wait_store(outv1, s1)

        compute(ib, rb, rows1, outv1)
        start_store(rb, outv1, s1)
        return 0

    lax.fori_loop(0, TPW // 2, step, 0)
    wait_store(outv0, s0)
    wait_store(outv1, s1)


@jax.jit
def kernel(sequence, token_table):
    seq2 = (
        sequence.astype(jnp.int32)
        .reshape(NBT, BT, SEQ // 8, 8)
        .transpose(2, 0, 3, 1)
        .reshape(NTASK, BT)
    )
    pe2 = _positional(MAX_LEN, EMBED)[:SEQ].reshape(SEQ // 2, 2 * EMBED)

    run = functools.partial(
        pl.kernel,
        out_type=jax.ShapeDtypeStruct(
            (SEQ, EMBED // 8, NBT, 8, BT), jnp.float32
        ),
        mesh=plsc.VectorSubcoreMesh(core_axis_name="c", subcore_axis_name="s"),
        compiler_params=pltpu.CompilerParams(
            needs_layout_passes=False, use_tc_tiling_on_sc=False
        ),
        scratch_types=[
            pltpu.VMEM((TPW, BT), jnp.int32),
            pltpu.VMEM((BT, EMBED), jnp.float32),
            pltpu.VMEM((BT, EMBED), jnp.float32),
            pltpu.VMEM((EMBED // 8, 8, BT), jnp.float32),
            pltpu.VMEM((EMBED // 8, 8, BT), jnp.float32),
            pltpu.VMEM((SEQ // 2, 2 * EMBED), jnp.float32),
            pltpu.SemaphoreType.DMA,
            pltpu.SemaphoreType.DMA,
            pltpu.SemaphoreType.DMA,
            pltpu.SemaphoreType.DMA,
        ],
    )(_body)
    x = run(seq2, token_table, pe2)
    return (
        x.transpose(2, 4, 0, 1, 3).reshape(BATCH, SEQ, EMBED)
    )

# --- scband reference (transcript-rebuilt; emitter-appended) ---
"""Pipeline reference for scband-bertembedding-9328668967757 (READ-ONLY COPY).

The authoritative reference and input builder live on the scoring server;
editing this copy changes nothing except your own understanding.
"""

import jax, jax.numpy as jnp
import numpy as np
import math

VOCAB = 100000
EMBED = 64
MAX_LEN = 512
BATCH = 1024
SEQ = 200


def _positional_embedding(max_len, d_model):
    position = jnp.arange(max_len, dtype=jnp.float32)[:, None]
    div_term = jnp.exp(jnp.arange(0, d_model, 2, dtype=jnp.float32) * (-math.log(10000.0) / d_model))
    pe = jnp.zeros((max_len, d_model), dtype=jnp.float32)
    pe = pe.at[:, 0::2].set(jnp.sin(position * div_term))
    pe = pe.at[:, 1::2].set(jnp.cos(position * div_term))
    return pe


def setup_inputs(seed: int = 0):
    key = jax.random.key(seed)
    k1, k2 = jax.random.split(key)
    sequence = jax.random.randint(k1, (BATCH, SEQ), 0, VOCAB, dtype=jnp.int64) if jax.config.jax_enable_x64 else jax.random.randint(k1, (BATCH, SEQ), 0, VOCAB, dtype=jnp.int32)
    token_table = jax.random.normal(k2, (VOCAB, EMBED), dtype=jnp.float32)
    return {"sequence": sequence, "token_table": token_table}


def reference(sequence, token_table):
    # BERTEmbedding.forward with is_logkey=True, is_time=False, eval-mode dropout (identity)
    L = sequence.shape[1]
    pe = _positional_embedding(MAX_LEN, EMBED)[None, :L, :]  # PositionalEmbedding buffer, sliced to seq len
    # TokenEmbedding has padding_idx=0 -> row 0 is zeros
    table = token_table.at[0].set(0.0)
    tok = jnp.take(table, sequence, axis=0)
    x = pe + tok
    return x

if __name__ == "__main__":
    import jax
    _d = setup_inputs()
    print(jax.jit(kernel)(*tuple(_d.values())))

</pallas_src>

<mosaic_0001>
#map = affine_map<(d0, d1) -> (0, 0)>
#map1 = affine_map<(d0, d1) -> (0, 0, 0, 0, 0)>
module attributes {stable_mosaic.version = 14 : i64} {
  func.func @_body(%arg0: i32, %arg1: i32, %arg2: memref<1600x128xi32, #tpu.memory_space<hbm>>, %arg3: memref<100000x64xf32, #tpu.memory_space<hbm>>, %arg4: memref<100x128xf32, #tpu.memory_space<hbm>>, %arg5: memref<200x8x8x8x128xf32, #tpu.memory_space<hbm>>, %arg6: memref<50x128xi32, #tpu.memory_space<vmem>>, %arg7: memref<128x64xf32, #tpu.memory_space<vmem>>, %arg8: memref<128x64xf32, #tpu.memory_space<vmem>>, %arg9: memref<8x8x128xf32, #tpu.memory_space<vmem>>, %arg10: memref<8x8x128xf32, #tpu.memory_space<vmem>>, %arg11: memref<100x128xf32, #tpu.memory_space<vmem>>, %arg12: memref<!tpu.dma_semaphore, #tpu.memory_space<semaphore_mem>>, %arg13: memref<!tpu.dma_semaphore, #tpu.memory_space<semaphore_mem>>, %arg14: memref<!tpu.dma_semaphore, #tpu.memory_space<semaphore_mem>>, %arg15: memref<!tpu.dma_semaphore, #tpu.memory_space<semaphore_mem>>) attributes {dimension_semantics = [#tpu.dimension_semantics<core_parallel>, #tpu.dimension_semantics<subcore_parallel>], iteration_bounds = array<i64: 2, 16>, scalar_prefetch = 0 : i64, scratch_operands = 10 : i64, tpu.core_type = #tpu.core_type<sc_vector_subcore>, window_params = [{transform_indices = #map}, {transform_indices = #map}, {transform_indices = #map}, {transform_indices = #map1}]} {
    %mul3A = arith.constant 2 : i32
    %mul3A_0 = arith.muli %arg1, %mul3A : i32
    %add3A = arith.addi %mul3A_0, %arg0 : i32
    "tpu.region"() ({
      %run_scoped3A = tpu.sem_alloc : memref<!tpu.dma_semaphore, #tpu.memory_space<semaphore_mem>>
      tpu.enqueue_dma source(%arg4 : memref<100x128xf32, #tpu.memory_space<hbm>>) target(%arg11 : memref<100x128xf32, #tpu.memory_space<vmem>>) target_semaphore(%run_scoped3A : memref<!tpu.dma_semaphore, #tpu.memory_space<semaphore_mem>>)
      tpu.wait_dma2 semaphore(%run_scoped3A : memref<!tpu.dma_semaphore, #tpu.memory_space<semaphore_mem>>) src(%arg4 : memref<100x128xf32, #tpu.memory_space<hbm>>) dst(%arg11 : memref<100x128xf32, #tpu.memory_space<vmem>>)
      tpu.yield
    }) : () -> ()
    %mul3A_1 = arith.constant 50 : i32
    %mul3A_2 = arith.muli %add3A, %mul3A_1 : i32
    "tpu.region"() ({
      %run_scoped3A = tpu.sem_alloc : memref<!tpu.dma_semaphore, #tpu.memory_space<semaphore_mem>>
      %dma_start3A_93 = arith.constant 0 : i32
      %dma_start3A_94 = tpu.memref_slice %arg2[%mul3A_2, %dma_start3A_93] : memref<1600x128xi32, #tpu.memory_space<hbm>> -> memref<50x128xi32, #tpu.memory_space<hbm>>
      %dma_start3A_95 = arith.constant 0 : i32
      %dma_start3A_96 = tpu.memref_slice %arg2[%mul3A_2, %dma_start3A_95] : memref<1600x128xi32, #tpu.memory_space<hbm>> -> memref<50x128xi32, #tpu.memory_space<hbm>>
      tpu.enqueue_dma source(%dma_start3A_96 : memref<50x128xi32, #tpu.memory_space<hbm>>) target(%arg6 : memref<50x128xi32, #tpu.memory_space<vmem>>) target_semaphore(%run_scoped3A : memref<!tpu.dma_semaphore, #tpu.memory_space<semaphore_mem>>)
      %dma_wait3A_97 = arith.constant 0 : i32
      %dma_wait3A_98 = tpu.memref_slice %arg2[%mul3A_2, %dma_wait3A_97] : memref<1600x128xi32, #tpu.memory_space<hbm>> -> memref<50x128xi32, #tpu.memory_space<hbm>>
      %dma_wait3A_99 = arith.constant 0 : i32
      %dma_wait3A_100 = tpu.memref_slice %arg2[%mul3A_2, %dma_wait3A_99] : memref<1600x128xi32, #tpu.memory_space<hbm>> -> memref<50x128xi32, #tpu.memory_space<hbm>>
      tpu.wait_dma2 semaphore(%run_scoped3A : memref<!tpu.dma_semaphore, #tpu.memory_space<semaphore_mem>>) src(%dma_wait3A_100 : memref<50x128xi32, #tpu.memory_space<hbm>>) dst(%arg6 : memref<50x128xi32, #tpu.memory_space<vmem>>)
      tpu.yield
    }) : () -> ()
    %iota3A = tpu.iota {dimensions = array<i32: 0>} : vector<16xi32>
    %add3A_3 = arith.constant 0 : i32
    %add3A_4 = vector.broadcast %add3A_3 : i32 to vector<16xi32>
    %add3A_5 = arith.addi %iota3A, %add3A_4 : vector<16xi32>
    %iota3A_6 = tpu.iota {dimensions = array<i32: 0>} : vector<16xi32>
    %add3A_7 = arith.constant 16 : i32
    %add3A_8 = vector.broadcast %add3A_7 : i32 to vector<16xi32>
    %add3A_9 = arith.addi %iota3A_6, %add3A_8 : vector<16xi32>
    %iota3A_10 = tpu.iota {dimensions = array<i32: 0>} : vector<16xi32>
    %add3A_11 = arith.constant 32 : i32
    %add3A_12 = vector.broadcast %add3A_11 : i32 to vector<16xi32>
    %add3A_13 = arith.addi %iota3A_10, %add3A_12 : vector<16xi32>
    %iota3A_14 = tpu.iota {dimensions = array<i32: 0>} : vector<16xi32>
    %add3A_15 = arith.constant 48 : i32
    %add3A_16 = vector.broadcast %add3A_15 : i32 to vector<16xi32>
    %add3A_17 = arith.addi %iota3A_14, %add3A_16 : vector<16xi32>
    %iota3A_18 = tpu.iota {dimensions = array<i32: 0>} : vector<16xi32>
    %add3A_19 = arith.constant 64 : i32
    %add3A_20 = vector.broadcast %add3A_19 : i32 to vector<16xi32>
    %add3A_21 = arith.addi %iota3A_18, %add3A_20 : vector<16xi32>
    %iota3A_22 = tpu.iota {dimensions = array<i32: 0>} : vector<16xi32>
    %add3A_23 = arith.constant 80 : i32
    %add3A_24 = vector.broadcast %add3A_23 : i32 to vector<16xi32>
    %add3A_25 = arith.addi %iota3A_22, %add3A_24 : vector<16xi32>
    %iota3A_26 = tpu.iota {dimensions = array<i32: 0>} : vector<16xi32>
    %add3A_27 = arith.constant 96 : i32
    %add3A_28 = vector.broadcast %add3A_27 : i32 to vector<16xi32>
    %add3A_29 = arith.addi %iota3A_26, %add3A_28 : vector<16xi32>
    %iota3A_30 = tpu.iota {dimensions = array<i32: 0>} : vector<16xi32>
    %add3A_31 = arith.constant 112 : i32
    %add3A_32 = vector.broadcast %add3A_31 : i32 to vector<16xi32>
    %add3A_33 = arith.addi %iota3A_30, %add3A_32 : vector<16xi32>
    %dma_start3A = arith.constant 0 : i32
    %dma_start3A_34 = arith.constant 0 : i32
    %dma_start3A_35 = tpu.memref_slice %arg6[%dma_start3A, %dma_start3A_34] : memref<50x128xi32, #tpu.memory_space<vmem>> -> memref<1x128xi32, #tpu.memory_space<vmem>>
    %dma_start3A_36 = tpu.memref_squeeze %dma_start3A_35 : memref<1x128xi32, #tpu.memory_space<vmem>> -> memref<128xi32, #tpu.memory_space<vmem>>
    %dma_start3A_37 = arith.constant 0 : i32
    %dma_start3A_38 = arith.constant 0 : i32
    %dma_start3A_39 = tpu.memref_slice %arg3[%dma_start3A_37, %dma_start3A_38] : memref<100000x64xf32, #tpu.memory_space<hbm>> -> memref<100000x64xf32, #tpu.memory_space<hbm>>
    tpu.enqueue_indirect_dma source(%dma_start3A_39 : memref<100000x64xf32, #tpu.memory_space<hbm>>) target(%arg7 : memref<128x64xf32, #tpu.memory_space<vmem>>) offsets(%dma_start3A_36 : memref<128xi32, #tpu.memory_space<vmem>>) semaphore(%arg12 : memref<!tpu.dma_semaphore, #tpu.memory_space<semaphore_mem>>)
    %scan3A = arith.constant 0 : i32
    %scan3A_40 = arith.constant 0 : i32
    %scan3A_41 = arith.constant 25 : i32
    %scan3A_42 = arith.addi %scan3A_40, %scan3A_41 : i32
    %scan3A_43 = arith.constant 1 : i32
    %scan3A_44 = scf.for %scan3A_93 = %scan3A_40 to %scan3A_42 step %scan3A_43 iter_args(%scan3A_94 = %scan3A) -> (i32)  : i32 {
      %mul3A_95 = arith.constant 2 : i32
      %mul3A_96 = arith.muli %mul3A_95, %scan3A_93 : i32
      %mul3A_97 = arith.constant 2 : i32
      %mul3A_98 = arith.muli %mul3A_97, %scan3A_93 : i32
      %add3A_99 = arith.constant 1 : i32
      %add3A_100 = arith.addi %mul3A_98, %add3A_99 : i32
      %add3A_101 = arith.addi %mul3A_2, %mul3A_96 : i32
      %add3A_102 = arith.addi %mul3A_2, %add3A_100 : i32
      %dma_start3A_103 = arith.constant 0 : i32
      %dma_start3A_104 = tpu.memref_slice %arg6[%add3A_100, %dma_start3A_103] : memref<50x128xi32, #tpu.memory_space<vmem>> -> memref<1x128xi32, #tpu.memory_space<vmem>>
      %dma_start3A_105 = tpu.memref_squeeze %dma_start3A_104 : memref<1x128xi32, #tpu.memory_space<vmem>> -> memref<128xi32, #tpu.memory_space<vmem>>
      %dma_start3A_106 = arith.constant 0 : i32
      %dma_start3A_107 = arith.constant 0 : i32
      %dma_start3A_108 = tpu.memref_slice %arg3[%dma_start3A_106, %dma_start3A_107] : memref<100000x64xf32, #tpu.memory_space<hbm>> -> memref<100000x64xf32, #tpu.memory_space<hbm>>
      tpu.enqueue_indirect_dma source(%dma_start3A_108 : memref<100000x64xf32, #tpu.memory_space<hbm>>) target(%arg8 : memref<128x64xf32, #tpu.memory_space<vmem>>) offsets(%dma_start3A_105 : memref<128xi32, #tpu.memory_space<vmem>>) semaphore(%arg13 : memref<!tpu.dma_semaphore, #tpu.memory_space<semaphore_mem>>)
      %dma_wait3A_109 = arith.constant 0 : i32
      %dma_wait3A_110 = arith.constant 0 : i32
      %dma_wait3A_111 = tpu.memref_slice %arg6[%dma_wait3A_109, %dma_wait3A_110] : memref<50x128xi32, #tpu.memory_space<vmem>> -> memref<1x128xi32, #tpu.memory_space<vmem>>
      %dma_wait3A_112 = tpu.memref_squeeze %dma_wait3A_111 : memref<1x128xi32, #tpu.memory_space<vmem>> -> memref<128xi32, #tpu.memory_space<vmem>>
      %dma_wait3A_113 = arith.constant 0 : i32
      %dma_wait3A_114 = arith.constant 0 : i32
      %dma_wait3A_115 = tpu.memref_slice %arg3[%dma_wait3A_113, %dma_wait3A_114] : memref<100000x64xf32, #tpu.memory_space<hbm>> -> memref<100000x64xf32, #tpu.memory_space<hbm>>
      tpu.wait_indirect_dma semaphore(%arg12 : memref<!tpu.dma_semaphore, #tpu.memory_space<semaphore_mem>>) src(%dma_wait3A_115 : memref<100000x64xf32, #tpu.memory_space<hbm>>) dst(%arg7 : memref<128x64xf32, #tpu.memory_space<vmem>>)
      %gt3A = arith.constant 0 : i32
      %gt3A_116 = arith.cmpi sgt, %scan3A_93, %gt3A : i32
      %convert_element_type3A = arith.extui %gt3A_116 : i1 to i32
      %cond3A = arith.constant 0 : i32
      %cond3A_117 = arith.cmpi ne, %convert_element_type3A, %cond3A : i32
      scf.if %cond3A_117 {
        %dma_wait3A_765 = arith.constant 0 : i32
        %dma_wait3A_766 = arith.constant 0 : i32
        %dma_wait3A_767 = arith.constant 0 : i32
        %dma_wait3A_768 = arith.constant 0 : i32
        %dma_wait3A_769 = arith.constant 0 : i32
        %dma_wait3A_770 = arith.constant 0 : i32
        %dma_wait3A_771 = tpu.memref_slice %arg5[%dma_wait3A_765, %dma_wait3A_767, %dma_wait3A_768, %dma_wait3A_769, %dma_wait3A_770] : memref<200x8x8x8x128xf32, #tpu.memory_space<hbm>> -> memref<1x8x8x8x128xf32, #tpu.memory_space<hbm>>
        %dma_wait3A_772 = tpu.memref_squeeze %dma_wait3A_771 : memref<1x8x8x8x128xf32, #tpu.memory_space<hbm>> -> memref<8x8x8x128xf32, #tpu.memory_space<hbm>>
        %dma_wait3A_773 = arith.constant 0 : i32
        %dma_wait3A_774 = arith.constant 0 : i32
        %dma_wait3A_775 = arith.constant 0 : i32
        %dma_wait3A_776 = tpu.memref_slice %dma_wait3A_772[%dma_wait3A_773, %dma_wait3A_766, %dma_wait3A_774, %dma_wait3A_775] : memref<8x8x8x128xf32, #tpu.memory_space<hbm>> -> memref<8x1x8x128xf32, #tpu.memory_space<hbm>>
        %dma_wait3A_777 = tpu.memref_squeeze %dma_wait3A_776 : memref<8x1x8x128xf32, #tpu.memory_space<hbm>> -> memref<8x8x128xf32, #tpu.memory_space<hbm>>
        %dma_wait3A_778 = arith.constant 0 : i32
        %dma_wait3A_779 = arith.constant 0 : i32
        %dma_wait3A_780 = arith.constant 0 : i32
        %dma_wait3A_781 = arith.constant 0 : i32
        %dma_wait3A_782 = tpu.memref_slice %arg5[%dma_wait3A_765, %dma_wait3A_778, %dma_wait3A_779, %dma_wait3A_780, %dma_wait3A_781] : memref<200x8x8x8x128xf32, #tpu.memory_space<hbm>> -> memref<1x8x8x8x128xf32, #tpu.memory_space<hbm>>
        %dma_wait3A_783 = tpu.memref_squeeze %dma_wait3A_782 : memref<1x8x8x8x128xf32, #tpu.memory_space<hbm>> -> memref<8x8x8x128xf32, #tpu.memory_space<hbm>>
        %dma_wait3A_784 = arith.constant 0 : i32
        %dma_wait3A_785 = arith.constant 0 : i32
        %dma_wait3A_786 = arith.constant 0 : i32
        %dma_wait3A_787 = tpu.memref_slice %dma_wait3A_783[%dma_wait3A_784, %dma_wait3A_766, %dma_wait3A_785, %dma_wait3A_786] : memref<8x8x8x128xf32, #tpu.memory_space<hbm>> -> memref<8x1x8x128xf32, #tpu.memory_space<hbm>>
        %dma_wait3A_788 = tpu.memref_squeeze %dma_wait3A_787 : memref<8x1x8x128xf32, #tpu.memory_space<hbm>> -> memref<8x8x128xf32, #tpu.memory_space<hbm>>
        tpu.wait_dma2 semaphore(%arg14 : memref<!tpu.dma_semaphore, #tpu.memory_space<semaphore_mem>>) src(%arg9 : memref<8x8x128xf32, #tpu.memory_space<vmem>>) dst(%dma_wait3A_788 : memref<8x8x128xf32, #tpu.memory_space<hbm>>)
      } else {
      }
      %jit3A = arith.constant 64 : i32
      %div3A = arith.divsi %add3A_101, %jit3A : i32
      %sign3A = arith.constant 0 : i32
      %sign3A_118 = arith.cmpi sgt, %add3A_101, %sign3A : i32
      %sign3A_119 = arith.extui %sign3A_118 : i1 to i32
      %sign3A_120 = arith.constant 0 : i32
      %sign3A_121 = arith.cmpi slt, %add3A_101, %sign3A_120 : i32
      %sign3A_122 = arith.extui %sign3A_121 : i1 to i32
      %sign3A_123 = arith.subi %sign3A_119, %sign3A_122 : i32
      %sign3A_124 = arith.constant 0 : i32
      %sign3A_125 = arith.cmpi sgt, %jit3A, %sign3A_124 : i32
      %sign3A_126 = arith.extui %sign3A_125 : i1 to i32
      %sign3A_127 = arith.constant 0 : i32
      %sign3A_128 = arith.cmpi slt, %jit3A, %sign3A_127 : i32
      %sign3A_129 = arith.extui %sign3A_128 : i1 to i32
      %sign3A_130 = arith.subi %sign3A_126, %sign3A_129 : i32
      %ne3A = arith.cmpi ne, %sign3A_123, %sign3A_130 : i32
      %rem3A = arith.remsi %add3A_101, %jit3A : i32
      %ne3A_131 = arith.constant 0 : i32
      %ne3A_132 = arith.cmpi ne, %rem3A, %ne3A_131 : i32
      %and3A = arith.andi %ne3A, %ne3A_132 : i1
      %sub3A = arith.constant 1 : i32
      %sub3A_133 = arith.subi %div3A, %sub3A : i32
      %select_n3A = arith.select %and3A, %sub3A_133, %div3A : i32
      %mul3A_134 = arith.constant 8 : i32
      %mul3A_135 = arith.muli %select_n3A, %mul3A_134 : i32
      %jit3A_136 = arith.constant 8 : i32
      %eq3A = arith.constant 0 : i32
      %eq3A_137 = arith.cmpi eq, %jit3A_136, %eq3A : i32
      %jit3A_138 = arith.constant 1 : i32
      %select_n3A_139 = arith.select %eq3A_137, %jit3A_138, %jit3A_136 : i32
      %rem3A_140 = arith.remsi %add3A_101, %select_n3A_139 : i32
      %ne3A_141 = arith.constant 0 : i32
      %ne3A_142 = arith.cmpi ne, %rem3A_140, %ne3A_141 : i32
      %lt3A = arith.constant 0 : i32
      %lt3A_143 = arith.cmpi slt, %rem3A_140, %lt3A : i32
      %lt3A_144 = arith.constant 0 : i32
      %lt3A_145 = arith.cmpi slt, %select_n3A_139, %lt3A_144 : i32
      %ne3A_146 = arith.xori %lt3A_143, %lt3A_145 : i1
      %and3A_147 = arith.andi %ne3A_146, %ne3A_142 : i1
      %add3A_148 = arith.addi %rem3A_140, %select_n3A_139 : i32
      %select_n3A_149 = arith.select %and3A_147, %add3A_148, %rem3A_140 : i32
      %add3A_150 = arith.addi %mul3A_135, %select_n3A_149 : i32
      %jit3A_151 = arith.constant 64 : i32
      %eq3A_152 = arith.constant 0 : i32
      %eq3A_153 = arith.cmpi eq, %jit3A_151, %eq3A_152 : i32
      %jit3A_154 = arith.constant 1 : i32
      %select_n3A_155 = arith.select %eq3A_153, %jit3A_154, %jit3A_151 : i32
      %rem3A_156 = arith.remsi %add3A_101, %select_n3A_155 : i32
      %ne3A_157 = arith.constant 0 : i32
      %ne3A_158 = arith.cmpi ne, %rem3A_156, %ne3A_157 : i32
      %lt3A_159 = arith.constant 0 : i32
      %lt3A_160 = arith.cmpi slt, %rem3A_156, %lt3A_159 : i32
      %lt3A_161 = arith.constant 0 : i32
      %lt3A_162 = arith.cmpi slt, %select_n3A_155, %lt3A_161 : i32
      %ne3A_163 = arith.xori %lt3A_160, %lt3A_162 : i1
      %and3A_164 = arith.andi %ne3A_163, %ne3A_158 : i1
      %add3A_165 = arith.addi %rem3A_156, %select_n3A_155 : i32
      %select_n3A_166 = arith.select %and3A_164, %add3A_165, %rem3A_156 : i32
      %jit3A_167 = arith.constant 8 : i32
      %div3A_168 = arith.divsi %select_n3A_166, %jit3A_167 : i32
      %sign3A_169 = arith.constant 0 : i32
      %sign3A_170 = arith.cmpi sgt, %select_n3A_166, %sign3A_169 : i32
      %sign3A_171 = arith.extui %sign3A_170 : i1 to i32
      %sign3A_172 = arith.constant 0 : i32
      %sign3A_173 = arith.cmpi slt, %select_n3A_166, %sign3A_172 : i32
      %sign3A_174 = arith.extui %sign3A_173 : i1 to i32
      %sign3A_175 = arith.subi %sign3A_171, %sign3A_174 : i32
      %sign3A_176 = arith.constant 0 : i32
      %sign3A_177 = arith.cmpi sgt, %jit3A_167, %sign3A_176 : i32
      %sign3A_178 = arith.extui %sign3A_177 : i1 to i32
      %sign3A_179 = arith.constant 0 : i32
      %sign3A_180 = arith.cmpi slt, %jit3A_167, %sign3A_179 : i32
      %sign3A_181 = arith.extui %sign3A_180 : i1 to i32
      %sign3A_182 = arith.subi %sign3A_178, %sign3A_181 : i32
      %ne3A_183 = arith.cmpi ne, %sign3A_175, %sign3A_182 : i32
      %rem3A_184 = arith.remsi %select_n3A_166, %jit3A_167 : i32
      %ne3A_185 = arith.constant 0 : i32
      %ne3A_186 = arith.cmpi ne, %rem3A_184, %ne3A_185 : i32
      %and3A_187 = arith.andi %ne3A_183, %ne3A_186 : i1
      %sub3A_188 = arith.constant 1 : i32
      %sub3A_189 = arith.subi %div3A_168, %sub3A_188 : i32
      %select_n3A_190 = arith.select %and3A_187, %sub3A_189, %div3A_168 : i32
      %jit3A_191 = arith.constant 2 : i32
      %div3A_192 = arith.divsi %add3A_150, %jit3A_191 : i32
      %sign3A_193 = arith.constant 0 : i32
      %sign3A_194 = arith.cmpi sgt, %add3A_150, %sign3A_193 : i32
      %sign3A_195 = arith.extui %sign3A_194 : i1 to i32
      %sign3A_196 = arith.constant 0 : i32
      %sign3A_197 = arith.cmpi slt, %add3A_150, %sign3A_196 : i32
      %sign3A_198 = arith.extui %sign3A_197 : i1 to i32
      %sign3A_199 = arith.subi %sign3A_195, %sign3A_198 : i32
      %sign3A_200 = arith.constant 0 : i32
      %sign3A_201 = arith.cmpi sgt, %jit3A_191, %sign3A_200 : i32
      %sign3A_202 = arith.extui %sign3A_201 : i1 to i32
      %sign3A_203 = arith.constant 0 : i32
      %sign3A_204 = arith.cmpi slt, %jit3A_191, %sign3A_203 : i32
      %sign3A_205 = arith.extui %sign3A_204 : i1 to i32
      %sign3A_206 = arith.subi %sign3A_202, %sign3A_205 : i32
      %ne3A_207 = arith.cmpi ne, %sign3A_199, %sign3A_206 : i32
      %rem3A_208 = arith.remsi %add3A_150, %jit3A_191 : i32
      %ne3A_209 = arith.constant 0 : i32
      %ne3A_210 = arith.cmpi ne, %rem3A_208, %ne3A_209 : i32
      %and3A_211 = arith.andi %ne3A_207, %ne3A_210 : i1
      %sub3A_212 = arith.constant 1 : i32
      %sub3A_213 = arith.subi %div3A_192, %sub3A_212 : i32
      %select_n3A_214 = arith.select %and3A_211, %sub3A_213, %div3A_192 : i32
      %broadcast_in_dim3A = vector.broadcast %select_n3A_214 : i32 to vector<16xi32>
      %jit3A_215 = arith.constant 2 : i32
      %eq3A_216 = arith.constant 0 : i32
      %eq3A_217 = arith.cmpi eq, %jit3A_215, %eq3A_216 : i32
      %jit3A_218 = arith.constant 1 : i32
      %select_n3A_219 = arith.select %eq3A_217, %jit3A_218, %jit3A_215 : i32
      %rem3A_220 = arith.remsi %add3A_150, %select_n3A_219 : i32
      %ne3A_221 = arith.constant 0 : i32
      %ne3A_222 = arith.cmpi ne, %rem3A_220, %ne3A_221 : i32
      %lt3A_223 = arith.constant 0 : i32
      %lt3A_224 = arith.cmpi slt, %rem3A_220, %lt3A_223 : i32
      %lt3A_225 = arith.constant 0 : i32
      %lt3A_226 = arith.cmpi slt, %select_n3A_219, %lt3A_225 : i32
      %ne3A_227 = arith.xori %lt3A_224, %lt3A_226 : i1
      %and3A_228 = arith.andi %ne3A_227, %ne3A_222 : i1
      %add3A_229 = arith.addi %rem3A_220, %select_n3A_219 : i32
      %select_n3A_230 = arith.select %and3A_228, %add3A_229, %rem3A_220 : i32
      %mul3A_231 = arith.constant 64 : i32
      %mul3A_232 = arith.muli %select_n3A_230, %mul3A_231 : i32
      %get3A = arith.index_cast %mul3A_96 : i32 to index
      %get3A_233 = arith.constant 0 : index
      %get3A_234 = tpu.vector_load %arg6[%get3A, %get3A_233] {strides = array<i32>} : memref<50x128xi32, #tpu.memory_space<vmem>>, vector<16xi32>,
      %eq3A_235 = arith.constant 0 : i32
      %eq3A_236 = vector.broadcast %eq3A_235 : i32 to vector<16xi32>
      %eq3A_237 = arith.cmpi eq, %get3A_234, %eq3A_236 : vector<16xi32>
      %all_reduce_population_count3A = tpu.all_reduce %eq3A_237 {dim = 0 : i64, kind = #tpu.reduction_kind<sum>} : vector<16xi1> -> vector<16xi32>
      %slice3A = vector.extract_strided_slice %all_reduce_population_count3A {offsets = [0], sizes = [1], strides = [1]} : vector<16xi32> to vector<1xi32>
      %squeeze3A = vector.extract %slice3A[0] : i32 from vector<1xi32>
      %add3A_238 = arith.constant 0 : i32
      %add3A_239 = arith.addi %add3A_238, %squeeze3A : i32
      %get3A_240 = arith.index_cast %mul3A_96 : i32 to index
      %get3A_241 = arith.constant 16 : index
      %get3A_242 = tpu.vector_load %arg6[%get3A_240, %get3A_241] {strides = array<i32>} : memref<50x128xi32, #tpu.memory_space<vmem>>, vector<16xi32>,
      %eq3A_243 = arith.constant 0 : i32
      %eq3A_244 = vector.broadcast %eq3A_243 : i32 to vector<16xi32>
      %eq3A_245 = arith.cmpi eq, %get3A_242, %eq3A_244 : vector<16xi32>
      %all_reduce_population_count3A_246 = tpu.all_reduce %eq3A_245 {dim = 0 : i64, kind = #tpu.reduction_kind<sum>} : vector<16xi1> -> vector<16xi32>
      %slice3A_247 = vector.extract_strided_slice %all_reduce_population_count3A_246 {offsets = [0], sizes = [1], strides = [1]} : vector<16xi32> to vector<1xi32>
      %squeeze3A_248 = vector.extract %slice3A_247[0] : i32 from vector<1xi32>
      %add3A_249 = arith.addi %add3A_239, %squeeze3A_248 : i32
      %get3A_250 = arith.index_cast %mul3A_96 : i32 to index
      %get3A_251 = arith.constant 32 : index
      %get3A_252 = tpu.vector_load %arg6[%get3A_250, %get3A_251] {strides = array<i32>} : memref<50x128xi32, #tpu.memory_space<vmem>>, vector<16xi32>,
      %eq3A_253 = arith.constant 0 : i32
      %eq3A_254 = vector.broadcast %eq3A_253 : i32 to vector<16xi32>
      %eq3A_255 = arith.cmpi eq, %get3A_252, %eq3A_254 : vector<16xi32>
      %all_reduce_population_count3A_256 = tpu.all_reduce %eq3A_255 {dim = 0 : i64, kind = #tpu.reduction_kind<sum>} : vector<16xi1> -> vector<16xi32>
      %slice3A_257 = vector.extract_strided_slice %all_reduce_population_count3A_256 {offsets = [0], sizes = [1], strides = [1]} : vector<16xi32> to vector<1xi32>
      %squeeze3A_258 = vector.extract %slice3A_257[0] : i32 from vector<1xi32>
      %add3A_259 = arith.addi %add3A_249, %squeeze3A_258 : i32
      %get3A_260 = arith.index_cast %mul3A_96 : i32 to index
      %get3A_261 = arith.constant 48 : index
      %get3A_262 = tpu.vector_load %arg6[%get3A_260, %get3A_261] {strides = array<i32>} : memref<50x128xi32, #tpu.memory_space<vmem>>, vector<16xi32>,
      %eq3A_263 = arith.constant 0 : i32
      %eq3A_264 = vector.broadcast %eq3A_263 : i32 to vector<16xi32>
      %eq3A_265 = arith.cmpi eq, %get3A_262, %eq3A_264 : vector<16xi32>
      %all_reduce_population_count3A_266 = tpu.all_reduce %eq3A_265 {dim = 0 : i64, kind = #tpu.reduction_kind<sum>} : vector<16xi1> -> vector<16xi32>
      %slice3A_267 = vector.extract_strided_slice %all_reduce_population_count3A_266 {offsets = [0], sizes = [1], strides = [1]} : vector<16xi32> to vector<1xi32>
      %squeeze3A_268 = vector.extract %slice3A_267[0] : i32 from vector<1xi32>
      %add3A_269 = arith.addi %add3A_259, %squeeze3A_268 : i32
      %get3A_270 = arith.index_cast %mul3A_96 : i32 to index
      %get3A_271 = arith.constant 64 : index
      %get3A_272 = tpu.vector_load %arg6[%get3A_270, %get3A_271] {strides = array<i32>} : memref<50x128xi32, #tpu.memory_space<vmem>>, vector<16xi32>,
      %eq3A_273 = arith.constant 0 : i32
      %eq3A_274 = vector.broadcast %eq3A_273 : i32 to vector<16xi32>
      %eq3A_275 = arith.cmpi eq, %get3A_272, %eq3A_274 : vector<16xi32>
      %all_reduce_population_count3A_276 = tpu.all_reduce %eq3A_275 {dim = 0 : i64, kind = #tpu.reduction_kind<sum>} : vector<16xi1> -> vector<16xi32>
      %slice3A_277 = vector.extract_strided_slice %all_reduce_population_count3A_276 {offsets = [0], sizes = [1], strides = [1]} : vector<16xi32> to vector<1xi32>
      %squeeze3A_278 = vector.extract %slice3A_277[0] : i32 from vector<1xi32>
      %add3A_279 = arith.addi %add3A_269, %squeeze3A_278 : i32
      %get3A_280 = arith.index_cast %mul3A_96 : i32 to index
      %get3A_281 = arith.constant 80 : index
      %get3A_282 = tpu.vector_load %arg6[%get3A_280, %get3A_281] {strides = array<i32>} : memref<50x128xi32, #tpu.memory_space<vmem>>, vector<16xi32>,
      %eq3A_283 = arith.constant 0 : i32
      %eq3A_284 = vector.broadcast %eq3A_283 : i32 to vector<16xi32>
      %eq3A_285 = arith.cmpi eq, %get3A_282, %eq3A_284 : vector<16xi32>
      %all_reduce_population_count3A_286 = tpu.all_reduce %eq3A_285 {dim = 0 : i64, kind = #tpu.reduction_kind<sum>} : vector<16xi1> -> vector<16xi32>
      %slice3A_287 = vector.extract_strided_slice %all_reduce_population_count3A_286 {offsets = [0], sizes = [1], strides = [1]} : vector<16xi32> to vector<1xi32>
      %squeeze3A_288 = vector.extract %slice3A_287[0] : i32 from vector<1xi32>
      %add3A_289 = arith.addi %add3A_279, %squeeze3A_288 : i32
      %get3A_290 = arith.index_cast %mul3A_96 : i32 to index
      %get3A_291 = arith.constant 96 : index
      %get3A_292 = tpu.vector_load %arg6[%get3A_290, %get3A_291] {strides = array<i32>} : memref<50x128xi32, #tpu.memory_space<vmem>>, vector<16xi32>,
      %eq3A_293 = arith.constant 0 : i32
      %eq3A_294 = vector.broadcast %eq3A_293 : i32 to vector<16xi32>
      %eq3A_295 = arith.cmpi eq, %get3A_292, %eq3A_294 : vector<16xi32>
      %all_reduce_population_count3A_296 = tpu.all_reduce %eq3A_295 {dim = 0 : i64, kind = #tpu.reduction_kind<sum>} : vector<16xi1> -> vector<16xi32>
      %slice3A_297 = vector.extract_strided_slice %all_reduce_population_count3A_296 {offsets = [0], sizes = [1], strides = [1]} : vector<16xi32> to vector<1xi32>
      %squeeze3A_298 = vector.extract %slice3A_297[0] : i32 from vector<1xi32>
      %add3A_299 = arith.addi %add3A_289, %squeeze3A_298 : i32
      %get3A_300 = arith.index_cast %mul3A_96 : i32 to index
      %get3A_301 = arith.constant 112 : index
      %get3A_302 = tpu.vector_load %arg6[%get3A_300, %get3A_301] {strides = array<i32>} : memref<50x128xi32, #tpu.memory_space<vmem>>, vector<16xi32>,
      %eq3A_303 = arith.constant 0 : i32
      %eq3A_304 = vector.broadcast %eq3A_303 : i32 to vector<16xi32>
      %eq3A_305 = arith.cmpi eq, %get3A_302, %eq3A_304 : vector<16xi32>
      %all_reduce_population_count3A_306 = tpu.all_reduce %eq3A_305 {dim = 0 : i64, kind = #tpu.reduction_kind<sum>} : vector<16xi1> -> vector<16xi32>
      %slice3A_307 = vector.extract_strided_slice %all_reduce_population_count3A_306 {offsets = [0], sizes = [1], strides = [1]} : vector<16xi32> to vector<1xi32>
      %squeeze3A_308 = vector.extract %slice3A_307[0] : i32 from vector<1xi32>
      %add3A_309 = arith.addi %add3A_299, %squeeze3A_308 : i32
      %eq3A_310 = arith.constant 0 : i32
      %eq3A_311 = arith.cmpi eq, %add3A_309, %eq3A_310 : i32
      %convert_element_type3A_312 = arith.extui %eq3A_311 : i1 to i32
      %cond3A_313 = arith.constant 0 : i32
      %cond3A_314 = arith.cmpi ne, %convert_element_type3A_312, %cond3A_313 : i32
      scf.if %cond3A_314 {
        %parallel_loop3A = arith.constant 0 : i32
        %parallel_loop3A_765 = arith.constant 64 : i32
        %parallel_loop3A_766 = arith.constant 1 : i32
        scf.for %parallel_loop3A_767 = %parallel_loop3A to %parallel_loop3A_765 step %parallel_loop3A_766  : i32 {
          %parallel_loop3A_768 = arith.addi %mul3A_232, %parallel_loop3A_767 : i32
          %parallel_loop3A_769 = vector.broadcast %parallel_loop3A_768 : i32 to vector<16xi32>
          %parallel_loop3A_770 = tpu.vector_load_idx %arg11[%broadcast_in_dim3A, %parallel_loop3A_769] : memref<100x128xf32, #tpu.memory_space<vmem>>[vector<16xi32>, vector<16xi32>], vector<16xf32>,
          %parallel_loop3A_771 = vector.broadcast %parallel_loop3A_767 : i32 to vector<16xi32>
          %parallel_loop3A_772 = tpu.vector_load_idx %arg7[%add3A_5, %parallel_loop3A_771] : memref<128x64xf32, #tpu.memory_space<vmem>>[vector<16xi32>, vector<16xi32>], vector<16xf32>,
          %parallel_loop3A_773 = arith.addf %parallel_loop3A_772, %parallel_loop3A_770 : vector<16xf32>
          %parallel_loop3A_774 = arith.constant 8 : i32
          %parallel_loop3A_775 = arith.divsi %parallel_loop3A_767, %parallel_loop3A_774 : i32
          %parallel_loop3A_776 = arith.constant 0 : i32
          %parallel_loop3A_777 = arith.cmpi sgt, %parallel_loop3A_767, %parallel_loop3A_776 : i32
          %parallel_loop3A_778 = arith.extui %parallel_loop3A_777 : i1 to i32
          %parallel_loop3A_779 = arith.constant 0 : i32
          %parallel_loop3A_780 = arith.cmpi slt, %parallel_loop3A_767, %parallel_loop3A_779 : i32
          %parallel_loop3A_781 = arith.extui %parallel_loop3A_780 : i1 to i32
          %parallel_loop3A_782 = arith.subi %parallel_loop3A_778, %parallel_loop3A_781 : i32
          %parallel_loop3A_783 = arith.constant 0 : i32
          %parallel_loop3A_784 = arith.cmpi sgt, %parallel_loop3A_774, %parallel_loop3A_783 : i32
          %parallel_loop3A_785 = arith.extui %parallel_loop3A_784 : i1 to i32
          %parallel_loop3A_786 = arith.constant 0 : i32
          %parallel_loop3A_787 = arith.cmpi slt, %parallel_loop3A_774, %parallel_loop3A_786 : i32
          %parallel_loop3A_788 = arith.extui %parallel_loop3A_787 : i1 to i32
          %parallel_loop3A_789 = arith.subi %parallel_loop3A_785, %parallel_loop3A_788 : i32
          %parallel_loop3A_790 = arith.cmpi ne, %parallel_loop3A_782, %parallel_loop3A_789 : i32
          %parallel_loop3A_791 = arith.remsi %parallel_loop3A_767, %parallel_loop3A_774 : i32
          %parallel_loop3A_792 = arith.constant 0 : i32
          %parallel_loop3A_793 = arith.cmpi ne, %parallel_loop3A_791, %parallel_loop3A_792 : i32
          %parallel_loop3A_794 = arith.andi %parallel_loop3A_790, %parallel_loop3A_793 : i1
          %parallel_loop3A_795 = arith.constant 1 : i32
          %parallel_loop3A_796 = arith.subi %parallel_loop3A_775, %parallel_loop3A_795 : i32
          %parallel_loop3A_797 = arith.select %parallel_loop3A_794, %parallel_loop3A_796, %parallel_loop3A_775 : i32
          %parallel_loop3A_798 = arith.constant 8 : i32
          %parallel_loop3A_799 = arith.constant 0 : i32
          %parallel_loop3A_800 = arith.cmpi eq, %parallel_loop3A_798, %parallel_loop3A_799 : i32
          %parallel_loop3A_801 = arith.constant 1 : i32
          %parallel_loop3A_802 = arith.select %parallel_loop3A_800, %parallel_loop3A_801, %parallel_loop3A_798 : i32
          %parallel_loop3A_803 = arith.remsi %parallel_loop3A_767, %parallel_loop3A_802 : i32
          %parallel_loop3A_804 = arith.constant 0 : i32
          %parallel_loop3A_805 = arith.cmpi ne, %parallel_loop3A_803, %parallel_loop3A_804 : i32
          %parallel_loop3A_806 = arith.constant 0 : i32
          %parallel_loop3A_807 = arith.cmpi slt, %parallel_loop3A_803, %parallel_loop3A_806 : i32
          %parallel_loop3A_808 = arith.constant 0 : i32
          %parallel_loop3A_809 = arith.cmpi slt, %parallel_loop3A_802, %parallel_loop3A_808 : i32
          %parallel_loop3A_810 = arith.xori %parallel_loop3A_807, %parallel_loop3A_809 : i1
          %parallel_loop3A_811 = arith.andi %parallel_loop3A_810, %parallel_loop3A_805 : i1
          %parallel_loop3A_812 = arith.addi %parallel_loop3A_803, %parallel_loop3A_802 : i32
          %parallel_loop3A_813 = arith.select %parallel_loop3A_811, %parallel_loop3A_812, %parallel_loop3A_803 : i32
          %parallel_loop3A_814 = arith.index_cast %parallel_loop3A_797 : i32 to index
          %parallel_loop3A_815 = arith.index_cast %parallel_loop3A_813 : i32 to index
          %parallel_loop3A_816 = arith.constant 0 : index
          %parallel_loop3A_817 = tpu.vector_load %arg9[%parallel_loop3A_814, %parallel_loop3A_815, %parallel_loop3A_816] {strides = array<i32>} : memref<8x8x128xf32, #tpu.memory_space<vmem>>, vector<16xf32>,
          tpu.vector_store %arg9[%parallel_loop3A_814, %parallel_loop3A_815, %parallel_loop3A_816], %parallel_loop3A_773 {strides = array<i32>} : memref<8x8x128xf32, #tpu.memory_space<vmem>>, vector<16xf32>,
          %parallel_loop3A_818 = tpu.vector_load_idx %arg7[%add3A_9, %parallel_loop3A_771] : memref<128x64xf32, #tpu.memory_space<vmem>>[vector<16xi32>, vector<16xi32>], vector<16xf32>,
          %parallel_loop3A_819 = arith.addf %parallel_loop3A_818, %parallel_loop3A_770 : vector<16xf32>
          %parallel_loop3A_820 = arith.constant 8 : i32
          %parallel_loop3A_821 = arith.divsi %parallel_loop3A_767, %parallel_loop3A_820 : i32
          %parallel_loop3A_822 = arith.constant 0 : i32
          %parallel_loop3A_823 = arith.cmpi sgt, %parallel_loop3A_767, %parallel_loop3A_822 : i32
          %parallel_loop3A_824 = arith.extui %parallel_loop3A_823 : i1 to i32
          %parallel_loop3A_825 = arith.constant 0 : i32
          %parallel_loop3A_826 = arith.cmpi slt, %parallel_loop3A_767, %parallel_loop3A_825 : i32
          %parallel_loop3A_827 = arith.extui %parallel_loop3A_826 : i1 to i32
          %parallel_loop3A_828 = arith.subi %parallel_loop3A_824, %parallel_loop3A_827 : i32
          %parallel_loop3A_829 = arith.constant 0 : i32
          %parallel_loop3A_830 = arith.cmpi sgt, %parallel_loop3A_820, %parallel_loop3A_829 : i32
          %parallel_loop3A_831 = arith.extui %parallel_loop3A_830 : i1 to i32
          %parallel_loop3A_832 = arith.constant 0 : i32
          %parallel_loop3A_833 = arith.cmpi slt, %parallel_loop3A_820, %parallel_loop3A_832 : i32
          %parallel_loop3A_834 = arith.extui %parallel_loop3A_833 : i1 to i32
          %parallel_loop3A_835 = arith.subi %parallel_loop3A_831, %parallel_loop3A_834 : i32
          %parallel_loop3A_836 = arith.cmpi ne, %parallel_loop3A_828, %parallel_loop3A_835 : i32
          %parallel_loop3A_837 = arith.remsi %parallel_loop3A_767, %parallel_loop3A_820 : i32
          %parallel_loop3A_838 = arith.constant 0 : i32
          %parallel_loop3A_839 = arith.cmpi ne, %parallel_loop3A_837, %parallel_loop3A_838 : i32
          %parallel_loop3A_840 = arith.andi %parallel_loop3A_836, %parallel_loop3A_839 : i1
          %parallel_loop3A_841 = arith.constant 1 : i32
          %parallel_loop3A_842 = arith.subi %parallel_loop3A_821, %parallel_loop3A_841 : i32
          %parallel_loop3A_843 = arith.select %parallel_loop3A_840, %parallel_loop3A_842, %parallel_loop3A_821 : i32
          %parallel_loop3A_844 = arith.constant 8 : i32
          %parallel_loop3A_845 = arith.constant 0 : i32
          %parallel_loop3A_846 = arith.cmpi eq, %parallel_loop3A_844, %parallel_loop3A_845 : i32
          %parallel_loop3A_847 = arith.constant 1 : i32
          %parallel_loop3A_848 = arith.select %parallel_loop3A_846, %parallel_loop3A_847, %parallel_loop3A_844 : i32
          %parallel_loop3A_849 = arith.remsi %parallel_loop3A_767, %parallel_loop3A_848 : i32
          %parallel_loop3A_850 = arith.constant 0 : i32
          %parallel_loop3A_851 = arith.cmpi ne, %parallel_loop3A_849, %parallel_loop3A_850 : i32
          %parallel_loop3A_852 = arith.constant 0 : i32
          %parallel_loop3A_853 = arith.cmpi slt, %parallel_loop3A_849, %parallel_loop3A_852 : i32
          %parallel_loop3A_854 = arith.constant 0 : i32
          %parallel_loop3A_855 = arith.cmpi slt, %parallel_loop3A_848, %parallel_loop3A_854 : i32
          %parallel_loop3A_856 = arith.xori %parallel_loop3A_853, %parallel_loop3A_855 : i1
          %parallel_loop3A_857 = arith.andi %parallel_loop3A_856, %parallel_loop3A_851 : i1
          %parallel_loop3A_858 = arith.addi %parallel_loop3A_849, %parallel_loop3A_848 : i32
          %parallel_loop3A_859 = arith.select %parallel_loop3A_857, %parallel_loop3A_858, %parallel_loop3A_849 : i32
          %parallel_loop3A_860 = arith.index_cast %parallel_loop3A_843 : i32 to index
          %parallel_loop3A_861 = arith.index_cast %parallel_loop3A_859 : i32 to index
          %parallel_loop3A_862 = arith.constant 16 : index
          %parallel_loop3A_863 = tpu.vector_load %arg9[%parallel_loop3A_860, %parallel_loop3A_861, %parallel_loop3A_862] {strides = array<i32>} : memref<8x8x128xf32, #tpu.memory_space<vmem>>, vector<16xf32>,
          tpu.vector_store %arg9[%parallel_loop3A_860, %parallel_loop3A_861, %parallel_loop3A_862], %parallel_loop3A_819 {strides = array<i32>} : memref<8x8x128xf32, #tpu.memory_space<vmem>>, vector<16xf32>,
          %parallel_loop3A_864 = tpu.vector_load_idx %arg7[%add3A_13, %parallel_loop3A_771] : memref<128x64xf32, #tpu.memory_space<vmem>>[vector<16xi32>, vector<16xi32>], vector<16xf32>,
          %parallel_loop3A_865 = arith.addf %parallel_loop3A_864, %parallel_loop3A_770 : vector<16xf32>
          %parallel_loop3A_866 = arith.constant 8 : i32
          %parallel_loop3A_867 = arith.divsi %parallel_loop3A_767, %parallel_loop3A_866 : i32
          %parallel_loop3A_868 = arith.constant 0 : i32
          %parallel_loop3A_869 = arith.cmpi sgt, %parallel_loop3A_767, %parallel_loop3A_868 : i32
          %parallel_loop3A_870 = arith.extui %parallel_loop3A_869 : i1 to i32
          %parallel_loop3A_871 = arith.constant 0 : i32
          %parallel_loop3A_872 = arith.cmpi slt, %parallel_loop3A_767, %parallel_loop3A_871 : i32
          %parallel_loop3A_873 = arith.extui %parallel_loop3A_872 : i1 to i32
          %parallel_loop3A_874 = arith.subi %parallel_loop3A_870, %parallel_loop3A_873 : i32
          %parallel_loop3A_875 = arith.constant 0 : i32
          %parallel_loop3A_876 = arith.cmpi sgt, %parallel_loop3A_866, %parallel_loop3A_875 : i32
          %parallel_loop3A_877 = arith.extui %parallel_loop3A_876 : i1 to i32
          %parallel_loop3A_878 = arith.constant 0 : i32
          %parallel_loop3A_879 = arith.cmpi slt, %parallel_loop3A_866, %parallel_loop3A_878 : i32
          %parallel_loop3A_880 = arith.extui %parallel_loop3A_879 : i1 to i32
          %parallel_loop3A_881 = arith.subi %parallel_loop3A_877, %parallel_loop3A_880 : i32
          %parallel_loop3A_882 = arith.cmpi ne, %parallel_loop3A_874, %parallel_loop3A_881 : i32
          %parallel_loop3A_883 = arith.remsi %parallel_loop3A_767, %parallel_loop3A_866 : i32
          %parallel_loop3A_884 = arith.constant 0 : i32
          %parallel_loop3A_885 = arith.cmpi ne, %parallel_loop3A_883, %parallel_loop3A_884 : i32
          %parallel_loop3A_886 = arith.andi %parallel_loop3A_882, %parallel_loop3A_885 : i1
          %parallel_loop3A_887 = arith.constant 1 : i32
          %parallel_loop3A_888 = arith.subi %parallel_loop3A_867, %parallel_loop3A_887 : i32
          %parallel_loop3A_889 = arith.select %parallel_loop3A_886, %parallel_loop3A_888, %parallel_loop3A_867 : i32
          %parallel_loop3A_890 = arith.constant 8 : i32
          %parallel_loop3A_891 = arith.constant 0 : i32
          %parallel_loop3A_892 = arith.cmpi eq, %parallel_loop3A_890, %parallel_loop3A_891 : i32
          %parallel_loop3A_893 = arith.constant 1 : i32
          %parallel_loop3A_894 = arith.select %parallel_loop3A_892, %parallel_loop3A_893, %parallel_loop3A_890 : i32
          %parallel_loop3A_895 = arith.remsi %parallel_loop3A_767, %parallel_loop3A_894 : i32
          %parallel_loop3A_896 = arith.constant 0 : i32
          %parallel_loop3A_897 = arith.cmpi ne, %parallel_loop3A_895, %parallel_loop3A_896 : i32
          %parallel_loop3A_898 = arith.constant 0 : i32
          %parallel_loop3A_899 = arith.cmpi slt, %parallel_loop3A_895, %parallel_loop3A_898 : i32
          %parallel_loop3A_900 = arith.constant 0 : i32
          %parallel_loop3A_901 = arith.cmpi slt, %parallel_loop3A_894, %parallel_loop3A_900 : i32
          %parallel_loop3A_902 = arith.xori %parallel_loop3A_899, %parallel_loop3A_901 : i1
          %parallel_loop3A_903 = arith.andi %parallel_loop3A_902, %parallel_loop3A_897 : i1
          %parallel_loop3A_904 = arith.addi %parallel_loop3A_895, %parallel_loop3A_894 : i32
          %parallel_loop3A_905 = arith.select %parallel_loop3A_903, %parallel_loop3A_904, %parallel_loop3A_895 : i32
          %parallel_loop3A_906 = arith.index_cast %parallel_loop3A_889 : i32 to index
          %parallel_loop3A_907 = arith.index_cast %parallel_loop3A_905 : i32 to index
          %parallel_loop3A_908 = arith.constant 32 : index
          %parallel_loop3A_909 = tpu.vector_load %arg9[%parallel_loop3A_906, %parallel_loop3A_907, %parallel_loop3A_908] {strides = array<i32>} : memref<8x8x128xf32, #tpu.memory_space<vmem>>, vector<16xf32>,
          tpu.vector_store %arg9[%parallel_loop3A_906, %parallel_loop3A_907, %parallel_loop3A_908], %parallel_loop3A_865 {strides = array<i32>} : memref<8x8x128xf32, #tpu.memory_space<vmem>>, vector<16xf32>,
          %parallel_loop3A_910 = tpu.vector_load_idx %arg7[%add3A_17, %parallel_loop3A_771] : memref<128x64xf32, #tpu.memory_space<vmem>>[vector<16xi32>, vector<16xi32>], vector<16xf32>,
          %parallel_loop3A_911 = arith.addf %parallel_loop3A_910, %parallel_loop3A_770 : vector<16xf32>
          %parallel_loop3A_912 = arith.constant 8 : i32
          %parallel_loop3A_913 = arith.divsi %parallel_loop3A_767, %parallel_loop3A_912 : i32
          %parallel_loop3A_914 = arith.constant 0 : i32
          %parallel_loop3A_915 = arith.cmpi sgt, %parallel_loop3A_767, %parallel_loop3A_914 : i32
          %parallel_loop3A_916 = arith.extui %parallel_loop3A_915 : i1 to i32
          %parallel_loop3A_917 = arith.constant 0 : i32
          %parallel_loop3A_918 = arith.cmpi slt, %parallel_loop3A_767, %parallel_loop3A_917 : i32
          %parallel_loop3A_919 = arith.extui %parallel_loop3A_918 : i1 to i32
          %parallel_loop3A_920 = arith.subi %parallel_loop3A_916, %parallel_loop3A_919 : i32
          %parallel_loop3A_921 = arith.constant 0 : i32
          %parallel_loop3A_922 = arith.cmpi sgt, %parallel_loop3A_912, %parallel_loop3A_921 : i32
          %parallel_loop3A_923 = arith.extui %parallel_loop3A_922 : i1 to i32
          %parallel_loop3A_924 = arith.constant 0 : i32
          %parallel_loop3A_925 = arith.cmpi slt, %parallel_loop3A_912, %parallel_loop3A_924 : i32
          %parallel_loop3A_926 = arith.extui %parallel_loop3A_925 : i1 to i32
          %parallel_loop3A_927 = arith.subi %parallel_loop3A_923, %parallel_loop3A_926 : i32
          %parallel_loop3A_928 = arith.cmpi ne, %parallel_loop3A_920, %parallel_loop3A_927 : i32
          %parallel_loop3A_929 = arith.remsi %parallel_loop3A_767, %parallel_loop3A_912 : i32
          %parallel_loop3A_930 = arith.constant 0 : i32
          %parallel_loop3A_931 = arith.cmpi ne, %parallel_loop3A_929, %parallel_loop3A_930 : i32
          %parallel_loop3A_932 = arith.andi %parallel_loop3A_928, %parallel_loop3A_931 : i1
          %parallel_loop3A_933 = arith.constant 1 : i32
          %parallel_loop3A_934 = arith.subi %parallel_loop3A_913, %parallel_loop3A_933 : i32
          %parallel_loop3A_935 = arith.select %parallel_loop3A_932, %parallel_loop3A_934, %parallel_loop3A_913 : i32
          %parallel_loop3A_936 = arith.constant 8 : i32
          %parallel_loop3A_937 = arith.constant 0 : i32
          %parallel_loop3A_938 = arith.cmpi eq, %parallel_loop3A_936, %parallel_loop3A_937 : i32
          %parallel_loop3A_939 = arith.constant 1 : i32
          %parallel_loop3A_940 = arith.select %parallel_loop3A_938, %parallel_loop3A_939, %parallel_loop3A_936 : i32
          %parallel_loop3A_941 = arith.remsi %parallel_loop3A_767, %parallel_loop3A_940 : i32
          %parallel_loop3A_942 = arith.constant 0 : i32
          %parallel_loop3A_943 = arith.cmpi ne, %parallel_loop3A_941, %parallel_loop3A_942 : i32
          %parallel_loop3A_944 = arith.constant 0 : i32
          %parallel_loop3A_945 = arith.cmpi slt, %parallel_loop3A_941, %parallel_loop3A_944 : i32
          %parallel_loop3A_946 = arith.constant 0 : i32
          %parallel_loop3A_947 = arith.cmpi slt, %parallel_loop3A_940, %parallel_loop3A_946 : i32
          %parallel_loop3A_948 = arith.xori %parallel_loop3A_945, %parallel_loop3A_947 : i1
          %parallel_loop3A_949 = arith.andi %parallel_loop3A_948, %parallel_loop3A_943 : i1
          %parallel_loop3A_950 = arith.addi %parallel_loop3A_941, %parallel_loop3A_940 : i32
          %parallel_loop3A_951 = arith.select %parallel_loop3A_949, %parallel_loop3A_950, %parallel_loop3A_941 : i32
          %parallel_loop3A_952 = arith.index_cast %parallel_loop3A_935 : i32 to index
          %parallel_loop3A_953 = arith.index_cast %parallel_loop3A_951 : i32 to index
          %parallel_loop3A_954 = arith.constant 48 : index
          %parallel_loop3A_955 = tpu.vector_load %arg9[%parallel_loop3A_952, %parallel_loop3A_953, %parallel_loop3A_954] {strides = array<i32>} : memref<8x8x128xf32, #tpu.memory_space<vmem>>, vector<16xf32>,
          tpu.vector_store %arg9[%parallel_loop3A_952, %parallel_loop3A_953, %parallel_loop3A_954], %parallel_loop3A_911 {strides = array<i32>} : memref<8x8x128xf32, #tpu.memory_space<vmem>>, vector<16xf32>,
          %parallel_loop3A_956 = tpu.vector_load_idx %arg7[%add3A_21, %parallel_loop3A_771] : memref<128x64xf32, #tpu.memory_space<vmem>>[vector<16xi32>, vector<16xi32>], vector<16xf32>,
          %parallel_loop3A_957 = arith.addf %parallel_loop3A_956, %parallel_loop3A_770 : vector<16xf32>
          %parallel_loop3A_958 = arith.constant 8 : i32
          %parallel_loop3A_959 = arith.divsi %parallel_loop3A_767, %parallel_loop3A_958 : i32
          %parallel_loop3A_960 = arith.constant 0 : i32
          %parallel_loop3A_961 = arith.cmpi sgt, %parallel_loop3A_767, %parallel_loop3A_960 : i32
          %parallel_loop3A_962 = arith.extui %parallel_loop3A_961 : i1 to i32
          %parallel_loop3A_963 = arith.constant 0 : i32
          %parallel_loop3A_964 = arith.cmpi slt, %parallel_loop3A_767, %parallel_loop3A_963 : i32
          %parallel_loop3A_965 = arith.extui %parallel_loop3A_964 : i1 to i32
          %parallel_loop3A_966 = arith.subi %parallel_loop3A_962, %parallel_loop3A_965 : i32
          %parallel_loop3A_967 = arith.constant 0 : i32
          %parallel_loop3A_968 = arith.cmpi sgt, %parallel_loop3A_958, %parallel_loop3A_967 : i32
          %parallel_loop3A_969 = arith.extui %parallel_loop3A_968 : i1 to i32
          %parallel_loop3A_970 = arith.constant 0 : i32
          %parallel_loop3A_971 = arith.cmpi slt, %parallel_loop3A_958, %parallel_loop3A_970 : i32
          %parallel_loop3A_972 = arith.extui %parallel_loop3A_971 : i1 to i32
          %parallel_loop3A_973 = arith.subi %parallel_loop3A_969, %parallel_loop3A_972 : i32
          %parallel_loop3A_974 = arith.cmpi ne, %parallel_loop3A_966, %parallel_loop3A_973 : i32
          %parallel_loop3A_975 = arith.remsi %parallel_loop3A_767, %parallel_loop3A_958 : i32
          %parallel_loop3A_976 = arith.constant 0 : i32
          %parallel_loop3A_977 = arith.cmpi ne, %parallel_loop3A_975, %parallel_loop3A_976 : i32
          %parallel_loop3A_978 = arith.andi %parallel_loop3A_974, %parallel_loop3A_977 : i1
          %parallel_loop3A_979 = arith.constant 1 : i32
          %parallel_loop3A_980 = arith.subi %parallel_loop3A_959, %parallel_loop3A_979 : i32
          %parallel_loop3A_981 = arith.select %parallel_loop3A_978, %parallel_loop3A_980, %parallel_loop3A_959 : i32
          %parallel_loop3A_982 = arith.constant 8 : i32
          %parallel_loop3A_983 = arith.constant 0 : i32
          %parallel_loop3A_984 = arith.cmpi eq, %parallel_loop3A_982, %parallel_loop3A_983 : i32
          %parallel_loop3A_985 = arith.constant 1 : i32
          %parallel_loop3A_986 = arith.select %parallel_loop3A_984, %parallel_loop3A_985, %parallel_loop3A_982 : i32
          %parallel_loop3A_987 = arith.remsi %parallel_loop3A_767, %parallel_loop3A_986 : i32
          %parallel_loop3A_988 = arith.constant 0 : i32
          %parallel_loop3A_989 = arith.cmpi ne, %parallel_loop3A_987, %parallel_loop3A_988 : i32
          %parallel_loop3A_990 = arith.constant 0 : i32
          %parallel_loop3A_991 = arith.cmpi slt, %parallel_loop3A_987, %parallel_loop3A_990 : i32
          %parallel_loop3A_992 = arith.constant 0 : i32
          %parallel_loop3A_993 = arith.cmpi slt, %parallel_loop3A_986, %parallel_loop3A_992 : i32
          %parallel_loop3A_994 = arith.xori %parallel_loop3A_991, %parallel_loop3A_993 : i1
          %parallel_loop3A_995 = arith.andi %parallel_loop3A_994, %parallel_loop3A_989 : i1
          %parallel_loop3A_996 = arith.addi %parallel_loop3A_987, %parallel_loop3A_986 : i32
          %parallel_loop3A_997 = arith.select %parallel_loop3A_995, %parallel_loop3A_996, %parallel_loop3A_987 : i32
          %parallel_loop3A_998 = arith.index_cast %parallel_loop3A_981 : i32 to index
          %parallel_loop3A_999 = arith.index_cast %parallel_loop3A_997 : i32 to index
          %parallel_loop3A_1000 = arith.constant 64 : index
          %parallel_loop3A_1001 = tpu.vector_load %arg9[%parallel_loop3A_998, %parallel_loop3A_999, %parallel_loop3A_1000] {strides = array<i32>} : memref<8x8x128xf32, #tpu.memory_space<vmem>>, vector<16xf32>,
          tpu.vector_store %arg9[%parallel_loop3A_998, %parallel_loop3A_999, %parallel_loop3A_1000], %parallel_loop3A_957 {strides = array<i32>} : memref<8x8x128xf32, #tpu.memory_space<vmem>>, vector<16xf32>,
          %parallel_loop3A_1002 = tpu.vector_load_idx %arg7[%add3A_25, %parallel_loop3A_771] : memref<128x64xf32, #tpu.memory_space<vmem>>[vector<16xi32>, vector<16xi32>], vector<16xf32>,
          %parallel_loop3A_1003 = arith.addf %parallel_loop3A_1002, %parallel_loop3A_770 : vector<16xf32>
          %parallel_loop3A_1004 = arith.constant 8 : i32
          %parallel_loop3A_1005 = arith.divsi %parallel_loop3A_767, %parallel_loop3A_1004 : i32
          %parallel_loop3A_1006 = arith.constant 0 : i32
          %parallel_loop3A_1007 = arith.cmpi sgt, %parallel_loop3A_767, %parallel_loop3A_1006 : i32
          %parallel_loop3A_1008 = arith.extui %parallel_loop3A_1007 : i1 to i32
          %parallel_loop3A_1009 = arith.constant 0 : i32
          %parallel_loop3A_1010 = arith.cmpi slt, %parallel_loop3A_767, %parallel_loop3A_1009 : i32
          %parallel_loop3A_1011 = arith.extui %parallel_loop3A_1010 : i1 to i32
          %parallel_loop3A_1012 = arith.subi %parallel_loop3A_1008, %parallel_loop3A_1011 : i32
          %parallel_loop3A_1013 = arith.constant 0 : i32
          %parallel_loop3A_1014 = arith.cmpi sgt, %parallel_loop3A_1004, %parallel_loop3A_1013 : i32
          %parallel_loop3A_1015 = arith.extui %parallel_loop3A_1014 : i1 to i32
          %parallel_loop3A_1016 = arith.constant 0 : i32
          %parallel_loop3A_1017 = arith.cmpi slt, %parallel_loop3A_1004, %parallel_loop3A_1016 : i32
          %parallel_loop3A_1018 = arith.extui %parallel_loop3A_1017 : i1 to i32
          %parallel_loop3A_1019 = arith.subi %parallel_loop3A_1015, %parallel_loop3A_1018 : i32
          %parallel_loop3A_1020 = arith.cmpi ne, %parallel_loop3A_1012, %parallel_loop3A_1019 : i32
          %parallel_loop3A_1021 = arith.remsi %parallel_loop3A_767, %parallel_loop3A_1004 : i32
          %parallel_loop3A_1022 = arith.constant 0 : i32
          %parallel_loop3A_1023 = arith.cmpi ne, %parallel_loop3A_1021, %parallel_loop3A_1022 : i32
          %parallel_loop3A_1024 = arith.andi %parallel_loop3A_1020, %parallel_loop3A_1023 : i1
          %parallel_loop3A_1025 = arith.constant 1 : i32
          %parallel_loop3A_1026 = arith.subi %parallel_loop3A_1005, %parallel_loop3A_1025 : i32
          %parallel_loop3A_1027 = arith.select %parallel_loop3A_1024, %parallel_loop3A_1026, %parallel_loop3A_1005 : i32
          %parallel_loop3A_1028 = arith.constant 8 : i32
          %parallel_loop3A_1029 = arith.constant 0 : i32
          %parallel_loop3A_1030 = arith.cmpi eq, %parallel_loop3A_1028, %parallel_loop3A_1029 : i32
          %parallel_loop3A_1031 = arith.constant 1 : i32
          %parallel_loop3A_1032 = arith.select %parallel_loop3A_1030, %parallel_loop3A_1031, %parallel_loop3A_1028 : i32
          %parallel_loop3A_1033 = arith.remsi %parallel_loop3A_767, %parallel_loop3A_1032 : i32
          %parallel_loop3A_1034 = arith.constant 0 : i32
          %parallel_loop3A_1035 = arith.cmpi ne, %parallel_loop3A_1033, %parallel_loop3A_1034 : i32
          %parallel_loop3A_1036 = arith.constant 0 : i32
          %parallel_loop3A_1037 = arith.cmpi slt, %parallel_loop3A_1033, %parallel_loop3A_1036 : i32
          %parallel_loop3A_1038 = arith.constant 0 : i32
          %parallel_loop3A_1039 = arith.cmpi slt, %parallel_loop3A_1032, %parallel_loop3A_1038 : i32
          %parallel_loop3A_1040 = arith.xori %parallel_loop3A_1037, %parallel_loop3A_1039 : i1
          %parallel_loop3A_1041 = arith.andi %parallel_loop3A_1040, %parallel_loop3A_1035 : i1
          %parallel_loop3A_1042 = arith.addi %parallel_loop3A_1033, %parallel_loop3A_1032 : i32
          %parallel_loop3A_1043 = arith.select %parallel_loop3A_1041, %parallel_loop3A_1042, %parallel_loop3A_1033 : i32
          %parallel_loop3A_1044 = arith.index_cast %parallel_loop3A_1027 : i32 to index
          %parallel_loop3A_1045 = arith.index_cast %parallel_loop3A_1043 : i32 to index
          %parallel_loop3A_1046 = arith.constant 80 : index
          %parallel_loop3A_1047 = tpu.vector_load %arg9[%parallel_loop3A_1044, %parallel_loop3A_1045, %parallel_loop3A_1046] {strides = array<i32>} : memref<8x8x128xf32, #tpu.memory_space<vmem>>, vector<16xf32>,
          tpu.vector_store %arg9[%parallel_loop3A_1044, %parallel_loop3A_1045, %parallel_loop3A_1046], %parallel_loop3A_1003 {strides = array<i32>} : memref<8x8x128xf32, #tpu.memory_space<vmem>>, vector<16xf32>,
          %parallel_loop3A_1048 = tpu.vector_load_idx %arg7[%add3A_29, %parallel_loop3A_771] : memref<128x64xf32, #tpu.memory_space<vmem>>[vector<16xi32>, vector<16xi32>], vector<16xf32>,
          %parallel_loop3A_1049 = arith.addf %parallel_loop3A_1048, %parallel_loop3A_770 : vector<16xf32>
          %parallel_loop3A_1050 = arith.constant 8 : i32
          %parallel_loop3A_1051 = arith.divsi %parallel_loop3A_767, %parallel_loop3A_1050 : i32
          %parallel_loop3A_1052 = arith.constant 0 : i32
          %parallel_loop3A_1053 = arith.cmpi sgt, %parallel_loop3A_767, %parallel_loop3A_1052 : i32
          %parallel_loop3A_1054 = arith.extui %parallel_loop3A_1053 : i1 to i32
          %parallel_loop3A_1055 = arith.constant 0 : i32
          %parallel_loop3A_1056 = arith.cmpi slt, %parallel_loop3A_767, %parallel_loop3A_1055 : i32
          %parallel_loop3A_1057 = arith.extui %parallel_loop3A_1056 : i1 to i32
          %parallel_loop3A_1058 = arith.subi %parallel_loop3A_1054, %parallel_loop3A_1057 : i32
          %parallel_loop3A_1059 = arith.constant 0 : i32
          %parallel_loop3A_1060 = arith.cmpi sgt, %parallel_loop3A_1050, %parallel_loop3A_1059 : i32
          %parallel_loop3A_1061 = arith.extui %parallel_loop3A_1060 : i1 to i32
          %parallel_loop3A_1062 = arith.constant 0 : i32
          %parallel_loop3A_1063 = arith.cmpi slt, %parallel_loop3A_1050, %parallel_loop3A_1062 : i32
          %parallel_loop3A_1064 = arith.extui %parallel_loop3A_1063 : i1 to i32
          %parallel_loop3A_1065 = arith.subi %parallel_loop3A_1061, %parallel_loop3A_1064 : i32
          %parallel_loop3A_1066 = arith.cmpi ne, %parallel_loop3A_1058, %parallel_loop3A_1065 : i32
          %parallel_loop3A_1067 = arith.remsi %parallel_loop3A_767, %parallel_loop3A_1050 : i32
          %parallel_loop3A_1068 = arith.constant 0 : i32
          %parallel_loop3A_1069 = arith.cmpi ne, %parallel_loop3A_1067, %parallel_loop3A_1068 : i32
          %parallel_loop3A_1070 = arith.andi %parallel_loop3A_1066, %parallel_loop3A_1069 : i1
          %parallel_loop3A_1071 = arith.constant 1 : i32
          %parallel_loop3A_1072 = arith.subi %parallel_loop3A_1051, %parallel_loop3A_1071 : i32
          %parallel_loop3A_1073 = arith.select %parallel_loop3A_1070, %parallel_loop3A_1072, %parallel_loop3A_1051 : i32
          %parallel_loop3A_1074 = arith.constant 8 : i32
          %parallel_loop3A_1075 = arith.constant 0 : i32
          %parallel_loop3A_1076 = arith.cmpi eq, %parallel_loop3A_1074, %parallel_loop3A_1075 : i32
          %parallel_loop3A_1077 = arith.constant 1 : i32
          %parallel_loop3A_1078 = arith.select %parallel_loop3A_1076, %parallel_loop3A_1077, %parallel_loop3A_1074 : i32
          %parallel_loop3A_1079 = arith.remsi %parallel_loop3A_767, %parallel_loop3A_1078 : i32
          %parallel_loop3A_1080 = arith.constant 0 : i32
          %parallel_loop3A_1081 = arith.cmpi ne, %parallel_loop3A_1079, %parallel_loop3A_1080 : i32
          %parallel_loop3A_1082 = arith.constant 0 : i32
          %parallel_loop3A_1083 = arith.cmpi slt, %parallel_loop3A_1079, %parallel_loop3A_1082 : i32
          %parallel_loop3A_1084 = arith.constant 0 : i32
          %parallel_loop3A_1085 = arith.cmpi slt, %parallel_loop3A_1078, %parallel_loop3A_1084 : i32
          %parallel_loop3A_1086 = arith.xori %parallel_loop3A_1083, %parallel_loop3A_1085 : i1
          %parallel_loop3A_1087 = arith.andi %parallel_loop3A_1086, %parallel_loop3A_1081 : i1
          %parallel_loop3A_1088 = arith.addi %parallel_loop3A_1079, %parallel_loop3A_1078 : i32
          %parallel_loop3A_1089 = arith.select %parallel_loop3A_1087, %parallel_loop3A_1088, %parallel_loop3A_1079 : i32
          %parallel_loop3A_1090 = arith.index_cast %parallel_loop3A_1073 : i32 to index
          %parallel_loop3A_1091 = arith.index_cast %parallel_loop3A_1089 : i32 to index
          %parallel_loop3A_1092 = arith.constant 96 : index
          %parallel_loop3A_1093 = tpu.vector_load %arg9[%parallel_loop3A_1090, %parallel_loop3A_1091, %parallel_loop3A_1092] {strides = array<i32>} : memref<8x8x128xf32, #tpu.memory_space<vmem>>, vector<16xf32>,
          tpu.vector_store %arg9[%parallel_loop3A_1090, %parallel_loop3A_1091, %parallel_loop3A_1092], %parallel_loop3A_1049 {strides = array<i32>} : memref<8x8x128xf32, #tpu.memory_space<vmem>>, vector<16xf32>,
          %parallel_loop3A_1094 = tpu.vector_load_idx %arg7[%add3A_33, %parallel_loop3A_771] : memref<128x64xf32, #tpu.memory_space<vmem>>[vector<16xi32>, vector<16xi32>], vector<16xf32>,
          %parallel_loop3A_1095 = arith.addf %parallel_loop3A_1094, %parallel_loop3A_770 : vector<16xf32>
          %parallel_loop3A_1096 = arith.constant 8 : i32
          %parallel_loop3A_1097 = arith.divsi %parallel_loop3A_767, %parallel_loop3A_1096 : i32
          %parallel_loop3A_1098 = arith.constant 0 : i32
          %parallel_loop3A_1099 = arith.cmpi sgt, %parallel_loop3A_767, %parallel_loop3A_1098 : i32
          %parallel_loop3A_1100 = arith.extui %parallel_loop3A_1099 : i1 to i32
          %parallel_loop3A_1101 = arith.constant 0 : i32
          %parallel_loop3A_1102 = arith.cmpi slt, %parallel_loop3A_767, %parallel_loop3A_1101 : i32
          %parallel_loop3A_1103 = arith.extui %parallel_loop3A_1102 : i1 to i32
          %parallel_loop3A_1104 = arith.subi %parallel_loop3A_1100, %parallel_loop3A_1103 : i32
          %parallel_loop3A_1105 = arith.constant 0 : i32
          %parallel_loop3A_1106 = arith.cmpi sgt, %parallel_loop3A_1096, %parallel_loop3A_1105 : i32
          %parallel_loop3A_1107 = arith.extui %parallel_loop3A_1106 : i1 to i32
          %parallel_loop3A_1108 = arith.constant 0 : i32
          %parallel_loop3A_1109 = arith.cmpi slt, %parallel_loop3A_1096, %parallel_loop3A_1108 : i32
          %parallel_loop3A_1110 = arith.extui %parallel_loop3A_1109 : i1 to i32
          %parallel_loop3A_1111 = arith.subi %parallel_loop3A_1107, %parallel_loop3A_1110 : i32
          %parallel_loop3A_1112 = arith.cmpi ne, %parallel_loop3A_1104, %parallel_loop3A_1111 : i32
          %parallel_loop3A_1113 = arith.remsi %parallel_loop3A_767, %parallel_loop3A_1096 : i32
          %parallel_loop3A_1114 = arith.constant 0 : i32
          %parallel_loop3A_1115 = arith.cmpi ne, %parallel_loop3A_1113, %parallel_loop3A_1114 : i32
          %parallel_loop3A_1116 = arith.andi %parallel_loop3A_1112, %parallel_loop3A_1115 : i1
          %parallel_loop3A_1117 = arith.constant 1 : i32
          %parallel_loop3A_1118 = arith.subi %parallel_loop3A_1097, %parallel_loop3A_1117 : i32
          %parallel_loop3A_1119 = arith.select %parallel_loop3A_1116, %parallel_loop3A_1118, %parallel_loop3A_1097 : i32
          %parallel_loop3A_1120 = arith.constant 8 : i32
          %parallel_loop3A_1121 = arith.constant 0 : i32
          %parallel_loop3A_1122 = arith.cmpi eq, %parallel_loop3A_1120, %parallel_loop3A_1121 : i32
          %parallel_loop3A_1123 = arith.constant 1 : i32
          %parallel_loop3A_1124 = arith.select %parallel_loop3A_1122, %parallel_loop3A_1123, %parallel_loop3A_1120 : i32
          %parallel_loop3A_1125 = arith.remsi %parallel_loop3A_767, %parallel_loop3A_1124 : i32
          %parallel_loop3A_1126 = arith.constant 0 : i32
          %parallel_loop3A_1127 = arith.cmpi ne, %parallel_loop3A_1125, %parallel_loop3A_1126 : i32
          %parallel_loop3A_1128 = arith.constant 0 : i32
          %parallel_loop3A_1129 = arith.cmpi slt, %parallel_loop3A_1125, %parallel_loop3A_1128 : i32
          %parallel_loop3A_1130 = arith.constant 0 : i32
          %parallel_loop3A_1131 = arith.cmpi slt, %parallel_loop3A_1124, %parallel_loop3A_1130 : i32
          %parallel_loop3A_1132 = arith.xori %parallel_loop3A_1129, %parallel_loop3A_1131 : i1
          %parallel_loop3A_1133 = arith.andi %parallel_loop3A_1132, %parallel_loop3A_1127 : i1
          %parallel_loop3A_1134 = arith.addi %parallel_loop3A_1125, %parallel_loop3A_1124 : i32
          %parallel_loop3A_1135 = arith.select %parallel_loop3A_1133, %parallel_loop3A_1134, %parallel_loop3A_1125 : i32
          %parallel_loop3A_1136 = arith.index_cast %parallel_loop3A_1119 : i32 to index
          %parallel_loop3A_1137 = arith.index_cast %parallel_loop3A_1135 : i32 to index
          %parallel_loop3A_1138 = arith.constant 112 : index
          %parallel_loop3A_1139 = tpu.vector_load %arg9[%parallel_loop3A_1136, %parallel_loop3A_1137, %parallel_loop3A_1138] {strides = array<i32>} : memref<8x8x128xf32, #tpu.memory_space<vmem>>, vector<16xf32>,
          tpu.vector_store %arg9[%parallel_loop3A_1136, %parallel_loop3A_1137, %parallel_loop3A_1138], %parallel_loop3A_1095 {strides = array<i32>} : memref<8x8x128xf32, #tpu.memory_space<vmem>>, vector<16xf32>,
        } {sc.loop_unroll_factor = 4 : i64, sc.parallel_access}
      } else {
      }
      %gt3A_315 = arith.constant 0 : i32
      %gt3A_316 = arith.cmpi sgt, %add3A_309, %gt3A_315 : i32
      %convert_element_type3A_317 = arith.extui %gt3A_316 : i1 to i32
      %cond3A_318 = arith.constant 0 : i32
      %cond3A_319 = arith.cmpi ne, %convert_element_type3A_317, %cond3A_318 : i32
      scf.if %cond3A_319 {
        %get3A_765 = arith.index_cast %mul3A_96 : i32 to index
        %get3A_766 = arith.constant 0 : index
        %get3A_767 = tpu.vector_load %arg6[%get3A_765, %get3A_766] {strides = array<i32>} : memref<50x128xi32, #tpu.memory_space<vmem>>, vector<16xi32>,
        %eq3A_768 = arith.constant 0 : i32
        %eq3A_769 = vector.broadcast %eq3A_768 : i32 to vector<16xi32>
        %eq3A_770 = arith.cmpi eq, %get3A_767, %eq3A_769 : vector<16xi32>
        %jit3A_771 = arith.constant 0.000000e+00 : f32
        %jit3A_772 = arith.constant 1.000000e+00 : f32
        %broadcast_in_dim3A_773 = vector.broadcast %jit3A_771 : f32 to vector<16xf32>
        %broadcast_in_dim3A_774 = vector.broadcast %jit3A_772 : f32 to vector<16xf32>
        %select_n3A_775 = arith.select %eq3A_770, %broadcast_in_dim3A_773, %broadcast_in_dim3A_774 : vector<16xi1>, vector<16xf32>
        %get3A_776 = arith.index_cast %mul3A_96 : i32 to index
        %get3A_777 = arith.constant 16 : index
        %get3A_778 = tpu.vector_load %arg6[%get3A_776, %get3A_777] {strides = array<i32>} : memref<50x128xi32, #tpu.memory_space<vmem>>, vector<16xi32>,
        %eq3A_779 = arith.constant 0 : i32
        %eq3A_780 = vector.broadcast %eq3A_779 : i32 to vector<16xi32>
        %eq3A_781 = arith.cmpi eq, %get3A_778, %eq3A_780 : vector<16xi32>
        %jit3A_782 = arith.constant 0.000000e+00 : f32
        %jit3A_783 = arith.constant 1.000000e+00 : f32
        %broadcast_in_dim3A_784 = vector.broadcast %jit3A_782 : f32 to vector<16xf32>
        %broadcast_in_dim3A_785 = vector.broadcast %jit3A_783 : f32 to vector<16xf32>
        %select_n3A_786 = arith.select %eq3A_781, %broadcast_in_dim3A_784, %broadcast_in_dim3A_785 : vector<16xi1>, vector<16xf32>
        %get3A_787 = arith.index_cast %mul3A_96 : i32 to index
        %get3A_788 = arith.constant 32 : index
        %get3A_789 = tpu.vector_load %arg6[%get3A_787, %get3A_788] {strides = array<i32>} : memref<50x128xi32, #tpu.memory_space<vmem>>, vector<16xi32>,
        %eq3A_790 = arith.constant 0 : i32
        %eq3A_791 = vector.broadcast %eq3A_790 : i32 to vector<16xi32>
        %eq3A_792 = arith.cmpi eq, %get3A_789, %eq3A_791 : vector<16xi32>
        %jit3A_793 = arith.constant 0.000000e+00 : f32
        %jit3A_794 = arith.constant 1.000000e+00 : f32
        %broadcast_in_dim3A_795 = vector.broadcast %jit3A_793 : f32 to vector<16xf32>
        %broadcast_in_dim3A_796 = vector.broadcast %jit3A_794 : f32 to vector<16xf32>
        %select_n3A_797 = arith.select %eq3A_792, %broadcast_in_dim3A_795, %broadcast_in_dim3A_796 : vector<16xi1>, vector<16xf32>
        %get3A_798 = arith.index_cast %mul3A_96 : i32 to index
        %get3A_799 = arith.constant 48 : index
        %get3A_800 = tpu.vector_load %arg6[%get3A_798, %get3A_799] {strides = array<i32>} : memref<50x128xi32, #tpu.memory_space<vmem>>, vector<16xi32>,
        %eq3A_801 = arith.constant 0 : i32
        %eq3A_802 = vector.broadcast %eq3A_801 : i32 to vector<16xi32>
        %eq3A_803 = arith.cmpi eq, %get3A_800, %eq3A_802 : vector<16xi32>
        %jit3A_804 = arith.constant 0.000000e+00 : f32
        %jit3A_805 = arith.constant 1.000000e+00 : f32
        %broadcast_in_dim3A_806 = vector.broadcast %jit3A_804 : f32 to vector<16xf32>
        %broadcast_in_dim3A_807 = vector.broadcast %jit3A_805 : f32 to vector<16xf32>
        %select_n3A_808 = arith.select %eq3A_803, %broadcast_in_dim3A_806, %broadcast_in_dim3A_807 : vector<16xi1>, vector<16xf32>
        %get3A_809 = arith.index_cast %mul3A_96 : i32 to index
        %get3A_810 = arith.constant 64 : index
        %get3A_811 = tpu.vector_load %arg6[%get3A_809, %get3A_810] {strides = array<i32>} : memref<50x128xi32, #tpu.memory_space<vmem>>, vector<16xi32>,
        %eq3A_812 = arith.constant 0 : i32
        %eq3A_813 = vector.broadcast %eq3A_812 : i32 to vector<16xi32>
        %eq3A_814 = arith.cmpi eq, %get3A_811, %eq3A_813 : vector<16xi32>
        %jit3A_815 = arith.constant 0.000000e+00 : f32
        %jit3A_816 = arith.constant 1.000000e+00 : f32
        %broadcast_in_dim3A_817 = vector.broadcast %jit3A_815 : f32 to vector<16xf32>
        %broadcast_in_dim3A_818 = vector.broadcast %jit3A_816 : f32 to vector<16xf32>
        %select_n3A_819 = arith.select %eq3A_814, %broadcast_in_dim3A_817, %broadcast_in_dim3A_818 : vector<16xi1>, vector<16xf32>
        %get3A_820 = arith.index_cast %mul3A_96 : i32 to index
        %get3A_821 = arith.constant 80 : index
        %get3A_822 = tpu.vector_load %arg6[%get3A_820, %get3A_821] {strides = array<i32>} : memref<50x128xi32, #tpu.memory_space<vmem>>, vector<16xi32>,
        %eq3A_823 = arith.constant 0 : i32
        %eq3A_824 = vector.broadcast %eq3A_823 : i32 to vector<16xi32>
        %eq3A_825 = arith.cmpi eq, %get3A_822, %eq3A_824 : vector<16xi32>
        %jit3A_826 = arith.constant 0.000000e+00 : f32
        %jit3A_827 = arith.constant 1.000000e+00 : f32
        %broadcast_in_dim3A_828 = vector.broadcast %jit3A_826 : f32 to vector<16xf32>
        %broadcast_in_dim3A_829 = vector.broadcast %jit3A_827 : f32 to vector<16xf32>
        %select_n3A_830 = arith.select %eq3A_825, %broadcast_in_dim3A_828, %broadcast_in_dim3A_829 : vector<16xi1>, vector<16xf32>
        %get3A_831 = arith.index_cast %mul3A_96 : i32 to index
        %get3A_832 = arith.constant 96 : index
        %get3A_833 = tpu.vector_load %arg6[%get3A_831, %get3A_832] {strides = array<i32>} : memref<50x128xi32, #tpu.memory_space<vmem>>, vector<16xi32>,
        %eq3A_834 = arith.constant 0 : i32
        %eq3A_835 = vector.broadcast %eq3A_834 : i32 to vector<16xi32>
        %eq3A_836 = arith.cmpi eq, %get3A_833, %eq3A_835 : vector<16xi32>
        %jit3A_837 = arith.constant 0.000000e+00 : f32
        %jit3A_838 = arith.constant 1.000000e+00 : f32
        %broadcast_in_dim3A_839 = vector.broadcast %jit3A_837 : f32 to vector<16xf32>
        %broadcast_in_dim3A_840 = vector.broadcast %jit3A_838 : f32 to vector<16xf32>
        %select_n3A_841 = arith.select %eq3A_836, %broadcast_in_dim3A_839, %broadcast_in_dim3A_840 : vector<16xi1>, vector<16xf32>
        %get3A_842 = arith.index_cast %mul3A_96 : i32 to index
        %get3A_843 = arith.constant 112 : index
        %get3A_844 = tpu.vector_load %arg6[%get3A_842, %get3A_843] {strides = array<i32>} : memref<50x128xi32, #tpu.memory_space<vmem>>, vector<16xi32>,
        %eq3A_845 = arith.constant 0 : i32
        %eq3A_846 = vector.broadcast %eq3A_845 : i32 to vector<16xi32>
        %eq3A_847 = arith.cmpi eq, %get3A_844, %eq3A_846 : vector<16xi32>
        %jit3A_848 = arith.constant 0.000000e+00 : f32
        %jit3A_849 = arith.constant 1.000000e+00 : f32
        %broadcast_in_dim3A_850 = vector.broadcast %jit3A_848 : f32 to vector<16xf32>
        %broadcast_in_dim3A_851 = vector.broadcast %jit3A_849 : f32 to vector<16xf32>
        %select_n3A_852 = arith.select %eq3A_847, %broadcast_in_dim3A_850, %broadcast_in_dim3A_851 : vector<16xi1>, vector<16xf32>
        %parallel_loop3A = arith.constant 0 : i32
        %parallel_loop3A_853 = arith.constant 64 : i32
        %parallel_loop3A_854 = arith.constant 1 : i32
        scf.for %parallel_loop3A_855 = %parallel_loop3A to %parallel_loop3A_853 step %parallel_loop3A_854  : i32 {
          %parallel_loop3A_856 = arith.addi %mul3A_232, %parallel_loop3A_855 : i32
          %parallel_loop3A_857 = vector.broadcast %parallel_loop3A_856 : i32 to vector<16xi32>
          %parallel_loop3A_858 = tpu.vector_load_idx %arg11[%broadcast_in_dim3A, %parallel_loop3A_857] : memref<100x128xf32, #tpu.memory_space<vmem>>[vector<16xi32>, vector<16xi32>], vector<16xf32>,
          %parallel_loop3A_859 = vector.broadcast %parallel_loop3A_855 : i32 to vector<16xi32>
          %parallel_loop3A_860 = tpu.vector_load_idx %arg7[%add3A_5, %parallel_loop3A_859] : memref<128x64xf32, #tpu.memory_space<vmem>>[vector<16xi32>, vector<16xi32>], vector<16xf32>,
          %parallel_loop3A_861 = arith.mulf %parallel_loop3A_860, %select_n3A_775 : vector<16xf32>
          %parallel_loop3A_862 = arith.addf %parallel_loop3A_861, %parallel_loop3A_858 : vector<16xf32>
          %parallel_loop3A_863 = arith.constant 8 : i32
          %parallel_loop3A_864 = arith.divsi %parallel_loop3A_855, %parallel_loop3A_863 : i32
          %parallel_loop3A_865 = arith.constant 0 : i32
          %parallel_loop3A_866 = arith.cmpi sgt, %parallel_loop3A_855, %parallel_loop3A_865 : i32
          %parallel_loop3A_867 = arith.extui %parallel_loop3A_866 : i1 to i32
          %parallel_loop3A_868 = arith.constant 0 : i32
          %parallel_loop3A_869 = arith.cmpi slt, %parallel_loop3A_855, %parallel_loop3A_868 : i32
          %parallel_loop3A_870 = arith.extui %parallel_loop3A_869 : i1 to i32
          %parallel_loop3A_871 = arith.subi %parallel_loop3A_867, %parallel_loop3A_870 : i32
          %parallel_loop3A_872 = arith.constant 0 : i32
          %parallel_loop3A_873 = arith.cmpi sgt, %parallel_loop3A_863, %parallel_loop3A_872 : i32
          %parallel_loop3A_874 = arith.extui %parallel_loop3A_873 : i1 to i32
          %parallel_loop3A_875 = arith.constant 0 : i32
          %parallel_loop3A_876 = arith.cmpi slt, %parallel_loop3A_863, %parallel_loop3A_875 : i32
          %parallel_loop3A_877 = arith.extui %parallel_loop3A_876 : i1 to i32
          %parallel_loop3A_878 = arith.subi %parallel_loop3A_874, %parallel_loop3A_877 : i32
          %parallel_loop3A_879 = arith.cmpi ne, %parallel_loop3A_871, %parallel_loop3A_878 : i32
          %parallel_loop3A_880 = arith.remsi %parallel_loop3A_855, %parallel_loop3A_863 : i32
          %parallel_loop3A_881 = arith.constant 0 : i32
          %parallel_loop3A_882 = arith.cmpi ne, %parallel_loop3A_880, %parallel_loop3A_881 : i32
          %parallel_loop3A_883 = arith.andi %parallel_loop3A_879, %parallel_loop3A_882 : i1
          %parallel_loop3A_884 = arith.constant 1 : i32
          %parallel_loop3A_885 = arith.subi %parallel_loop3A_864, %parallel_loop3A_884 : i32
          %parallel_loop3A_886 = arith.select %parallel_loop3A_883, %parallel_loop3A_885, %parallel_loop3A_864 : i32
          %parallel_loop3A_887 = arith.constant 8 : i32
          %parallel_loop3A_888 = arith.constant 0 : i32
          %parallel_loop3A_889 = arith.cmpi eq, %parallel_loop3A_887, %parallel_loop3A_888 : i32
          %parallel_loop3A_890 = arith.constant 1 : i32
          %parallel_loop3A_891 = arith.select %parallel_loop3A_889, %parallel_loop3A_890, %parallel_loop3A_887 : i32
          %parallel_loop3A_892 = arith.remsi %parallel_loop3A_855, %parallel_loop3A_891 : i32
          %parallel_loop3A_893 = arith.constant 0 : i32
          %parallel_loop3A_894 = arith.cmpi ne, %parallel_loop3A_892, %parallel_loop3A_893 : i32
          %parallel_loop3A_895 = arith.constant 0 : i32
          %parallel_loop3A_896 = arith.cmpi slt, %parallel_loop3A_892, %parallel_loop3A_895 : i32
          %parallel_loop3A_897 = arith.constant 0 : i32
          %parallel_loop3A_898 = arith.cmpi slt, %parallel_loop3A_891, %parallel_loop3A_897 : i32
          %parallel_loop3A_899 = arith.xori %parallel_loop3A_896, %parallel_loop3A_898 : i1
          %parallel_loop3A_900 = arith.andi %parallel_loop3A_899, %parallel_loop3A_894 : i1
          %parallel_loop3A_901 = arith.addi %parallel_loop3A_892, %parallel_loop3A_891 : i32
          %parallel_loop3A_902 = arith.select %parallel_loop3A_900, %parallel_loop3A_901, %parallel_loop3A_892 : i32
          %parallel_loop3A_903 = arith.index_cast %parallel_loop3A_886 : i32 to index
          %parallel_loop3A_904 = arith.index_cast %parallel_loop3A_902 : i32 to index
          %parallel_loop3A_905 = arith.constant 0 : index
          %parallel_loop3A_906 = tpu.vector_load %arg9[%parallel_loop3A_903, %parallel_loop3A_904, %parallel_loop3A_905] {strides = array<i32>} : memref<8x8x128xf32, #tpu.memory_space<vmem>>, vector<16xf32>,
          tpu.vector_store %arg9[%parallel_loop3A_903, %parallel_loop3A_904, %parallel_loop3A_905], %parallel_loop3A_862 {strides = array<i32>} : memref<8x8x128xf32, #tpu.memory_space<vmem>>, vector<16xf32>,
          %parallel_loop3A_907 = tpu.vector_load_idx %arg7[%add3A_9, %parallel_loop3A_859] : memref<128x64xf32, #tpu.memory_space<vmem>>[vector<16xi32>, vector<16xi32>], vector<16xf32>,
          %parallel_loop3A_908 = arith.mulf %parallel_loop3A_907, %select_n3A_786 : vector<16xf32>
          %parallel_loop3A_909 = arith.addf %parallel_loop3A_908, %parallel_loop3A_858 : vector<16xf32>
          %parallel_loop3A_910 = arith.constant 8 : i32
          %parallel_loop3A_911 = arith.divsi %parallel_loop3A_855, %parallel_loop3A_910 : i32
          %parallel_loop3A_912 = arith.constant 0 : i32
          %parallel_loop3A_913 = arith.cmpi sgt, %parallel_loop3A_855, %parallel_loop3A_912 : i32
          %parallel_loop3A_914 = arith.extui %parallel_loop3A_913 : i1 to i32
          %parallel_loop3A_915 = arith.constant 0 : i32
          %parallel_loop3A_916 = arith.cmpi slt, %parallel_loop3A_855, %parallel_loop3A_915 : i32
          %parallel_loop3A_917 = arith.extui %parallel_loop3A_916 : i1 to i32
          %parallel_loop3A_918 = arith.subi %parallel_loop3A_914, %parallel_loop3A_917 : i32
          %parallel_loop3A_919 = arith.constant 0 : i32
          %parallel_loop3A_920 = arith.cmpi sgt, %parallel_loop3A_910, %parallel_loop3A_919 : i32
          %parallel_loop3A_921 = arith.extui %parallel_loop3A_920 : i1 to i32
          %parallel_loop3A_922 = arith.constant 0 : i32
          %parallel_loop3A_923 = arith.cmpi slt, %parallel_loop3A_910, %parallel_loop3A_922 : i32
          %parallel_loop3A_924 = arith.extui %parallel_loop3A_923 : i1 to i32
          %parallel_loop3A_925 = arith.subi %parallel_loop3A_921, %parallel_loop3A_924 : i32
          %parallel_loop3A_926 = arith.cmpi ne, %parallel_loop3A_918, %parallel_loop3A_925 : i32
          %parallel_loop3A_927 = arith.remsi %parallel_loop3A_855, %parallel_loop3A_910 : i32
          %parallel_loop3A_928 = arith.constant 0 : i32
          %parallel_loop3A_929 = arith.cmpi ne, %parallel_loop3A_927, %parallel_loop3A_928 : i32
          %parallel_loop3A_930 = arith.andi %parallel_loop3A_926, %parallel_loop3A_929 : i1
          %parallel_loop3A_931 = arith.constant 1 : i32
          %parallel_loop3A_932 = arith.subi %parallel_loop3A_911, %parallel_loop3A_931 : i32
          %parallel_loop3A_933 = arith.select %parallel_loop3A_930, %parallel_loop3A_932, %parallel_loop3A_911 : i32
          %parallel_loop3A_934 = arith.constant 8 : i32
          %parallel_loop3A_935 = arith.constant 0 : i32
          %parallel_loop3A_936 = arith.cmpi eq, %parallel_loop3A_934, %parallel_loop3A_935 : i32
          %parallel_loop3A_937 = arith.constant 1 : i32
          %parallel_loop3A_938 = arith.select %parallel_loop3A_936, %parallel_loop3A_937, %parallel_loop3A_934 : i32
          %parallel_loop3A_939 = arith.remsi %parallel_loop3A_855, %parallel_loop3A_938 : i32
          %parallel_loop3A_940 = arith.constant 0 : i32
          %parallel_loop3A_941 = arith.cmpi ne, %parallel_loop3A_939, %parallel_loop3A_940 : i32
          %parallel_loop3A_942 = arith.constant 0 : i32
          %parallel_loop3A_943 = arith.cmpi slt, %parallel_loop3A_939, %parallel_loop3A_942 : i32
          %parallel_loop3A_944 = arith.constant 0 : i32
          %parallel_loop3A_945 = arith.cmpi slt, %parallel_loop3A_938, %parallel_loop3A_944 : i32
          %parallel_loop3A_946 = arith.xori %parallel_loop3A_943, %parallel_loop3A_945 : i1
          %parallel_loop3A_947 = arith.andi %parallel_loop3A_946, %parallel_loop3A_941 : i1
          %parallel_loop3A_948 = arith.addi %parallel_loop3A_939, %parallel_loop3A_938 : i32
          %parallel_loop3A_949 = arith.select %parallel_loop3A_947, %parallel_loop3A_948, %parallel_loop3A_939 : i32
          %parallel_loop3A_950 = arith.index_cast %parallel_loop3A_933 : i32 to index
          %parallel_loop3A_951 = arith.index_cast %parallel_loop3A_949 : i32 to index
          %parallel_loop3A_952 = arith.constant 16 : index
          %parallel_loop3A_953 = tpu.vector_load %arg9[%parallel_loop3A_950, %parallel_loop3A_951, %parallel_loop3A_952] {strides = array<i32>} : memref<8x8x128xf32, #tpu.memory_space<vmem>>, vector<16xf32>,
          tpu.vector_store %arg9[%parallel_loop3A_950, %parallel_loop3A_951, %parallel_loop3A_952], %parallel_loop3A_909 {strides = array<i32>} : memref<8x8x128xf32, #tpu.memory_space<vmem>>, vector<16xf32>,
          %parallel_loop3A_954 = tpu.vector_load_idx %arg7[%add3A_13, %parallel_loop3A_859] : memref<128x64xf32, #tpu.memory_space<vmem>>[vector<16xi32>, vector<16xi32>], vector<16xf32>,
          %parallel_loop3A_955 = arith.mulf %parallel_loop3A_954, %select_n3A_797 : vector<16xf32>
          %parallel_loop3A_956 = arith.addf %parallel_loop3A_955, %parallel_loop3A_858 : vector<16xf32>
          %parallel_loop3A_957 = arith.constant 8 : i32
          %parallel_loop3A_958 = arith.divsi %parallel_loop3A_855, %parallel_loop3A_957 : i32
          %parallel_loop3A_959 = arith.constant 0 : i32
          %parallel_loop3A_960 = arith.cmpi sgt, %parallel_loop3A_855, %parallel_loop3A_959 : i32
          %parallel_loop3A_961 = arith.extui %parallel_loop3A_960 : i1 to i32
          %parallel_loop3A_962 = arith.constant 0 : i32
          %parallel_loop3A_963 = arith.cmpi slt, %parallel_loop3A_855, %parallel_loop3A_962 : i32
          %parallel_loop3A_964 = arith.extui %parallel_loop3A_963 : i1 to i32
          %parallel_loop3A_965 = arith.subi %parallel_loop3A_961, %parallel_loop3A_964 : i32
          %parallel_loop3A_966 = arith.constant 0 : i32
          %parallel_loop3A_967 = arith.cmpi sgt, %parallel_loop3A_957, %parallel_loop3A_966 : i32
          %parallel_loop3A_968 = arith.extui %parallel_loop3A_967 : i1 to i32
          %parallel_loop3A_969 = arith.constant 0 : i32
          %parallel_loop3A_970 = arith.cmpi slt, %parallel_loop3A_957, %parallel_loop3A_969 : i32
          %parallel_loop3A_971 = arith.extui %parallel_loop3A_970 : i1 to i32
          %parallel_loop3A_972 = arith.subi %parallel_loop3A_968, %parallel_loop3A_971 : i32
          %parallel_loop3A_973 = arith.cmpi ne, %parallel_loop3A_965, %parallel_loop3A_972 : i32
          %parallel_loop3A_974 = arith.remsi %parallel_loop3A_855, %parallel_loop3A_957 : i32
          %parallel_loop3A_975 = arith.constant 0 : i32
          %parallel_loop3A_976 = arith.cmpi ne, %parallel_loop3A_974, %parallel_loop3A_975 : i32
          %parallel_loop3A_977 = arith.andi %parallel_loop3A_973, %parallel_loop3A_976 : i1
          %parallel_loop3A_978 = arith.constant 1 : i32
          %parallel_loop3A_979 = arith.subi %parallel_loop3A_958, %parallel_loop3A_978 : i32
          %parallel_loop3A_980 = arith.select %parallel_loop3A_977, %parallel_loop3A_979, %parallel_loop3A_958 : i32
          %parallel_loop3A_981 = arith.constant 8 : i32
          %parallel_loop3A_982 = arith.constant 0 : i32
          %parallel_loop3A_983 = arith.cmpi eq, %parallel_loop3A_981, %parallel_loop3A_982 : i32
          %parallel_loop3A_984 = arith.constant 1 : i32
          %parallel_loop3A_985 = arith.select %parallel_loop3A_983, %parallel_loop3A_984, %parallel_loop3A_981 : i32
          %parallel_loop3A_986 = arith.remsi %parallel_loop3A_855, %parallel_loop3A_985 : i32
          %parallel_loop3A_987 = arith.constant 0 : i32
          %parallel_loop3A_988 = arith.cmpi ne, %parallel_loop3A_986, %parallel_loop3A_987 : i32
          %parallel_loop3A_989 = arith.constant 0 : i32
          %parallel_loop3A_990 = arith.cmpi slt, %parallel_loop3A_986, %parallel_loop3A_989 : i32
          %parallel_loop3A_991 = arith.constant 0 : i32
          %parallel_loop3A_992 = arith.cmpi slt, %parallel_loop3A_985, %parallel_loop3A_991 : i32
          %parallel_loop3A_993 = arith.xori %parallel_loop3A_990, %parallel_loop3A_992 : i1
          %parallel_loop3A_994 = arith.andi %parallel_loop3A_993, %parallel_loop3A_988 : i1
          %parallel_loop3A_995 = arith.addi %parallel_loop3A_986, %parallel_loop3A_985 : i32
          %parallel_loop3A_996 = arith.select %parallel_loop3A_994, %parallel_loop3A_995, %parallel_loop3A_986 : i32
          %parallel_loop3A_997 = arith.index_cast %parallel_loop3A_980 : i32 to index
          %parallel_loop3A_998 = arith.index_cast %parallel_loop3A_996 : i32 to index
          %parallel_loop3A_999 = arith.constant 32 : index
          %parallel_loop3A_1000 = tpu.vector_load %arg9[%parallel_loop3A_997, %parallel_loop3A_998, %parallel_loop3A_999] {strides = array<i32>} : memref<8x8x128xf32, #tpu.memory_space<vmem>>, vector<16xf32>,
          tpu.vector_store %arg9[%parallel_loop3A_997, %parallel_loop3A_998, %parallel_loop3A_999], %parallel_loop3A_956 {strides = array<i32>} : memref<8x8x128xf32, #tpu.memory_space<vmem>>, vector<16xf32>,
          %parallel_loop3A_1001 = tpu.vector_load_idx %arg7[%add3A_17, %parallel_loop3A_859] : memref<128x64xf32, #tpu.memory_space<vmem>>[vector<16xi32>, vector<16xi32>], vector<16xf32>,
          %parallel_loop3A_1002 = arith.mulf %parallel_loop3A_1001, %select_n3A_808 : vector<16xf32>
          %parallel_loop3A_1003 = arith.addf %parallel_loop3A_1002, %parallel_loop3A_858 : vector<16xf32>
          %parallel_loop3A_1004 = arith.constant 8 : i32
          %parallel_loop3A_1005 = arith.divsi %parallel_loop3A_855, %parallel_loop3A_1004 : i32
          %parallel_loop3A_1006 = arith.constant 0 : i32
          %parallel_loop3A_1007 = arith.cmpi sgt, %parallel_loop3A_855, %parallel_loop3A_1006 : i32
          %parallel_loop3A_1008 = arith.extui %parallel_loop3A_1007 : i1 to i32
          %parallel_loop3A_1009 = arith.constant 0 : i32
          %parallel_loop3A_1010 = arith.cmpi slt, %parallel_loop3A_855, %parallel_loop3A_1009 : i32
          %parallel_loop3A_1011 = arith.extui %parallel_loop3A_1010 : i1 to i32
          %parallel_loop3A_1012 = arith.subi %parallel_loop3A_1008, %parallel_loop3A_1011 : i32
          %parallel_loop3A_1013 = arith.constant 0 : i32
          %parallel_loop3A_1014 = arith.cmpi sgt, %parallel_loop3A_1004, %parallel_loop3A_1013 : i32
          %parallel_loop3A_1015 = arith.extui %parallel_loop3A_1014 : i1 to i32
          %parallel_loop3A_1016 = arith.constant 0 : i32
          %parallel_loop3A_1017 = arith.cmpi slt, %parallel_loop3A_1004, %parallel_loop3A_1016 : i32
          %parallel_loop3A_1018 = arith.extui %parallel_loop3A_1017 : i1 to i32
          %parallel_loop3A_1019 = arith.subi %parallel_loop3A_1015, %parallel_loop3A_1018 : i32
          %parallel_loop3A_1020 = arith.cmpi ne, %parallel_loop3A_1012, %parallel_loop3A_1019 : i32
          %parallel_loop3A_1021 = arith.remsi %parallel_loop3A_855, %parallel_loop3A_1004 : i32
          %parallel_loop3A_1022 = arith.constant 0 : i32
          %parallel_loop3A_1023 = arith.cmpi ne, %parallel_loop3A_1021, %parallel_loop3A_1022 : i32
          %parallel_loop3A_1024 = arith.andi %parallel_loop3A_1020, %parallel_loop3A_1023 : i1
          %parallel_loop3A_1025 = arith.constant 1 : i32
          %parallel_loop3A_1026 = arith.subi %parallel_loop3A_1005, %parallel_loop3A_1025 : i32
          %parallel_loop3A_1027 = arith.select %parallel_loop3A_1024, %parallel_loop3A_1026, %parallel_loop3A_1005 : i32
          %parallel_loop3A_1028 = arith.constant 8 : i32
          %parallel_loop3A_1029 = arith.constant 0 : i32
          %parallel_loop3A_1030 = arith.cmpi eq, %parallel_loop3A_1028, %parallel_loop3A_1029 : i32
          %parallel_loop3A_1031 = arith.constant 1 : i32
          %parallel_loop3A_1032 = arith.select %parallel_loop3A_1030, %parallel_loop3A_1031, %parallel_loop3A_1028 : i32
          %parallel_loop3A_1033 = arith.remsi %parallel_loop3A_855, %parallel_loop3A_1032 : i32
          %parallel_loop3A_1034 = arith.constant 0 : i32
          %parallel_loop3A_1035 = arith.cmpi ne, %parallel_loop3A_1033, %parallel_loop3A_1034 : i32
          %parallel_loop3A_1036 = arith.constant 0 : i32
          %parallel_loop3A_1037 = arith.cmpi slt, %parallel_loop3A_1033, %parallel_loop3A_1036 : i32
          %parallel_loop3A_1038 = arith.constant 0 : i32
          %parallel_loop3A_1039 = arith.cmpi slt, %parallel_loop3A_1032, %parallel_loop3A_1038 : i32
          %parallel_loop3A_1040 = arith.xori %parallel_loop3A_1037, %parallel_loop3A_1039 : i1
          %parallel_loop3A_1041 = arith.andi %parallel_loop3A_1040, %parallel_loop3A_1035 : i1
          %parallel_loop3A_1042 = arith.addi %parallel_loop3A_1033, %parallel_loop3A_1032 : i32
          %parallel_loop3A_1043 = arith.select %parallel_loop3A_1041, %parallel_loop3A_1042, %parallel_loop3A_1033 : i32
          %parallel_loop3A_1044 = arith.index_cast %parallel_loop3A_1027 : i32 to index
          %parallel_loop3A_1045 = arith.index_cast %parallel_loop3A_1043 : i32 to index
          %parallel_loop3A_1046 = arith.constant 48 : index
          %parallel_loop3A_1047 = tpu.vector_load %arg9[%parallel_loop3A_1044, %parallel_loop3A_1045, %parallel_loop3A_1046] {strides = array<i32>} : memref<8x8x128xf32, #tpu.memory_space<vmem>>, vector<16xf32>,
          tpu.vector_store %arg9[%parallel_loop3A_1044, %parallel_loop3A_1045, %parallel_loop3A_1046], %parallel_loop3A_1003 {strides = array<i32>} : memref<8x8x128xf32, #tpu.memory_space<vmem>>, vector<16xf32>,
          %parallel_loop3A_1048 = tpu.vector_load_idx %arg7[%add3A_21, %parallel_loop3A_859] : memref<128x64xf32, #tpu.memory_space<vmem>>[vector<16xi32>, vector<16xi32>], vector<16xf32>,
          %parallel_loop3A_1049 = arith.mulf %parallel_loop3A_1048, %select_n3A_819 : vector<16xf32>
          %parallel_loop3A_1050 = arith.addf %parallel_loop3A_1049, %parallel_loop3A_858 : vector<16xf32>
          %parallel_loop3A_1051 = arith.constant 8 : i32
          %parallel_loop3A_1052 = arith.divsi %parallel_loop3A_855, %parallel_loop3A_1051 : i32
          %parallel_loop3A_1053 = arith.constant 0 : i32
          %parallel_loop3A_1054 = arith.cmpi sgt, %parallel_loop3A_855, %parallel_loop3A_1053 : i32
          %parallel_loop3A_1055 = arith.extui %parallel_loop3A_1054 : i1 to i32
          %parallel_loop3A_1056 = arith.constant 0 : i32
          %parallel_loop3A_1057 = arith.cmpi slt, %parallel_loop3A_855, %parallel_loop3A_1056 : i32
          %parallel_loop3A_1058 = arith.extui %parallel_loop3A_1057 : i1 to i32
          %parallel_loop3A_1059 = arith.subi %parallel_loop3A_1055, %parallel_loop3A_1058 : i32
          %parallel_loop3A_1060 = arith.constant 0 : i32
          %parallel_loop3A_1061 = arith.cmpi sgt, %parallel_loop3A_1051, %parallel_loop3A_1060 : i32
          %parallel_loop3A_1062 = arith.extui %parallel_loop3A_1061 : i1 to i32
          %parallel_loop3A_1063 = arith.constant 0 : i32
          %parallel_loop3A_1064 = arith.cmpi slt, %parallel_loop3A_1051, %parallel_loop3A_1063 : i32
          %parallel_loop3A_1065 = arith.extui %parallel_loop3A_1064 : i1 to i32
          %parallel_loop3A_1066 = arith.subi %parallel_loop3A_1062, %parallel_loop3A_1065 : i32
          %parallel_loop3A_1067 = arith.cmpi ne, %parallel_loop3A_1059, %parallel_loop3A_1066 : i32
          %parallel_loop3A_1068 = arith.remsi %parallel_loop3A_855, %parallel_loop3A_1051 : i32
          %parallel_loop3A_1069 = arith.constant 0 : i32
          %parallel_loop3A_1070 = arith.cmpi ne, %parallel_loop3A_1068, %parallel_loop3A_1069 : i32
          %parallel_loop3A_1071 = arith.andi %parallel_loop3A_1067, %parallel_loop3A_1070 : i1
          %parallel_loop3A_1072 = arith.constant 1 : i32
          %parallel_loop3A_1073 = arith.subi %parallel_loop3A_1052, %parallel_loop3A_1072 : i32
          %parallel_loop3A_1074 = arith.select %parallel_loop3A_1071, %parallel_loop3A_1073, %parallel_loop3A_1052 : i32
          %parallel_loop3A_1075 = arith.constant 8 : i32
          %parallel_loop3A_1076 = arith.constant 0 : i32
          %parallel_loop3A_1077 = arith.cmpi eq, %parallel_loop3A_1075, %parallel_loop3A_1076 : i32
          %parallel_loop3A_1078 = arith.constant 1 : i32
          %parallel_loop3A_1079 = arith.select %parallel_loop3A_1077, %parallel_loop3A_1078, %parallel_loop3A_1075 : i32
          %parallel_loop3A_1080 = arith.remsi %parallel_loop3A_855, %parallel_loop3A_1079 : i32
          %parallel_loop3A_1081 = arith.constant 0 : i32
          %parallel_loop3A_1082 = arith.cmpi ne, %parallel_loop3A_1080, %parallel_loop3A_1081 : i32
          %parallel_loop3A_1083 = arith.constant 0 : i32
          %parallel_loop3A_1084 = arith.cmpi slt, %parallel_loop3A_1080, %parallel_loop3A_1083 : i32
          %parallel_loop3A_1085 = arith.constant 0 : i32
          %parallel_loop3A_1086 = arith.cmpi slt, %parallel_loop3A_1079, %parallel_loop3A_1085 : i32
          %parallel_loop3A_1087 = arith.xori %parallel_loop3A_1084, %parallel_loop3A_1086 : i1
          %parallel_loop3A_1088 = arith.andi %parallel_loop3A_1087, %parallel_loop3A_1082 : i1
          %parallel_loop3A_1089 = arith.addi %parallel_loop3A_1080, %parallel_loop3A_1079 : i32
          %parallel_loop3A_1090 = arith.select %parallel_loop3A_1088, %parallel_loop3A_1089, %parallel_loop3A_1080 : i32
          %parallel_loop3A_1091 = arith.index_cast %parallel_loop3A_1074 : i32 to index
          %parallel_loop3A_1092 = arith.index_cast %parallel_loop3A_1090 : i32 to index
          %parallel_loop3A_1093 = arith.constant 64 : index
          %parallel_loop3A_1094 = tpu.vector_load %arg9[%parallel_loop3A_1091, %parallel_loop3A_1092, %parallel_loop3A_1093] {strides = array<i32>} : memref<8x8x128xf32, #tpu.memory_space<vmem>>, vector<16xf32>,
          tpu.vector_store %arg9[%parallel_loop3A_1091, %parallel_loop3A_1092, %parallel_loop3A_1093], %parallel_loop3A_1050 {strides = array<i32>} : memref<8x8x128xf32, #tpu.memory_space<vmem>>, vector<16xf32>,
          %parallel_loop3A_1095 = tpu.vector_load_idx %arg7[%add3A_25, %parallel_loop3A_859] : memref<128x64xf32, #tpu.memory_space<vmem>>[vector<16xi32>, vector<16xi32>], vector<16xf32>,
          %parallel_loop3A_1096 = arith.mulf %parallel_loop3A_1095, %select_n3A_830 : vector<16xf32>
          %parallel_loop3A_1097 = arith.addf %parallel_loop3A_1096, %parallel_loop3A_858 : vector<16xf32>
          %parallel_loop3A_1098 = arith.constant 8 : i32
          %parallel_loop3A_1099 = arith.divsi %parallel_loop3A_855, %parallel_loop3A_1098 : i32
          %parallel_loop3A_1100 = arith.constant 0 : i32
          %parallel_loop3A_1101 = arith.cmpi sgt, %parallel_loop3A_855, %parallel_loop3A_1100 : i32
          %parallel_loop3A_1102 = arith.extui %parallel_loop3A_1101 : i1 to i32
          %parallel_loop3A_1103 = arith.constant 0 : i32
          %parallel_loop3A_1104 = arith.cmpi slt, %parallel_loop3A_855, %parallel_loop3A_1103 : i32
          %parallel_loop3A_1105 = arith.extui %parallel_loop3A_1104 : i1 to i32
          %parallel_loop3A_1106 = arith.subi %parallel_loop3A_1102, %parallel_loop3A_1105 : i32
          %parallel_loop3A_1107 = arith.constant 0 : i32
          %parallel_loop3A_1108 = arith.cmpi sgt, %parallel_loop3A_1098, %parallel_loop3A_1107 : i32
          %parallel_loop3A_1109 = arith.extui %parallel_loop3A_1108 : i1 to i32
          %parallel_loop3A_1110 = arith.constant 0 : i32
          %parallel_loop3A_1111 = arith.cmpi slt, %parallel_loop3A_1098, %parallel_loop3A_1110 : i32
          %parallel_loop3A_1112 = arith.extui %parallel_loop3A_1111 : i1 to i32
          %parallel_loop3A_1113 = arith.subi %parallel_loop3A_1109, %parallel_loop3A_1112 : i32
          %parallel_loop3A_1114 = arith.cmpi ne, %parallel_loop3A_1106, %parallel_loop3A_1113 : i32
          %parallel_loop3A_1115 = arith.remsi %parallel_loop3A_855, %parallel_loop3A_1098 : i32
          %parallel_loop3A_1116 = arith.constant 0 : i32
          %parallel_loop3A_1117 = arith.cmpi ne, %parallel_loop3A_1115, %parallel_loop3A_1116 : i32
          %parallel_loop3A_1118 = arith.andi %parallel_loop3A_1114, %parallel_loop3A_1117 : i1
          %parallel_loop3A_1119 = arith.constant 1 : i32
          %parallel_loop3A_1120 = arith.subi %parallel_loop3A_1099, %parallel_loop3A_1119 : i32
          %parallel_loop3A_1121 = arith.select %parallel_loop3A_1118, %parallel_loop3A_1120, %parallel_loop3A_1099 : i32
          %parallel_loop3A_1122 = arith.constant 8 : i32
          %parallel_loop3A_1123 = arith.constant 0 : i32
          %parallel_loop3A_1124 = arith.cmpi eq, %parallel_loop3A_1122, %parallel_loop3A_1123 : i32
          %parallel_loop3A_1125 = arith.constant 1 : i32
          %parallel_loop3A_1126 = arith.select %parallel_loop3A_1124, %parallel_loop3A_1125, %parallel_loop3A_1122 : i32
          %parallel_loop3A_1127 = arith.remsi %parallel_loop3A_855, %parallel_loop3A_1126 : i32
          %parallel_loop3A_1128 = arith.constant 0 : i32
          %parallel_loop3A_1129 = arith.cmpi ne, %parallel_loop3A_1127, %parallel_loop3A_1128 : i32
          %parallel_loop3A_1130 = arith.constant 0 : i32
          %parallel_loop3A_1131 = arith.cmpi slt, %parallel_loop3A_1127, %parallel_loop3A_1130 : i32
          %parallel_loop3A_1132 = arith.constant 0 : i32
          %parallel_loop3A_1133 = arith.cmpi slt, %parallel_loop3A_1126, %parallel_loop3A_1132 : i32
          %parallel_loop3A_1134 = arith.xori %parallel_loop3A_1131, %parallel_loop3A_1133 : i1
          %parallel_loop3A_1135 = arith.andi %parallel_loop3A_1134, %parallel_loop3A_1129 : i1
          %parallel_loop3A_1136 = arith.addi %parallel_loop3A_1127, %parallel_loop3A_1126 : i32
          %parallel_loop3A_1137 = arith.select %parallel_loop3A_1135, %parallel_loop3A_1136, %parallel_loop3A_1127 : i32
          %parallel_loop3A_1138 = arith.index_cast %parallel_loop3A_1121 : i32 to index
          %parallel_loop3A_1139 = arith.index_cast %parallel_loop3A_1137 : i32 to index
          %parallel_loop3A_1140 = arith.constant 80 : index
          %parallel_loop3A_1141 = tpu.vector_load %arg9[%parallel_loop3A_1138, %parallel_loop3A_1139, %parallel_loop3A_1140] {strides = array<i32>} : memref<8x8x128xf32, #tpu.memory_space<vmem>>, vector<16xf32>,
          tpu.vector_store %arg9[%parallel_loop3A_1138, %parallel_loop3A_1139, %parallel_loop3A_1140], %parallel_loop3A_1097 {strides = array<i32>} : memref<8x8x128xf32, #tpu.memory_space<vmem>>, vector<16xf32>,
          %parallel_loop3A_1142 = tpu.vector_load_idx %arg7[%add3A_29, %parallel_loop3A_859] : memref<128x64xf32, #tpu.memory_space<vmem>>[vector<16xi32>, vector<16xi32>], vector<16xf32>,
          %parallel_loop3A_1143 = arith.mulf %parallel_loop3A_1142, %select_n3A_841 : vector<16xf32>
          %parallel_loop3A_1144 = arith.addf %parallel_loop3A_1143, %parallel_loop3A_858 : vector<16xf32>
          %parallel_loop3A_1145 = arith.constant 8 : i32
          %parallel_loop3A_1146 = arith.divsi %parallel_loop3A_855, %parallel_loop3A_1145 : i32
          %parallel_loop3A_1147 = arith.constant 0 : i32
          %parallel_loop3A_1148 = arith.cmpi sgt, %parallel_loop3A_855, %parallel_loop3A_1147 : i32
          %parallel_loop3A_1149 = arith.extui %parallel_loop3A_1148 : i1 to i32
          %parallel_loop3A_1150 = arith.constant 0 : i32
          %parallel_loop3A_1151 = arith.cmpi slt, %parallel_loop3A_855, %parallel_loop3A_1150 : i32
          %parallel_loop3A_1152 = arith.extui %parallel_loop3A_1151 : i1 to i32
          %parallel_loop3A_1153 = arith.subi %parallel_loop3A_1149, %parallel_loop3A_1152 : i32
          %parallel_loop3A_1154 = arith.constant 0 : i32
          %parallel_loop3A_1155 = arith.cmpi sgt, %parallel_loop3A_1145, %parallel_loop3A_1154 : i32
          %parallel_loop3A_1156 = arith.extui %parallel_loop3A_1155 : i1 to i32
          %parallel_loop3A_1157 = arith.constant 0 : i32
          %parallel_loop3A_1158 = arith.cmpi slt, %parallel_loop3A_1145, %parallel_loop3A_1157 : i32
          %parallel_loop3A_1159 = arith.extui %parallel_loop3A_1158 : i1 to i32
          %parallel_loop3A_1160 = arith.subi %parallel_loop3A_1156, %parallel_loop3A_1159 : i32
          %parallel_loop3A_1161 = arith.cmpi ne, %parallel_loop3A_1153, %parallel_loop3A_1160 : i32
          %parallel_loop3A_1162 = arith.remsi %parallel_loop3A_855, %parallel_loop3A_1145 : i32
          %parallel_loop3A_1163 = arith.constant 0 : i32
          %parallel_loop3A_1164 = arith.cmpi ne, %parallel_loop3A_1162, %parallel_loop3A_1163 : i32
          %parallel_loop3A_1165 = arith.andi %parallel_loop3A_1161, %parallel_loop3A_1164 : i1
          %parallel_loop3A_1166 = arith.constant 1 : i32
          %parallel_loop3A_1167 = arith.subi %parallel_loop3A_1146, %parallel_loop3A_1166 : i32
          %parallel_loop3A_1168 = arith.select %parallel_loop3A_1165, %parallel_loop3A_1167, %parallel_loop3A_1146 : i32
          %parallel_loop3A_1169 = arith.constant 8 : i32
          %parallel_loop3A_1170 = arith.constant 0 : i32
          %parallel_loop3A_1171 = arith.cmpi eq, %parallel_loop3A_1169, %parallel_loop3A_1170 : i32
          %parallel_loop3A_1172 = arith.constant 1 : i32
          %parallel_loop3A_1173 = arith.select %parallel_loop3A_1171, %parallel_loop3A_1172, %parallel_loop3A_1169 : i32
          %parallel_loop3A_1174 = arith.remsi %parallel_loop3A_855, %parallel_loop3A_1173 : i32
          %parallel_loop3A_1175 = arith.constant 0 : i32
          %parallel_loop3A_1176 = arith.cmpi ne, %parallel_loop3A_1174, %parallel_loop3A_1175 : i32
          %parallel_loop3A_1177 = arith.constant 0 : i32
          %parallel_loop3A_1178 = arith.cmpi slt, %parallel_loop3A_1174, %parallel_loop3A_1177 : i32
          %parallel_loop3A_1179 = arith.constant 0 : i32
          %parallel_loop3A_1180 = arith.cmpi slt, %parallel_loop3A_1173, %parallel_loop3A_1179 : i32
          %parallel_loop3A_1181 = arith.xori %parallel_loop3A_1178, %parallel_loop3A_1180 : i1
          %parallel_loop3A_1182 = arith.andi %parallel_loop3A_1181, %parallel_loop3A_1176 : i1
          %parallel_loop3A_1183 = arith.addi %parallel_loop3A_1174, %parallel_loop3A_1173 : i32
          %parallel_loop3A_1184 = arith.select %parallel_loop3A_1182, %parallel_loop3A_1183, %parallel_loop3A_1174 : i32
          %parallel_loop3A_1185 = arith.index_cast %parallel_loop3A_1168 : i32 to index
          %parallel_loop3A_1186 = arith.index_cast %parallel_loop3A_1184 : i32 to index
          %parallel_loop3A_1187 = arith.constant 96 : index
          %parallel_loop3A_1188 = tpu.vector_load %arg9[%parallel_loop3A_1185, %parallel_loop3A_1186, %parallel_loop3A_1187] {strides = array<i32>} : memref<8x8x128xf32, #tpu.memory_space<vmem>>, vector<16xf32>,
          tpu.vector_store %arg9[%parallel_loop3A_1185, %parallel_loop3A_1186, %parallel_loop3A_1187], %parallel_loop3A_1144 {strides = array<i32>} : memref<8x8x128xf32, #tpu.memory_space<vmem>>, vector<16xf32>,
          %parallel_loop3A_1189 = tpu.vector_load_idx %arg7[%add3A_33, %parallel_loop3A_859] : memref<128x64xf32, #tpu.memory_space<vmem>>[vector<16xi32>, vector<16xi32>], vector<16xf32>,
          %parallel_loop3A_1190 = arith.mulf %parallel_loop3A_1189, %select_n3A_852 : vector<16xf32>
          %parallel_loop3A_1191 = arith.addf %parallel_loop3A_1190, %parallel_loop3A_858 : vector<16xf32>
          %parallel_loop3A_1192 = arith.constant 8 : i32
          %parallel_loop3A_1193 = arith.divsi %parallel_loop3A_855, %parallel_loop3A_1192 : i32
          %parallel_loop3A_1194 = arith.constant 0 : i32
          %parallel_loop3A_1195 = arith.cmpi sgt, %parallel_loop3A_855, %parallel_loop3A_1194 : i32
          %parallel_loop3A_1196 = arith.extui %parallel_loop3A_1195 : i1 to i32
          %parallel_loop3A_1197 = arith.constant 0 : i32
          %parallel_loop3A_1198 = arith.cmpi slt, %parallel_loop3A_855, %parallel_loop3A_1197 : i32
          %parallel_loop3A_1199 = arith.extui %parallel_loop3A_1198 : i1 to i32
          %parallel_loop3A_1200 = arith.subi %parallel_loop3A_1196, %parallel_loop3A_1199 : i32
          %parallel_loop3A_1201 = arith.constant 0 : i32
          %parallel_loop3A_1202 = arith.cmpi sgt, %parallel_loop3A_1192, %parallel_loop3A_1201 : i32
          %parallel_loop3A_1203 = arith.extui %parallel_loop3A_1202 : i1 to i32
          %parallel_loop3A_1204 = arith.constant 0 : i32
          %parallel_loop3A_1205 = arith.cmpi slt, %parallel_loop3A_1192, %parallel_loop3A_1204 : i32
          %parallel_loop3A_1206 = arith.extui %parallel_loop3A_1205 : i1 to i32
          %parallel_loop3A_1207 = arith.subi %parallel_loop3A_1203, %parallel_loop3A_1206 : i32
          %parallel_loop3A_1208 = arith.cmpi ne, %parallel_loop3A_1200, %parallel_loop3A_1207 : i32
          %parallel_loop3A_1209 = arith.remsi %parallel_loop3A_855, %parallel_loop3A_1192 : i32
          %parallel_loop3A_1210 = arith.constant 0 : i32
          %parallel_loop3A_1211 = arith.cmpi ne, %parallel_loop3A_1209, %parallel_loop3A_1210 : i32
          %parallel_loop3A_1212 = arith.andi %parallel_loop3A_1208, %parallel_loop3A_1211 : i1
          %parallel_loop3A_1213 = arith.constant 1 : i32
          %parallel_loop3A_1214 = arith.subi %parallel_loop3A_1193, %parallel_loop3A_1213 : i32
          %parallel_loop3A_1215 = arith.select %parallel_loop3A_1212, %parallel_loop3A_1214, %parallel_loop3A_1193 : i32
          %parallel_loop3A_1216 = arith.constant 8 : i32
          %parallel_loop3A_1217 = arith.constant 0 : i32
          %parallel_loop3A_1218 = arith.cmpi eq, %parallel_loop3A_1216, %parallel_loop3A_1217 : i32
          %parallel_loop3A_1219 = arith.constant 1 : i32
          %parallel_loop3A_1220 = arith.select %parallel_loop3A_1218, %parallel_loop3A_1219, %parallel_loop3A_1216 : i32
          %parallel_loop3A_1221 = arith.remsi %parallel_loop3A_855, %parallel_loop3A_1220 : i32
          %parallel_loop3A_1222 = arith.constant 0 : i32
          %parallel_loop3A_1223 = arith.cmpi ne, %parallel_loop3A_1221, %parallel_loop3A_1222 : i32
          %parallel_loop3A_1224 = arith.constant 0 : i32
          %parallel_loop3A_1225 = arith.cmpi slt, %parallel_loop3A_1221, %parallel_loop3A_1224 : i32
          %parallel_loop3A_1226 = arith.constant 0 : i32
          %parallel_loop3A_1227 = arith.cmpi slt, %parallel_loop3A_1220, %parallel_loop3A_1226 : i32
          %parallel_loop3A_1228 = arith.xori %parallel_loop3A_1225, %parallel_loop3A_1227 : i1
          %parallel_loop3A_1229 = arith.andi %parallel_loop3A_1228, %parallel_loop3A_1223 : i1
          %parallel_loop3A_1230 = arith.addi %parallel_loop3A_1221, %parallel_loop3A_1220 : i32
          %parallel_loop3A_1231 = arith.select %parallel_loop3A_1229, %parallel_loop3A_1230, %parallel_loop3A_1221 : i32
          %parallel_loop3A_1232 = arith.index_cast %parallel_loop3A_1215 : i32 to index
          %parallel_loop3A_1233 = arith.index_cast %parallel_loop3A_1231 : i32 to index
          %parallel_loop3A_1234 = arith.constant 112 : index
          %parallel_loop3A_1235 = tpu.vector_load %arg9[%parallel_loop3A_1232, %parallel_loop3A_1233, %parallel_loop3A_1234] {strides = array<i32>} : memref<8x8x128xf32, #tpu.memory_space<vmem>>, vector<16xf32>,
          tpu.vector_store %arg9[%parallel_loop3A_1232, %parallel_loop3A_1233, %parallel_loop3A_1234], %parallel_loop3A_1191 {strides = array<i32>} : memref<8x8x128xf32, #tpu.memory_space<vmem>>, vector<16xf32>,
        } {sc.loop_unroll_factor = 2 : i64, sc.parallel_access}
      } else {
      }
      %jit3A_320 = arith.constant 64 : i32
      %div3A_321 = arith.divsi %add3A_101, %jit3A_320 : i32
      %sign3A_322 = arith.constant 0 : i32
      %sign3A_323 = arith.cmpi sgt, %add3A_101, %sign3A_322 : i32
      %sign3A_324 = arith.extui %sign3A_323 : i1 to i32
      %sign3A_325 = arith.constant 0 : i32
      %sign3A_326 = arith.cmpi slt, %add3A_101, %sign3A_325 : i32
      %sign3A_327 = arith.extui %sign3A_326 : i1 to i32
      %sign3A_328 = arith.subi %sign3A_324, %sign3A_327 : i32
      %sign3A_329 = arith.constant 0 : i32
      %sign3A_330 = arith.cmpi sgt, %jit3A_320, %sign3A_329 : i32
      %sign3A_331 = arith.extui %sign3A_330 : i1 to i32
      %sign3A_332 = arith.constant 0 : i32
      %sign3A_333 = arith.cmpi slt, %jit3A_320, %sign3A_332 : i32
      %sign3A_334 = arith.extui %sign3A_333 : i1 to i32
      %sign3A_335 = arith.subi %sign3A_331, %sign3A_334 : i32
      %ne3A_336 = arith.cmpi ne, %sign3A_328, %sign3A_335 : i32
      %rem3A_337 = arith.remsi %add3A_101, %jit3A_320 : i32
      %ne3A_338 = arith.constant 0 : i32
      %ne3A_339 = arith.cmpi ne, %rem3A_337, %ne3A_338 : i32
      %and3A_340 = arith.andi %ne3A_336, %ne3A_339 : i1
      %sub3A_341 = arith.constant 1 : i32
      %sub3A_342 = arith.subi %div3A_321, %sub3A_341 : i32
      %select_n3A_343 = arith.select %and3A_340, %sub3A_342, %div3A_321 : i32
      %mul3A_344 = arith.constant 8 : i32
      %mul3A_345 = arith.muli %select_n3A_343, %mul3A_344 : i32
      %jit3A_346 = arith.constant 8 : i32
      %eq3A_347 = arith.constant 0 : i32
      %eq3A_348 = arith.cmpi eq, %jit3A_346, %eq3A_347 : i32
      %jit3A_349 = arith.constant 1 : i32
      %select_n3A_350 = arith.select %eq3A_348, %jit3A_349, %jit3A_346 : i32
      %rem3A_351 = arith.remsi %add3A_101, %select_n3A_350 : i32
      %ne3A_352 = arith.constant 0 : i32
      %ne3A_353 = arith.cmpi ne, %rem3A_351, %ne3A_352 : i32
      %lt3A_354 = arith.constant 0 : i32
      %lt3A_355 = arith.cmpi slt, %rem3A_351, %lt3A_354 : i32
      %lt3A_356 = arith.constant 0 : i32
      %lt3A_357 = arith.cmpi slt, %select_n3A_350, %lt3A_356 : i32
      %ne3A_358 = arith.xori %lt3A_355, %lt3A_357 : i1
      %and3A_359 = arith.andi %ne3A_358, %ne3A_353 : i1
      %add3A_360 = arith.addi %rem3A_351, %select_n3A_350 : i32
      %select_n3A_361 = arith.select %and3A_359, %add3A_360, %rem3A_351 : i32
      %add3A_362 = arith.addi %mul3A_345, %select_n3A_361 : i32
      %jit3A_363 = arith.constant 64 : i32
      %eq3A_364 = arith.constant 0 : i32
      %eq3A_365 = arith.cmpi eq, %jit3A_363, %eq3A_364 : i32
      %jit3A_366 = arith.constant 1 : i32
      %select_n3A_367 = arith.select %eq3A_365, %jit3A_366, %jit3A_363 : i32
      %rem3A_368 = arith.remsi %add3A_101, %select_n3A_367 : i32
      %ne3A_369 = arith.constant 0 : i32
      %ne3A_370 = arith.cmpi ne, %rem3A_368, %ne3A_369 : i32
      %lt3A_371 = arith.constant 0 : i32
      %lt3A_372 = arith.cmpi slt, %rem3A_368, %lt3A_371 : i32
      %lt3A_373 = arith.constant 0 : i32
      %lt3A_374 = arith.cmpi slt, %select_n3A_367, %lt3A_373 : i32
      %ne3A_375 = arith.xori %lt3A_372, %lt3A_374 : i1
      %and3A_376 = arith.andi %ne3A_375, %ne3A_370 : i1
      %add3A_377 = arith.addi %rem3A_368, %select_n3A_367 : i32
      %select_n3A_378 = arith.select %and3A_376, %add3A_377, %rem3A_368 : i32
      %jit3A_379 = arith.constant 8 : i32
      %div3A_380 = arith.divsi %select_n3A_378, %jit3A_379 : i32
      %sign3A_381 = arith.constant 0 : i32
      %sign3A_382 = arith.cmpi sgt, %select_n3A_378, %sign3A_381 : i32
      %sign3A_383 = arith.extui %sign3A_382 : i1 to i32
      %sign3A_384 = arith.constant 0 : i32
      %sign3A_385 = arith.cmpi slt, %select_n3A_378, %sign3A_384 : i32
      %sign3A_386 = arith.extui %sign3A_385 : i1 to i32
      %sign3A_387 = arith.subi %sign3A_383, %sign3A_386 : i32
      %sign3A_388 = arith.constant 0 : i32
      %sign3A_389 = arith.cmpi sgt, %jit3A_379, %sign3A_388 : i32
      %sign3A_390 = arith.extui %sign3A_389 : i1 to i32
      %sign3A_391 = arith.constant 0 : i32
      %sign3A_392 = arith.cmpi slt, %jit3A_379, %sign3A_391 : i32
      %sign3A_393 = arith.extui %sign3A_392 : i1 to i32
      %sign3A_394 = arith.subi %sign3A_390, %sign3A_393 : i32
      %ne3A_395 = arith.cmpi ne, %sign3A_387, %sign3A_394 : i32
      %rem3A_396 = arith.remsi %select_n3A_378, %jit3A_379 : i32
      %ne3A_397 = arith.constant 0 : i32
      %ne3A_398 = arith.cmpi ne, %rem3A_396, %ne3A_397 : i32
      %and3A_399 = arith.andi %ne3A_395, %ne3A_398 : i1
      %sub3A_400 = arith.constant 1 : i32
      %sub3A_401 = arith.subi %div3A_380, %sub3A_400 : i32
      %select_n3A_402 = arith.select %and3A_399, %sub3A_401, %div3A_380 : i32
      %dma_start3A_403 = arith.constant 0 : i32
      %dma_start3A_404 = arith.constant 0 : i32
      %dma_start3A_405 = arith.constant 0 : i32
      %dma_start3A_406 = arith.constant 0 : i32
      %dma_start3A_407 = tpu.memref_slice %arg5[%add3A_362, %dma_start3A_403, %dma_start3A_404, %dma_start3A_405, %dma_start3A_406] : memref<200x8x8x8x128xf32, #tpu.memory_space<hbm>> -> memref<1x8x8x8x128xf32, #tpu.memory_space<hbm>>
      %dma_start3A_408 = tpu.memref_squeeze %dma_start3A_407 : memref<1x8x8x8x128xf32, #tpu.memory_space<hbm>> -> memref<8x8x8x128xf32, #tpu.memory_space<hbm>>
      %dma_start3A_409 = arith.constant 0 : i32
      %dma_start3A_410 = arith.constant 0 : i32
      %dma_start3A_411 = arith.constant 0 : i32
      %dma_start3A_412 = tpu.memref_slice %dma_start3A_408[%dma_start3A_409, %select_n3A_402, %dma_start3A_410, %dma_start3A_411] : memref<8x8x8x128xf32, #tpu.memory_space<hbm>> -> memref<8x1x8x128xf32, #tpu.memory_space<hbm>>
      %dma_start3A_413 = tpu.memref_squeeze %dma_start3A_412 : memref<8x1x8x128xf32, #tpu.memory_space<hbm>> -> memref<8x8x128xf32, #tpu.memory_space<hbm>>
      %dma_start3A_414 = arith.constant 0 : i32
      %dma_start3A_415 = arith.constant 0 : i32
      %dma_start3A_416 = arith.constant 0 : i32
      %dma_start3A_417 = arith.constant 0 : i32
      %dma_start3A_418 = tpu.memref_slice %arg5[%add3A_362, %dma_start3A_414, %dma_start3A_415, %dma_start3A_416, %dma_start3A_417] : memref<200x8x8x8x128xf32, #tpu.memory_space<hbm>> -> memref<1x8x8x8x128xf32, #tpu.memory_space<hbm>>
      %dma_start3A_419 = tpu.memref_squeeze %dma_start3A_418 : memref<1x8x8x8x128xf32, #tpu.memory_space<hbm>> -> memref<8x8x8x128xf32, #tpu.memory_space<hbm>>
      %dma_start3A_420 = arith.constant 0 : i32
      %dma_start3A_421 = arith.constant 0 : i32
      %dma_start3A_422 = arith.constant 0 : i32
      %dma_start3A_423 = tpu.memref_slice %dma_start3A_419[%dma_start3A_420, %select_n3A_402, %dma_start3A_421, %dma_start3A_422] : memref<8x8x8x128xf32, #tpu.memory_space<hbm>> -> memref<8x1x8x128xf32, #tpu.memory_space<hbm>>
      %dma_start3A_424 = tpu.memref_squeeze %dma_start3A_423 : memref<8x1x8x128xf32, #tpu.memory_space<hbm>> -> memref<8x8x128xf32, #tpu.memory_space<hbm>>
      tpu.enqueue_dma source(%arg9 : memref<8x8x128xf32, #tpu.memory_space<vmem>>) target(%dma_start3A_424 : memref<8x8x128xf32, #tpu.memory_space<hbm>>) target_semaphore(%arg14 : memref<!tpu.dma_semaphore, #tpu.memory_space<semaphore_mem>>)
      %lt3A_425 = arith.constant 24 : i32
      %lt3A_426 = arith.cmpi slt, %scan3A_93, %lt3A_425 : i32
      %convert_element_type3A_427 = arith.extui %lt3A_426 : i1 to i32
      %cond3A_428 = arith.constant 0 : i32
      %cond3A_429 = arith.cmpi ne, %convert_element_type3A_427, %cond3A_428 : i32
      scf.if %cond3A_429 {
        %add3A_765 = arith.constant 2 : i32
        %add3A_766 = arith.addi %mul3A_96, %add3A_765 : i32
        %dma_start3A_767 = arith.constant 0 : i32
        %dma_start3A_768 = tpu.memref_slice %arg6[%add3A_766, %dma_start3A_767] : memref<50x128xi32, #tpu.memory_space<vmem>> -> memref<1x128xi32, #tpu.memory_space<vmem>>
        %dma_start3A_769 = tpu.memref_squeeze %dma_start3A_768 : memref<1x128xi32, #tpu.memory_space<vmem>> -> memref<128xi32, #tpu.memory_space<vmem>>
        %dma_start3A_770 = arith.constant 0 : i32
        %dma_start3A_771 = arith.constant 0 : i32
        %dma_start3A_772 = tpu.memref_slice %arg3[%dma_start3A_770, %dma_start3A_771] : memref<100000x64xf32, #tpu.memory_space<hbm>> -> memref<100000x64xf32, #tpu.memory_space<hbm>>
        tpu.enqueue_indirect_dma source(%dma_start3A_772 : memref<100000x64xf32, #tpu.memory_space<hbm>>) target(%arg7 : memref<128x64xf32, #tpu.memory_space<vmem>>) offsets(%dma_start3A_769 : memref<128xi32, #tpu.memory_space<vmem>>) semaphore(%arg12 : memref<!tpu.dma_semaphore, #tpu.memory_space<semaphore_mem>>)
      } else {
      }
      %dma_wait3A_430 = arith.constant 0 : i32
      %dma_wait3A_431 = arith.constant 0 : i32
      %dma_wait3A_432 = tpu.memref_slice %arg6[%dma_wait3A_430, %dma_wait3A_431] : memref<50x128xi32, #tpu.memory_space<vmem>> -> memref<1x128xi32, #tpu.memory_space<vmem>>
      %dma_wait3A_433 = tpu.memref_squeeze %dma_wait3A_432 : memref<1x128xi32, #tpu.memory_space<vmem>> -> memref<128xi32, #tpu.memory_space<vmem>>
      %dma_wait3A_434 = arith.constant 0 : i32
      %dma_wait3A_435 = arith.constant 0 : i32
      %dma_wait3A_436 = tpu.memref_slice %arg3[%dma_wait3A_434, %dma_wait3A_435] : memref<100000x64xf32, #tpu.memory_space<hbm>> -> memref<100000x64xf32, #tpu.memory_space<hbm>>
      tpu.wait_indirect_dma semaphore(%arg13 : memref<!tpu.dma_semaphore, #tpu.memory_space<semaphore_mem>>) src(%dma_wait3A_436 : memref<100000x64xf32, #tpu.memory_space<hbm>>) dst(%arg8 : memref<128x64xf32, #tpu.memory_space<vmem>>)
      %gt3A_437 = arith.constant 0 : i32
      %gt3A_438 = arith.cmpi sgt, %scan3A_93, %gt3A_437 : i32
      %convert_element_type3A_439 = arith.extui %gt3A_438 : i1 to i32
      %cond3A_440 = arith.constant 0 : i32
      %cond3A_441 = arith.cmpi ne, %convert_element_type3A_439, %cond3A_440 : i32
      scf.if %cond3A_441 {
        %dma_wait3A_765 = arith.constant 0 : i32
        %dma_wait3A_766 = arith.constant 0 : i32
        %dma_wait3A_767 = arith.constant 0 : i32
        %dma_wait3A_768 = arith.constant 0 : i32
        %dma_wait3A_769 = arith.constant 0 : i32
        %dma_wait3A_770 = arith.constant 0 : i32
        %dma_wait3A_771 = tpu.memref_slice %arg5[%dma_wait3A_765, %dma_wait3A_767, %dma_wait3A_768, %dma_wait3A_769, %dma_wait3A_770] : memref<200x8x8x8x128xf32, #tpu.memory_space<hbm>> -> memref<1x8x8x8x128xf32, #tpu.memory_space<hbm>>
        %dma_wait3A_772 = tpu.memref_squeeze %dma_wait3A_771 : memref<1x8x8x8x128xf32, #tpu.memory_space<hbm>> -> memref<8x8x8x128xf32, #tpu.memory_space<hbm>>
        %dma_wait3A_773 = arith.constant 0 : i32
        %dma_wait3A_774 = arith.constant 0 : i32
        %dma_wait3A_775 = arith.constant 0 : i32
        %dma_wait3A_776 = tpu.memref_slice %dma_wait3A_772[%dma_wait3A_773, %dma_wait3A_766, %dma_wait3A_774, %dma_wait3A_775] : memref<8x8x8x128xf32, #tpu.memory_space<hbm>> -> memref<8x1x8x128xf32, #tpu.memory_space<hbm>>
        %dma_wait3A_777 = tpu.memref_squeeze %dma_wait3A_776 : memref<8x1x8x128xf32, #tpu.memory_space<hbm>> -> memref<8x8x128xf32, #tpu.memory_space<hbm>>
        %dma_wait3A_778 = arith.constant 0 : i32
        %dma_wait3A_779 = arith.constant 0 : i32
        %dma_wait3A_780 = arith.constant 0 : i32
        %dma_wait3A_781 = arith.constant 0 : i32
        %dma_wait3A_782 = tpu.memref_slice %arg5[%dma_wait3A_765, %dma_wait3A_778, %dma_wait3A_779, %dma_wait3A_780, %dma_wait3A_781] : memref<200x8x8x8x128xf32, #tpu.memory_space<hbm>> -> memref<1x8x8x8x128xf32, #tpu.memory_space<hbm>>
        %dma_wait3A_783 = tpu.memref_squeeze %dma_wait3A_782 : memref<1x8x8x8x128xf32, #tpu.memory_space<hbm>> -> memref<8x8x8x128xf32, #tpu.memory_space<hbm>>
        %dma_wait3A_784 = arith.constant 0 : i32
        %dma_wait3A_785 = arith.constant 0 : i32
        %dma_wait3A_786 = arith.constant 0 : i32
        %dma_wait3A_787 = tpu.memref_slice %dma_wait3A_783[%dma_wait3A_784, %dma_wait3A_766, %dma_wait3A_785, %dma_wait3A_786] : memref<8x8x8x128xf32, #tpu.memory_space<hbm>> -> memref<8x1x8x128xf32, #tpu.memory_space<hbm>>
        %dma_wait3A_788 = tpu.memref_squeeze %dma_wait3A_787 : memref<8x1x8x128xf32, #tpu.memory_space<hbm>> -> memref<8x8x128xf32, #tpu.memory_space<hbm>>
        tpu.wait_dma2 semaphore(%arg15 : memref<!tpu.dma_semaphore, #tpu.memory_space<semaphore_mem>>) src(%arg10 : memref<8x8x128xf32, #tpu.memory_space<vmem>>) dst(%dma_wait3A_788 : memref<8x8x128xf32, #tpu.memory_space<hbm>>)
      } else {
      }
      %jit3A_442 = arith.constant 64 : i32
      %div3A_443 = arith.divsi %add3A_102, %jit3A_442 : i32
      %sign3A_444 = arith.constant 0 : i32
      %sign3A_445 = arith.cmpi sgt, %add3A_102, %sign3A_444 : i32
      %sign3A_446 = arith.extui %sign3A_445 : i1 to i32
      %sign3A_447 = arith.constant 0 : i32
      %sign3A_448 = arith.cmpi slt, %add3A_102, %sign3A_447 : i32
      %sign3A_449 = arith.extui %sign3A_448 : i1 to i32
      %sign3A_450 = arith.subi %sign3A_446, %sign3A_449 : i32
      %sign3A_451 = arith.constant 0 : i32
      %sign3A_452 = arith.cmpi sgt, %jit3A_442, %sign3A_451 : i32
      %sign3A_453 = arith.extui %sign3A_452 : i1 to i32
      %sign3A_454 = arith.constant 0 : i32
      %sign3A_455 = arith.cmpi slt, %jit3A_442, %sign3A_454 : i32
      %sign3A_456 = arith.extui %sign3A_455 : i1 to i32
      %sign3A_457 = arith.subi %sign3A_453, %sign3A_456 : i32
      %ne3A_458 = arith.cmpi ne, %sign3A_450, %sign3A_457 : i32
      %rem3A_459 = arith.remsi %add3A_102, %jit3A_442 : i32
      %ne3A_460 = arith.constant 0 : i32
      %ne3A_461 = arith.cmpi ne, %rem3A_459, %ne3A_460 : i32
      %and3A_462 = arith.andi %ne3A_458, %ne3A_461 : i1
      %sub3A_463 = arith.constant 1 : i32
      %sub3A_464 = arith.subi %div3A_443, %sub3A_463 : i32
      %select_n3A_465 = arith.select %and3A_462, %sub3A_464, %div3A_443 : i32
      %mul3A_466 = arith.constant 8 : i32
      %mul3A_467 = arith.muli %select_n3A_465, %mul3A_466 : i32
      %jit3A_468 = arith.constant 8 : i32
      %eq3A_469 = arith.constant 0 : i32
      %eq3A_470 = arith.cmpi eq, %jit3A_468, %eq3A_469 : i32
      %jit3A_471 = arith.constant 1 : i32
      %select_n3A_472 = arith.select %eq3A_470, %jit3A_471, %jit3A_468 : i32
      %rem3A_473 = arith.remsi %add3A_102, %select_n3A_472 : i32
      %ne3A_474 = arith.constant 0 : i32
      %ne3A_475 = arith.cmpi ne, %rem3A_473, %ne3A_474 : i32
      %lt3A_476 = arith.constant 0 : i32
      %lt3A_477 = arith.cmpi slt, %rem3A_473, %lt3A_476 : i32
      %lt3A_478 = arith.constant 0 : i32
      %lt3A_479 = arith.cmpi slt, %select_n3A_472, %lt3A_478 : i32
      %ne3A_480 = arith.xori %lt3A_477, %lt3A_479 : i1
      %and3A_481 = arith.andi %ne3A_480, %ne3A_475 : i1
      %add3A_482 = arith.addi %rem3A_473, %select_n3A_472 : i32
      %select_n3A_483 = arith.select %and3A_481, %add3A_482, %rem3A_473 : i32
      %add3A_484 = arith.addi %mul3A_467, %select_n3A_483 : i32
      %jit3A_485 = arith.constant 64 : i32
      %eq3A_486 = arith.constant 0 : i32
      %eq3A_487 = arith.cmpi eq, %jit3A_485, %eq3A_486 : i32
      %jit3A_488 = arith.constant 1 : i32
      %select_n3A_489 = arith.select %eq3A_487, %jit3A_488, %jit3A_485 : i32
      %rem3A_490 = arith.remsi %add3A_102, %select_n3A_489 : i32
      %ne3A_491 = arith.constant 0 : i32
      %ne3A_492 = arith.cmpi ne, %rem3A_490, %ne3A_491 : i32
      %lt3A_493 = arith.constant 0 : i32
      %lt3A_494 = arith.cmpi slt, %rem3A_490, %lt3A_493 : i32
      %lt3A_495 = arith.constant 0 : i32
      %lt3A_496 = arith.cmpi slt, %select_n3A_489, %lt3A_495 : i32
      %ne3A_497 = arith.xori %lt3A_494, %lt3A_496 : i1
      %and3A_498 = arith.andi %ne3A_497, %ne3A_492 : i1
      %add3A_499 = arith.addi %rem3A_490, %select_n3A_489 : i32
      %select_n3A_500 = arith.select %and3A_498, %add3A_499, %rem3A_490 : i32
      %jit3A_501 = arith.constant 8 : i32
      %div3A_502 = arith.divsi %select_n3A_500, %jit3A_501 : i32
      %sign3A_503 = arith.constant 0 : i32
      %sign3A_504 = arith.cmpi sgt, %select_n3A_500, %sign3A_503 : i32
      %sign3A_505 = arith.extui %sign3A_504 : i1 to i32
      %sign3A_506 = arith.constant 0 : i32
      %sign3A_507 = arith.cmpi slt, %select_n3A_500, %sign3A_506 : i32
      %sign3A_508 = arith.extui %sign3A_507 : i1 to i32
      %sign3A_509 = arith.subi %sign3A_505, %sign3A_508 : i32
      %sign3A_510 = arith.constant 0 : i32
      %sign3A_511 = arith.cmpi sgt, %jit3A_501, %sign3A_510 : i32
      %sign3A_512 = arith.extui %sign3A_511 : i1 to i32
      %sign3A_513 = arith.constant 0 : i32
      %sign3A_514 = arith.cmpi slt, %jit3A_501, %sign3A_513 : i32
      %sign3A_515 = arith.extui %sign3A_514 : i1 to i32
      %sign3A_516 = arith.subi %sign3A_512, %sign3A_515 : i32
      %ne3A_517 = arith.cmpi ne, %sign3A_509, %sign3A_516 : i32
      %rem3A_518 = arith.remsi %select_n3A_500, %jit3A_501 : i32
      %ne3A_519 = arith.constant 0 : i32
      %ne3A_520 = arith.cmpi ne, %rem3A_518, %ne3A_519 : i32
      %and3A_521 = arith.andi %ne3A_517, %ne3A_520 : i1
      %sub3A_522 = arith.constant 1 : i32
      %sub3A_523 = arith.subi %div3A_502, %sub3A_522 : i32
      %select_n3A_524 = arith.select %and3A_521, %sub3A_523, %div3A_502 : i32
      %jit3A_525 = arith.constant 2 : i32
      %div3A_526 = arith.divsi %add3A_484, %jit3A_525 : i32
      %sign3A_527 = arith.constant 0 : i32
      %sign3A_528 = arith.cmpi sgt, %add3A_484, %sign3A_527 : i32
      %sign3A_529 = arith.extui %sign3A_528 : i1 to i32
      %sign3A_530 = arith.constant 0 : i32
      %sign3A_531 = arith.cmpi slt, %add3A_484, %sign3A_530 : i32
      %sign3A_532 = arith.extui %sign3A_531 : i1 to i32
      %sign3A_533 = arith.subi %sign3A_529, %sign3A_532 : i32
      %sign3A_534 = arith.constant 0 : i32
      %sign3A_535 = arith.cmpi sgt, %jit3A_525, %sign3A_534 : i32
      %sign3A_536 = arith.extui %sign3A_535 : i1 to i32
      %sign3A_537 = arith.constant 0 : i32
      %sign3A_538 = arith.cmpi slt, %jit3A_525, %sign3A_537 : i32
      %sign3A_539 = arith.extui %sign3A_538 : i1 to i32
      %sign3A_540 = arith.subi %sign3A_536, %sign3A_539 : i32
      %ne3A_541 = arith.cmpi ne, %sign3A_533, %sign3A_540 : i32
      %rem3A_542 = arith.remsi %add3A_484, %jit3A_525 : i32
      %ne3A_543 = arith.constant 0 : i32
      %ne3A_544 = arith.cmpi ne, %rem3A_542, %ne3A_543 : i32
      %and3A_545 = arith.andi %ne3A_541, %ne3A_544 : i1
      %sub3A_546 = arith.constant 1 : i32
      %sub3A_547 = arith.subi %div3A_526, %sub3A_546 : i32
      %select_n3A_548 = arith.select %and3A_545, %sub3A_547, %div3A_526 : i32
      %broadcast_in_dim3A_549 = vector.broadcast %select_n3A_548 : i32 to vector<16xi32>
      %jit3A_550 = arith.constant 2 : i32
      %eq3A_551 = arith.constant 0 : i32
      %eq3A_552 = arith.cmpi eq, %jit3A_550, %eq3A_551 : i32
      %jit3A_553 = arith.constant 1 : i32
      %select_n3A_554 = arith.select %eq3A_552, %jit3A_553, %jit3A_550 : i32
      %rem3A_555 = arith.remsi %add3A_484, %select_n3A_554 : i32
      %ne3A_556 = arith.constant 0 : i32
      %ne3A_557 = arith.cmpi ne, %rem3A_555, %ne3A_556 : i32
      %lt3A_558 = arith.constant 0 : i32
      %lt3A_559 = arith.cmpi slt, %rem3A_555, %lt3A_558 : i32
      %lt3A_560 = arith.constant 0 : i32
      %lt3A_561 = arith.cmpi slt, %select_n3A_554, %lt3A_560 : i32
      %ne3A_562 = arith.xori %lt3A_559, %lt3A_561 : i1
      %and3A_563 = arith.andi %ne3A_562, %ne3A_557 : i1
      %add3A_564 = arith.addi %rem3A_555, %select_n3A_554 : i32
      %select_n3A_565 = arith.select %and3A_563, %add3A_564, %rem3A_555 : i32
      %mul3A_566 = arith.constant 64 : i32
      %mul3A_567 = arith.muli %select_n3A_565, %mul3A_566 : i32
      %get3A_568 = arith.index_cast %add3A_100 : i32 to index
      %get3A_569 = arith.constant 0 : index
      %get3A_570 = tpu.vector_load %arg6[%get3A_568, %get3A_569] {strides = array<i32>} : memref<50x128xi32, #tpu.memory_space<vmem>>, vector<16xi32>,
      %eq3A_571 = arith.constant 0 : i32
      %eq3A_572 = vector.broadcast %eq3A_571 : i32 to vector<16xi32>
      %eq3A_573 = arith.cmpi eq, %get3A_570, %eq3A_572 : vector<16xi32>
      %all_reduce_population_count3A_574 = tpu.all_reduce %eq3A_573 {dim = 0 : i64, kind = #tpu.reduction_kind<sum>} : vector<16xi1> -> vector<16xi32>
      %slice3A_575 = vector.extract_strided_slice %all_reduce_population_count3A_574 {offsets = [0], sizes = [1], strides = [1]} : vector<16xi32> to vector<1xi32>
      %squeeze3A_576 = vector.extract %slice3A_575[0] : i32 from vector<1xi32>
      %add3A_577 = arith.constant 0 : i32
      %add3A_578 = arith.addi %add3A_577, %squeeze3A_576 : i32
      %get3A_579 = arith.index_cast %add3A_100 : i32 to index
      %get3A_580 = arith.constant 16 : index
      %get3A_581 = tpu.vector_load %arg6[%get3A_579, %get3A_580] {strides = array<i32>} : memref<50x128xi32, #tpu.memory_space<vmem>>, vector<16xi32>,
      %eq3A_582 = arith.constant 0 : i32
      %eq3A_583 = vector.broadcast %eq3A_582 : i32 to vector<16xi32>
      %eq3A_584 = arith.cmpi eq, %get3A_581, %eq3A_583 : vector<16xi32>
      %all_reduce_population_count3A_585 = tpu.all_reduce %eq3A_584 {dim = 0 : i64, kind = #tpu.reduction_kind<sum>} : vector<16xi1> -> vector<16xi32>
      %slice3A_586 = vector.extract_strided_slice %all_reduce_population_count3A_585 {offsets = [0], sizes = [1], strides = [1]} : vector<16xi32> to vector<1xi32>
      %squeeze3A_587 = vector.extract %slice3A_586[0] : i32 from vector<1xi32>
      %add3A_588 = arith.addi %add3A_578, %squeeze3A_587 : i32
      %get3A_589 = arith.index_cast %add3A_100 : i32 to index
      %get3A_590 = arith.constant 32 : index
      %get3A_591 = tpu.vector_load %arg6[%get3A_589, %get3A_590] {strides = array<i32>} : memref<50x128xi32, #tpu.memory_space<vmem>>, vector<16xi32>,
      %eq3A_592 = arith.constant 0 : i32
      %eq3A_593 = vector.broadcast %eq3A_592 : i32 to vector<16xi32>
      %eq3A_594 = arith.cmpi eq, %get3A_591, %eq3A_593 : vector<16xi32>
      %all_reduce_population_count3A_595 = tpu.all_reduce %eq3A_594 {dim = 0 : i64, kind = #tpu.reduction_kind<sum>} : vector<16xi1> -> vector<16xi32>
      %slice3A_596 = vector.extract_strided_slice %all_reduce_population_count3A_595 {offsets = [0], sizes = [1], strides = [1]} : vector<16xi32> to vector<1xi32>
      %squeeze3A_597 = vector.extract %slice3A_596[0] : i32 from vector<1xi32>
      %add3A_598 = arith.addi %add3A_588, %squeeze3A_597 : i32
      %get3A_599 = arith.index_cast %add3A_100 : i32 to index
      %get3A_600 = arith.constant 48 : index
      %get3A_601 = tpu.vector_load %arg6[%get3A_599, %get3A_600] {strides = array<i32>} : memref<50x128xi32, #tpu.memory_space<vmem>>, vector<16xi32>,
      %eq3A_602 = arith.constant 0 : i32
      %eq3A_603 = vector.broadcast %eq3A_602 : i32 to vector<16xi32>
      %eq3A_604 = arith.cmpi eq, %get3A_601, %eq3A_603 : vector<16xi32>
      %all_reduce_population_count3A_605 = tpu.all_reduce %eq3A_604 {dim = 0 : i64, kind = #tpu.reduction_kind<sum>} : vector<16xi1> -> vector<16xi32>
      %slice3A_606 = vector.extract_strided_slice %all_reduce_population_count3A_605 {offsets = [0], sizes = [1], strides = [1]} : vector<16xi32> to vector<1xi32>
      %squeeze3A_607 = vector.extract %slice3A_606[0] : i32 from vector<1xi32>
      %add3A_608 = arith.addi %add3A_598, %squeeze3A_607 : i32
      %get3A_609 = arith.index_cast %add3A_100 : i32 to index
      %get3A_610 = arith.constant 64 : index
      %get3A_611 = tpu.vector_load %arg6[%get3A_609, %get3A_610] {strides = array<i32>} : memref<50x128xi32, #tpu.memory_space<vmem>>, vector<16xi32>,
      %eq3A_612 = arith.constant 0 : i32
      %eq3A_613 = vector.broadcast %eq3A_612 : i32 to vector<16xi32>
      %eq3A_614 = arith.cmpi eq, %get3A_611, %eq3A_613 : vector<16xi32>
      %all_reduce_population_count3A_615 = tpu.all_reduce %eq3A_614 {dim = 0 : i64, kind = #tpu.reduction_kind<sum>} : vector<16xi1> -> vector<16xi32>
      %slice3A_616 = vector.extract_strided_slice %all_reduce_population_count3A_615 {offsets = [0], sizes = [1], strides = [1]} : vector<16xi32> to vector<1xi32>
      %squeeze3A_617 = vector.extract %slice3A_616[0] : i32 from vector<1xi32>
      %add3A_618 = arith.addi %add3A_608, %squeeze3A_617 : i32
      %get3A_619 = arith.index_cast %add3A_100 : i32 to index
      %get3A_620 = arith.constant 80 : index
      %get3A_621 = tpu.vector_load %arg6[%get3A_619, %get3A_620] {strides = array<i32>} : memref<50x128xi32, #tpu.memory_space<vmem>>, vector<16xi32>,
      %eq3A_622 = arith.constant 0 : i32
      %eq3A_623 = vector.broadcast %eq3A_622 : i32 to vector<16xi32>
      %eq3A_624 = arith.cmpi eq, %get3A_621, %eq3A_623 : vector<16xi32>
      %all_reduce_population_count3A_625 = tpu.all_reduce %eq3A_624 {dim = 0 : i64, kind = #tpu.reduction_kind<sum>} : vector<16xi1> -> vector<16xi32>
      %slice3A_626 = vector.extract_strided_slice %all_reduce_population_count3A_625 {offsets = [0], sizes = [1], strides = [1]} : vector<16xi32> to vector<1xi32>
      %squeeze3A_627 = vector.extract %slice3A_626[0] : i32 from vector<1xi32>
      %add3A_628 = arith.addi %add3A_618, %squeeze3A_627 : i32
      %get3A_629 = arith.index_cast %add3A_100 : i32 to index
      %get3A_630 = arith.constant 96 : index
      %get3A_631 = tpu.vector_load %arg6[%get3A_629, %get3A_630] {strides = array<i32>} : memref<50x128xi32, #tpu.memory_space<vmem>>, vector<16xi32>,
      %eq3A_632 = arith.constant 0 : i32
      %eq3A_633 = vector.broadcast %eq3A_632 : i32 to vector<16xi32>
      %eq3A_634 = arith.cmpi eq, %get3A_631, %eq3A_633 : vector<16xi32>
      %all_reduce_population_count3A_635 = tpu.all_reduce %eq3A_634 {dim = 0 : i64, kind = #tpu.reduction_kind<sum>} : vector<16xi1> -> vector<16xi32>
      %slice3A_636 = vector.extract_strided_slice %all_reduce_population_count3A_635 {offsets = [0], sizes = [1], strides = [1]} : vector<16xi32> to vector<1xi32>
      %squeeze3A_637 = vector.extract %slice3A_636[0] : i32 from vector<1xi32>
      %add3A_638 = arith.addi %add3A_628, %squeeze3A_637 : i32
      %get3A_639 = arith.index_cast %add3A_100 : i32 to index
      %get3A_640 = arith.constant 112 : index
      %get3A_641 = tpu.vector_load %arg6[%get3A_639, %get3A_640] {strides = array<i32>} : memref<50x128xi32, #tpu.memory_space<vmem>>, vector<16xi32>,
      %eq3A_642 = arith.constant 0 : i32
      %eq3A_643 = vector.broadcast %eq3A_642 : i32 to vector<16xi32>
      %eq3A_644 = arith.cmpi eq, %get3A_641, %eq3A_643 : vector<16xi32>
      %all_reduce_population_count3A_645 = tpu.all_reduce %eq3A_644 {dim = 0 : i64, kind = #tpu.reduction_kind<sum>} : vector<16xi1> -> vector<16xi32>
      %slice3A_646 = vector.extract_strided_slice %all_reduce_population_count3A_645 {offsets = [0], sizes = [1], strides = [1]} : vector<16xi32> to vector<1xi32>
      %squeeze3A_647 = vector.extract %slice3A_646[0] : i32 from vector<1xi32>
      %add3A_648 = arith.addi %add3A_638, %squeeze3A_647 : i32
      %eq3A_649 = arith.constant 0 : i32
      %eq3A_650 = arith.cmpi eq, %add3A_648, %eq3A_649 : i32
      %convert_element_type3A_651 = arith.extui %eq3A_650 : i1 to i32
      %cond3A_652 = arith.constant 0 : i32
      %cond3A_653 = arith.cmpi ne, %convert_element_type3A_651, %cond3A_652 : i32
      scf.if %cond3A_653 {
        %parallel_loop3A = arith.constant 0 : i32
        %parallel_loop3A_765 = arith.constant 64 : i32
        %parallel_loop3A_766 = arith.constant 1 : i32
        scf.for %parallel_loop3A_767 = %parallel_loop3A to %parallel_loop3A_765 step %parallel_loop3A_766  : i32 {
          %parallel_loop3A_768 = arith.addi %mul3A_567, %parallel_loop3A_767 : i32
          %parallel_loop3A_769 = vector.broadcast %parallel_loop3A_768 : i32 to vector<16xi32>
          %parallel_loop3A_770 = tpu.vector_load_idx %arg11[%broadcast_in_dim3A_549, %parallel_loop3A_769] : memref<100x128xf32, #tpu.memory_space<vmem>>[vector<16xi32>, vector<16xi32>], vector<16xf32>,
          %parallel_loop3A_771 = vector.broadcast %parallel_loop3A_767 : i32 to vector<16xi32>
          %parallel_loop3A_772 = tpu.vector_load_idx %arg8[%add3A_5, %parallel_loop3A_771] : memref<128x64xf32, #tpu.memory_space<vmem>>[vector<16xi32>, vector<16xi32>], vector<16xf32>,
          %parallel_loop3A_773 = arith.addf %parallel_loop3A_772, %parallel_loop3A_770 : vector<16xf32>
          %parallel_loop3A_774 = arith.constant 8 : i32
          %parallel_loop3A_775 = arith.divsi %parallel_loop3A_767, %parallel_loop3A_774 : i32
          %parallel_loop3A_776 = arith.constant 0 : i32
          %parallel_loop3A_777 = arith.cmpi sgt, %parallel_loop3A_767, %parallel_loop3A_776 : i32
          %parallel_loop3A_778 = arith.extui %parallel_loop3A_777 : i1 to i32
          %parallel_loop3A_779 = arith.constant 0 : i32
          %parallel_loop3A_780 = arith.cmpi slt, %parallel_loop3A_767, %parallel_loop3A_779 : i32
          %parallel_loop3A_781 = arith.extui %parallel_loop3A_780 : i1 to i32
          %parallel_loop3A_782 = arith.subi %parallel_loop3A_778, %parallel_loop3A_781 : i32
          %parallel_loop3A_783 = arith.constant 0 : i32
          %parallel_loop3A_784 = arith.cmpi sgt, %parallel_loop3A_774, %parallel_loop3A_783 : i32
          %parallel_loop3A_785 = arith.extui %parallel_loop3A_784 : i1 to i32
          %parallel_loop3A_786 = arith.constant 0 : i32
          %parallel_loop3A_787 = arith.cmpi slt, %parallel_loop3A_774, %parallel_loop3A_786 : i32
          %parallel_loop3A_788 = arith.extui %parallel_loop3A_787 : i1 to i32
          %parallel_loop3A_789 = arith.subi %parallel_loop3A_785, %parallel_loop3A_788 : i32
          %parallel_loop3A_790 = arith.cmpi ne, %parallel_loop3A_782, %parallel_loop3A_789 : i32
          %parallel_loop3A_791 = arith.remsi %parallel_loop3A_767, %parallel_loop3A_774 : i32
          %parallel_loop3A_792 = arith.constant 0 : i32
          %parallel_loop3A_793 = arith.cmpi ne, %parallel_loop3A_791, %parallel_loop3A_792 : i32
          %parallel_loop3A_794 = arith.andi %parallel_loop3A_790, %parallel_loop3A_793 : i1
          %parallel_loop3A_795 = arith.constant 1 : i32
          %parallel_loop3A_796 = arith.subi %parallel_loop3A_775, %parallel_loop3A_795 : i32
          %parallel_loop3A_797 = arith.select %parallel_loop3A_794, %parallel_loop3A_796, %parallel_loop3A_775 : i32
          %parallel_loop3A_798 = arith.constant 8 : i32
          %parallel_loop3A_799 = arith.constant 0 : i32
          %parallel_loop3A_800 = arith.cmpi eq, %parallel_loop3A_798, %parallel_loop3A_799 : i32
          %parallel_loop3A_801 = arith.constant 1 : i32
          %parallel_loop3A_802 = arith.select %parallel_loop3A_800, %parallel_loop3A_801, %parallel_loop3A_798 : i32
          %parallel_loop3A_803 = arith.remsi %parallel_loop3A_767, %parallel_loop3A_802 : i32
          %parallel_loop3A_804 = arith.constant 0 : i32
          %parallel_loop3A_805 = arith.cmpi ne, %parallel_loop3A_803, %parallel_loop3A_804 : i32
          %parallel_loop3A_806 = arith.constant 0 : i32
          %parallel_loop3A_807 = arith.cmpi slt, %parallel_loop3A_803, %parallel_loop3A_806 : i32
          %parallel_loop3A_808 = arith.constant 0 : i32
          %parallel_loop3A_809 = arith.cmpi slt, %parallel_loop3A_802, %parallel_loop3A_808 : i32
          %parallel_loop3A_810 = arith.xori %parallel_loop3A_807, %parallel_loop3A_809 : i1
          %parallel_loop3A_811 = arith.andi %parallel_loop3A_810, %parallel_loop3A_805 : i1
          %parallel_loop3A_812 = arith.addi %parallel_loop3A_803, %parallel_loop3A_802 : i32
          %parallel_loop3A_813 = arith.select %parallel_loop3A_811, %parallel_loop3A_812, %parallel_loop3A_803 : i32
          %parallel_loop3A_814 = arith.index_cast %parallel_loop3A_797 : i32 to index
          %parallel_loop3A_815 = arith.index_cast %parallel_loop3A_813 : i32 to index
          %parallel_loop3A_816 = arith.constant 0 : index
          %parallel_loop3A_817 = tpu.vector_load %arg10[%parallel_loop3A_814, %parallel_loop3A_815, %parallel_loop3A_816] {strides = array<i32>} : memref<8x8x128xf32, #tpu.memory_space<vmem>>, vector<16xf32>,
          tpu.vector_store %arg10[%parallel_loop3A_814, %parallel_loop3A_815, %parallel_loop3A_816], %parallel_loop3A_773 {strides = array<i32>} : memref<8x8x128xf32, #tpu.memory_space<vmem>>, vector<16xf32>,
          %parallel_loop3A_818 = tpu.vector_load_idx %arg8[%add3A_9, %parallel_loop3A_771] : memref<128x64xf32, #tpu.memory_space<vmem>>[vector<16xi32>, vector<16xi32>], vector<16xf32>,
          %parallel_loop3A_819 = arith.addf %parallel_loop3A_818, %parallel_loop3A_770 : vector<16xf32>
          %parallel_loop3A_820 = arith.constant 8 : i32
          %parallel_loop3A_821 = arith.divsi %parallel_loop3A_767, %parallel_loop3A_820 : i32
          %parallel_loop3A_822 = arith.constant 0 : i32
          %parallel_loop3A_823 = arith.cmpi sgt, %parallel_loop3A_767, %parallel_loop3A_822 : i32
          %parallel_loop3A_824 = arith.extui %parallel_loop3A_823 : i1 to i32
          %parallel_loop3A_825 = arith.constant 0 : i32
          %parallel_loop3A_826 = arith.cmpi slt, %parallel_loop3A_767, %parallel_loop3A_825 : i32
          %parallel_loop3A_827 = arith.extui %parallel_loop3A_826 : i1 to i32
          %parallel_loop3A_828 = arith.subi %parallel_loop3A_824, %parallel_loop3A_827 : i32
          %parallel_loop3A_829 = arith.constant 0 : i32
          %parallel_loop3A_830 = arith.cmpi sgt, %parallel_loop3A_820, %parallel_loop3A_829 : i32
          %parallel_loop3A_831 = arith.extui %parallel_loop3A_830 : i1 to i32
          %parallel_loop3A_832 = arith.constant 0 : i32
          %parallel_loop3A_833 = arith.cmpi slt, %parallel_loop3A_820, %parallel_loop3A_832 : i32
          %parallel_loop3A_834 = arith.extui %parallel_loop3A_833 : i1 to i32
          %parallel_loop3A_835 = arith.subi %parallel_loop3A_831, %parallel_loop3A_834 : i32
          %parallel_loop3A_836 = arith.cmpi ne, %parallel_loop3A_828, %parallel_loop3A_835 : i32
          %parallel_loop3A_837 = arith.remsi %parallel_loop3A_767, %parallel_loop3A_820 : i32
          %parallel_loop3A_838 = arith.constant 0 : i32
          %parallel_loop3A_839 = arith.cmpi ne, %parallel_loop3A_837, %parallel_loop3A_838 : i32
          %parallel_loop3A_840 = arith.andi %parallel_loop3A_836, %parallel_loop3A_839 : i1
          %parallel_loop3A_841 = arith.constant 1 : i32
          %parallel_loop3A_842 = arith.subi %parallel_loop3A_821, %parallel_loop3A_841 : i32
          %parallel_loop3A_843 = arith.select %parallel_loop3A_840, %parallel_loop3A_842, %parallel_loop3A_821 : i32
          %parallel_loop3A_844 = arith.constant 8 : i32
          %parallel_loop3A_845 = arith.constant 0 : i32
          %parallel_loop3A_846 = arith.cmpi eq, %parallel_loop3A_844, %parallel_loop3A_845 : i32
          %parallel_loop3A_847 = arith.constant 1 : i32
          %parallel_loop3A_848 = arith.select %parallel_loop3A_846, %parallel_loop3A_847, %parallel_loop3A_844 : i32
          %parallel_loop3A_849 = arith.remsi %parallel_loop3A_767, %parallel_loop3A_848 : i32
          %parallel_loop3A_850 = arith.constant 0 : i32
          %parallel_loop3A_851 = arith.cmpi ne, %parallel_loop3A_849, %parallel_loop3A_850 : i32
          %parallel_loop3A_852 = arith.constant 0 : i32
          %parallel_loop3A_853 = arith.cmpi slt, %parallel_loop3A_849, %parallel_loop3A_852 : i32
          %parallel_loop3A_854 = arith.constant 0 : i32
          %parallel_loop3A_855 = arith.cmpi slt, %parallel_loop3A_848, %parallel_loop3A_854 : i32
          %parallel_loop3A_856 = arith.xori %parallel_loop3A_853, %parallel_loop3A_855 : i1
          %parallel_loop3A_857 = arith.andi %parallel_loop3A_856, %parallel_loop3A_851 : i1
          %parallel_loop3A_858 = arith.addi %parallel_loop3A_849, %parallel_loop3A_848 : i32
          %parallel_loop3A_859 = arith.select %parallel_loop3A_857, %parallel_loop3A_858, %parallel_loop3A_849 : i32
          %parallel_loop3A_860 = arith.index_cast %parallel_loop3A_843 : i32 to index
          %parallel_loop3A_861 = arith.index_cast %parallel_loop3A_859 : i32 to index
          %parallel_loop3A_862 = arith.constant 16 : index
          %parallel_loop3A_863 = tpu.vector_load %arg10[%parallel_loop3A_860, %parallel_loop3A_861, %parallel_loop3A_862] {strides = array<i32>} : memref<8x8x128xf32, #tpu.memory_space<vmem>>, vector<16xf32>,
          tpu.vector_store %arg10[%parallel_loop3A_860, %parallel_loop3A_861, %parallel_loop3A_862], %parallel_loop3A_819 {strides = array<i32>} : memref<8x8x128xf32, #tpu.memory_space<vmem>>, vector<16xf32>,
          %parallel_loop3A_864 = tpu.vector_load_idx %arg8[%add3A_13, %parallel_loop3A_771] : memref<128x64xf32, #tpu.memory_space<vmem>>[vector<16xi32>, vector<16xi32>], vector<16xf32>,
          %parallel_loop3A_865 = arith.addf %parallel_loop3A_864, %parallel_loop3A_770 : vector<16xf32>
          %parallel_loop3A_866 = arith.constant 8 : i32
          %parallel_loop3A_867 = arith.divsi %parallel_loop3A_767, %parallel_loop3A_866 : i32
          %parallel_loop3A_868 = arith.constant 0 : i32
          %parallel_loop3A_869 = arith.cmpi sgt, %parallel_loop3A_767, %parallel_loop3A_868 : i32
          %parallel_loop3A_870 = arith.extui %parallel_loop3A_869 : i1 to i32
          %parallel_loop3A_871 = arith.constant 0 : i32
          %parallel_loop3A_872 = arith.cmpi slt, %parallel_loop3A_767, %parallel_loop3A_871 : i32
          %parallel_loop3A_873 = arith.extui %parallel_loop3A_872 : i1 to i32
          %parallel_loop3A_874 = arith.subi %parallel_loop3A_870, %parallel_loop3A_873 : i32
          %parallel_loop3A_875 = arith.constant 0 : i32
          %parallel_loop3A_876 = arith.cmpi sgt, %parallel_loop3A_866, %parallel_loop3A_875 : i32
          %parallel_loop3A_877 = arith.extui %parallel_loop3A_876 : i1 to i32
          %parallel_loop3A_878 = arith.constant 0 : i32
          %parallel_loop3A_879 = arith.cmpi slt, %parallel_loop3A_866, %parallel_loop3A_878 : i32
          %parallel_loop3A_880 = arith.extui %parallel_loop3A_879 : i1 to i32
          %parallel_loop3A_881 = arith.subi %parallel_loop3A_877, %parallel_loop3A_880 : i32
          %parallel_loop3A_882 = arith.cmpi ne, %parallel_loop3A_874, %parallel_loop3A_881 : i32
          %parallel_loop3A_883 = arith.remsi %parallel_loop3A_767, %parallel_loop3A_866 : i32
          %parallel_loop3A_884 = arith.constant 0 : i32
          %parallel_loop3A_885 = arith.cmpi ne, %parallel_loop3A_883, %parallel_loop3A_884 : i32
          %parallel_loop3A_886 = arith.andi %parallel_loop3A_882, %parallel_loop3A_885 : i1
          %parallel_loop3A_887 = arith.constant 1 : i32
          %parallel_loop3A_888 = arith.subi %parallel_loop3A_867, %parallel_loop3A_887 : i32
          %parallel_loop3A_889 = arith.select %parallel_loop3A_886, %parallel_loop3A_888, %parallel_loop3A_867 : i32
          %parallel_loop3A_890 = arith.constant 8 : i32
          %parallel_loop3A_891 = arith.constant 0 : i32
          %parallel_loop3A_892 = arith.cmpi eq, %parallel_loop3A_890, %parallel_loop3A_891 : i32
          %parallel_loop3A_893 = arith.constant 1 : i32
          %parallel_loop3A_894 = arith.select %parallel_loop3A_892, %parallel_loop3A_893, %parallel_loop3A_890 : i32
          %parallel_loop3A_895 = arith.remsi %parallel_loop3A_767, %parallel_loop3A_894 : i32
          %parallel_loop3A_896 = arith.constant 0 : i32
          %parallel_loop3A_897 = arith.cmpi ne, %parallel_loop3A_895, %parallel_loop3A_896 : i32
          %parallel_loop3A_898 = arith.constant 0 : i32
          %parallel_loop3A_899 = arith.cmpi slt, %parallel_loop3A_895, %parallel_loop3A_898 : i32
          %parallel_loop3A_900 = arith.constant 0 : i32
          %parallel_loop3A_901 = arith.cmpi slt, %parallel_loop3A_894, %parallel_loop3A_900 : i32
          %parallel_loop3A_902 = arith.xori %parallel_loop3A_899, %parallel_loop3A_901 : i1
          %parallel_loop3A_903 = arith.andi %parallel_loop3A_902, %parallel_loop3A_897 : i1
          %parallel_loop3A_904 = arith.addi %parallel_loop3A_895, %parallel_loop3A_894 : i32
          %parallel_loop3A_905 = arith.select %parallel_loop3A_903, %parallel_loop3A_904, %parallel_loop3A_895 : i32
          %parallel_loop3A_906 = arith.index_cast %parallel_loop3A_889 : i32 to index
          %parallel_loop3A_907 = arith.index_cast %parallel_loop3A_905 : i32 to index
          %parallel_loop3A_908 = arith.constant 32 : index
          %parallel_loop3A_909 = tpu.vector_load %arg10[%parallel_loop3A_906, %parallel_loop3A_907, %parallel_loop3A_908] {strides = array<i32>} : memref<8x8x128xf32, #tpu.memory_space<vmem>>, vector<16xf32>,
          tpu.vector_store %arg10[%parallel_loop3A_906, %parallel_loop3A_907, %parallel_loop3A_908], %parallel_loop3A_865 {strides = array<i32>} : memref<8x8x128xf32, #tpu.memory_space<vmem>>, vector<16xf32>,
          %parallel_loop3A_910 = tpu.vector_load_idx %arg8[%add3A_17, %parallel_loop3A_771] : memref<128x64xf32, #tpu.memory_space<vmem>>[vector<16xi32>, vector<16xi32>], vector<16xf32>,
          %parallel_loop3A_911 = arith.addf %parallel_loop3A_910, %parallel_loop3A_770 : vector<16xf32>
          %parallel_loop3A_912 = arith.constant 8 : i32
          %parallel_loop3A_913 = arith.divsi %parallel_loop3A_767, %parallel_loop3A_912 : i32
          %parallel_loop3A_914 = arith.constant 0 : i32
          %parallel_loop3A_915 = arith.cmpi sgt, %parallel_loop3A_767, %parallel_loop3A_914 : i32
          %parallel_loop3A_916 = arith.extui %parallel_loop3A_915 : i1 to i32
          %parallel_loop3A_917 = arith.constant 0 : i32
          %parallel_loop3A_918 = arith.cmpi slt, %parallel_loop3A_767, %parallel_loop3A_917 : i32
          %parallel_loop3A_919 = arith.extui %parallel_loop3A_918 : i1 to i32
          %parallel_loop3A_920 = arith.subi %parallel_loop3A_916, %parallel_loop3A_919 : i32
          %parallel_loop3A_921 = arith.constant 0 : i32
          %parallel_loop3A_922 = arith.cmpi sgt, %parallel_loop3A_912, %parallel_loop3A_921 : i32
          %parallel_loop3A_923 = arith.extui %parallel_loop3A_922 : i1 to i32
          %parallel_loop3A_924 = arith.constant 0 : i32
          %parallel_loop3A_925 = arith.cmpi slt, %parallel_loop3A_912, %parallel_loop3A_924 : i32
          %parallel_loop3A_926 = arith.extui %parallel_loop3A_925 : i1 to i32
          %parallel_loop3A_927 = arith.subi %parallel_loop3A_923, %parallel_loop3A_926 : i32
          %parallel_loop3A_928 = arith.cmpi ne, %parallel_loop3A_920, %parallel_loop3A_927 : i32
          %parallel_loop3A_929 = arith.remsi %parallel_loop3A_767, %parallel_loop3A_912 : i32
          %parallel_loop3A_930 = arith.constant 0 : i32
          %parallel_loop3A_931 = arith.cmpi ne, %parallel_loop3A_929, %parallel_loop3A_930 : i32
          %parallel_loop3A_932 = arith.andi %parallel_loop3A_928, %parallel_loop3A_931 : i1
          %parallel_loop3A_933 = arith.constant 1 : i32
          %parallel_loop3A_934 = arith.subi %parallel_loop3A_913, %parallel_loop3A_933 : i32
          %parallel_loop3A_935 = arith.select %parallel_loop3A_932, %parallel_loop3A_934, %parallel_loop3A_913 : i32
          %parallel_loop3A_936 = arith.constant 8 : i32
          %parallel_loop3A_937 = arith.constant 0 : i32
          %parallel_loop3A_938 = arith.cmpi eq, %parallel_loop3A_936, %parallel_loop3A_937 : i32
          %parallel_loop3A_939 = arith.constant 1 : i32
          %parallel_loop3A_940 = arith.select %parallel_loop3A_938, %parallel_loop3A_939, %parallel_loop3A_936 : i32
          %parallel_loop3A_941 = arith.remsi %parallel_loop3A_767, %parallel_loop3A_940 : i32
          %parallel_loop3A_942 = arith.constant 0 : i32
          %parallel_loop3A_943 = arith.cmpi ne, %parallel_loop3A_941, %parallel_loop3A_942 : i32
          %parallel_loop3A_944 = arith.constant 0 : i32
          %parallel_loop3A_945 = arith.cmpi slt, %parallel_loop3A_941, %parallel_loop3A_944 : i32
          %parallel_loop3A_946 = arith.constant 0 : i32
          %parallel_loop3A_947 = arith.cmpi slt, %parallel_loop3A_940, %parallel_loop3A_946 : i32
          %parallel_loop3A_948 = arith.xori %parallel_loop3A_945, %parallel_loop3A_947 : i1
          %parallel_loop3A_949 = arith.andi %parallel_loop3A_948, %parallel_loop3A_943 : i1
          %parallel_loop3A_950 = arith.addi %parallel_loop3A_941, %parallel_loop3A_940 : i32
          %parallel_loop3A_951 = arith.select %parallel_loop3A_949, %parallel_loop3A_950, %parallel_loop3A_941 : i32
          %parallel_loop3A_952 = arith.index_cast %parallel_loop3A_935 : i32 to index
          %parallel_loop3A_953 = arith.index_cast %parallel_loop3A_951 : i32 to index
          %parallel_loop3A_954 = arith.constant 48 : index
          %parallel_loop3A_955 = tpu.vector_load %arg10[%parallel_loop3A_952, %parallel_loop3A_953, %parallel_loop3A_954] {strides = array<i32>} : memref<8x8x128xf32, #tpu.memory_space<vmem>>, vector<16xf32>,
          tpu.vector_store %arg10[%parallel_loop3A_952, %parallel_loop3A_953, %parallel_loop3A_954], %parallel_loop3A_911 {strides = array<i32>} : memref<8x8x128xf32, #tpu.memory_space<vmem>>, vector<16xf32>,
          %parallel_loop3A_956 = tpu.vector_load_idx %arg8[%add3A_21, %parallel_loop3A_771] : memref<128x64xf32, #tpu.memory_space<vmem>>[vector<16xi32>, vector<16xi32>], vector<16xf32>,
          %parallel_loop3A_957 = arith.addf %parallel_loop3A_956, %parallel_loop3A_770 : vector<16xf32>
          %parallel_loop3A_958 = arith.constant 8 : i32
          %parallel_loop3A_959 = arith.divsi %parallel_loop3A_767, %parallel_loop3A_958 : i32
          %parallel_loop3A_960 = arith.constant 0 : i32
          %parallel_loop3A_961 = arith.cmpi sgt, %parallel_loop3A_767, %parallel_loop3A_960 : i32
          %parallel_loop3A_962 = arith.extui %parallel_loop3A_961 : i1 to i32
          %parallel_loop3A_963 = arith.constant 0 : i32
          %parallel_loop3A_964 = arith.cmpi slt, %parallel_loop3A_767, %parallel_loop3A_963 : i32
          %parallel_loop3A_965 = arith.extui %parallel_loop3A_964 : i1 to i32
          %parallel_loop3A_966 = arith.subi %parallel_loop3A_962, %parallel_loop3A_965 : i32
          %parallel_loop3A_967 = arith.constant 0 : i32
          %parallel_loop3A_968 = arith.cmpi sgt, %parallel_loop3A_958, %parallel_loop3A_967 : i32
          %parallel_loop3A_969 = arith.extui %parallel_loop3A_968 : i1 to i32
          %parallel_loop3A_970 = arith.constant 0 : i32
          %parallel_loop3A_971 = arith.cmpi slt, %parallel_loop3A_958, %parallel_loop3A_970 : i32
          %parallel_loop3A_972 = arith.extui %parallel_loop3A_971 : i1 to i32
          %parallel_loop3A_973 = arith.subi %parallel_loop3A_969, %parallel_loop3A_972 : i32
          %parallel_loop3A_974 = arith.cmpi ne, %parallel_loop3A_966, %parallel_loop3A_973 : i32
          %parallel_loop3A_975 = arith.remsi %parallel_loop3A_767, %parallel_loop3A_958 : i32
          %parallel_loop3A_976 = arith.constant 0 : i32
          %parallel_loop3A_977 = arith.cmpi ne, %parallel_loop3A_975, %parallel_loop3A_976 : i32
          %parallel_loop3A_978 = arith.andi %parallel_loop3A_974, %parallel_loop3A_977 : i1
          %parallel_loop3A_979 = arith.constant 1 : i32
          %parallel_loop3A_980 = arith.subi %parallel_loop3A_959, %parallel_loop3A_979 : i32
          %parallel_loop3A_981 = arith.select %parallel_loop3A_978, %parallel_loop3A_980, %parallel_loop3A_959 : i32
          %parallel_loop3A_982 = arith.constant 8 : i32
          %parallel_loop3A_983 = arith.constant 0 : i32
          %parallel_loop3A_984 = arith.cmpi eq, %parallel_loop3A_982, %parallel_loop3A_983 : i32
          %parallel_loop3A_985 = arith.constant 1 : i32
          %parallel_loop3A_986 = arith.select %parallel_loop3A_984, %parallel_loop3A_985, %parallel_loop3A_982 : i32
          %parallel_loop3A_987 = arith.remsi %parallel_loop3A_767, %parallel_loop3A_986 : i32
          %parallel_loop3A_988 = arith.constant 0 : i32
          %parallel_loop3A_989 = arith.cmpi ne, %parallel_loop3A_987, %parallel_loop3A_988 : i32
          %parallel_loop3A_990 = arith.constant 0 : i32
          %parallel_loop3A_991 = arith.cmpi slt, %parallel_loop3A_987, %parallel_loop3A_990 : i32
          %parallel_loop3A_992 = arith.constant 0 : i32
          %parallel_loop3A_993 = arith.cmpi slt, %parallel_loop3A_986, %parallel_loop3A_992 : i32
          %parallel_loop3A_994 = arith.xori %parallel_loop3A_991, %parallel_loop3A_993 : i1
          %parallel_loop3A_995 = arith.andi %parallel_loop3A_994, %parallel_loop3A_989 : i1
          %parallel_loop3A_996 = arith.addi %parallel_loop3A_987, %parallel_loop3A_986 : i32
          %parallel_loop3A_997 = arith.select %parallel_loop3A_995, %parallel_loop3A_996, %parallel_loop3A_987 : i32
          %parallel_loop3A_998 = arith.index_cast %parallel_loop3A_981 : i32 to index
          %parallel_loop3A_999 = arith.index_cast %parallel_loop3A_997 : i32 to index
          %parallel_loop3A_1000 = arith.constant 64 : index
          %parallel_loop3A_1001 = tpu.vector_load %arg10[%parallel_loop3A_998, %parallel_loop3A_999, %parallel_loop3A_1000] {strides = array<i32>} : memref<8x8x128xf32, #tpu.memory_space<vmem>>, vector<16xf32>,
          tpu.vector_store %arg10[%parallel_loop3A_998, %parallel_loop3A_999, %parallel_loop3A_1000], %parallel_loop3A_957 {strides = array<i32>} : memref<8x8x128xf32, #tpu.memory_space<vmem>>, vector<16xf32>,
          %parallel_loop3A_1002 = tpu.vector_load_idx %arg8[%add3A_25, %parallel_loop3A_771] : memref<128x64xf32, #tpu.memory_space<vmem>>[vector<16xi32>, vector<16xi32>], vector<16xf32>,
          %parallel_loop3A_1003 = arith.addf %parallel_loop3A_1002, %parallel_loop3A_770 : vector<16xf32>
          %parallel_loop3A_1004 = arith.constant 8 : i32
          %parallel_loop3A_1005 = arith.divsi %parallel_loop3A_767, %parallel_loop3A_1004 : i32
          %parallel_loop3A_1006 = arith.constant 0 : i32
          %parallel_loop3A_1007 = arith.cmpi sgt, %parallel_loop3A_767, %parallel_loop3A_1006 : i32
          %parallel_loop3A_1008 = arith.extui %parallel_loop3A_1007 : i1 to i32
          %parallel_loop3A_1009 = arith.constant 0 : i32
          %parallel_loop3A_1010 = arith.cmpi slt, %parallel_loop3A_767, %parallel_loop3A_1009 : i32
          %parallel_loop3A_1011 = arith.extui %parallel_loop3A_1010 : i1 to i32
          %parallel_loop3A_1012 = arith.subi %parallel_loop3A_1008, %parallel_loop3A_1011 : i32
          %parallel_loop3A_1013 = arith.constant 0 : i32
          %parallel_loop3A_1014 = arith.cmpi sgt, %parallel_loop3A_1004, %parallel_loop3A_1013 : i32
          %parallel_loop3A_1015 = arith.extui %parallel_loop3A_1014 : i1 to i32
          %parallel_loop3A_1016 = arith.constant 0 : i32
          %parallel_loop3A_1017 = arith.cmpi slt, %parallel_loop3A_1004, %parallel_loop3A_1016 : i32
          %parallel_loop3A_1018 = arith.extui %parallel_loop3A_1017 : i1 to i32
          %parallel_loop3A_1019 = arith.subi %parallel_loop3A_1015, %parallel_loop3A_1018 : i32
          %parallel_loop3A_1020 = arith.cmpi ne, %parallel_loop3A_1012, %parallel_loop3A_1019 : i32
          %parallel_loop3A_1021 = arith.remsi %parallel_loop3A_767, %parallel_loop3A_1004 : i32
          %parallel_loop3A_1022 = arith.constant 0 : i32
          %parallel_loop3A_1023 = arith.cmpi ne, %parallel_loop3A_1021, %parallel_loop3A_1022 : i32
          %parallel_loop3A_1024 = arith.andi %parallel_loop3A_1020, %parallel_loop3A_1023 : i1
          %parallel_loop3A_1025 = arith.constant 1 : i32
          %parallel_loop3A_1026 = arith.subi %parallel_loop3A_1005, %parallel_loop3A_1025 : i32
          %parallel_loop3A_1027 = arith.select %parallel_loop3A_1024, %parallel_loop3A_1026, %parallel_loop3A_1005 : i32
          %parallel_loop3A_1028 = arith.constant 8 : i32
          %parallel_loop3A_1029 = arith.constant 0 : i32
          %parallel_loop3A_1030 = arith.cmpi eq, %parallel_loop3A_1028, %parallel_loop3A_1029 : i32
          %parallel_loop3A_1031 = arith.constant 1 : i32
          %parallel_loop3A_1032 = arith.select %parallel_loop3A_1030, %parallel_loop3A_1031, %parallel_loop3A_1028 : i32
          %parallel_loop3A_1033 = arith.remsi %parallel_loop3A_767, %parallel_loop3A_1032 : i32
          %parallel_loop3A_1034 = arith.constant 0 : i32
          %parallel_loop3A_1035 = arith.cmpi ne, %parallel_loop3A_1033, %parallel_loop3A_1034 : i32
          %parallel_loop3A_1036 = arith.constant 0 : i32
          %parallel_loop3A_1037 = arith.cmpi slt, %parallel_loop3A_1033, %parallel_loop3A_1036 : i32
          %parallel_loop3A_1038 = arith.constant 0 : i32
          %parallel_loop3A_1039 = arith.cmpi slt, %parallel_loop3A_1032, %parallel_loop3A_1038 : i32
          %parallel_loop3A_1040 = arith.xori %parallel_loop3A_1037, %parallel_loop3A_1039 : i1
          %parallel_loop3A_1041 = arith.andi %parallel_loop3A_1040, %parallel_loop3A_1035 : i1
          %parallel_loop3A_1042 = arith.addi %parallel_loop3A_1033, %parallel_loop3A_1032 : i32
          %parallel_loop3A_1043 = arith.select %parallel_loop3A_1041, %parallel_loop3A_1042, %parallel_loop3A_1033 : i32
          %parallel_loop3A_1044 = arith.index_cast %parallel_loop3A_1027 : i32 to index
          %parallel_loop3A_1045 = arith.index_cast %parallel_loop3A_1043 : i32 to index
          %parallel_loop3A_1046 = arith.constant 80 : index
          %parallel_loop3A_1047 = tpu.vector_load %arg10[%parallel_loop3A_1044, %parallel_loop3A_1045, %parallel_loop3A_1046] {strides = array<i32>} : memref<8x8x128xf32, #tpu.memory_space<vmem>>, vector<16xf32>,
          tpu.vector_store %arg10[%parallel_loop3A_1044, %parallel_loop3A_1045, %parallel_loop3A_1046], %parallel_loop3A_1003 {strides = array<i32>} : memref<8x8x128xf32, #tpu.memory_space<vmem>>, vector<16xf32>,
          %parallel_loop3A_1048 = tpu.vector_load_idx %arg8[%add3A_29, %parallel_loop3A_771] : memref<128x64xf32, #tpu.memory_space<vmem>>[vector<16xi32>, vector<16xi32>], vector<16xf32>,
          %parallel_loop3A_1049 = arith.addf %parallel_loop3A_1048, %parallel_loop3A_770 : vector<16xf32>
          %parallel_loop3A_1050 = arith.constant 8 : i32
          %parallel_loop3A_1051 = arith.divsi %parallel_loop3A_767, %parallel_loop3A_1050 : i32
          %parallel_loop3A_1052 = arith.constant 0 : i32
          %parallel_loop3A_1053 = arith.cmpi sgt, %parallel_loop3A_767, %parallel_loop3A_1052 : i32
          %parallel_loop3A_1054 = arith.extui %parallel_loop3A_1053 : i1 to i32
          %parallel_loop3A_1055 = arith.constant 0 : i32
          %parallel_loop3A_1056 = arith.cmpi slt, %parallel_loop3A_767, %parallel_loop3A_1055 : i32
          %parallel_loop3A_1057 = arith.extui %parallel_loop3A_1056 : i1 to i32
          %parallel_loop3A_1058 = arith.subi %parallel_loop3A_1054, %parallel_loop3A_1057 : i32
          %parallel_loop3A_1059 = arith.constant 0 : i32
          %parallel_loop3A_1060 = arith.cmpi sgt, %parallel_loop3A_1050, %parallel_loop3A_1059 : i32
          %parallel_loop3A_1061 = arith.extui %parallel_loop3A_1060 : i1 to i32
          %parallel_loop3A_1062 = arith.constant 0 : i32
          %parallel_loop3A_1063 = arith.cmpi slt, %parallel_loop3A_1050, %parallel_loop3A_1062 : i32
          %parallel_loop3A_1064 = arith.extui %parallel_loop3A_1063 : i1 to i32
          %parallel_loop3A_1065 = arith.subi %parallel_loop3A_1061, %parallel_loop3A_1064 : i32
          %parallel_loop3A_1066 = arith.cmpi ne, %parallel_loop3A_1058, %parallel_loop3A_1065 : i32
          %parallel_loop3A_1067 = arith.remsi %parallel_loop3A_767, %parallel_loop3A_1050 : i32
          %parallel_loop3A_1068 = arith.constant 0 : i32
          %parallel_loop3A_1069 = arith.cmpi ne, %parallel_loop3A_1067, %parallel_loop3A_1068 : i32
          %parallel_loop3A_1070 = arith.andi %parallel_loop3A_1066, %parallel_loop3A_1069 : i1
          %parallel_loop3A_1071 = arith.constant 1 : i32
          %parallel_loop3A_1072 = arith.subi %parallel_loop3A_1051, %parallel_loop3A_1071 : i32
          %parallel_loop3A_1073 = arith.select %parallel_loop3A_1070, %parallel_loop3A_1072, %parallel_loop3A_1051 : i32
          %parallel_loop3A_1074 = arith.constant 8 : i32
          %parallel_loop3A_1075 = arith.constant 0 : i32
          %parallel_loop3A_1076 = arith.cmpi eq, %parallel_loop3A_1074, %parallel_loop3A_1075 : i32
          %parallel_loop3A_1077 = arith.constant 1 : i32
          %parallel_loop3A_1078 = arith.select %parallel_loop3A_1076, %parallel_loop3A_1077, %parallel_loop3A_1074 : i32
          %parallel_loop3A_1079 = arith.remsi %parallel_loop3A_767, %parallel_loop3A_1078 : i32
          %parallel_loop3A_1080 = arith.constant 0 : i32
          %parallel_loop3A_1081 = arith.cmpi ne, %parallel_loop3A_1079, %parallel_loop3A_1080 : i32
          %parallel_loop3A_1082 = arith.constant 0 : i32
          %parallel_loop3A_1083 = arith.cmpi slt, %parallel_loop3A_1079, %parallel_loop3A_1082 : i32
          %parallel_loop3A_1084 = arith.constant 0 : i32
          %parallel_loop3A_1085 = arith.cmpi slt, %parallel_loop3A_1078, %parallel_loop3A_1084 : i32
          %parallel_loop3A_1086 = arith.xori %parallel_loop3A_1083, %parallel_loop3A_1085 : i1
          %parallel_loop3A_1087 = arith.andi %parallel_loop3A_1086, %parallel_loop3A_1081 : i1
          %parallel_loop3A_1088 = arith.addi %parallel_loop3A_1079, %parallel_loop3A_1078 : i32
          %parallel_loop3A_1089 = arith.select %parallel_loop3A_1087, %parallel_loop3A_1088, %parallel_loop3A_1079 : i32
          %parallel_loop3A_1090 = arith.index_cast %parallel_loop3A_1073 : i32 to index
          %parallel_loop3A_1091 = arith.index_cast %parallel_loop3A_1089 : i32 to index
          %parallel_loop3A_1092 = arith.constant 96 : index
          %parallel_loop3A_1093 = tpu.vector_load %arg10[%parallel_loop3A_1090, %parallel_loop3A_1091, %parallel_loop3A_1092] {strides = array<i32>} : memref<8x8x128xf32, #tpu.memory_space<vmem>>, vector<16xf32>,
          tpu.vector_store %arg10[%parallel_loop3A_1090, %parallel_loop3A_1091, %parallel_loop3A_1092], %parallel_loop3A_1049 {strides = array<i32>} : memref<8x8x128xf32, #tpu.memory_space<vmem>>, vector<16xf32>,
          %parallel_loop3A_1094 = tpu.vector_load_idx %arg8[%add3A_33, %parallel_loop3A_771] : memref<128x64xf32, #tpu.memory_space<vmem>>[vector<16xi32>, vector<16xi32>], vector<16xf32>,
          %parallel_loop3A_1095 = arith.addf %parallel_loop3A_1094, %parallel_loop3A_770 : vector<16xf32>
          %parallel_loop3A_1096 = arith.constant 8 : i32
          %parallel_loop3A_1097 = arith.divsi %parallel_loop3A_767, %parallel_loop3A_1096 : i32
          %parallel_loop3A_1098 = arith.constant 0 : i32
          %parallel_loop3A_1099 = arith.cmpi sgt, %parallel_loop3A_767, %parallel_loop3A_1098 : i32
          %parallel_loop3A_1100 = arith.extui %parallel_loop3A_1099 : i1 to i32
          %parallel_loop3A_1101 = arith.constant 0 : i32
          %parallel_loop3A_1102 = arith.cmpi slt, %parallel_loop3A_767, %parallel_loop3A_1101 : i32
          %parallel_loop3A_1103 = arith.extui %parallel_loop3A_1102 : i1 to i32
          %parallel_loop3A_1104 = arith.subi %parallel_loop3A_1100, %parallel_loop3A_1103 : i32
          %parallel_loop3A_1105 = arith.constant 0 : i32
          %parallel_loop3A_1106 = arith.cmpi sgt, %parallel_loop3A_1096, %parallel_loop3A_1105 : i32
          %parallel_loop3A_1107 = arith.extui %parallel_loop3A_1106 : i1 to i32
          %parallel_loop3A_1108 = arith.constant 0 : i32
          %parallel_loop3A_1109 = arith.cmpi slt, %parallel_loop3A_1096, %parallel_loop3A_1108 : i32
          %parallel_loop3A_1110 = arith.extui %parallel_loop3A_1109 : i1 to i32
          %parallel_loop3A_1111 = arith.subi %parallel_loop3A_1107, %parallel_loop3A_1110 : i32
          %parallel_loop3A_1112 = arith.cmpi ne, %parallel_loop3A_1104, %parallel_loop3A_1111 : i32
          %parallel_loop3A_1113 = arith.remsi %parallel_loop3A_767, %parallel_loop3A_1096 : i32
          %parallel_loop3A_1114 = arith.constant 0 : i32
          %parallel_loop3A_1115 = arith.cmpi ne, %parallel_loop3A_1113, %parallel_loop3A_1114 : i32
          %parallel_loop3A_1116 = arith.andi %parallel_loop3A_1112, %parallel_loop3A_1115 : i1
          %parallel_loop3A_1117 = arith.constant 1 : i32
          %parallel_loop3A_1118 = arith.subi %parallel_loop3A_1097, %parallel_loop3A_1117 : i32
          %parallel_loop3A_1119 = arith.select %parallel_loop3A_1116, %parallel_loop3A_1118, %parallel_loop3A_1097 : i32
          %parallel_loop3A_1120 = arith.constant 8 : i32
          %parallel_loop3A_1121 = arith.constant 0 : i32
          %parallel_loop3A_1122 = arith.cmpi eq, %parallel_loop3A_1120, %parallel_loop3A_1121 : i32
          %parallel_loop3A_1123 = arith.constant 1 : i32
          %parallel_loop3A_1124 = arith.select %parallel_loop3A_1122, %parallel_loop3A_1123, %parallel_loop3A_1120 : i32
          %parallel_loop3A_1125 = arith.remsi %parallel_loop3A_767, %parallel_loop3A_1124 : i32
          %parallel_loop3A_1126 = arith.constant 0 : i32
          %parallel_loop3A_1127 = arith.cmpi ne, %parallel_loop3A_1125, %parallel_loop3A_1126 : i32
          %parallel_loop3A_1128 = arith.constant 0 : i32
          %parallel_loop3A_1129 = arith.cmpi slt, %parallel_loop3A_1125, %parallel_loop3A_1128 : i32
          %parallel_loop3A_1130 = arith.constant 0 : i32
          %parallel_loop3A_1131 = arith.cmpi slt, %parallel_loop3A_1124, %parallel_loop3A_1130 : i32
          %parallel_loop3A_1132 = arith.xori %parallel_loop3A_1129, %parallel_loop3A_1131 : i1
          %parallel_loop3A_1133 = arith.andi %parallel_loop3A_1132, %parallel_loop3A_1127 : i1
          %parallel_loop3A_1134 = arith.addi %parallel_loop3A_1125, %parallel_loop3A_1124 : i32
          %parallel_loop3A_1135 = arith.select %parallel_loop3A_1133, %parallel_loop3A_1134, %parallel_loop3A_1125 : i32
          %parallel_loop3A_1136 = arith.index_cast %parallel_loop3A_1119 : i32 to index
          %parallel_loop3A_1137 = arith.index_cast %parallel_loop3A_1135 : i32 to index
          %parallel_loop3A_1138 = arith.constant 112 : index
          %parallel_loop3A_1139 = tpu.vector_load %arg10[%parallel_loop3A_1136, %parallel_loop3A_1137, %parallel_loop3A_1138] {strides = array<i32>} : memref<8x8x128xf32, #tpu.memory_space<vmem>>, vector<16xf32>,
          tpu.vector_store %arg10[%parallel_loop3A_1136, %parallel_loop3A_1137, %parallel_loop3A_1138], %parallel_loop3A_1095 {strides = array<i32>} : memref<8x8x128xf32, #tpu.memory_space<vmem>>, vector<16xf32>,
        } {sc.loop_unroll_factor = 4 : i64, sc.parallel_access}
      } else {
      }
      %gt3A_654 = arith.constant 0 : i32
      %gt3A_655 = arith.cmpi sgt, %add3A_648, %gt3A_654 : i32
      %convert_element_type3A_656 = arith.extui %gt3A_655 : i1 to i32
      %cond3A_657 = arith.constant 0 : i32
      %cond3A_658 = arith.cmpi ne, %convert_element_type3A_656, %cond3A_657 : i32
      scf.if %cond3A_658 {
        %get3A_765 = arith.index_cast %add3A_100 : i32 to index
        %get3A_766 = arith.constant 0 : index
        %get3A_767 = tpu.vector_load %arg6[%get3A_765, %get3A_766] {strides = array<i32>} : memref<50x128xi32, #tpu.memory_space<vmem>>, vector<16xi32>,
        %eq3A_768 = arith.constant 0 : i32
        %eq3A_769 = vector.broadcast %eq3A_768 : i32 to vector<16xi32>
        %eq3A_770 = arith.cmpi eq, %get3A_767, %eq3A_769 : vector<16xi32>
        %jit3A_771 = arith.constant 0.000000e+00 : f32
        %jit3A_772 = arith.constant 1.000000e+00 : f32
        %broadcast_in_dim3A_773 = vector.broadcast %jit3A_771 : f32 to vector<16xf32>
        %broadcast_in_dim3A_774 = vector.broadcast %jit3A_772 : f32 to vector<16xf32>
        %select_n3A_775 = arith.select %eq3A_770, %broadcast_in_dim3A_773, %broadcast_in_dim3A_774 : vector<16xi1>, vector<16xf32>
        %get3A_776 = arith.index_cast %add3A_100 : i32 to index
        %get3A_777 = arith.constant 16 : index
        %get3A_778 = tpu.vector_load %arg6[%get3A_776, %get3A_777] {strides = array<i32>} : memref<50x128xi32, #tpu.memory_space<vmem>>, vector<16xi32>,
        %eq3A_779 = arith.constant 0 : i32
        %eq3A_780 = vector.broadcast %eq3A_779 : i32 to vector<16xi32>
        %eq3A_781 = arith.cmpi eq, %get3A_778, %eq3A_780 : vector<16xi32>
        %jit3A_782 = arith.constant 0.000000e+00 : f32
        %jit3A_783 = arith.constant 1.000000e+00 : f32
        %broadcast_in_dim3A_784 = vector.broadcast %jit3A_782 : f32 to vector<16xf32>
        %broadcast_in_dim3A_785 = vector.broadcast %jit3A_783 : f32 to vector<16xf32>
        %select_n3A_786 = arith.select %eq3A_781, %broadcast_in_dim3A_784, %broadcast_in_dim3A_785 : vector<16xi1>, vector<16xf32>
        %get3A_787 = arith.index_cast %add3A_100 : i32 to index
        %get3A_788 = arith.constant 32 : index
        %get3A_789 = tpu.vector_load %arg6[%get3A_787, %get3A_788] {strides = array<i32>} : memref<50x128xi32, #tpu.memory_space<vmem>>, vector<16xi32>,
        %eq3A_790 = arith.constant 0 : i32
        %eq3A_791 = vector.broadcast %eq3A_790 : i32 to vector<16xi32>
        %eq3A_792 = arith.cmpi eq, %get3A_789, %eq3A_791 : vector<16xi32>
        %jit3A_793 = arith.constant 0.000000e+00 : f32
        %jit3A_794 = arith.constant 1.000000e+00 : f32
        %broadcast_in_dim3A_795 = vector.broadcast %jit3A_793 : f32 to vector<16xf32>
        %broadcast_in_dim3A_796 = vector.broadcast %jit3A_794 : f32 to vector<16xf32>
        %select_n3A_797 = arith.select %eq3A_792, %broadcast_in_dim3A_795, %broadcast_in_dim3A_796 : vector<16xi1>, vector<16xf32>
        %get3A_798 = arith.index_cast %add3A_100 : i32 to index
        %get3A_799 = arith.constant 48 : index
        %get3A_800 = tpu.vector_load %arg6[%get3A_798, %get3A_799] {strides = array<i32>} : memref<50x128xi32, #tpu.memory_space<vmem>>, vector<16xi32>,
        %eq3A_801 = arith.constant 0 : i32
        %eq3A_802 = vector.broadcast %eq3A_801 : i32 to vector<16xi32>
        %eq3A_803 = arith.cmpi eq, %get3A_800, %eq3A_802 : vector<16xi32>
        %jit3A_804 = arith.constant 0.000000e+00 : f32
        %jit3A_805 = arith.constant 1.000000e+00 : f32
        %broadcast_in_dim3A_806 = vector.broadcast %jit3A_804 : f32 to vector<16xf32>
        %broadcast_in_dim3A_807 = vector.broadcast %jit3A_805 : f32 to vector<16xf32>
        %select_n3A_808 = arith.select %eq3A_803, %broadcast_in_dim3A_806, %broadcast_in_dim3A_807 : vector<16xi1>, vector<16xf32>
        %get3A_809 = arith.index_cast %add3A_100 : i32 to index
        %get3A_810 = arith.constant 64 : index
        %get3A_811 = tpu.vector_load %arg6[%get3A_809, %get3A_810] {strides = array<i32>} : memref<50x128xi32, #tpu.memory_space<vmem>>, vector<16xi32>,
        %eq3A_812 = arith.constant 0 : i32
        %eq3A_813 = vector.broadcast %eq3A_812 : i32 to vector<16xi32>
        %eq3A_814 = arith.cmpi eq, %get3A_811, %eq3A_813 : vector<16xi32>
        %jit3A_815 = arith.constant 0.000000e+00 : f32
        %jit3A_816 = arith.constant 1.000000e+00 : f32
        %broadcast_in_dim3A_817 = vector.broadcast %jit3A_815 : f32 to vector<16xf32>
        %broadcast_in_dim3A_818 = vector.broadcast %jit3A_816 : f32 to vector<16xf32>
        %select_n3A_819 = arith.select %eq3A_814, %broadcast_in_dim3A_817, %broadcast_in_dim3A_818 : vector<16xi1>, vector<16xf32>
        %get3A_820 = arith.index_cast %add3A_100 : i32 to index
        %get3A_821 = arith.constant 80 : index
        %get3A_822 = tpu.vector_load %arg6[%get3A_820, %get3A_821] {strides = array<i32>} : memref<50x128xi32, #tpu.memory_space<vmem>>, vector<16xi32>,
        %eq3A_823 = arith.constant 0 : i32
        %eq3A_824 = vector.broadcast %eq3A_823 : i32 to vector<16xi32>
        %eq3A_825 = arith.cmpi eq, %get3A_822, %eq3A_824 : vector<16xi32>
        %jit3A_826 = arith.constant 0.000000e+00 : f32
        %jit3A_827 = arith.constant 1.000000e+00 : f32
        %broadcast_in_dim3A_828 = vector.broadcast %jit3A_826 : f32 to vector<16xf32>
        %broadcast_in_dim3A_829 = vector.broadcast %jit3A_827 : f32 to vector<16xf32>
        %select_n3A_830 = arith.select %eq3A_825, %broadcast_in_dim3A_828, %broadcast_in_dim3A_829 : vector<16xi1>, vector<16xf32>
        %get3A_831 = arith.index_cast %add3A_100 : i32 to index
        %get3A_832 = arith.constant 96 : index
        %get3A_833 = tpu.vector_load %arg6[%get3A_831, %get3A_832] {strides = array<i32>} : memref<50x128xi32, #tpu.memory_space<vmem>>, vector<16xi32>,
        %eq3A_834 = arith.constant 0 : i32
        %eq3A_835 = vector.broadcast %eq3A_834 : i32 to vector<16xi32>
        %eq3A_836 = arith.cmpi eq, %get3A_833, %eq3A_835 : vector<16xi32>
        %jit3A_837 = arith.constant 0.000000e+00 : f32
        %jit3A_838 = arith.constant 1.000000e+00 : f32
        %broadcast_in_dim3A_839 = vector.broadcast %jit3A_837 : f32 to vector<16xf32>
        %broadcast_in_dim3A_840 = vector.broadcast %jit3A_838 : f32 to vector<16xf32>
        %select_n3A_841 = arith.select %eq3A_836, %broadcast_in_dim3A_839, %broadcast_in_dim3A_840 : vector<16xi1>, vector<16xf32>
        %get3A_842 = arith.index_cast %add3A_100 : i32 to index
        %get3A_843 = arith.constant 112 : index
        %get3A_844 = tpu.vector_load %arg6[%get3A_842, %get3A_843] {strides = array<i32>} : memref<50x128xi32, #tpu.memory_space<vmem>>, vector<16xi32>,
        %eq3A_845 = arith.constant 0 : i32
        %eq3A_846 = vector.broadcast %eq3A_845 : i32 to vector<16xi32>
        %eq3A_847 = arith.cmpi eq, %get3A_844, %eq3A_846 : vector<16xi32>
        %jit3A_848 = arith.constant 0.000000e+00 : f32
        %jit3A_849 = arith.constant 1.000000e+00 : f32
        %broadcast_in_dim3A_850 = vector.broadcast %jit3A_848 : f32 to vector<16xf32>
        %broadcast_in_dim3A_851 = vector.broadcast %jit3A_849 : f32 to vector<16xf32>
        %select_n3A_852 = arith.select %eq3A_847, %broadcast_in_dim3A_850, %broadcast_in_dim3A_851 : vector<16xi1>, vector<16xf32>
        %parallel_loop3A = arith.constant 0 : i32
        %parallel_loop3A_853 = arith.constant 64 : i32
        %parallel_loop3A_854 = arith.constant 1 : i32
        scf.for %parallel_loop3A_855 = %parallel_loop3A to %parallel_loop3A_853 step %parallel_loop3A_854  : i32 {
          %parallel_loop3A_856 = arith.addi %mul3A_567, %parallel_loop3A_855 : i32
          %parallel_loop3A_857 = vector.broadcast %parallel_loop3A_856 : i32 to vector<16xi32>
          %parallel_loop3A_858 = tpu.vector_load_idx %arg11[%broadcast_in_dim3A_549, %parallel_loop3A_857] : memref<100x128xf32, #tpu.memory_space<vmem>>[vector<16xi32>, vector<16xi32>], vector<16xf32>,
          %parallel_loop3A_859 = vector.broadcast %parallel_loop3A_855 : i32 to vector<16xi32>
          %parallel_loop3A_860 = tpu.vector_load_idx %arg8[%add3A_5, %parallel_loop3A_859] : memref<128x64xf32, #tpu.memory_space<vmem>>[vector<16xi32>, vector<16xi32>], vector<16xf32>,
          %parallel_loop3A_861 = arith.mulf %parallel_loop3A_860, %select_n3A_775 : vector<16xf32>
          %parallel_loop3A_862 = arith.addf %parallel_loop3A_861, %parallel_loop3A_858 : vector<16xf32>
          %parallel_loop3A_863 = arith.constant 8 : i32
          %parallel_loop3A_864 = arith.divsi %parallel_loop3A_855, %parallel_loop3A_863 : i32
          %parallel_loop3A_865 = arith.constant 0 : i32
          %parallel_loop3A_866 = arith.cmpi sgt, %parallel_loop3A_855, %parallel_loop3A_865 : i32
          %parallel_loop3A_867 = arith.extui %parallel_loop3A_866 : i1 to i32
          %parallel_loop3A_868 = arith.constant 0 : i32
          %parallel_loop3A_869 = arith.cmpi slt, %parallel_loop3A_855, %parallel_loop3A_868 : i32
          %parallel_loop3A_870 = arith.extui %parallel_loop3A_869 : i1 to i32
          %parallel_loop3A_871 = arith.subi %parallel_loop3A_867, %parallel_loop3A_870 : i32
          %parallel_loop3A_872 = arith.constant 0 : i32
          %parallel_loop3A_873 = arith.cmpi sgt, %parallel_loop3A_863, %parallel_loop3A_872 : i32
          %parallel_loop3A_874 = arith.extui %parallel_loop3A_873 : i1 to i32
          %parallel_loop3A_875 = arith.constant 0 : i32
          %parallel_loop3A_876 = arith.cmpi slt, %parallel_loop3A_863, %parallel_loop3A_875 : i32
          %parallel_loop3A_877 = arith.extui %parallel_loop3A_876 : i1 to i32
          %parallel_loop3A_878 = arith.subi %parallel_loop3A_874, %parallel_loop3A_877 : i32
          %parallel_loop3A_879 = arith.cmpi ne, %parallel_loop3A_871, %parallel_loop3A_878 : i32
          %parallel_loop3A_880 = arith.remsi %parallel_loop3A_855, %parallel_loop3A_863 : i32
          %parallel_loop3A_881 = arith.constant 0 : i32
          %parallel_loop3A_882 = arith.cmpi ne, %parallel_loop3A_880, %parallel_loop3A_881 : i32
          %parallel_loop3A_883 = arith.andi %parallel_loop3A_879, %parallel_loop3A_882 : i1
          %parallel_loop3A_884 = arith.constant 1 : i32
          %parallel_loop3A_885 = arith.subi %parallel_loop3A_864, %parallel_loop3A_884 : i32
          %parallel_loop3A_886 = arith.select %parallel_loop3A_883, %parallel_loop3A_885, %parallel_loop3A_864 : i32
          %parallel_loop3A_887 = arith.constant 8 : i32
          %parallel_loop3A_888 = arith.constant 0 : i32
          %parallel_loop3A_889 = arith.cmpi eq, %parallel_loop3A_887, %parallel_loop3A_888 : i32
          %parallel_loop3A_890 = arith.constant 1 : i32
          %parallel_loop3A_891 = arith.select %parallel_loop3A_889, %parallel_loop3A_890, %parallel_loop3A_887 : i32
          %parallel_loop3A_892 = arith.remsi %parallel_loop3A_855, %parallel_loop3A_891 : i32
          %parallel_loop3A_893 = arith.constant 0 : i32
          %parallel_loop3A_894 = arith.cmpi ne, %parallel_loop3A_892, %parallel_loop3A_893 : i32
          %parallel_loop3A_895 = arith.constant 0 : i32
          %parallel_loop3A_896 = arith.cmpi slt, %parallel_loop3A_892, %parallel_loop3A_895 : i32
          %parallel_loop3A_897 = arith.constant 0 : i32
          %parallel_loop3A_898 = arith.cmpi slt, %parallel_loop3A_891, %parallel_loop3A_897 : i32
          %parallel_loop3A_899 = arith.xori %parallel_loop3A_896, %parallel_loop3A_898 : i1
          %parallel_loop3A_900 = arith.andi %parallel_loop3A_899, %parallel_loop3A_894 : i1
          %parallel_loop3A_901 = arith.addi %parallel_loop3A_892, %parallel_loop3A_891 : i32
          %parallel_loop3A_902 = arith.select %parallel_loop3A_900, %parallel_loop3A_901, %parallel_loop3A_892 : i32
          %parallel_loop3A_903 = arith.index_cast %parallel_loop3A_886 : i32 to index
          %parallel_loop3A_904 = arith.index_cast %parallel_loop3A_902 : i32 to index
          %parallel_loop3A_905 = arith.constant 0 : index
          %parallel_loop3A_906 = tpu.vector_load %arg10[%parallel_loop3A_903, %parallel_loop3A_904, %parallel_loop3A_905] {strides = array<i32>} : memref<8x8x128xf32, #tpu.memory_space<vmem>>, vector<16xf32>,
          tpu.vector_store %arg10[%parallel_loop3A_903, %parallel_loop3A_904, %parallel_loop3A_905], %parallel_loop3A_862 {strides = array<i32>} : memref<8x8x128xf32, #tpu.memory_space<vmem>>, vector<16xf32>,
          %parallel_loop3A_907 = tpu.vector_load_idx %arg8[%add3A_9, %parallel_loop3A_859] : memref<128x64xf32, #tpu.memory_space<vmem>>[vector<16xi32>, vector<16xi32>], vector<16xf32>,
          %parallel_loop3A_908 = arith.mulf %parallel_loop3A_907, %select_n3A_786 : vector<16xf32>
          %parallel_loop3A_909 = arith.addf %parallel_loop3A_908, %parallel_loop3A_858 : vector<16xf32>
          %parallel_loop3A_910 = arith.constant 8 : i32
          %parallel_loop3A_911 = arith.divsi %parallel_loop3A_855, %parallel_loop3A_910 : i32
          %parallel_loop3A_912 = arith.constant 0 : i32
          %parallel_loop3A_913 = arith.cmpi sgt, %parallel_loop3A_855, %parallel_loop3A_912 : i32
          %parallel_loop3A_914 = arith.extui %parallel_loop3A_913 : i1 to i32
          %parallel_loop3A_915 = arith.constant 0 : i32
          %parallel_loop3A_916 = arith.cmpi slt, %parallel_loop3A_855, %parallel_loop3A_915 : i32
          %parallel_loop3A_917 = arith.extui %parallel_loop3A_916 : i1 to i32
          %parallel_loop3A_918 = arith.subi %parallel_loop3A_914, %parallel_loop3A_917 : i32
          %parallel_loop3A_919 = arith.constant 0 : i32
          %parallel_loop3A_920 = arith.cmpi sgt, %parallel_loop3A_910, %parallel_loop3A_919 : i32
          %parallel_loop3A_921 = arith.extui %parallel_loop3A_920 : i1 to i32
          %parallel_loop3A_922 = arith.constant 0 : i32
          %parallel_loop3A_923 = arith.cmpi slt, %parallel_loop3A_910, %parallel_loop3A_922 : i32
          %parallel_loop3A_924 = arith.extui %parallel_loop3A_923 : i1 to i32
          %parallel_loop3A_925 = arith.subi %parallel_loop3A_921, %parallel_loop3A_924 : i32
          %parallel_loop3A_926 = arith.cmpi ne, %parallel_loop3A_918, %parallel_loop3A_925 : i32
          %parallel_loop3A_927 = arith.remsi %parallel_loop3A_855, %parallel_loop3A_910 : i32
          %parallel_loop3A_928 = arith.constant 0 : i32
          %parallel_loop3A_929 = arith.cmpi ne, %parallel_loop3A_927, %parallel_loop3A_928 : i32
          %parallel_loop3A_930 = arith.andi %parallel_loop3A_926, %parallel_loop3A_929 : i1
          %parallel_loop3A_931 = arith.constant 1 : i32
          %parallel_loop3A_932 = arith.subi %parallel_loop3A_911, %parallel_loop3A_931 : i32
          %parallel_loop3A_933 = arith.select %parallel_loop3A_930, %parallel_loop3A_932, %parallel_loop3A_911 : i32
          %parallel_loop3A_934 = arith.constant 8 : i32
          %parallel_loop3A_935 = arith.constant 0 : i32
          %parallel_loop3A_936 = arith.cmpi eq, %parallel_loop3A_934, %parallel_loop3A_935 : i32
          %parallel_loop3A_937 = arith.constant 1 : i32
          %parallel_loop3A_938 = arith.select %parallel_loop3A_936, %parallel_loop3A_937, %parallel_loop3A_934 : i32
          %parallel_loop3A_939 = arith.remsi %parallel_loop3A_855, %parallel_loop3A_938 : i32
          %parallel_loop3A_940 = arith.constant 0 : i32
          %parallel_loop3A_941 = arith.cmpi ne, %parallel_loop3A_939, %parallel_loop3A_940 : i32
          %parallel_loop3A_942 = arith.constant 0 : i32
          %parallel_loop3A_943 = arith.cmpi slt, %parallel_loop3A_939, %parallel_loop3A_942 : i32
          %parallel_loop3A_944 = arith.constant 0 : i32
          %parallel_loop3A_945 = arith.cmpi slt, %parallel_loop3A_938, %parallel_loop3A_944 : i32
          %parallel_loop3A_946 = arith.xori %parallel_loop3A_943, %parallel_loop3A_945 : i1
          %parallel_loop3A_947 = arith.andi %parallel_loop3A_946, %parallel_loop3A_941 : i1
          %parallel_loop3A_948 = arith.addi %parallel_loop3A_939, %parallel_loop3A_938 : i32
          %parallel_loop3A_949 = arith.select %parallel_loop3A_947, %parallel_loop3A_948, %parallel_loop3A_939 : i32
          %parallel_loop3A_950 = arith.index_cast %parallel_loop3A_933 : i32 to index
          %parallel_loop3A_951 = arith.index_cast %parallel_loop3A_949 : i32 to index
          %parallel_loop3A_952 = arith.constant 16 : index
          %parallel_loop3A_953 = tpu.vector_load %arg10[%parallel_loop3A_950, %parallel_loop3A_951, %parallel_loop3A_952] {strides = array<i32>} : memref<8x8x128xf32, #tpu.memory_space<vmem>>, vector<16xf32>,
          tpu.vector_store %arg10[%parallel_loop3A_950, %parallel_loop3A_951, %parallel_loop3A_952], %parallel_loop3A_909 {strides = array<i32>} : memref<8x8x128xf32, #tpu.memory_space<vmem>>, vector<16xf32>,
          %parallel_loop3A_954 = tpu.vector_load_idx %arg8[%add3A_13, %parallel_loop3A_859] : memref<128x64xf32, #tpu.memory_space<vmem>>[vector<16xi32>, vector<16xi32>], vector<16xf32>,
          %parallel_loop3A_955 = arith.mulf %parallel_loop3A_954, %select_n3A_797 : vector<16xf32>
          %parallel_loop3A_956 = arith.addf %parallel_loop3A_955, %parallel_loop3A_858 : vector<16xf32>
          %parallel_loop3A_957 = arith.constant 8 : i32
          %parallel_loop3A_958 = arith.divsi %parallel_loop3A_855, %parallel_loop3A_957 : i32
          %parallel_loop3A_959 = arith.constant 0 : i32
          %parallel_loop3A_960 = arith.cmpi sgt, %parallel_loop3A_855, %parallel_loop3A_959 : i32
          %parallel_loop3A_961 = arith.extui %parallel_loop3A_960 : i1 to i32
          %parallel_loop3A_962 = arith.constant 0 : i32
          %parallel_loop3A_963 = arith.cmpi slt, %parallel_loop3A_855, %parallel_loop3A_962 : i32
          %parallel_loop3A_964 = arith.extui %parallel_loop3A_963 : i1 to i32
          %parallel_loop3A_965 = arith.subi %parallel_loop3A_961, %parallel_loop3A_964 : i32
          %parallel_loop3A_966 = arith.constant 0 : i32
          %parallel_loop3A_967 = arith.cmpi sgt, %parallel_loop3A_957, %parallel_loop3A_966 : i32
          %parallel_loop3A_968 = arith.extui %parallel_loop3A_967 : i1 to i32
          %parallel_loop3A_969 = arith.constant 0 : i32
          %parallel_loop3A_970 = arith.cmpi slt, %parallel_loop3A_957, %parallel_loop3A_969 : i32
          %parallel_loop3A_971 = arith.extui %parallel_loop3A_970 : i1 to i32
          %parallel_loop3A_972 = arith.subi %parallel_loop3A_968, %parallel_loop3A_971 : i32
          %parallel_loop3A_973 = arith.cmpi ne, %parallel_loop3A_965, %parallel_loop3A_972 : i32
          %parallel_loop3A_974 = arith.remsi %parallel_loop3A_855, %parallel_loop3A_957 : i32
          %parallel_loop3A_975 = arith.constant 0 : i32
          %parallel_loop3A_976 = arith.cmpi ne, %parallel_loop3A_974, %parallel_loop3A_975 : i32
          %parallel_loop3A_977 = arith.andi %parallel_loop3A_973, %parallel_loop3A_976 : i1
          %parallel_loop3A_978 = arith.constant 1 : i32
          %parallel_loop3A_979 = arith.subi %parallel_loop3A_958, %parallel_loop3A_978 : i32
          %parallel_loop3A_980 = arith.select %parallel_loop3A_977, %parallel_loop3A_979, %parallel_loop3A_958 : i32
          %parallel_loop3A_981 = arith.constant 8 : i32
          %parallel_loop3A_982 = arith.constant 0 : i32
          %parallel_loop3A_983 = arith.cmpi eq, %parallel_loop3A_981, %parallel_loop3A_982 : i32
          %parallel_loop3A_984 = arith.constant 1 : i32
          %parallel_loop3A_985 = arith.select %parallel_loop3A_983, %parallel_loop3A_984, %parallel_loop3A_981 : i32
          %parallel_loop3A_986 = arith.remsi %parallel_loop3A_855, %parallel_loop3A_985 : i32
          %parallel_loop3A_987 = arith.constant 0 : i32
          %parallel_loop3A_988 = arith.cmpi ne, %parallel_loop3A_986, %parallel_loop3A_987 : i32
          %parallel_loop3A_989 = arith.constant 0 : i32
          %parallel_loop3A_990 = arith.cmpi slt, %parallel_loop3A_986, %parallel_loop3A_989 : i32
          %parallel_loop3A_991 = arith.constant 0 : i32
          %parallel_loop3A_992 = arith.cmpi slt, %parallel_loop3A_985, %parallel_loop3A_991 : i32
          %parallel_loop3A_993 = arith.xori %parallel_loop3A_990, %parallel_loop3A_992 : i1
          %parallel_loop3A_994 = arith.andi %parallel_loop3A_993, %parallel_loop3A_988 : i1
          %parallel_loop3A_995 = arith.addi %parallel_loop3A_986, %parallel_loop3A_985 : i32
          %parallel_loop3A_996 = arith.select %parallel_loop3A_994, %parallel_loop3A_995, %parallel_loop3A_986 : i32
          %parallel_loop3A_997 = arith.index_cast %parallel_loop3A_980 : i32 to index
          %parallel_loop3A_998 = arith.index_cast %parallel_loop3A_996 : i32 to index
          %parallel_loop3A_999 = arith.constant 32 : index
          %parallel_loop3A_1000 = tpu.vector_load %arg10[%parallel_loop3A_997, %parallel_loop3A_998, %parallel_loop3A_999] {strides = array<i32>} : memref<8x8x128xf32, #tpu.memory_space<vmem>>, vector<16xf32>,
          tpu.vector_store %arg10[%parallel_loop3A_997, %parallel_loop3A_998, %parallel_loop3A_999], %parallel_loop3A_956 {strides = array<i32>} : memref<8x8x128xf32, #tpu.memory_space<vmem>>, vector<16xf32>,
          %parallel_loop3A_1001 = tpu.vector_load_idx %arg8[%add3A_17, %parallel_loop3A_859] : memref<128x64xf32, #tpu.memory_space<vmem>>[vector<16xi32>, vector<16xi32>], vector<16xf32>,
          %parallel_loop3A_1002 = arith.mulf %parallel_loop3A_1001, %select_n3A_808 : vector<16xf32>
          %parallel_loop3A_1003 = arith.addf %parallel_loop3A_1002, %parallel_loop3A_858 : vector<16xf32>
          %parallel_loop3A_1004 = arith.constant 8 : i32
          %parallel_loop3A_1005 = arith.divsi %parallel_loop3A_855, %parallel_loop3A_1004 : i32
          %parallel_loop3A_1006 = arith.constant 0 : i32
          %parallel_loop3A_1007 = arith.cmpi sgt, %parallel_loop3A_855, %parallel_loop3A_1006 : i32
          %parallel_loop3A_1008 = arith.extui %parallel_loop3A_1007 : i1 to i32
          %parallel_loop3A_1009 = arith.constant 0 : i32
          %parallel_loop3A_1010 = arith.cmpi slt, %parallel_loop3A_855, %parallel_loop3A_1009 : i32
          %parallel_loop3A_1011 = arith.extui %parallel_loop3A_1010 : i1 to i32
          %parallel_loop3A_1012 = arith.subi %parallel_loop3A_1008, %parallel_loop3A_1011 : i32
          %parallel_loop3A_1013 = arith.constant 0 : i32
          %parallel_loop3A_1014 = arith.cmpi sgt, %parallel_loop3A_1004, %parallel_loop3A_1013 : i32
          %parallel_loop3A_1015 = arith.extui %parallel_loop3A_1014 : i1 to i32
          %parallel_loop3A_1016 = arith.constant 0 : i32
          %parallel_loop3A_1017 = arith.cmpi slt, %parallel_loop3A_1004, %parallel_loop3A_1016 : i32
          %parallel_loop3A_1018 = arith.extui %parallel_loop3A_1017 : i1 to i32
          %parallel_loop3A_1019 = arith.subi %parallel_loop3A_1015, %parallel_loop3A_1018 : i32
          %parallel_loop3A_1020 = arith.cmpi ne, %parallel_loop3A_1012, %parallel_loop3A_1019 : i32
          %parallel_loop3A_1021 = arith.remsi %parallel_loop3A_855, %parallel_loop3A_1004 : i32
          %parallel_loop3A_1022 = arith.constant 0 : i32
          %parallel_loop3A_1023 = arith.cmpi ne, %parallel_loop3A_1021, %parallel_loop3A_1022 : i32
          %parallel_loop3A_1024 = arith.andi %parallel_loop3A_1020, %parallel_loop3A_1023 : i1
          %parallel_loop3A_1025 = arith.constant 1 : i32
          %parallel_loop3A_1026 = arith.subi %parallel_loop3A_1005, %parallel_loop3A_1025 : i32
          %parallel_loop3A_1027 = arith.select %parallel_loop3A_1024, %parallel_loop3A_1026, %parallel_loop3A_1005 : i32
          %parallel_loop3A_1028 = arith.constant 8 : i32
          %parallel_loop3A_1029 = arith.constant 0 : i32
          %parallel_loop3A_1030 = arith.cmpi eq, %parallel_loop3A_1028, %parallel_loop3A_1029 : i32
          %parallel_loop3A_1031 = arith.constant 1 : i32
          %parallel_loop3A_1032 = arith.select %parallel_loop3A_1030, %parallel_loop3A_1031, %parallel_loop3A_1028 : i32
          %parallel_loop3A_1033 = arith.remsi %parallel_loop3A_855, %parallel_loop3A_1032 : i32
          %parallel_loop3A_1034 = arith.constant 0 : i32
          %parallel_loop3A_1035 = arith.cmpi ne, %parallel_loop3A_1033, %parallel_loop3A_1034 : i32
          %parallel_loop3A_1036 = arith.constant 0 : i32
          %parallel_loop3A_1037 = arith.cmpi slt, %parallel_loop3A_1033, %parallel_loop3A_1036 : i32
          %parallel_loop3A_1038 = arith.constant 0 : i32
          %parallel_loop3A_1039 = arith.cmpi slt, %parallel_loop3A_1032, %parallel_loop3A_1038 : i32
          %parallel_loop3A_1040 = arith.xori %parallel_loop3A_1037, %parallel_loop3A_1039 : i1
          %parallel_loop3A_1041 = arith.andi %parallel_loop3A_1040, %parallel_loop3A_1035 : i1
          %parallel_loop3A_1042 = arith.addi %parallel_loop3A_1033, %parallel_loop3A_1032 : i32
          %parallel_loop3A_1043 = arith.select %parallel_loop3A_1041, %parallel_loop3A_1042, %parallel_loop3A_1033 : i32
          %parallel_loop3A_1044 = arith.index_cast %parallel_loop3A_1027 : i32 to index
          %parallel_loop3A_1045 = arith.index_cast %parallel_loop3A_1043 : i32 to index
          %parallel_loop3A_1046 = arith.constant 48 : index
          %parallel_loop3A_1047 = tpu.vector_load %arg10[%parallel_loop3A_1044, %parallel_loop3A_1045, %parallel_loop3A_1046] {strides = array<i32>} : memref<8x8x128xf32, #tpu.memory_space<vmem>>, vector<16xf32>,
          tpu.vector_store %arg10[%parallel_loop3A_1044, %parallel_loop3A_1045, %parallel_loop3A_1046], %parallel_loop3A_1003 {strides = array<i32>} : memref<8x8x128xf32, #tpu.memory_space<vmem>>, vector<16xf32>,
          %parallel_loop3A_1048 = tpu.vector_load_idx %arg8[%add3A_21, %parallel_loop3A_859] : memref<128x64xf32, #tpu.memory_space<vmem>>[vector<16xi32>, vector<16xi32>], vector<16xf32>,
          %parallel_loop3A_1049 = arith.mulf %parallel_loop3A_1048, %select_n3A_819 : vector<16xf32>
          %parallel_loop3A_1050 = arith.addf %parallel_loop3A_1049, %parallel_loop3A_858 : vector<16xf32>
          %parallel_loop3A_1051 = arith.constant 8 : i32
          %parallel_loop3A_1052 = arith.divsi %parallel_loop3A_855, %parallel_loop3A_1051 : i32
          %parallel_loop3A_1053 = arith.constant 0 : i32
          %parallel_loop3A_1054 = arith.cmpi sgt, %parallel_loop3A_855, %parallel_loop3A_1053 : i32
          %parallel_loop3A_1055 = arith.extui %parallel_loop3A_1054 : i1 to i32
          %parallel_loop3A_1056 = arith.constant 0 : i32
          %parallel_loop3A_1057 = arith.cmpi slt, %parallel_loop3A_855, %parallel_loop3A_1056 : i32
          %parallel_loop3A_1058 = arith.extui %parallel_loop3A_1057 : i1 to i32
          %parallel_loop3A_1059 = arith.subi %parallel_loop3A_1055, %parallel_loop3A_1058 : i32
          %parallel_loop3A_1060 = arith.constant 0 : i32
          %parallel_loop3A_1061 = arith.cmpi sgt, %parallel_loop3A_1051, %parallel_loop3A_1060 : i32
          %parallel_loop3A_1062 = arith.extui %parallel_loop3A_1061 : i1 to i32
          %parallel_loop3A_1063 = arith.constant 0 : i32
          %parallel_loop3A_1064 = arith.cmpi slt, %parallel_loop3A_1051, %parallel_loop3A_1063 : i32
          %parallel_loop3A_1065 = arith.extui %parallel_loop3A_1064 : i1 to i32
          %parallel_loop3A_1066 = arith.subi %parallel_loop3A_1062, %parallel_loop3A_1065 : i32
          %parallel_loop3A_1067 = arith.cmpi ne, %parallel_loop3A_1059, %parallel_loop3A_1066 : i32
          %parallel_loop3A_1068 = arith.remsi %parallel_loop3A_855, %parallel_loop3A_1051 : i32
          %parallel_loop3A_1069 = arith.constant 0 : i32
          %parallel_loop3A_1070 = arith.cmpi ne, %parallel_loop3A_1068, %parallel_loop3A_1069 : i32
          %parallel_loop3A_1071 = arith.andi %parallel_loop3A_1067, %parallel_loop3A_1070 : i1
          %parallel_loop3A_1072 = arith.constant 1 : i32
          %parallel_loop3A_1073 = arith.subi %parallel_loop3A_1052, %parallel_loop3A_1072 : i32
          %parallel_loop3A_1074 = arith.select %parallel_loop3A_1071, %parallel_loop3A_1073, %parallel_loop3A_1052 : i32
          %parallel_loop3A_1075 = arith.constant 8 : i32
          %parallel_loop3A_1076 = arith.constant 0 : i32
          %parallel_loop3A_1077 = arith.cmpi eq, %parallel_loop3A_1075, %parallel_loop3A_1076 : i32
          %parallel_loop3A_1078 = arith.constant 1 : i32
          %parallel_loop3A_1079 = arith.select %parallel_loop3A_1077, %parallel_loop3A_1078, %parallel_loop3A_1075 : i32
          %parallel_loop3A_1080 = arith.remsi %parallel_loop3A_855, %parallel_loop3A_1079 : i32
          %parallel_loop3A_1081 = arith.constant 0 : i32
          %parallel_loop3A_1082 = arith.cmpi ne, %parallel_loop3A_1080, %parallel_loop3A_1081 : i32
          %parallel_loop3A_1083 = arith.constant 0 : i32
          %parallel_loop3A_1084 = arith.cmpi slt, %parallel_loop3A_1080, %parallel_loop3A_1083 : i32
          %parallel_loop3A_1085 = arith.constant 0 : i32
          %parallel_loop3A_1086 = arith.cmpi slt, %parallel_loop3A_1079, %parallel_loop3A_1085 : i32
          %parallel_loop3A_1087 = arith.xori %parallel_loop3A_1084, %parallel_loop3A_1086 : i1
          %parallel_loop3A_1088 = arith.andi %parallel_loop3A_1087, %parallel_loop3A_1082 : i1
          %parallel_loop3A_1089 = arith.addi %parallel_loop3A_1080, %parallel_loop3A_1079 : i32
          %parallel_loop3A_1090 = arith.select %parallel_loop3A_1088, %parallel_loop3A_1089, %parallel_loop3A_1080 : i32
          %parallel_loop3A_1091 = arith.index_cast %parallel_loop3A_1074 : i32 to index
          %parallel_loop3A_1092 = arith.index_cast %parallel_loop3A_1090 : i32 to index
          %parallel_loop3A_1093 = arith.constant 64 : index
          %parallel_loop3A_1094 = tpu.vector_load %arg10[%parallel_loop3A_1091, %parallel_loop3A_1092, %parallel_loop3A_1093] {strides = array<i32>} : memref<8x8x128xf32, #tpu.memory_space<vmem>>, vector<16xf32>,
          tpu.vector_store %arg10[%parallel_loop3A_1091, %parallel_loop3A_1092, %parallel_loop3A_1093], %parallel_loop3A_1050 {strides = array<i32>} : memref<8x8x128xf32, #tpu.memory_space<vmem>>, vector<16xf32>,
          %parallel_loop3A_1095 = tpu.vector_load_idx %arg8[%add3A_25, %parallel_loop3A_859] : memref<128x64xf32, #tpu.memory_space<vmem>>[vector<16xi32>, vector<16xi32>], vector<16xf32>,
          %parallel_loop3A_1096 = arith.mulf %parallel_loop3A_1095, %select_n3A_830 : vector<16xf32>
          %parallel_loop3A_1097 = arith.addf %parallel_loop3A_1096, %parallel_loop3A_858 : vector<16xf32>
          %parallel_loop3A_1098 = arith.constant 8 : i32
          %parallel_loop3A_1099 = arith.divsi %parallel_loop3A_855, %parallel_loop3A_1098 : i32
          %parallel_loop3A_1100 = arith.constant 0 : i32
          %parallel_loop3A_1101 = arith.cmpi sgt, %parallel_loop3A_855, %parallel_loop3A_1100 : i32
          %parallel_loop3A_1102 = arith.extui %parallel_loop3A_1101 : i1 to i32
          %parallel_loop3A_1103 = arith.constant 0 : i32
          %parallel_loop3A_1104 = arith.cmpi slt, %parallel_loop3A_855, %parallel_loop3A_1103 : i32
          %parallel_loop3A_1105 = arith.extui %parallel_loop3A_1104 : i1 to i32
          %parallel_loop3A_1106 = arith.subi %parallel_loop3A_1102, %parallel_loop3A_1105 : i32
          %parallel_loop3A_1107 = arith.constant 0 : i32
          %parallel_loop3A_1108 = arith.cmpi sgt, %parallel_loop3A_1098, %parallel_loop3A_1107 : i32
          %parallel_loop3A_1109 = arith.extui %parallel_loop3A_1108 : i1 to i32
          %parallel_loop3A_1110 = arith.constant 0 : i32
          %parallel_loop3A_1111 = arith.cmpi slt, %parallel_loop3A_1098, %parallel_loop3A_1110 : i32
          %parallel_loop3A_1112 = arith.extui %parallel_loop3A_1111 : i1 to i32
          %parallel_loop3A_1113 = arith.subi %parallel_loop3A_1109, %parallel_loop3A_1112 : i32
          %parallel_loop3A_1114 = arith.cmpi ne, %parallel_loop3A_1106, %parallel_loop3A_1113 : i32
          %parallel_loop3A_1115 = arith.remsi %parallel_loop3A_855, %parallel_loop3A_1098 : i32
          %parallel_loop3A_1116 = arith.constant 0 : i32
          %parallel_loop3A_1117 = arith.cmpi ne, %parallel_loop3A_1115, %parallel_loop3A_1116 : i32
          %parallel_loop3A_1118 = arith.andi %parallel_loop3A_1114, %parallel_loop3A_1117 : i1
          %parallel_loop3A_1119 = arith.constant 1 : i32
          %parallel_loop3A_1120 = arith.subi %parallel_loop3A_1099, %parallel_loop3A_1119 : i32
          %parallel_loop3A_1121 = arith.select %parallel_loop3A_1118, %parallel_loop3A_1120, %parallel_loop3A_1099 : i32
          %parallel_loop3A_1122 = arith.constant 8 : i32
          %parallel_loop3A_1123 = arith.constant 0 : i32
          %parallel_loop3A_1124 = arith.cmpi eq, %parallel_loop3A_1122, %parallel_loop3A_1123 : i32
          %parallel_loop3A_1125 = arith.constant 1 : i32
          %parallel_loop3A_1126 = arith.select %parallel_loop3A_1124, %parallel_loop3A_1125, %parallel_loop3A_1122 : i32
          %parallel_loop3A_1127 = arith.remsi %parallel_loop3A_855, %parallel_loop3A_1126 : i32
          %parallel_loop3A_1128 = arith.constant 0 : i32
          %parallel_loop3A_1129 = arith.cmpi ne, %parallel_loop3A_1127, %parallel_loop3A_1128 : i32
          %parallel_loop3A_1130 = arith.constant 0 : i32
          %parallel_loop3A_1131 = arith.cmpi slt, %parallel_loop3A_1127, %parallel_loop3A_1130 : i32
          %parallel_loop3A_1132 = arith.constant 0 : i32
          %parallel_loop3A_1133 = arith.cmpi slt, %parallel_loop3A_1126, %parallel_loop3A_1132 : i32
          %parallel_loop3A_1134 = arith.xori %parallel_loop3A_1131, %parallel_loop3A_1133 : i1
          %parallel_loop3A_1135 = arith.andi %parallel_loop3A_1134, %parallel_loop3A_1129 : i1
          %parallel_loop3A_1136 = arith.addi %parallel_loop3A_1127, %parallel_loop3A_1126 : i32
          %parallel_loop3A_1137 = arith.select %parallel_loop3A_1135, %parallel_loop3A_1136, %parallel_loop3A_1127 : i32
          %parallel_loop3A_1138 = arith.index_cast %parallel_loop3A_1121 : i32 to index
          %parallel_loop3A_1139 = arith.index_cast %parallel_loop3A_1137 : i32 to index
          %parallel_loop3A_1140 = arith.constant 80 : index
          %parallel_loop3A_1141 = tpu.vector_load %arg10[%parallel_loop3A_1138, %parallel_loop3A_1139, %parallel_loop3A_1140] {strides = array<i32>} : memref<8x8x128xf32, #tpu.memory_space<vmem>>, vector<16xf32>,
          tpu.vector_store %arg10[%parallel_loop3A_1138, %parallel_loop3A_1139, %parallel_loop3A_1140], %parallel_loop3A_1097 {strides = array<i32>} : memref<8x8x128xf32, #tpu.memory_space<vmem>>, vector<16xf32>,
          %parallel_loop3A_1142 = tpu.vector_load_idx %arg8[%add3A_29, %parallel_loop3A_859] : memref<128x64xf32, #tpu.memory_space<vmem>>[vector<16xi32>, vector<16xi32>], vector<16xf32>,
          %parallel_loop3A_1143 = arith.mulf %parallel_loop3A_1142, %select_n3A_841 : vector<16xf32>
          %parallel_loop3A_1144 = arith.addf %parallel_loop3A_1143, %parallel_loop3A_858 : vector<16xf32>
          %parallel_loop3A_1145 = arith.constant 8 : i32
          %parallel_loop3A_1146 = arith.divsi %parallel_loop3A_855, %parallel_loop3A_1145 : i32
          %parallel_loop3A_1147 = arith.constant 0 : i32
          %parallel_loop3A_1148 = arith.cmpi sgt, %parallel_loop3A_855, %parallel_loop3A_1147 : i32
          %parallel_loop3A_1149 = arith.extui %parallel_loop3A_1148 : i1 to i32
          %parallel_loop3A_1150 = arith.constant 0 : i32
          %parallel_loop3A_1151 = arith.cmpi slt, %parallel_loop3A_855, %parallel_loop3A_1150 : i32
          %parallel_loop3A_1152 = arith.extui %parallel_loop3A_1151 : i1 to i32
          %parallel_loop3A_1153 = arith.subi %parallel_loop3A_1149, %parallel_loop3A_1152 : i32
          %parallel_loop3A_1154 = arith.constant 0 : i32
          %parallel_loop3A_1155 = arith.cmpi sgt, %parallel_loop3A_1145, %parallel_loop3A_1154 : i32
          %parallel_loop3A_1156 = arith.extui %parallel_loop3A_1155 : i1 to i32
          %parallel_loop3A_1157 = arith.constant 0 : i32
          %parallel_loop3A_1158 = arith.cmpi slt, %parallel_loop3A_1145, %parallel_loop3A_1157 : i32
          %parallel_loop3A_1159 = arith.extui %parallel_loop3A_1158 : i1 to i32
          %parallel_loop3A_1160 = arith.subi %parallel_loop3A_1156, %parallel_loop3A_1159 : i32
          %parallel_loop3A_1161 = arith.cmpi ne, %parallel_loop3A_1153, %parallel_loop3A_1160 : i32
          %parallel_loop3A_1162 = arith.remsi %parallel_loop3A_855, %parallel_loop3A_1145 : i32
          %parallel_loop3A_1163 = arith.constant 0 : i32
          %parallel_loop3A_1164 = arith.cmpi ne, %parallel_loop3A_1162, %parallel_loop3A_1163 : i32
          %parallel_loop3A_1165 = arith.andi %parallel_loop3A_1161, %parallel_loop3A_1164 : i1
          %parallel_loop3A_1166 = arith.constant 1 : i32
          %parallel_loop3A_1167 = arith.subi %parallel_loop3A_1146, %parallel_loop3A_1166 : i32
          %parallel_loop3A_1168 = arith.select %parallel_loop3A_1165, %parallel_loop3A_1167, %parallel_loop3A_1146 : i32
          %parallel_loop3A_1169 = arith.constant 8 : i32
          %parallel_loop3A_1170 = arith.constant 0 : i32
          %parallel_loop3A_1171 = arith.cmpi eq, %parallel_loop3A_1169, %parallel_loop3A_1170 : i32
          %parallel_loop3A_1172 = arith.constant 1 : i32
          %parallel_loop3A_1173 = arith.select %parallel_loop3A_1171, %parallel_loop3A_1172, %parallel_loop3A_1169 : i32
          %parallel_loop3A_1174 = arith.remsi %parallel_loop3A_855, %parallel_loop3A_1173 : i32
          %parallel_loop3A_1175 = arith.constant 0 : i32
          %parallel_loop3A_1176 = arith.cmpi ne, %parallel_loop3A_1174, %parallel_loop3A_1175 : i32
          %parallel_loop3A_1177 = arith.constant 0 : i32
          %parallel_loop3A_1178 = arith.cmpi slt, %parallel_loop3A_1174, %parallel_loop3A_1177 : i32
          %parallel_loop3A_1179 = arith.constant 0 : i32
          %parallel_loop3A_1180 = arith.cmpi slt, %parallel_loop3A_1173, %parallel_loop3A_1179 : i32
          %parallel_loop3A_1181 = arith.xori %parallel_loop3A_1178, %parallel_loop3A_1180 : i1
          %parallel_loop3A_1182 = arith.andi %parallel_loop3A_1181, %parallel_loop3A_1176 : i1
          %parallel_loop3A_1183 = arith.addi %parallel_loop3A_1174, %parallel_loop3A_1173 : i32
          %parallel_loop3A_1184 = arith.select %parallel_loop3A_1182, %parallel_loop3A_1183, %parallel_loop3A_1174 : i32
          %parallel_loop3A_1185 = arith.index_cast %parallel_loop3A_1168 : i32 to index
          %parallel_loop3A_1186 = arith.index_cast %parallel_loop3A_1184 : i32 to index
          %parallel_loop3A_1187 = arith.constant 96 : index
          %parallel_loop3A_1188 = tpu.vector_load %arg10[%parallel_loop3A_1185, %parallel_loop3A_1186, %parallel_loop3A_1187] {strides = array<i32>} : memref<8x8x128xf32, #tpu.memory_space<vmem>>, vector<16xf32>,
          tpu.vector_store %arg10[%parallel_loop3A_1185, %parallel_loop3A_1186, %parallel_loop3A_1187], %parallel_loop3A_1144 {strides = array<i32>} : memref<8x8x128xf32, #tpu.memory_space<vmem>>, vector<16xf32>,
          %parallel_loop3A_1189 = tpu.vector_load_idx %arg8[%add3A_33, %parallel_loop3A_859] : memref<128x64xf32, #tpu.memory_space<vmem>>[vector<16xi32>, vector<16xi32>], vector<16xf32>,
          %parallel_loop3A_1190 = arith.mulf %parallel_loop3A_1189, %select_n3A_852 : vector<16xf32>
          %parallel_loop3A_1191 = arith.addf %parallel_loop3A_1190, %parallel_loop3A_858 : vector<16xf32>
          %parallel_loop3A_1192 = arith.constant 8 : i32
          %parallel_loop3A_1193 = arith.divsi %parallel_loop3A_855, %parallel_loop3A_1192 : i32
          %parallel_loop3A_1194 = arith.constant 0 : i32
          %parallel_loop3A_1195 = arith.cmpi sgt, %parallel_loop3A_855, %parallel_loop3A_1194 : i32
          %parallel_loop3A_1196 = arith.extui %parallel_loop3A_1195 : i1 to i32
          %parallel_loop3A_1197 = arith.constant 0 : i32
          %parallel_loop3A_1198 = arith.cmpi slt, %parallel_loop3A_855, %parallel_loop3A_1197 : i32
          %parallel_loop3A_1199 = arith.extui %parallel_loop3A_1198 : i1 to i32
          %parallel_loop3A_1200 = arith.subi %parallel_loop3A_1196, %parallel_loop3A_1199 : i32
          %parallel_loop3A_1201 = arith.constant 0 : i32
          %parallel_loop3A_1202 = arith.cmpi sgt, %parallel_loop3A_1192, %parallel_loop3A_1201 : i32
          %parallel_loop3A_1203 = arith.extui %parallel_loop3A_1202 : i1 to i32
          %parallel_loop3A_1204 = arith.constant 0 : i32
          %parallel_loop3A_1205 = arith.cmpi slt, %parallel_loop3A_1192, %parallel_loop3A_1204 : i32
          %parallel_loop3A_1206 = arith.extui %parallel_loop3A_1205 : i1 to i32
          %parallel_loop3A_1207 = arith.subi %parallel_loop3A_1203, %parallel_loop3A_1206 : i32
          %parallel_loop3A_1208 = arith.cmpi ne, %parallel_loop3A_1200, %parallel_loop3A_1207 : i32
          %parallel_loop3A_1209 = arith.remsi %parallel_loop3A_855, %parallel_loop3A_1192 : i32
          %parallel_loop3A_1210 = arith.constant 0 : i32
          %parallel_loop3A_1211 = arith.cmpi ne, %parallel_loop3A_1209, %parallel_loop3A_1210 : i32
          %parallel_loop3A_1212 = arith.andi %parallel_loop3A_1208, %parallel_loop3A_1211 : i1
          %parallel_loop3A_1213 = arith.constant 1 : i32
          %parallel_loop3A_1214 = arith.subi %parallel_loop3A_1193, %parallel_loop3A_1213 : i32
          %parallel_loop3A_1215 = arith.select %parallel_loop3A_1212, %parallel_loop3A_1214, %parallel_loop3A_1193 : i32
          %parallel_loop3A_1216 = arith.constant 8 : i32
          %parallel_loop3A_1217 = arith.constant 0 : i32
          %parallel_loop3A_1218 = arith.cmpi eq, %parallel_loop3A_1216, %parallel_loop3A_1217 : i32
          %parallel_loop3A_1219 = arith.constant 1 : i32
          %parallel_loop3A_1220 = arith.select %parallel_loop3A_1218, %parallel_loop3A_1219, %parallel_loop3A_1216 : i32
          %parallel_loop3A_1221 = arith.remsi %parallel_loop3A_855, %parallel_loop3A_1220 : i32
          %parallel_loop3A_1222 = arith.constant 0 : i32
          %parallel_loop3A_1223 = arith.cmpi ne, %parallel_loop3A_1221, %parallel_loop3A_1222 : i32
          %parallel_loop3A_1224 = arith.constant 0 : i32
          %parallel_loop3A_1225 = arith.cmpi slt, %parallel_loop3A_1221, %parallel_loop3A_1224 : i32
          %parallel_loop3A_1226 = arith.constant 0 : i32
          %parallel_loop3A_1227 = arith.cmpi slt, %parallel_loop3A_1220, %parallel_loop3A_1226 : i32
          %parallel_loop3A_1228 = arith.xori %parallel_loop3A_1225, %parallel_loop3A_1227 : i1
          %parallel_loop3A_1229 = arith.andi %parallel_loop3A_1228, %parallel_loop3A_1223 : i1
          %parallel_loop3A_1230 = arith.addi %parallel_loop3A_1221, %parallel_loop3A_1220 : i32
          %parallel_loop3A_1231 = arith.select %parallel_loop3A_1229, %parallel_loop3A_1230, %parallel_loop3A_1221 : i32
          %parallel_loop3A_1232 = arith.index_cast %parallel_loop3A_1215 : i32 to index
          %parallel_loop3A_1233 = arith.index_cast %parallel_loop3A_1231 : i32 to index
          %parallel_loop3A_1234 = arith.constant 112 : index
          %parallel_loop3A_1235 = tpu.vector_load %arg10[%parallel_loop3A_1232, %parallel_loop3A_1233, %parallel_loop3A_1234] {strides = array<i32>} : memref<8x8x128xf32, #tpu.memory_space<vmem>>, vector<16xf32>,
          tpu.vector_store %arg10[%parallel_loop3A_1232, %parallel_loop3A_1233, %parallel_loop3A_1234], %parallel_loop3A_1191 {strides = array<i32>} : memref<8x8x128xf32, #tpu.memory_space<vmem>>, vector<16xf32>,
        } {sc.loop_unroll_factor = 2 : i64, sc.parallel_access}
      } else {
      }
      %jit3A_659 = arith.constant 64 : i32
      %div3A_660 = arith.divsi %add3A_102, %jit3A_659 : i32
      %sign3A_661 = arith.constant 0 : i32
      %sign3A_662 = arith.cmpi sgt, %add3A_102, %sign3A_661 : i32
      %sign3A_663 = arith.extui %sign3A_662 : i1 to i32
      %sign3A_664 = arith.constant 0 : i32
      %sign3A_665 = arith.cmpi slt, %add3A_102, %sign3A_664 : i32
      %sign3A_666 = arith.extui %sign3A_665 : i1 to i32
      %sign3A_667 = arith.subi %sign3A_663, %sign3A_666 : i32
      %sign3A_668 = arith.constant 0 : i32
      %sign3A_669 = arith.cmpi sgt, %jit3A_659, %sign3A_668 : i32
      %sign3A_670 = arith.extui %sign3A_669 : i1 to i32
      %sign3A_671 = arith.constant 0 : i32
      %sign3A_672 = arith.cmpi slt, %jit3A_659, %sign3A_671 : i32
      %sign3A_673 = arith.extui %sign3A_672 : i1 to i32
      %sign3A_674 = arith.subi %sign3A_670, %sign3A_673 : i32
      %ne3A_675 = arith.cmpi ne, %sign3A_667, %sign3A_674 : i32
      %rem3A_676 = arith.remsi %add3A_102, %jit3A_659 : i32
      %ne3A_677 = arith.constant 0 : i32
      %ne3A_678 = arith.cmpi ne, %rem3A_676, %ne3A_677 : i32
      %and3A_679 = arith.andi %ne3A_675, %ne3A_678 : i1
      %sub3A_680 = arith.constant 1 : i32
      %sub3A_681 = arith.subi %div3A_660, %sub3A_680 : i32
      %select_n3A_682 = arith.select %and3A_679, %sub3A_681, %div3A_660 : i32
      %mul3A_683 = arith.constant 8 : i32
      %mul3A_684 = arith.muli %select_n3A_682, %mul3A_683 : i32
      %jit3A_685 = arith.constant 8 : i32
      %eq3A_686 = arith.constant 0 : i32
      %eq3A_687 = arith.cmpi eq, %jit3A_685, %eq3A_686 : i32
      %jit3A_688 = arith.constant 1 : i32
      %select_n3A_689 = arith.select %eq3A_687, %jit3A_688, %jit3A_685 : i32
      %rem3A_690 = arith.remsi %add3A_102, %select_n3A_689 : i32
      %ne3A_691 = arith.constant 0 : i32
      %ne3A_692 = arith.cmpi ne, %rem3A_690, %ne3A_691 : i32
      %lt3A_693 = arith.constant 0 : i32
      %lt3A_694 = arith.cmpi slt, %rem3A_690, %lt3A_693 : i32
      %lt3A_695 = arith.constant 0 : i32
      %lt3A_696 = arith.cmpi slt, %select_n3A_689, %lt3A_695 : i32
      %ne3A_697 = arith.xori %lt3A_694, %lt3A_696 : i1
      %and3A_698 = arith.andi %ne3A_697, %ne3A_692 : i1
      %add3A_699 = arith.addi %rem3A_690, %select_n3A_689 : i32
      %select_n3A_700 = arith.select %and3A_698, %add3A_699, %rem3A_690 : i32
      %add3A_701 = arith.addi %mul3A_684, %select_n3A_700 : i32
      %jit3A_702 = arith.constant 64 : i32
      %eq3A_703 = arith.constant 0 : i32
      %eq3A_704 = arith.cmpi eq, %jit3A_702, %eq3A_703 : i32
      %jit3A_705 = arith.constant 1 : i32
      %select_n3A_706 = arith.select %eq3A_704, %jit3A_705, %jit3A_702 : i32
      %rem3A_707 = arith.remsi %add3A_102, %select_n3A_706 : i32
      %ne3A_708 = arith.constant 0 : i32
      %ne3A_709 = arith.cmpi ne, %rem3A_707, %ne3A_708 : i32
      %lt3A_710 = arith.constant 0 : i32
      %lt3A_711 = arith.cmpi slt, %rem3A_707, %lt3A_710 : i32
      %lt3A_712 = arith.constant 0 : i32
      %lt3A_713 = arith.cmpi slt, %select_n3A_706, %lt3A_712 : i32
      %ne3A_714 = arith.xori %lt3A_711, %lt3A_713 : i1
      %and3A_715 = arith.andi %ne3A_714, %ne3A_709 : i1
      %add3A_716 = arith.addi %rem3A_707, %select_n3A_706 : i32
      %select_n3A_717 = arith.select %and3A_715, %add3A_716, %rem3A_707 : i32
      %jit3A_718 = arith.constant 8 : i32
      %div3A_719 = arith.divsi %select_n3A_717, %jit3A_718 : i32
      %sign3A_720 = arith.constant 0 : i32
      %sign3A_721 = arith.cmpi sgt, %select_n3A_717, %sign3A_720 : i32
      %sign3A_722 = arith.extui %sign3A_721 : i1 to i32
      %sign3A_723 = arith.constant 0 : i32
      %sign3A_724 = arith.cmpi slt, %select_n3A_717, %sign3A_723 : i32
      %sign3A_725 = arith.extui %sign3A_724 : i1 to i32
      %sign3A_726 = arith.subi %sign3A_722, %sign3A_725 : i32
      %sign3A_727 = arith.constant 0 : i32
      %sign3A_728 = arith.cmpi sgt, %jit3A_718, %sign3A_727 : i32
      %sign3A_729 = arith.extui %sign3A_728 : i1 to i32
      %sign3A_730 = arith.constant 0 : i32
      %sign3A_731 = arith.cmpi slt, %jit3A_718, %sign3A_730 : i32
      %sign3A_732 = arith.extui %sign3A_731 : i1 to i32
      %sign3A_733 = arith.subi %sign3A_729, %sign3A_732 : i32
      %ne3A_734 = arith.cmpi ne, %sign3A_726, %sign3A_733 : i32
      %rem3A_735 = arith.remsi %select_n3A_717, %jit3A_718 : i32
      %ne3A_736 = arith.constant 0 : i32
      %ne3A_737 = arith.cmpi ne, %rem3A_735, %ne3A_736 : i32
      %and3A_738 = arith.andi %ne3A_734, %ne3A_737 : i1
      %sub3A_739 = arith.constant 1 : i32
      %sub3A_740 = arith.subi %div3A_719, %sub3A_739 : i32
      %select_n3A_741 = arith.select %and3A_738, %sub3A_740, %div3A_719 : i32
      %dma_start3A_742 = arith.constant 0 : i32
      %dma_start3A_743 = arith.constant 0 : i32
      %dma_start3A_744 = arith.constant 0 : i32
      %dma_start3A_745 = arith.constant 0 : i32
      %dma_start3A_746 = tpu.memref_slice %arg5[%add3A_701, %dma_start3A_742, %dma_start3A_743, %dma_start3A_744, %dma_start3A_745] : memref<200x8x8x8x128xf32, #tpu.memory_space<hbm>> -> memref<1x8x8x8x128xf32, #tpu.memory_space<hbm>>
      %dma_start3A_747 = tpu.memref_squeeze %dma_start3A_746 : memref<1x8x8x8x128xf32, #tpu.memory_space<hbm>> -> memref<8x8x8x128xf32, #tpu.memory_space<hbm>>
      %dma_start3A_748 = arith.constant 0 : i32
      %dma_start3A_749 = arith.constant 0 : i32
      %dma_start3A_750 = arith.constant 0 : i32
      %dma_start3A_751 = tpu.memref_slice %dma_start3A_747[%dma_start3A_748, %select_n3A_741, %dma_start3A_749, %dma_start3A_750] : memref<8x8x8x128xf32, #tpu.memory_space<hbm>> -> memref<8x1x8x128xf32, #tpu.memory_space<hbm>>
      %dma_start3A_752 = tpu.memref_squeeze %dma_start3A_751 : memref<8x1x8x128xf32, #tpu.memory_space<hbm>> -> memref<8x8x128xf32, #tpu.memory_space<hbm>>
      %dma_start3A_753 = arith.constant 0 : i32
      %dma_start3A_754 = arith.constant 0 : i32
      %dma_start3A_755 = arith.constant 0 : i32
      %dma_start3A_756 = arith.constant 0 : i32
      %dma_start3A_757 = tpu.memref_slice %arg5[%add3A_701, %dma_start3A_753, %dma_start3A_754, %dma_start3A_755, %dma_start3A_756] : memref<200x8x8x8x128xf32, #tpu.memory_space<hbm>> -> memref<1x8x8x8x128xf32, #tpu.memory_space<hbm>>
      %dma_start3A_758 = tpu.memref_squeeze %dma_start3A_757 : memref<1x8x8x8x128xf32, #tpu.memory_space<hbm>> -> memref<8x8x8x128xf32, #tpu.memory_space<hbm>>
      %dma_start3A_759 = arith.constant 0 : i32
      %dma_start3A_760 = arith.constant 0 : i32
      %dma_start3A_761 = arith.constant 0 : i32
      %dma_start3A_762 = tpu.memref_slice %dma_start3A_758[%dma_start3A_759, %select_n3A_741, %dma_start3A_760, %dma_start3A_761] : memref<8x8x8x128xf32, #tpu.memory_space<hbm>> -> memref<8x1x8x128xf32, #tpu.memory_space<hbm>>
      %dma_start3A_763 = tpu.memref_squeeze %dma_start3A_762 : memref<8x1x8x128xf32, #tpu.memory_space<hbm>> -> memref<8x8x128xf32, #tpu.memory_space<hbm>>
      tpu.enqueue_dma source(%arg10 : memref<8x8x128xf32, #tpu.memory_space<vmem>>) target(%dma_start3A_763 : memref<8x8x128xf32, #tpu.memory_space<hbm>>) target_semaphore(%arg15 : memref<!tpu.dma_semaphore, #tpu.memory_space<semaphore_mem>>)
      %scan3A_764 = arith.constant 0 : i32
      scf.yield %scan3A_764 : i32
    }
    %scan3A_45 = arith.constant 25 : i32
    %dma_wait3A = arith.constant 0 : i32
    %dma_wait3A_46 = arith.constant 0 : i32
    %dma_wait3A_47 = arith.constant 0 : i32
    %dma_wait3A_48 = arith.constant 0 : i32
    %dma_wait3A_49 = arith.constant 0 : i32
    %dma_wait3A_50 = arith.constant 0 : i32
    %dma_wait3A_51 = tpu.memref_slice %arg5[%dma_wait3A, %dma_wait3A_47, %dma_wait3A_48, %dma_wait3A_49, %dma_wait3A_50] : memref<200x8x8x8x128xf32, #tpu.memory_space<hbm>> -> memref<1x8x8x8x128xf32, #tpu.memory_space<hbm>>
    %dma_wait3A_52 = tpu.memref_squeeze %dma_wait3A_51 : memref<1x8x8x8x128xf32, #tpu.memory_space<hbm>> -> memref<8x8x8x128xf32, #tpu.memory_space<hbm>>
    %dma_wait3A_53 = arith.constant 0 : i32
    %dma_wait3A_54 = arith.constant 0 : i32
    %dma_wait3A_55 = arith.constant 0 : i32
    %dma_wait3A_56 = tpu.memref_slice %dma_wait3A_52[%dma_wait3A_53, %dma_wait3A_46, %dma_wait3A_54, %dma_wait3A_55] : memref<8x8x8x128xf32, #tpu.memory_space<hbm>> -> memref<8x1x8x128xf32, #tpu.memory_space<hbm>>
    %dma_wait3A_57 = tpu.memref_squeeze %dma_wait3A_56 : memref<8x1x8x128xf32, #tpu.memory_space<hbm>> -> memref<8x8x128xf32, #tpu.memory_space<hbm>>
    %dma_wait3A_58 = arith.constant 0 : i32
    %dma_wait3A_59 = arith.constant 0 : i32
    %dma_wait3A_60 = arith.constant 0 : i32
    %dma_wait3A_61 = arith.constant 0 : i32
    %dma_wait3A_62 = tpu.memref_slice %arg5[%dma_wait3A, %dma_wait3A_58, %dma_wait3A_59, %dma_wait3A_60, %dma_wait3A_61] : memref<200x8x8x8x128xf32, #tpu.memory_space<hbm>> -> memref<1x8x8x8x128xf32, #tpu.memory_space<hbm>>
    %dma_wait3A_63 = tpu.memref_squeeze %dma_wait3A_62 : memref<1x8x8x8x128xf32, #tpu.memory_space<hbm>> -> memref<8x8x8x128xf32, #tpu.memory_space<hbm>>
    %dma_wait3A_64 = arith.constant 0 : i32
    %dma_wait3A_65 = arith.constant 0 : i32
    %dma_wait3A_66 = arith.constant 0 : i32
    %dma_wait3A_67 = tpu.memref_slice %dma_wait3A_63[%dma_wait3A_64, %dma_wait3A_46, %dma_wait3A_65, %dma_wait3A_66] : memref<8x8x8x128xf32, #tpu.memory_space<hbm>> -> memref<8x1x8x128xf32, #tpu.memory_space<hbm>>
    %dma_wait3A_68 = tpu.memref_squeeze %dma_wait3A_67 : memref<8x1x8x128xf32, #tpu.memory_space<hbm>> -> memref<8x8x128xf32, #tpu.memory_space<hbm>>
    tpu.wait_dma2 semaphore(%arg14 : memref<!tpu.dma_semaphore, #tpu.memory_space<semaphore_mem>>) src(%arg9 : memref<8x8x128xf32, #tpu.memory_space<vmem>>) dst(%dma_wait3A_68 : memref<8x8x128xf32, #tpu.memory_space<hbm>>)
    %dma_wait3A_69 = arith.constant 0 : i32
    %dma_wait3A_70 = arith.constant 0 : i32
    %dma_wait3A_71 = arith.constant 0 : i32
    %dma_wait3A_72 = arith.constant 0 : i32
    %dma_wait3A_73 = arith.constant 0 : i32
    %dma_wait3A_74 = arith.constant 0 : i32
    %dma_wait3A_75 = tpu.memref_slice %arg5[%dma_wait3A_69, %dma_wait3A_71, %dma_wait3A_72, %dma_wait3A_73, %dma_wait3A_74] : memref<200x8x8x8x128xf32, #tpu.memory_space<hbm>> -> memref<1x8x8x8x128xf32, #tpu.memory_space<hbm>>
    %dma_wait3A_76 = tpu.memref_squeeze %dma_wait3A_75 : memref<1x8x8x8x128xf32, #tpu.memory_space<hbm>> -> memref<8x8x8x128xf32, #tpu.memory_space<hbm>>
    %dma_wait3A_77 = arith.constant 0 : i32
    %dma_wait3A_78 = arith.constant 0 : i32
    %dma_wait3A_79 = arith.constant 0 : i32
    %dma_wait3A_80 = tpu.memref_slice %dma_wait3A_76[%dma_wait3A_77, %dma_wait3A_70, %dma_wait3A_78, %dma_wait3A_79] : memref<8x8x8x128xf32, #tpu.memory_space<hbm>> -> memref<8x1x8x128xf32, #tpu.memory_space<hbm>>
    %dma_wait3A_81 = tpu.memref_squeeze %dma_wait3A_80 : memref<8x1x8x128xf32, #tpu.memory_space<hbm>> -> memref<8x8x128xf32, #tpu.memory_space<hbm>>
    %dma_wait3A_82 = arith.constant 0 : i32
    %dma_wait3A_83 = arith.constant 0 : i32
    %dma_wait3A_84 = arith.constant 0 : i32
    %dma_wait3A_85 = arith.constant 0 : i32
    %dma_wait3A_86 = tpu.memref_slice %arg5[%dma_wait3A_69, %dma_wait3A_82, %dma_wait3A_83, %dma_wait3A_84, %dma_wait3A_85] : memref<200x8x8x8x128xf32, #tpu.memory_space<hbm>> -> memref<1x8x8x8x128xf32, #tpu.memory_space<hbm>>
    %dma_wait3A_87 = tpu.memref_squeeze %dma_wait3A_86 : memref<1x8x8x8x128xf32, #tpu.memory_space<hbm>> -> memref<8x8x8x128xf32, #tpu.memory_space<hbm>>
    %dma_wait3A_88 = arith.constant 0 : i32
    %dma_wait3A_89 = arith.constant 0 : i32
    %dma_wait3A_90 = arith.constant 0 : i32
    %dma_wait3A_91 = tpu.memref_slice %dma_wait3A_87[%dma_wait3A_88, %dma_wait3A_70, %dma_wait3A_89, %dma_wait3A_90] : memref<8x8x8x128xf32, #tpu.memory_space<hbm>> -> memref<8x1x8x128xf32, #tpu.memory_space<hbm>>
    %dma_wait3A_92 = tpu.memref_squeeze %dma_wait3A_91 : memref<8x1x8x128xf32, #tpu.memory_space<hbm>> -> memref<8x8x128xf32, #tpu.memory_space<hbm>>
    tpu.wait_dma2 semaphore(%arg15 : memref<!tpu.dma_semaphore, #tpu.memory_space<semaphore_mem>>) src(%arg10 : memref<8x8x128xf32, #tpu.memory_space<vmem>>) dst(%dma_wait3A_92 : memref<8x8x128xf32, #tpu.memory_space<hbm>>)
    return
  }
}

</mosaic_0001>

<sc_bundles>
// kernel: kernel.3.cloned.1.call-start
scs
__scs_entry_jumppad:
0x0: {  	(pc) =	sbr.rel $0x88, $3  }
0x1: {  	(tag) =	ssettag $0x0;
	lr =	simm.s32 $0x1  }
0x2: {  	[smem:$0x3F9F] =	sst lr;
	_ =	strace $0xD0000000  }
0x3: {  	_ = 	snop  }
0x4: {  	_ = 	snop  }
0x5: {  	_ = 	snop  }
0x6: {  	_ = 	snop  }
0x7: {  	_ = 	snop  }
__scs_overlays_trampoline_lowered:
0x8: {  	[smem:$0x3FAE] =	sst s0  }
0x9: {  	[smem:$0x3FAF] =	sst s1  }
0xa: {  	[smem:$0x3FB0] =	sst s2  }
0xb: {  	[smem:$0x3FB1] =	sst s3  }
0xc: {  	[smem:$0x3FB2] =	sst s4  }
0xd: {  	[smem:$0x3FB3] =	sst s5  }
0xe: {  	[smem:$0x3FB4] =	sst s6  }
0xf: {  	[smem:$0x3FB5] =	sst s7  }
0x10: {  	[smem:$0x3FB6] =	sst s8  }
0x11: {  	[smem:$0x3FB7] =	sst s9;
	s0 =	simm.s32 @!p0 $0x0  }
0x12: {  	s1 =	sld [smem:$0x3F9D];
	s0 =	simm.s32 @p0 $0x1  }
0x13: {  	[smem:$0x3FB8] =	sst s0;
	s0 =	simm.s32 @!p1 $0x0  }
0x14: {  	s2 =	sld [smem:$0x3F9C];
	s0 =	simm.s32 @p1 $0x1  }
0x15: {  	[smem:$0x3FB9] =	sst s0;
	s0 =	simm.s32 @!p2 $0x0  }
0x16: {  	s3 =	sld [smem:$0x3FDB];
	s0 =	simm.s32 @p2 $0x1  }
0x17: {  	s4 =	simm.s32 $0x1BF5;
	[smem:$0x3FBB] =	sst s0  }
0x18: {  	s0 =	sld [smem:$0x3F9E];
	_ =	swait.ge [sflag:s4], $0x0  }
0x19: {  	s7 =	sld [smem:$0x3F9F]  }
0x1a: {  	s8 =	sadd.s32 $0xFFFFE003, lr  }
0x1b: {  	s9 =	sadd.s32 $0xFFFFFEF7, lr;
	s5 =	simm.s32 $0xFFFFFFFF;
	p2 =	slt.u32 s8, $0xFFFFF086  }
0x1c: {  	p1 =	slt.u32 s9, $0xF7A;
	s5 =	simm.s32 @!p2 $0x0  }
0x1d: {  	s5 =	simm.s32 @p1 $0x1;
	p0 =	seq.s32 s7, s2  }
0x1e: {  	s7 =	smul.u32 @!p0 $0xF7A, s2;
	p2 =	seq.s32 @!p0 s5, $0x0  }
0x1f: {  	s9 =	smul.u32 $0xF7A, s1;
	s8 =	simm.s32 @!p0 $0x1BF5;
	p2 =	por !p2, p0  }
0x20: {  	[sflag:s8] =	ssyncset.s32 @!p0 $0xFFFFF086;
	s6 =	sadd.s32 @!p0 s3, s7;
	s7 =	simm.s32 @!p0 $0x108  }
0x21: {  	s3 =	sadd.s32 s3, s9;
	s6 =	sadd.s32 @!p0 $0x88, s6;
	s7 =	simm.s32 @p2 $0x1082  }
0x22: {  	[simem:s7], [sflag:s8] =	dma.local @!p0 [hbm:s6], $0xF7A  }
0x23: {  	s9 =	sor.u32 $0xD0000000, s2;
	s6 =	simm.s32 $0x108;
	_ =	swait.ge @!p0 [sflag:s8], $0x0  }
0x24: {  	s3 =	sadd.s32 $0x88, s3;
	s6 =	simm.s32 @!p1 $0x1082;
	[sflag:s4] =	ssyncset.s32 $0xFFFFF086  }
0x25: {  	[simem:s6], [sflag:s4] =	dma.local [hbm:s3], $0xF7A  }
0x26: {  	[smem:$0x3F9F] =	sst s1;
	(tag) =	ssettag s2;
	_ =	strace s9  }
0x27: {  	s1 =	sld [smem:$0x3FAF]  }
0x28: {  	s2 =	sld [smem:$0x3FB0]  }
0x29: {  	s4 =	sld [smem:$0x3FB2]  }
0x2a: {  	p0 =	seq.s32 s5, $0x0;
	s5 =	sld [smem:$0x3FB3]  }
0x2b: {  	s6 =	sld [smem:$0x3FB4]  }
0x2c: {  	s7 =	sld [smem:$0x3FB5]  }
0x2d: {  	s3 =	simm.s32 $0x108;
	s8 =	sld [smem:$0x3FB6]  }
0x2e: {  	s3 =	simm.s32 @!p0 $0x1082;
	s9 =	sld [smem:$0x3FB7]  }
0x2f: {  	lr =	sadd.s32 s0, s3;
	s0 =	sld [smem:$0x3FAE]  }
0x30: {  	s3 =	sld [smem:$0x3FB1]  }
0x31: {  	[smem:$0x3FBA] =	sst s10  }
0x32: {  	s10 =	sld [smem:$0x3FB8];
	_ =	sdelay $0x3  }
0x33: {  	p0 =	seq.s32 s10, $0x1;
	s10 =	sld [smem:$0x3FBA];
	_ =	sdelay $0x3  }
0x34: {  	[smem:$0x3FBA] =	sst s10  }
0x35: {  	s10 =	sld [smem:$0x3FB9];
	_ =	sdelay $0x3  }
0x36: {  	p1 =	seq.s32 s10, $0x1;
	s10 =	sld [smem:$0x3FBA];
	_ =	sdelay $0x3  }
0x37: {  	[smem:$0x3FBA] =	sst s10  }
0x38: {  	s10 =	sld [smem:$0x3FBB]  }
0x39: {  	_ = 	snop;
	(pc) =	sbr.ind lr, $3  }
0x3a: {  	_ = 	snop  }
0x3b: {  	_ = 	snop  }
0x3c: {  	p2 =	seq.s32 s10, $0x1;
	s10 =	sld [smem:$0x3FBA]  }
0x3d: {  	_ =	shalt  }
0x3e: {  	_ =	shalt  }
0x3f: {  	_ =	shalt  }
0x40: {  	_ =	shalt  }
0x41: {  	_ =	shalt  }
0x42: {  	_ =	shalt  }
0x43: {  	_ =	shalt  }
0x44: {  	_ =	shalt  }
0x45: {  	_ =	shalt  }
0x46: {  	_ =	shalt  }
0x47: {  	_ =	shalt  }
0x48: {  	_ =	shalt  }
0x49: {  	_ =	shalt  }
0x4a: {  	_ =	shalt  }
0x4b: {  	_ =	shalt  }
0x4c: {  	_ =	shalt  }
0x4d: {  	_ =	shalt  }
0x4e: {  	_ =	shalt  }
0x4f: {  	_ =	shalt  }
0x50: {  	_ =	shalt  }
0x51: {  	_ =	shalt  }
0x52: {  	_ =	shalt  }
0x53: {  	_ =	shalt  }
0x54: {  	_ =	shalt  }
0x55: {  	_ =	shalt  }
0x56: {  	_ =	shalt  }
0x57: {  	_ =	shalt  }
0x58: {  	_ =	shalt  }
0x59: {  	_ =	shalt  }
0x5a: {  	_ =	shalt  }
0x5b: {  	_ =	shalt  }
0x5c: {  	_ =	shalt  }
0x5d: {  	_ =	shalt  }
0x5e: {  	_ =	shalt  }
0x5f: {  	_ =	shalt  }
0x60: {  	_ =	shalt  }
0x61: {  	_ =	shalt  }
0x62: {  	_ =	shalt  }
0x63: {  	_ =	shalt  }
0x64: {  	_ =	shalt  }
0x65: {  	_ =	shalt  }
0x66: {  	_ =	shalt  }
0x67: {  	_ =	shalt  }
0x68: {  	_ =	shalt  }
0x69: {  	_ =	shalt  }
0x6a: {  	_ =	shalt  }
0x6b: {  	_ =	shalt  }
0x6c: {  	_ =	shalt  }
0x6d: {  	_ =	shalt  }
0x6e: {  	_ =	shalt  }
0x6f: {  	_ =	shalt  }
0x70: {  	_ =	shalt  }
0x71: {  	_ =	shalt  }
0x72: {  	_ =	shalt  }
0x73: {  	_ =	shalt  }
0x74: {  	_ =	shalt  }
0x75: {  	_ =	shalt  }
0x76: {  	_ =	shalt  }
0x77: {  	_ =	shalt  }
0x78: {  	_ =	shalt  }
0x79: {  	_ =	shalt  }
0x7a: {  	_ =	shalt  }
0x7b: {  	_ =	shalt  }
0x7c: {  	_ =	shalt  }
0x7d: {  	_ =	shalt  }
0x7e: {  	_ =	shalt  }
0x7f: {  	_ =	shalt  }
0x80: {  	_ =	shalt  }
0x81: {  	_ =	shalt  }
0x82: {  	_ =	shalt  }
0x83: {  	_ =	shalt  }
0x84: {  	_ =	shalt  }
0x85: {  	_ =	shalt  }
0x86: {  	_ =	shalt  }
0x87: {  	_ =	shalt  }
.Lfunc_end0:
.L_simem_size_0:
called_computation_lowered:
.L_overlay_start_0:
0x88: {  	s2 =	sld [smem:$0x3FD9]  }
0x89: {  	s3 =	sld [smem:$0x3FFE];
	_ =	sdelay $0x1  }
0x8a: {  	s1 =	srdreg.scid  }
0x8b: {  	s0 =	sand.u32 $0x1, s1  }
0x8c: {  	s17 =	sshll.u32 s0, $0xA;
	s2 =	sadd.s32 s3, s2  }
0x8d: {  	s2 =	sadd.s32 s2, s17  }
0x8e: {  	[smem:$0x3FC6] =	sst s2  }
0x8f: {  	_ = 	snop  }
0x90: {  	s2 =	sld [smem:$0x3FC9]  }
0x91: {  	s18 =	sld [smem:$0x3FD0];
	(tm) =	ssettm $0x1  }
0x92: {  	s4 =	sld [smem:$0x3FFB];
	_ =	sdelay $0x3  }
0x93: {  	_ =	strace s4  }
0x94: {  	s4 =	sld [smem:$0x3FFC];
	_ =	sdelay $0x3  }
0x95: {  	_ =	strace s4  }
0x96: {  	s4 =	sld [smem:$0x3FFD];
	_ =	sdelay $0x3  }
0x97: {  	_ =	strace s4  }
0x98: {  	_ =	strace $0x8FFFFFFF  }
0x99: {  	s19 =	sld [smem:$0x3FDB];
	_ =	sdelay $0x1  }
0x9a: {  	s5 =	simm.s32 $_scs_section_size  }
0x9b: {  	s6 =	simm.s32 $_size__tile_overlayer_lowered;
	s7 =	simm.s32 $_tile_overlayer_lowered  }
0x9c: {  	s22 =	simm.s32 $0x1BFF;
	s21 =	sshll.u32 s7, $0x1;
	s4 =	sadd.s32 s5, s19  }
0x9d: {  	s8 =	simm.s32 $0x0;
	s20 =	sshll.u32 s6, $0x1;
	s6 =	sadd.s32 s21, s4  }
0x9e: {  	[timem:s8], [sflag:s22] =	dma.local [hbm:s6], s20  }
0x9f: {  	_ =	swait.ge [sflag:s22], s20  }
0xa0: {  	s5 =	ssub.s32 $0x0, s20;
	[sflag:s22] =	ssyncset.done $0x0  }
0xa1: {  	[sflag:s22] =	ssyncadd.s32 s5;
	_ =	sdelay $0x1  }
0xa2: {  	s23 =	simm.s32 $0x1B8B  }
0xa3: {  	_ =	swait.ge [sflag:s23], $0x1  }
0xa4: {  	[sflag:s23] =	ssyncset.done $0x0  }
0xa5: {  	s25 =	simm.s32 $0x1B8E;
	s24 =	sld [smem:$0x3FFE];
	[sflag:s23] =	ssyncadd.s32 $0xFFFFFFFF  }
0xa6: {  	s26 =	simm.s32 $execute0_lowered;
	[smem:$0x3FD2] =	sst s25  }
0xa7: {  	s6 =	sshll.u32 s26, $0x1;
	_ =	strace $0x80000046;
	[dreg:$0x1] =	wrdreg $0xFFFFFFFF  }
0xa8: {  	s28 =	simm.s32 $_size_execute0_lowered;
	s4 =	sadd.s32 s4, s6;
	[dreg:$0x0] =	wrdreg $0x0  }
0xa9: {  	s6 =	sshll.u32 s28, $0x1;
	[dreg:$0x2] =	wrdreg s4  }
0xaa: {  	[dreg:$0x3] =	wrdreg s6  }
0xab: {  	[dreg:$0x4] =	wrdreg $0xC0  }
0xac: {  	_ =	task [dreg:s8], $0x5FFFF  }
0xad: {  	[dreg:$0x1] =	wrdreg $0xFFFFFFFF  }
0xae: {  	[dreg:$0x0] =	wrdreg $0x60  }
0xaf: {  	[dreg:$0x2] =	wrdreg s2  }
0xb0: {  	[dreg:$0x3] =	wrdreg s24  }
0xb1: {  	[dreg:$0x4] =	wrdreg s18  }
0xb2: {  	[dreg:$0x5] =	wrdreg $0x9  }
0xb3: {  	_ =	task.clear_ibuf [dreg:s8], $0x6FFFF;
	_ =	strace $0x90000046  }
0xb4: {  	s29 =	simm.s32 $0x9;
	_ =	strace $0x80000048  }
0xb5: {  	_ =	swait.ge [sflag:s29], $0x1  }
0xb6: {  	[sflag:s29] =	ssyncadd.s32 $0xFFFFFFFF  }
0xb7: {  	_ =	strace $0x90000048  }
0xb8: {  	_ =	sfence  }
0xb9: {  	s30 =	sld [smem:$0x0];
	_ =	sdelay $0x2  }
0xba: {  	s31 =	sshll.u32 s1, $0xD;
	s1 =	sshrl.u32 s1, $0x2  }
0xbb: {  	s3 =	sand.u32 $0x4000, s31;
	s1 =	sadd.s32 s1, s30  }
0xbc: {  	s0 =	sor.u32 s3, s0;
	s1 =	sshll.u32 s1, $0x11  }
0xbd: {  	s0 =	sor.u32 s1, s0  }
0xbe: {  	s0 =	sadd.s32 $0x8F2B, s0  }
0xbf: {  	[sflag:s0] =	ssyncadd.remote.s32 $0x1  }
0xc0: {  	_ =	sfence.sel $0xFFFF  }
0xc1: {  	[dreg:$0x0] =	wrdreg $0xFFFFFFFF;
	(pc) =	sbr.abs _section_cstart, $3  }
0xc2: {  	[dreg:$0x1] =	wrdreg $0xFFFFFFFF  }
0xc3: {  	_ =	task.clear_ibuf [dreg:s8], $0x2FFFF;
	_ =	strace $0x9FFFFFFF  }
0xc4: {  	(tm) =	ssettm $0x7FFFFFFF  }
0xc5: {  	_ =	shalt  }
tec
execute0_lowered:
.L_overlay_start_1:
0x0: {  	(tag) =	ssettag $0x1  }
0x1: {  	s0 =	rddreg [dreg:$0x0]  }
0x2: {  	s3 =	rddreg [dreg:$0x1];
	s1 =	srdreg.scid  }
0x3: {  	s2 =	stileid.u32;
	s16 =	rddreg [dreg:$0x2]  }
0x4: {  	s4 =	simm.s32 $0x0;
	s1 =	sand.u32 $0x1, s1;
	s2 =	sshll.u32 s2, $0x1  }
0x5: {  	s9 =	simm.s32 $0x9900;
	s12 =	simm.s32 $0x1900;
	s2 =	sor.u32 s1, s2  }
0x6: {  	v0 =	vlaneseq.u32;
	s13 =	simm.s32 $0x3900;
	s14 =	simm.s32 $0x1;
	s30 =	smul.u32 $0x320, s2  }
.Ltmp0:
0x7: {  	s18 =	simm.s32 $0x2;
	v0 =	vmul.u32 $0x40, v0;
	s1 =	ssub.s32 $0x2, s1;
	(pc) =	sbr.rel .LBB2_1-.Ltmp0, $4  }
0x8: {  	s19 =	simm.s32 $0x4;
	[smem:$0x7FF] =	sst s4;
	s6 =	sshrl.u32 s1, $0x1  }
0x9: {  	v8 =	vimm.f32 $1.000000000e+00;
	s5 =	sadd.s32 $0x800, s3;
	v1 =	vor.u32 $0x400, v0;
	s1 =	ssub.s32 s1, s6;
	s0 =	sadd.s32 s0, s30  }
0xa: {  	_ =	strace $0x80000047;
	v2 =	vor.u32 $0x800, v0;
	v3 =	vor.u32 $0xC00, v0;
	v4 =	vor.u32 $0x1000, v0;
	s31 =	smax.u32 s1, $0x1;
	[dreg:$0x4] =	wrdreg s0  }
0xb: {  	v5 =	vor.u32 $0x1400, v0;
	v6 =	vor.u32 $0x1800, v0;
	v7 =	vor.u32 $0x1C00, v0;
	s6 =	smul.u32 $0x32, s2;
	s1 =	simm.s32 $0x0;
	[dreg:$0x5] =	wrdreg s31  }
.LBB2_23:
0xc: {  	s0 =	simm.s32 $0x3  }
0xd: {  	_ =	swait.ge [sflag:s0], $0x2000  }
0xe: {  	[sflag:s0] =	ssyncset.done $0x0  }
0xf: {  	[sflag:s0] =	ssyncadd.s32 $0xFFFFE000  }
0x10: {  	_ =	swait.ge [sflag:s19], $0x2000  }
0x11: {  	s1 =	rddreg [dreg:$0x6]  }
0x12: {  	s31 =	rddreg [dreg:$0x5];
	s1 =	sadd.s32 $0x1, s1  }
0x13: {  	p0 =	sne.s32 s1, s31  }
.Ltmp1:
0x14: {  	_ = 	snop;
	(pc) =	sbr.rel @!p0 .LBB2_24-.Ltmp1, $3  }
0x15: {  	_ =	sdelay $0x1  }
0x16: {  	[sflag:s19] =	ssyncset.done $0x0  }
0x17: {  	[sflag:s19] =	ssyncadd.s32 $0xFFFFE000  }
.LBB2_1:
0x18: {  	[dreg:$0x6] =	wrdreg s1  }
0x19: {  	s0 =	rddreg [dreg:$0x1];
	s29 =	simm.s32 $0x0;
	s2 =	simm.s32 $0x5  }
0x1a: {  	[tilespmem:s9], [sflag:$0x5] =	stream.linear.gather [hbm4b:s0+s29], $0x3200, $0x38;
	[tilespmem:$0xCB00] =	vst v63  }
0x1b: {  	_ =	swait.ge [sflag:s2], $0x3200  }
0x1c: {  	[sflag:s2] =	ssyncset.done $0x0  }
0x1d: {  	s30 =	rddreg [dreg:$0x4];
	[sflag:s2] =	ssyncadd.s32 $0xFFFFCE00  }
0x1e: {  	[tilespmem:s29], [sflag:$0x5] =	stream.linear.gather [hbm4b:s30+s29], $0x1900, $0x38;
	[tilespmem:$0xCB00] =	vst v63  }
.Ltmp2:
0x1f: {  	_ = 	snop;
	(pc) =	sbr.rel .LBB2_2-.Ltmp2, $4  }
0x20: {  	_ =	swait.ge [sflag:s2], $0x1900  }
0x21: {  	[sflag:s2] =	ssyncset.done $0x0  }
0x22: {  	s31 =	simm.s32 $0x80;
	s23 =	simm.s32 $0x0;
	[sflag:s2] =	ssyncadd.s32 $0xFFFFE700  }
0x23: {  	[tilespmem:s12], [sflag:$0x1] =	stream.indirect.gather [hbm4b:s5+s31], $0x40, s29, s31, $0xb8;
	[tilespmem:$0xCB00] =	vst v63  }
.LBB2_22:
0x24: {  	s23 =	sadd.s32 $0x1, s23  }
0x25: {  	p0 =	sne.s32 s23, $0x19  }
.Ltmp3:
0x26: {  	s0 =	sshll.u32 s25, $0xD;
	(pc) =	sbr.rel @!p0 .LBB2_23-.Ltmp3, $4  }
0x27: {  	s1 =	sshll.u32 s24, $0x4;
	s0 =	sand.u32 $0x1FFFE000, s0  }
0x28: {  	s31 =	simm.s32 $0x400;
	s1 =	sand.u32 $0x380, s1;
	s0 =	sadd.s32 s16, s0  }
0x29: {  	s2 =	simm.s32 $0x2000;
	s3 =	simm.s32 $0x7900;
	s0 =	sadd.s32 s1, s0  }
0x2a: {  	[hbm4b:s0+s31] =	stream.strided.scatter [tilespmem:s3], [sflag:$0x4], $0x2000, s2, s31, $0x38;
	[tilespmem:$0xCB00] =	vst v63  }
.LBB2_2:
0x2b: {  	s24 =	sshllo.u32 s23, $0x1  }
0x2c: {  	s0 =	sshll.u32 s24, $0x7  }
0x2d: {  	s10 =	simm.s32 $0x80;
	s25 =	sand.u32 $0x3FFFFF80, s0  }
0x2e: {  	[tilespmem:s13], [sflag:$0x2] =	stream.indirect.gather [hbm4b:s5+s10], $0x40, s25, s10, $0xb8;
	[tilespmem:$0xCB00] =	vst v63  }
0x2f: {  	_ =	swait.ge [sflag:s14], $0x2000  }
0x30: {  	p0 =	seq.s32 s23, $0x0;
	[sflag:s14] =	ssyncset.done $0x0  }
0x31: {  	s0 =	simm.s32 @!p0 $0x3;
	[sflag:s14] =	ssyncadd.s32 $0xFFFFE000  }
0x32: {  	_ =	swait.ge @!p0 [sflag:s0], $0x2000  }
0x33: {  	s1 =	sshll.u32 s23, $0x8;
	[sflag:s0] =	ssyncset.done @!p0 $0x0  }
0x34: {  	s26 =	sand.u32 $0x3FFFFF00, s1;
	[sflag:s0] =	ssyncadd.s32 @!p0 $0xFFFFE000  }
0x35: {  	v9 =	vld [tilespmem:s26+$0x0]  }
0x36: {  	v10 =	vld [tilespmem:s26+$0x10]  }
0x37: {  	v11 =	vld [tilespmem:s26+$0x20]  }
0x38: {  	v12 =	vld [tilespmem:s26+$0x30]  }
0x39: {  	v13 =	vld [tilespmem:s26+$0x40]  }
0x3a: {  	vm7 =	veq.s32 v9, $0x0;
	v9 =	vld [tilespmem:s26+$0x50]  }
0x3b: {  	vm6 =	veq.s32 v10, $0x0;
	v10 =	vld [tilespmem:s26+$0x60];
	v14 =	vmpcnt.ones.xlane vm7  }
0x3c: {  	vm5 =	veq.s32 v11, $0x0;
	v11 =	vld [tilespmem:s26+$0x70];
	v15 =	vmpcnt.ones.xlane vm6  }
0x3d: {  	vm4 =	veq.s32 v12, $0x0;
	v62 =	vmpcnt.ones.xlane vm5;
	(v2sf) =	vpush v14, $0x0  }
0x3e: {  	vm3 =	veq.s32 v13, $0x0;
	v63 =	vmpcnt.ones.xlane vm4;
	(v2sf) =	vpush v15, $0x0  }
0x3f: {  	(v2sf) =	vpush v62, $0x0;
	vm2 =	veq.s32 v9, $0x0;
	v9 =	vmpcnt.ones.xlane vm3  }
0x40: {  	vm1 =	veq.s32 v10, $0x0;
	(v2sf) =	vpush v63, $0x0;
	v10 =	vmpcnt.ones.xlane vm2  }
0x41: {  	vm0 =	veq.s32 v11, $0x0;
	(v2sf) =	vpush v9, $0x0;
	v9 =	vmpcnt.ones.xlane vm1  }
0x42: {  	(v2sf) =	vpush v10, $0x0;
	v10 =	vmpcnt.ones.xlane vm0  }
0x43: {  	(v2sf) =	vpush v9, $0x0  }
0x44: {  	(v2sf) =	vpush v10, $0x0;
	_ =	sdelay $0x7  }
0x45: {  	s11 =	spop (v2sf)  }
0x46: {  	s15 =	spop (v2sf)  }
0x47: {  	s2 =	spop (v2sf);
	s0 =	sadd.s32 s11, s15  }
0x48: {  	s17 =	spop (v2sf);
	s0 =	sadd.s32 s2, s0  }
0x49: {  	s20 =	spop (v2sf);
	s0 =	sadd.s32 s17, s0  }
0x4a: {  	s21 =	spop (v2sf);
	s0 =	sadd.s32 s20, s0  }
0x4b: {  	s22 =	spop (v2sf);
	s0 =	sadd.s32 s21, s0  }
0x4c: {  	s0 =	sadd.s32 s22, s0;
	s31 =	spop (v2sf)  }
0x4d: {  	s4 =	sshll.u32 s23, $0x1;
	s0 =	sadd.s32 s31, s0  }
0x4e: {  	s28 =	sadd.s32 s6, s4;
	p1 =	sne.s32 s0, $0x0  }
.Ltmp4:
0x4f: {  	s4 =	sshrl.u32 s28, $0x3;
	(pc) =	sbr.rel @!p1 .LBB2_3-.Ltmp4, $4  }
0x50: {  	s30 =	sand.u32 $0x6, s28;
	s4 =	sand.u32 $0xFFFFFF8, s4  }
0x51: {  	s29 =	sor.u32 s30, s4  }
0x52: {  	s1 =	sshrl.u32 s29, $0x1  }
0x53: {  	v9 =	vmov s1  }
0x54: {  	p1 =	slt.s32 s0, $0x1  }
.Ltmp5:
0x55: {  	_ = 	snop;
	(pc) =	sbr.rel @p1 .LBB2_10-.Ltmp5, $1  }
0x56: {  	_ =	sdelay $0x3  }
0x57: {  	s0 =	simm.s32 $0x1  }
0x58: {  	v10 =	vmov s0  }
0x59: {  	s7 =	simm.s32 $0x0;
	v10 =	vand.u32 $0x3F, v10  }
0x5a: {  	v11 =	vmov s7;
	v30 =	vbroadcast v10, $0x0  }
0x5b: {  	v10 =	vand.u32 $0x3E, v11  }
0x5c: {  	v27 =	vshll.u32 v9, $0x7;
	v32 =	vbroadcast v10, $0x0;
	v9 =	vor.u32 v0, v30  }
0x5d: {  	v10 =	vor.u32 v27, v30  }
0x5e: {  	v11 =	vor.u32 v0, v32;
	_ =	sdelay $0x1  }
0x5f: {  	v12 =	vor.u32 v27, v32  }
0x60: {  	v9 =	vld.idx.msk [tilespmem:v9+s12+$0x0], $0xffff  }
0x61: {  	v36 =	vld.idx.msk [tilespmem:v10+s9+$0x0], $0xffff  }
0x62: {  	v10 =	vld.idx.msk [tilespmem:v11+s12+$0x0], $0xffff;
	_ =	sdelay $0x1  }
0x63: {  	v14 =	vld.idx.msk [tilespmem:v12+s9+$0x0], $0xffff  }
0x64: {  	v26 =	vsel vm7, $0x0, v8  }
0x65: {  	s2 =	simm.s32 $0x3;
	v11 =	vor.u32 v1, v30;
	v9 =	vmul.f32 v9, v26  }
0x66: {  	s8 =	simm.s32 $0x80;
	s1 =	simm.s32 $0x0;
	v15 =	vor.u32 v1, v32;
	v12 =	vmov s2;
	v10 =	vmul.f32 v10, v26  }
0x67: {  	s3 =	simm.s32 $0x2;
	s1 =	sand.u32 $0x1C00, s1;
	s0 =	sand.u32 $0x380, s8;
	v12 =	vand.u32 $0x3F, v12;
	v9 =	vadd.f32 v9, v36  }
0x68: {  	v13 =	vmov s3;
	s21 =	sor.u32 s0, s1;
	v18 =	vbroadcast v12, $0x0;
	v10 =	vadd.f32 v10, v14  }
0x69: {  	s0 =	simm.s32 $0x5940;
	[tilespmem:s21+$0x5900] =	vst v9;
	v9 =	vand.u32 $0x3E, v13  }
0x6a: {  	v11 =	vld.idx.msk [tilespmem:v11+s12+$0x0], $0xffff;
	v13 =	vbroadcast v9, $0x0;
	v9 =	vor.u32 v0, v18;
	[tilespmem:s0+$0xFFFFFFC0] =	vst v10  }
0x6b: {  	v12 =	vld.idx.msk [tilespmem:v15+s12+$0x0], $0xffff;
	v15 =	vor.u32 v27, v18  }
0x6c: {  	v10 =	vor.u32 v0, v13;
	_ =	sdelay $0x1  }
0x6d: {  	v29 =	vsel vm6, $0x0, v8;
	v16 =	vor.u32 v27, v13  }
0x6e: {  	v17 =	vor.u32 v2, v30;
	v11 =	vmul.f32 v11, v29;
	v19 =	vld.idx.msk [tilespmem:v9+s12+$0x0], $0xffff  }
0x6f: {  	v9 =	vld.idx.msk [tilespmem:v15+s9+$0x0], $0xffff  }
0x70: {  	v21 =	vor.u32 v2, v32;
	v12 =	vmul.f32 v12, v29;
	v11 =	vadd.f32 v11, v36;
	v20 =	vld.idx.msk [tilespmem:v10+s12+$0x0], $0xffff;
	_ =	sdelay $0x1  }
0x71: {  	v10 =	vld.idx.msk [tilespmem:v16+s9+$0x0], $0xffff;
	[tilespmem:s21+$0x5910] =	vst v11;
	v11 =	vadd.f32 v12, v14  }
0x72: {  	v12 =	vld.idx.msk [tilespmem:v17+s12+$0x0], $0xffff;
	v15 =	vmul.f32 v19, v26  }
0x73: {  	s10 =	simm.s32 $0x5;
	v19 =	vor.u32 v1, v13;
	[tilespmem:s0+$0xFFFFFFD0] =	vst v11;
	v11 =	vor.u32 v1, v18  }
0x74: {  	s11 =	simm.s32 $0x180;
	s15 =	simm.s32 $0x100;
	v16 =	vmul.f32 v20, v26;
	v17 =	vld.idx.msk [tilespmem:v21+s12+$0x0], $0xffff;
	v20 =	vadd.f32 v15, v9;
	v15 =	vmov s10  }
0x75: {  	v23 =	vsel vm5, $0x0, v8;
	s17 =	simm.s32 $0x4;
	s3 =	sand.u32 $0x1C00, s15;
	s2 =	sand.u32 $0x380, s11;
	v15 =	vand.u32 $0x3F, v15  }
0x76: {  	v22 =	vmov s17;
	s30 =	sor.u32 s2, s3;
	v16 =	vadd.f32 v16, v10;
	v15 =	vbroadcast v15, $0x0  }
0x77: {  	s1 =	simm.s32 $0x5A40;
	v21 =	vor.u32 v3, v30;
	[tilespmem:s30+$0x5900] =	vst v20;
	v20 =	vand.u32 $0x3E, v22;
	v12 =	vmul.f32 v12, v23  }
0x78: {  	[tilespmem:s1+$0xFFFFFFC0] =	vst v16;
	v11 =	vld.idx.msk [tilespmem:v11+s12+$0x0], $0xffff;
	v16 =	vbroadcast v20, $0x0;
	v20 =	vor.u32 v0, v15  }
0x79: {  	v22 =	vor.u32 v3, v32;
	v12 =	vadd.f32 v12, v36;
	v17 =	vmul.f32 v17, v23;
	v19 =	vld.idx.msk [tilespmem:v19+s12+$0x0], $0xffff  }
0x7a: {  	v25 =	vor.u32 v0, v16  }
0x7b: {  	[tilespmem:s21+$0x5920] =	vst v12;
	v12 =	vor.u32 v27, v15;
	v17 =	vadd.f32 v17, v14  }
0x7c: {  	v28 =	vor.u32 v27, v16;
	v21 =	vld.idx.msk [tilespmem:v21+s12+$0x0], $0xffff  }
0x7d: {  	v20 =	vld.idx.msk [tilespmem:v20+s12+$0x0], $0xffff;
	v11 =	vmul.f32 v11, v29;
	[tilespmem:s0+$0xFFFFFFE0] =	vst v17;
	v17 =	vor.u32 v2, v18  }
0x7e: {  	v31 =	vor.u32 v2, v13;
	v19 =	vmul.f32 v19, v29;
	v33 =	vld.idx.msk [tilespmem:v22+s12+$0x0], $0xffff  }
0x7f: {  	v22 =	vadd.f32 v11, v9;
	v25 =	vld.idx.msk [tilespmem:v25+s12+$0x0], $0xffff  }
0x80: {  	v24 =	vsel vm4, $0x0, v8;
	v19 =	vadd.f32 v19, v10;
	v11 =	vld.idx.msk [tilespmem:v12+s9+$0x0], $0xffff  }
0x81: {  	v34 =	vor.u32 v4, v30;
	v12 =	vld.idx.msk [tilespmem:v28+s9+$0x0], $0xffff;
	v21 =	vmul.f32 v21, v24;
	[tilespmem:s30+$0x5910] =	vst v22  }
0x82: {  	s20 =	simm.s32 $0x7;
	v28 =	vor.u32 v4, v32;
	[tilespmem:s1+$0xFFFFFFD0] =	vst v19;
	v17 =	vld.idx.msk [tilespmem:v17+s12+$0x0], $0xffff  }
0x83: {  	v19 =	vadd.f32 v21, v36;
	v21 =	vld.idx.msk [tilespmem:v31+s12+$0x0], $0xffff;
	v31 =	vmov s20;
	v33 =	vmul.f32 v33, v24  }
0x84: {  	v35 =	vor.u32 v1, v15;
	v20 =	vmul.f32 v20, v26;
	v31 =	vand.u32 $0x3F, v31  }
0x85: {  	s4 =	simm.s32 $0x200;
	s7 =	simm.s32 $0x280;
	[tilespmem:s21+$0x5930] =	vst v19;
	v19 =	vmul.f32 v25, v26;
	v25 =	vor.u32 v1, v16;
	v33 =	vadd.f32 v33, v14  }
0x86: {  	s4 =	sand.u32 $0x1C00, s4;
	s3 =	sand.u32 $0x380, s7;
	v39 =	vor.u32 v3, v13;
	v37 =	vadd.f32 v20, v11;
	v20 =	vbroadcast v31, $0x0;
	v34 =	vld.idx.msk [tilespmem:v34+s12+$0x0], $0xffff  }
0x87: {  	s22 =	simm.s32 $0x6;
	s2 =	sor.u32 s3, s4;
	v31 =	vor.u32 v3, v18;
	v19 =	vadd.f32 v19, v12;
	v17 =	vmul.f32 v17, v23;
	[tilespmem:s0+$0xFFFFFFF0] =	vst v33  }
0x88: {  	s31 =	simm.s32 $0x5B40;
	v22 =	vsel vm3, $0x0, v8;
	[tilespmem:s2+$0x5900] =	vst v37;
	v38 =	vmul.f32 v21, v23;
	v21 =	vmov s22;
	v28 =	vld.idx.msk [tilespmem:v28+s12+$0x0], $0xffff  }
0x89: {  	v35 =	vld.idx.msk [tilespmem:v35+s12+$0x0], $0xffff;
	[tilespmem:s31+$0xFFFFFFC0] =	vst v19;
	v19 =	vor.u32 v0, v20;
	v21 =	vand.u32 $0x3E, v21;
	v17 =	vadd.f32 v17, v9  }
0x8a: {  	v59 =	vor.u32 v27, v20;
	v25 =	vld.idx.msk [tilespmem:v25+s12+$0x0], $0xffff;
	v21 =	vbroadcast v21, $0x0;
	v38 =	vadd.f32 v38, v10  }
0x8b: {  	v58 =	vor.u32 v5, v30;
	v34 =	vmul.f32 v34, v22;
	[tilespmem:s30+$0x5920] =	vst v17  }
0x8c: {  	v40 =	vor.u32 v27, v21;
	v31 =	vld.idx.msk [tilespmem:v31+s12+$0x0], $0xffff;
	[tilespmem:s1+$0xFFFFFFE0] =	vst v38  }
0x8d: {  	v43 =	vor.u32 v6, v30;
	v60 =	vor.u32 v0, v21;
	v17 =	vadd.f32 v34, v36;
	v38 =	vld.idx.msk [tilespmem:v39+s12+$0x0], $0xffff  }
0x8e: {  	v61 =	vor.u32 v5, v32;
	v62 =	vor.u32 v2, v15;
	v28 =	vmul.f32 v28, v22;
	v41 =	vld.idx.msk [tilespmem:v19+s12+$0x0], $0xffff  }
0x8f: {  	v35 =	vmul.f32 v35, v29;
	v19 =	vmul.f32 v25, v29;
	[tilespmem:s21+$0x5940] =	vst v17;
	v17 =	vld.idx.msk [tilespmem:v59+s9+$0x0], $0xffff  }
0x90: {  	v48 =	vor.u32 v6, v32;
	v25 =	vor.u32 v2, v16;
	v28 =	vadd.f32 v28, v14;
	v33 =	vld.idx.msk [tilespmem:v58+s12+$0x0], $0xffff  }
0x91: {  	v50 =	vor.u32 v4, v13;
	v35 =	vadd.f32 v35, v11;
	v42 =	vadd.f32 v19, v12;
	v19 =	vld.idx.msk [tilespmem:v40+s9+$0x0], $0xffff  }
0x92: {  	v34 =	vld.idx.msk [tilespmem:v60+s12+$0x0], $0xffff;
	v31 =	vmul.f32 v31, v24;
	[tilespmem:s0+$0x0] =	vst v28;
	v28 =	vor.u32 v4, v18  }
0x93: {  	s8 =	simm.s32 $0x9;
	v53 =	vor.u32 v3, v15;
	v47 =	vor.u32 v3, v16;
	[tilespmem:s2+$0x5910] =	vst v35;
	v39 =	vld.idx.msk [tilespmem:v61+s12+$0x0], $0xffff  }
0x94: {  	v52 =	vmov s8;
	v37 =	vld.idx.msk [tilespmem:v62+s12+$0x0], $0xffff;
	v38 =	vmul.f32 v38, v24;
	[tilespmem:s31+$0xFFFFFFD0] =	vst v42;
	v31 =	vadd.f32 v31, v9  }
0x95: {  	v44 =	vor.u32 v1, v20;
	v49 =	vmul.f32 v41, v26;
	v63 =	vld.idx.msk [tilespmem:v25+s12+$0x0], $0xffff;
	v25 =	vsel vm2, $0x0, v8  }
0x96: {  	s11 =	simm.s32 $0x300;
	s10 =	simm.s32 $0x380;
	v45 =	vor.u32 v1, v21;
	v56 =	vadd.f32 v38, v10;
	v33 =	vmul.f32 v33, v25;
	[tilespmem:s30+$0x5930] =	vst v31  }
0x97: {  	s4 =	sand.u32 $0x1C00, s11;
	s3 =	sand.u32 $0x380, s10;
	v31 =	vadd.f32 v49, v17;
	v34 =	vmul.f32 v34, v26;
	v46 =	vld.idx.msk [tilespmem:v28+s12+$0x0], $0xffff;
	v28 =	vand.u32 $0x3F, v52  }
0x98: {  	s8 =	sor.u32 s3, s4;
	[tilespmem:s1+$0xFFFFFFF0] =	vst v56;
	v33 =	vadd.f32 v33, v36;
	v54 =	vmul.f32 v39, v25;
	v28 =	vbroadcast v28, $0x0  }
0x99: {  	v37 =	vmul.f32 v37, v23;
	[tilespmem:s8+$0x5900] =	vst v31;
	v41 =	vld.idx.msk [tilespmem:v50+s12+$0x0], $0xffff;
	v34 =	vadd.f32 v34, v19  }
0x9a: {  	s7 =	simm.s32 $0x5C40;
	s10 =	simm.s32 $0x8;
	v44 =	vld.idx.msk [tilespmem:v44+s12+$0x0], $0xffff;
	[tilespmem:s21+$0x5950] =	vst v33;
	v58 =	vadd.f32 v54, v14;
	v59 =	vor.u32 v0, v28  }
0x9b: {  	v31 =	vmov s10;
	v51 =	vmul.f32 v63, v23;
	v60 =	vadd.f32 v37, v11;
	v55 =	vld.idx.msk [tilespmem:v43+s12+$0x0], $0xffff;
	[tilespmem:s7+$0xFFFFFFC0] =	vst v34  }
0x9c: {  	v61 =	vor.u32 v5, v18;
	v31 =	vand.u32 $0x3E, v31;
	v62 =	vor.u32 v27, v28;
	v57 =	vld.idx.msk [tilespmem:v45+s12+$0x0], $0xffff;
	[tilespmem:s0+$0x10] =	vst v58  }
0x9d: {  	v49 =	vor.u32 v5, v13;
	v33 =	vbroadcast v31, $0x0;
	v35 =	vadd.f32 v51, v12;
	[tilespmem:s2+$0x5920] =	vst v60;
	v42 =	vld.idx.msk [tilespmem:v48+s12+$0x0], $0xffff  }
0x9e: {  	v50 =	vor.u32 v7, v30;
	v39 =	vor.u32 v5, v15;
	v31 =	vmul.f32 v46, v22;
	v40 =	vld.idx.msk [tilespmem:v53+s12+$0x0], $0xffff  }
0x9f: {  	v54 =	vor.u32 v2, v21;
	v63 =	vor.u32 v27, v33;
	[tilespmem:s31+$0xFFFFFFE0] =	vst v35;
	v45 =	vld.idx.msk [tilespmem:v59+s12+$0x0], $0xffff  }
0xa0: {  	v48 =	vor.u32 v0, v33;
	v41 =	vmul.f32 v41, v22;
	v52 =	vadd.f32 v31, v9;
	v47 =	vld.idx.msk [tilespmem:v47+s12+$0x0], $0xffff  }
0xa1: {  	v51 =	vor.u32 v6, v18;
	v31 =	vsel vm1, $0x0, v8;
	v44 =	vmul.f32 v44, v29;
	v34 =	vld.idx.msk [tilespmem:v62+s9+$0x0], $0xffff  }
0xa2: {  	v56 =	vadd.f32 v41, v10;
	v41 =	vor.u32 v3, v21;
	[tilespmem:s30+$0x5940] =	vst v52;
	v38 =	vmul.f32 v57, v29  }
0xa3: {  	v53 =	vmul.f32 v55, v31;
	v55 =	vor.u32 v7, v32;
	v59 =	vadd.f32 v44, v17;
	v37 =	vld.idx.msk [tilespmem:v61+s12+$0x0], $0xffff  }
0xa4: {  	v44 =	vor.u32 v4, v16;
	v30 =	vld.idx.msk [tilespmem:v63+s9+$0x0], $0xffff;
	v61 =	vor.u32 v2, v20;
	v38 =	vadd.f32 v38, v19  }
0xa5: {  	[tilespmem:s1+$0x0] =	vst v56;
	v35 =	vadd.f32 v53, v36;
	v57 =	vmul.f32 v42, v31;
	v58 =	vld.idx.msk [tilespmem:v48+s12+$0x0], $0xffff  }
0xa6: {  	v40 =	vmul.f32 v40, v24;
	v49 =	vld.idx.msk [tilespmem:v49+s12+$0x0], $0xffff;
	v53 =	vor.u32 v1, v28;
	[tilespmem:s7+$0xFFFFFFD0] =	vst v38  }
0xa7: {  	[tilespmem:s21+$0x5960] =	vst v35;
	v35 =	vor.u32 v4, v15;
	v62 =	vadd.f32 v57, v14;
	v60 =	vld.idx.msk [tilespmem:v54+s12+$0x0], $0xffff  }
0xa8: {  	[tilespmem:s8+$0x5910] =	vst v59;
	v42 =	vor.u32 v3, v20;
	v40 =	vadd.f32 v40, v11;
	v50 =	vld.idx.msk [tilespmem:v50+s12+$0x0], $0xffff  }
0xa9: {  	s15 =	simm.s32 $0xA;
	v32 =	vsel vm0, $0x0, v8;
	v45 =	vmul.f32 v45, v26;
	v38 =	vor.u32 v6, v13;
	[tilespmem:s0+$0x20] =	vst v62;
	v56 =	vld.idx.msk [tilespmem:v61+s12+$0x0], $0xffff  }
0xaa: {  	s17 =	simm.s32 $0x480;
	s20 =	simm.s32 $0x400;
	v37 =	vmul.f32 v37, v25;
	v54 =	vor.u32 v1, v33;
	v61 =	vmov s15;
	v52 =	vld.idx.msk [tilespmem:v55+s12+$0x0], $0xffff  }
0xab: {  	s4 =	sand.u32 $0x1C00, s20;
	s22 =	sand.u32 $0x380, s17;
	[tilespmem:s2+$0x5930] =	vst v40;
	v63 =	vmul.f32 v58, v26;
	v55 =	vadd.f32 v45, v34;
	v49 =	vmul.f32 v49, v25  }
0xac: {  	s11 =	simm.s32 $0xB;
	s10 =	sor.u32 s22, s4;
	v37 =	vadd.f32 v37, v9;
	v45 =	vmul.f32 v60, v23;
	v60 =	vmul.f32 v47, v24;
	v47 =	vld.idx.msk [tilespmem:v35+s12+$0x0], $0xffff  }
0xad: {  	v62 =	vmov s11;
	v59 =	vadd.f32 v63, v30;
	[tilespmem:s10+$0x5900] =	vst v55;
	v46 =	vadd.f32 v49, v10  }
0xae: {  	s4 =	simm.s32 $0x5D40;
	[tilespmem:s30+$0x5950] =	vst v37;
	v50 =	vmul.f32 v50, v32;
	v37 =	vand.u32 $0x3F, v62;
	v48 =	vld.idx.msk [tilespmem:v53+s12+$0x0], $0xffff;
	v63 =	vadd.f32 v60, v12  }
0xaf: {  	v43 =	vld.idx.msk [tilespmem:v51+s12+$0x0], $0xffff;
	v35 =	vand.u32 $0x3E, v61;
	[tilespmem:s4+$0xFFFFFFC0] =	vst v59;
	v37 =	vbroadcast v37, $0x0;
	v40 =	vmul.f32 v52, v32  }
0xb0: {  	s20 =	simm.s32 $0xC;
	v51 =	vmul.f32 v56, v23;
	v49 =	vld.idx.msk [tilespmem:v54+s12+$0x0], $0xffff;
	v35 =	vbroadcast v35, $0x0;
	v50 =	vadd.f32 v50, v36;
	[tilespmem:s31+$0xFFFFFFF0] =	vst v63  }
.LBB2_8:
0xb1: {  	p1 =	slt.u32 s20, $0x3E;
	v36 =	vor.u32 v0, v37;
	v44 =	vld.idx.msk [tilespmem:v44+s12+$0x0], $0xffff;
	v47 =	vmul.f32 v47, v22;
	v14 =	vadd.f32 v40, v14;
	s11 =	smov.u32 s20;
	s20 =	sadd.s32 $0x2, s20  }
0xb2: {  	v40 =	vor.u32 v27, v35;
	v52 =	vor.u32 v0, v35;
	v51 =	vadd.f32 v51, v17;
	[tilespmem:s1+$0x10] =	vst v46  }
0xb3: {  	v45 =	vadd.f32 v45, v19;
	v46 =	vor.u32 v27, v37;
	v47 =	vadd.f32 v47, v11;
	[tilespmem:s21+$0x5970] =	vst v50;
	s21 =	smov.u32 s30;
	s30 =	smov.u32 s2;
	s2 =	smov.u32 s8  }
0xb4: {  	v53 =	vmovc v11;
	v43 =	vmul.f32 v43, v31;
	v11 =	vmov v17;
	v17 =	vmov v34;
	s8 =	smov.u32 s10;
	[tilespmem:s2+$0x5920] =	vst v51;
	v38 =	vld.idx.msk [tilespmem:v38+s12+$0x0], $0xffff  }
0xb5: {  	v34 =	vmul.f32 v49, v29;
	v49 =	vor.u32 v5, v16;
	v42 =	vld.idx.msk [tilespmem:v42+s12+$0x0], $0xffff;
	[tilespmem:s0+$0x30] =	vst v14;
	v14 =	vmov v10;
	s0 =	smov.u32 s1;
	s1 =	smov.u32 s31;
	s31 =	smov.u32 s7  }
0xb6: {  	v48 =	vmul.f32 v48, v29;
	v43 =	vadd.f32 v43, v9;
	v10 =	vmov v12;
	s7 =	smov.u32 s4;
	v36 =	vld.idx.msk [tilespmem:v36+s12+$0x0], $0xffff;
	[tilespmem:s31+$0xFFFFFFE0] =	vst v45  }
0xb7: {  	v50 =	vor.u32 v2, v33;
	v12 =	vmov v19;
	v45 =	vadd.f32 v34, v30;
	v51 =	vld.idx.msk [tilespmem:v41+s12+$0x0], $0xffff;
	[tilespmem:s30+$0x5940] =	vst v47  }
0xb8: {  	v19 =	vmov v30;
	v44 =	vmul.f32 v44, v22;
	v41 =	vadd.f32 v48, v17;
	v47 =	vld.idx.msk [tilespmem:v39+s12+$0x0], $0xffff;
	[tilespmem:s21+$0x5960] =	vst v43  }
0xb9: {  	v43 =	vor.u32 v7, v13;
	v34 =	vld.idx.msk [tilespmem:v46+s9+$0x0], $0xffff;
	v46 =	vor.u32 v7, v18;
	v18 =	vmovc v15;
	v15 =	vmov v20  }
0xba: {  	v39 =	vadd.f32 v44, v10;
	v38 =	vmul.f32 v38, v31;
	v20 =	vmov v28;
	v30 =	vld.idx.msk [tilespmem:v40+s9+$0x0], $0xffff;
	[tilespmem:s4+$0xFFFFFFD0] =	vst v45  }
0xbb: {  	v13 =	vmovc v16;
	v28 =	vmov v37;
	v42 =	vmul.f32 v42, v24;
	v45 =	vor.u32 v4, v15;
	v40 =	vld.idx.msk [tilespmem:v52+s12+$0x0], $0xffff  }
0xbc: {  	s17 =	sadd.s32 $0x100, s17;
	v16 =	vmov v21;
	v48 =	vor.u32 v2, v20;
	v44 =	vadd.f32 v38, v14;
	v37 =	vld.idx.msk [tilespmem:v50+s12+$0x0], $0xffff;
	[tilespmem:s1+$0x0] =	vst v39  }
0xbd: {  	v38 =	vor.u32 v6, v13;
	v42 =	vadd.f32 v42, v11;
	v50 =	vor.u32 v6, v18;
	v49 =	vld.idx.msk [tilespmem:v49+s12+$0x0], $0xffff  }
0xbe: {  	v21 =	vmov v33;
	v39 =	vor.u32 v5, v15;
	v52 =	vmul.f32 v47, v25;
	[tilespmem:s0+$0x20] =	vst v44;
	v46 =	vld.idx.msk [tilespmem:v46+s12+$0x0], $0xffff  }
0xbf: {  	v33 =	vmov v35;
	s4 =	sadd.s32 $0x100, s4;
	v36 =	vmul.f32 v36, v26;
	v44 =	vor.u32 v4, v16;
	[tilespmem:s2+$0x5930] =	vst v42;
	v54 =	vld.idx.msk [tilespmem:v43+s12+$0x0], $0xffff  }
0xc0: {  	s3 =	sadd.s32 $0xFFFFFF80, s17;
	v35 =	vor.u32 v1, v28;
	v43 =	vadd.f32 v52, v53;
	[tilespmem:s8+$0x5910] =	vst v41;
	v47 =	vld.idx.msk [tilespmem:v45+s12+$0x0], $0xffff  }
0xc1: {  	s3 =	sand.u32 $0x1C00, s3;
	s10 =	sand.u32 $0x380, s17;
	v36 =	vadd.f32 v36, v34;
	v52 =	vor.u32 v1, v33;
	v40 =	vmul.f32 v40, v26;
	v55 =	vld.idx.msk [tilespmem:v48+s12+$0x0], $0xffff  }
0xc2: {  	s10 =	sor.u32 s10, s3;
	v42 =	vor.u32 v3, v20;
	v41 =	vor.u32 v3, v21;
	v45 =	vmul.f32 v37, v23;
	[tilespmem:s30+$0x5950] =	vst v43  }
.Ltmp6:
0xc3: {  	s3 =	sadd.s32 $0x1, s11;
	v37 =	vadd.f32 v40, v30;
	v40 =	vmul.f32 v49, v25;
	[tilespmem:s10+$0x5900] =	vst v36;
	v36 =	vmul.f32 v51, v24;
	(pc) =	sbr.rel @p1 .LBB2_8-.Ltmp6, $4  }
0xc4: {  	v48 =	vmov s11;
	v49 =	vmov s3;
	v43 =	vld.idx.msk [tilespmem:v50+s12+$0x0], $0xffff;
	v50 =	vmul.f32 v46, v32  }
0xc5: {  	v51 =	vand.u32 $0x3E, v48;
	v46 =	vand.u32 $0x3F, v49;
	[tilespmem:s4+$0xFFFFFFC0] =	vst v37;
	v48 =	vld.idx.msk [tilespmem:v35+s12+$0x0], $0xffff;
	v36 =	vadd.f32 v36, v12  }
0xc6: {  	v37 =	vbroadcast v46, $0x0;
	v46 =	vadd.f32 v40, v10;
	v40 =	vmul.f32 v54, v32;
	v49 =	vld.idx.msk [tilespmem:v52+s12+$0x0], $0xffff  }
0xc7: {  	v35 =	vbroadcast v51, $0x0;
	v51 =	vmul.f32 v55, v23;
	v50 =	vadd.f32 v50, v9;
	v9 =	vmovc v53;
	[tilespmem:s31+$0xFFFFFFF0] =	vst v36  }
0xc8: {  	v36 =	vor.u32 v0, v37  }
0xc9: {  	v52 =	vor.u32 v0, v35  }
0xca: {  	v53 =	vor.u32 v27, v37  }
0xcb: {  	v61 =	vor.u32 v27, v35;
	_ =	sdelay $0x1  }
0xcc: {  	v54 =	vld.idx.msk [tilespmem:v36+s12+$0x0], $0xffff  }
0xcd: {  	v52 =	vld.idx.msk [tilespmem:v52+s12+$0x0], $0xffff  }
0xce: {  	v36 =	vld.idx.msk [tilespmem:v53+s9+$0x0], $0xffff  }
0xcf: {  	v27 =	vld.idx.msk [tilespmem:v61+s9+$0x0], $0xffff;
	_ =	sdelay $0x1  }
0xd0: {  	s3 =	sadd.s32 $0x100, s17;
	v63 =	vor.u32 v1, v37;
	v62 =	vmul.f32 v54, v26  }
0xd1: {  	s11 =	sadd.s32 $0xFFFFFF80, s3;
	v58 =	vor.u32 v1, v35;
	v57 =	vmul.f32 v52, v26  }
0xd2: {  	s3 =	sand.u32 $0x380, s3;
	s11 =	sand.u32 $0x1C00, s11;
	v53 =	vadd.f32 v62, v36  }
0xd3: {  	s20 =	sor.u32 s3, s11;
	v26 =	vadd.f32 v57, v27  }
0xd4: {  	s22 =	sadd.s32 $0x100, s4;
	[tilespmem:s20+$0x5900] =	vst v53  }
0xd5: {  	[tilespmem:s22+$0xFFFFFFC0] =	vst v26;
	v59 =	vld.idx.msk [tilespmem:v63+s12+$0x0], $0xffff  }
0xd6: {  	v52 =	vld.idx.msk [tilespmem:v58+s12+$0x0], $0xffff  }
0xd7: {  	v60 =	vor.u32 v2, v28;
	v48 =	vmul.f32 v48, v29;
	_ =	sdelay $0x1  }
0xd8: {  	v49 =	vmul.f32 v49, v29;
	v48 =	vadd.f32 v48, v34;
	v61 =	vor.u32 v2, v33  }
0xd9: {  	v55 =	vor.u32 v2, v37;
	v26 =	vmul.f32 v59, v29  }
0xda: {  	v49 =	vadd.f32 v49, v30;
	[tilespmem:s10+$0x5910] =	vst v48;
	v63 =	vor.u32 v2, v35;
	v62 =	vmul.f32 v52, v29  }
0xdb: {  	[tilespmem:s1+$0x10] =	vst v46;
	v48 =	vld.idx.msk [tilespmem:v60+s12+$0x0], $0xffff;
	v26 =	vadd.f32 v26, v36  }
0xdc: {  	v44 =	vld.idx.msk [tilespmem:v44+s12+$0x0], $0xffff;
	v47 =	vmul.f32 v47, v22;
	[tilespmem:s4+$0xFFFFFFD0] =	vst v49;
	v29 =	vadd.f32 v62, v27  }
0xdd: {  	v45 =	vadd.f32 v45, v19;
	v53 =	vld.idx.msk [tilespmem:v61+s12+$0x0], $0xffff;
	[tilespmem:s20+$0x5910] =	vst v26  }
0xde: {  	v47 =	vadd.f32 v47, v11;
	[tilespmem:s22+$0xFFFFFFD0] =	vst v29;
	v55 =	vld.idx.msk [tilespmem:v55+s12+$0x0], $0xffff  }
0xdf: {  	[tilespmem:s7+$0xFFFFFFE0] =	vst v45;
	v54 =	vadd.f32 v51, v17;
	v56 =	vld.idx.msk [tilespmem:v63+s12+$0x0], $0xffff  }
0xe0: {  	[tilespmem:s2+$0x5940] =	vst v47;
	v48 =	vmul.f32 v48, v23;
	v57 =	vor.u32 v3, v28  }
0xe1: {  	v41 =	vld.idx.msk [tilespmem:v41+s12+$0x0], $0xffff;
	[tilespmem:s8+$0x5920] =	vst v54  }
0xe2: {  	v42 =	vld.idx.msk [tilespmem:v42+s12+$0x0], $0xffff;
	v58 =	vor.u32 v3, v33;
	v59 =	vadd.f32 v48, v34;
	v26 =	vmul.f32 v53, v23  }
0xe3: {  	v44 =	vmul.f32 v44, v22;
	v39 =	vld.idx.msk [tilespmem:v39+s12+$0x0], $0xffff;
	v60 =	vor.u32 v3, v37;
	v29 =	vmul.f32 v55, v23  }
0xe4: {  	[tilespmem:s10+$0x5920] =	vst v59;
	v62 =	vor.u32 v3, v35;
	v26 =	vadd.f32 v26, v30;
	v61 =	vmul.f32 v56, v23  }
0xe5: {  	v44 =	vadd.f32 v44, v12;
	v45 =	vld.idx.msk [tilespmem:v57+s12+$0x0], $0xffff;
	v63 =	vor.u32 v5, v16;
	v29 =	vadd.f32 v29, v36  }
0xe6: {  	v41 =	vmul.f32 v41, v24;
	v57 =	vor.u32 v4, v21;
	[tilespmem:s4+$0xFFFFFFE0] =	vst v26;
	v23 =	vadd.f32 v61, v27  }
0xe7: {  	v51 =	vmul.f32 v42, v24;
	v52 =	vor.u32 v4, v20;
	v53 =	vld.idx.msk [tilespmem:v58+s12+$0x0], $0xffff;
	[tilespmem:s20+$0x5920] =	vst v29  }
0xe8: {  	v58 =	vadd.f32 v41, v19;
	v55 =	vld.idx.msk [tilespmem:v60+s12+$0x0], $0xffff;
	[tilespmem:s22+$0xFFFFFFE0] =	vst v23  }
0xe9: {  	[tilespmem:s31+$0x0] =	vst v44;
	v56 =	vadd.f32 v51, v17;
	v44 =	vld.idx.msk [tilespmem:v62+s12+$0x0], $0xffff  }
0xea: {  	v39 =	vmul.f32 v39, v25;
	v59 =	vmul.f32 v45, v24;
	v46 =	vld.idx.msk [tilespmem:v63+s12+$0x0], $0xffff;
	[tilespmem:s7+$0xFFFFFFF0] =	vst v58  }
0xeb: {  	v54 =	vmul.f32 v43, v31;
	v26 =	vld.idx.msk [tilespmem:v57+s12+$0x0], $0xffff;
	[tilespmem:s8+$0x5930] =	vst v56;
	v60 =	vor.u32 v4, v28  }
0xec: {  	v63 =	vadd.f32 v59, v34;
	v61 =	vld.idx.msk [tilespmem:v52+s12+$0x0], $0xffff;
	v47 =	vmul.f32 v53, v24;
	v62 =	vor.u32 v4, v33  }
0xed: {  	[tilespmem:s21+$0x5970] =	vst v50;
	v29 =	vadd.f32 v54, v9;
	v53 =	vor.u32 v4, v37;
	v52 =	vmul.f32 v55, v24  }
0xee: {  	[tilespmem:s10+$0x5930] =	vst v63;
	v54 =	vor.u32 v4, v35;
	v47 =	vadd.f32 v47, v30;
	v55 =	vmul.f32 v44, v24  }
0xef: {  	v48 =	vor.u32 v6, v15;
	v58 =	vor.u32 v5, v20;
	[tilespmem:s30+$0x5960] =	vst v29;
	v56 =	vadd.f32 v52, v36  }
0xf0: {  	v26 =	vmul.f32 v26, v22;
	[tilespmem:s4+$0xFFFFFFF0] =	vst v47;
	v57 =	vld.idx.msk [tilespmem:v60+s12+$0x0], $0xffff;
	v24 =	vadd.f32 v55, v27  }
0xf1: {  	v59 =	vadd.f32 v39, v11;
	v29 =	vmul.f32 v61, v22;
	v42 =	vld.idx.msk [tilespmem:v62+s12+$0x0], $0xffff;
	[tilespmem:s20+$0x5930] =	vst v56  }
0xf2: {  	v50 =	vadd.f32 v26, v19;
	v60 =	vmul.f32 v46, v25;
	v43 =	vld.idx.msk [tilespmem:v53+s12+$0x0], $0xffff;
	[tilespmem:s22+$0xFFFFFFF0] =	vst v24  }
0xf3: {  	[tilespmem:s2+$0x5950] =	vst v59;
	v59 =	vor.u32 v6, v16;
	v61 =	vadd.f32 v29, v17;
	v63 =	vld.idx.msk [tilespmem:v54+s12+$0x0], $0xffff  }
0xf4: {  	v18 =	vor.u32 v7, v18;
	v62 =	vor.u32 v5, v21;
	[tilespmem:s7+$0x0] =	vst v50;
	v49 =	vadd.f32 v60, v12  }
0xf5: {  	v38 =	vld.idx.msk [tilespmem:v38+s12+$0x0], $0xffff;
	v51 =	vor.u32 v5, v28;
	[tilespmem:s8+$0x5940] =	vst v61;
	v52 =	vmul.f32 v57, v22  }
0xf6: {  	v46 =	vld.idx.msk [tilespmem:v48+s12+$0x0], $0xffff;
	[tilespmem:s31+$0x10] =	vst v49;
	v54 =	vor.u32 v5, v33;
	v42 =	vmul.f32 v42, v22  }
0xf7: {  	v56 =	vor.u32 v5, v37;
	v53 =	vld.idx.msk [tilespmem:v58+s12+$0x0], $0xffff;
	v55 =	vadd.f32 v52, v34;
	v43 =	vmul.f32 v43, v22  }
0xf8: {  	v57 =	vor.u32 v5, v35;
	v50 =	vld.idx.msk [tilespmem:v59+s12+$0x0], $0xffff;
	v42 =	vadd.f32 v42, v30;
	v58 =	vmul.f32 v63, v22  }
0xf9: {  	v14 =	vadd.f32 v40, v14;
	v29 =	vld.idx.msk [tilespmem:v62+s12+$0x0], $0xffff;
	[tilespmem:s10+$0x5940] =	vst v55;
	v60 =	vadd.f32 v43, v36  }
0xfa: {  	v62 =	vmul.f32 v38, v31;
	v26 =	vld.idx.msk [tilespmem:v51+s12+$0x0], $0xffff;
	[tilespmem:s4+$0x0] =	vst v42;
	v22 =	vadd.f32 v58, v27  }
0xfb: {  	v61 =	vor.u32 v6, v20;
	v59 =	vmul.f32 v46, v31;
	v41 =	vld.idx.msk [tilespmem:v54+s12+$0x0], $0xffff;
	[tilespmem:s20+$0x5940] =	vst v60  }
0xfc: {  	v49 =	vadd.f32 v62, v10;
	v23 =	vmul.f32 v53, v25;
	v63 =	vld.idx.msk [tilespmem:v56+s12+$0x0], $0xffff;
	[tilespmem:s22+$0x0] =	vst v22  }
0xfd: {  	[tilespmem:s0+$0x30] =	vst v14;
	v62 =	vadd.f32 v59, v11;
	v48 =	vld.idx.msk [tilespmem:v57+s12+$0x0], $0xffff  }
0xfe: {  	v47 =	vor.u32 v6, v21;
	[tilespmem:s1+$0x20] =	vst v49;
	v29 =	vmul.f32 v29, v25;
	v23 =	vadd.f32 v23, v17  }
0xff: {  	v18 =	vld.idx.msk [tilespmem:v18+s12+$0x0], $0xffff;
	v52 =	vor.u32 v6, v28;
	[tilespmem:s2+$0x5960] =	vst v62;
	v26 =	vmul.f32 v26, v25  }
0x100: {  	v54 =	vor.u32 v6, v33;
	v51 =	vadd.f32 v29, v19;
	[tilespmem:s8+$0x5950] =	vst v23;
	v41 =	vmul.f32 v41, v25  }
0x101: {  	v53 =	vld.idx.msk [tilespmem:v61+s12+$0x0], $0xffff;
	v56 =	vor.u32 v6, v37;
	v55 =	vadd.f32 v26, v34;
	v38 =	vmul.f32 v63, v25  }
0x102: {  	[tilespmem:s7+$0x10] =	vst v51;
	v57 =	vor.u32 v6, v35;
	v41 =	vadd.f32 v41, v30;
	v58 =	vmul.f32 v48, v25  }
0x103: {  	v13 =	vor.u32 v7, v13;
	v22 =	vld.idx.msk [tilespmem:v47+s12+$0x0], $0xffff;
	[tilespmem:s10+$0x5950] =	vst v55;
	v61 =	vadd.f32 v38, v36  }
0x104: {  	v29 =	vld.idx.msk [tilespmem:v52+s12+$0x0], $0xffff;
	[tilespmem:s4+$0x10] =	vst v41;
	v25 =	vadd.f32 v58, v27  }
0x105: {  	v24 =	vmul.f32 v50, v31;
	v60 =	vor.u32 v7, v15;
	v43 =	vld.idx.msk [tilespmem:v54+s12+$0x0], $0xffff;
	[tilespmem:s20+$0x5950] =	vst v61  }
0x106: {  	v46 =	vor.u32 v7, v20;
	v63 =	vor.u32 v7, v16;
	v45 =	vld.idx.msk [tilespmem:v56+s12+$0x0], $0xffff;
	[tilespmem:s22+$0x10] =	vst v25  }
0x107: {  	v49 =	vor.u32 v7, v28;
	v44 =	vadd.f32 v24, v12;
	v14 =	vmul.f32 v53, v31;
	v25 =	vld.idx.msk [tilespmem:v57+s12+$0x0], $0xffff  }
0x108: {  	v50 =	vor.u32 v7, v33;
	v13 =	vld.idx.msk [tilespmem:v13+s12+$0x0], $0xffff;
	v47 =	vor.u32 v7, v21;
	v22 =	vmul.f32 v22, v31  }
0x109: {  	[tilespmem:s31+$0x20] =	vst v44;
	v55 =	vor.u32 v7, v35;
	v14 =	vadd.f32 v14, v17;
	v48 =	vmul.f32 v29, v31  }
0x10a: {  	v15 =	vld.idx.msk [tilespmem:v60+s12+$0x0], $0xffff;
	v54 =	vor.u32 v7, v37;
	v22 =	vadd.f32 v22, v19;
	v51 =	vmul.f32 v43, v31  }
0x10b: {  	[tilespmem:s8+$0x5960] =	vst v14;
	v16 =	vld.idx.msk [tilespmem:v63+s12+$0x0], $0xffff;
	v52 =	vadd.f32 v48, v34;
	v53 =	vmul.f32 v45, v31  }
0x10c: {  	[tilespmem:s7+$0x20] =	vst v22;
	v20 =	vld.idx.msk [tilespmem:v46+s12+$0x0], $0xffff;
	v28 =	vadd.f32 v51, v30;
	v25 =	vmul.f32 v25, v31  }
0x10d: {  	v18 =	vmul.f32 v18, v32;
	v21 =	vld.idx.msk [tilespmem:v47+s12+$0x0], $0xffff;
	[tilespmem:s10+$0x5960] =	vst v52;
	v56 =	vadd.f32 v53, v36  }
0x10e: {  	v13 =	vmul.f32 v13, v32;
	[tilespmem:s4+$0x20] =	vst v28;
	v57 =	vld.idx.msk [tilespmem:v49+s12+$0x0], $0xffff;
	v25 =	vadd.f32 v25, v27  }
0x10f: {  	v9 =	vadd.f32 v18, v9;
	v15 =	vmul.f32 v15, v32;
	v14 =	vld.idx.msk [tilespmem:v50+s12+$0x0], $0xffff;
	[tilespmem:s20+$0x5960] =	vst v56  }
0x110: {  	v10 =	vadd.f32 v13, v10;
	v58 =	vmul.f32 v16, v32;
	[tilespmem:s22+$0x20] =	vst v25;
	v59 =	vld.idx.msk [tilespmem:v54+s12+$0x0], $0xffff  }
0x111: {  	[tilespmem:s30+$0x5970] =	vst v9;
	v9 =	vadd.f32 v15, v11;
	v11 =	vmul.f32 v20, v32;
	v60 =	vld.idx.msk [tilespmem:v55+s12+$0x0], $0xffff  }
0x112: {  	[tilespmem:s1+$0x30] =	vst v10;
	v61 =	vmul.f32 v21, v32;
	v10 =	vadd.f32 v58, v12  }
0x113: {  	[tilespmem:s2+$0x5970] =	vst v9;
	v9 =	vadd.f32 v11, v17;
	v11 =	vmul.f32 v57, v32  }
0x114: {  	[tilespmem:s31+$0x30] =	vst v10;
	v10 =	vadd.f32 v61, v19;
	v62 =	vmul.f32 v14, v32  }
0x115: {  	[tilespmem:s8+$0x5970] =	vst v9;
	v9 =	vadd.f32 v11, v34;
	v11 =	vmul.f32 v59, v32  }
.Ltmp7:
0x116: {  	[tilespmem:s7+$0x30] =	vst v10;
	v10 =	vadd.f32 v62, v30;
	v63 =	vmul.f32 v60, v32;
	(pc) =	sbr.rel .LBB2_10-.Ltmp7, $4  }
0x117: {  	[tilespmem:s10+$0x5970] =	vst v9;
	v9 =	vadd.f32 v11, v36  }
0x118: {  	[tilespmem:s4+$0x30] =	vst v10;
	v10 =	vadd.f32 v63, v27  }
0x119: {  	[tilespmem:s20+$0x5970] =	vst v9  }
0x11a: {  	[tilespmem:s22+$0x30] =	vst v10  }
.LBB2_3:
0x11b: {  	s0 =	simm.s32 $0x0  }
0x11c: {  	s4 =	simm.s32 $0x2;
	v10 =	vmov s0  }
0x11d: {  	v11 =	vmov s4;
	v10 =	vand.u32 $0x3C, v10  }
0x11e: {  	v11 =	vand.u32 $0x3E, v11;
	v33 =	vbroadcast v10, $0x0  }
0x11f: {  	v30 =	vbroadcast v11, $0x0  }
0x120: {  	v20 =	vshll.u32 v9, $0x7;
	s7 =	simm.s32 $0x3;
	v9 =	vor.u32 v0, v33  }
0x121: {  	v10 =	vmov s7;
	v11 =	vor.u32 v20, v30  }
0x122: {  	v10 =	vand.u32 $0x3F, v10;
	v12 =	vor.u32 v0, v30  }
0x123: {  	v36 =	vbroadcast v10, $0x0;
	v10 =	vor.u32 v20, v33;
	_ =	sdelay $0x1  }
0x124: {  	v13 =	vor.u32 v20, v36;
	v9 =	vld.idx.msk [tilespmem:v9+s12+$0x0], $0xffff  }
0x125: {  	v14 =	vor.u32 v0, v36;
	v11 =	vld.idx.msk [tilespmem:v11+s9+$0x0], $0xffff  }
0x126: {  	s8 =	simm.s32 $0x1;
	v12 =	vld.idx.msk [tilespmem:v12+s12+$0x0], $0xffff  }
0x127: {  	v15 =	vmov s8;
	v17 =	vld.idx.msk [tilespmem:v10+s9+$0x0], $0xffff  }
0x128: {  	v10 =	vand.u32 $0x3D, v15  }
0x129: {  	s10 =	simm.s32 $0x0;
	v37 =	vbroadcast v10, $0x0;
	v10 =	vor.u32 v1, v30;
	v16 =	vld.idx.msk [tilespmem:v13+s9+$0x0], $0xffff  }
0x12a: {  	s1 =	simm.s32 $0x100;
	s0 =	sand.u32 $0x1C00, s10;
	v13 =	vld.idx.msk [tilespmem:v14+s12+$0x0], $0xffff;
	v14 =	vor.u32 v1, v33  }
0x12b: {  	s1 =	sand.u32 $0x300, s1;
	s0 =	sadd.s32 $0x5900, s0;
	v15 =	vor.u32 v20, v37;
	v12 =	vadd.f32 v12, v11  }
0x12c: {  	s1 =	sadd.s32 s1, s0;
	v18 =	vor.u32 v0, v37;
	v9 =	vadd.f32 v9, v17  }
0x12d: {  	s31 =	simm.s32 $0x5940;
	v21 =	vor.u32 v1, v36;
	[tilespmem:s1+$0x0] =	vst v12  }
0x12e: {  	s2 =	simm.s32 $0x180;
	[tilespmem:s31+$0xFFFFFFC0] =	vst v9;
	v10 =	vld.idx.msk [tilespmem:v10+s12+$0x0], $0xffff  }
0x12f: {  	s2 =	sand.u32 $0x380, s2;
	v9 =	vadd.f32 v13, v16;
	v12 =	vld.idx.msk [tilespmem:v14+s12+$0x0], $0xffff  }
0x130: {  	s30 =	sadd.s32 s2, s0;
	v19 =	vld.idx.msk [tilespmem:v15+s9+$0x0], $0xffff  }
0x131: {  	s11 =	simm.s32 $0x4;
	v13 =	vld.idx.msk [tilespmem:v18+s12+$0x0], $0xffff;
	v15 =	vor.u32 v2, v30;
	[tilespmem:s30+$0x0] =	vst v9  }
0x132: {  	s15 =	simm.s32 $0x6;
	v18 =	vor.u32 v2, v33;
	v14 =	vmov s11;
	v9 =	vor.u32 v1, v37;
	v22 =	vld.idx.msk [tilespmem:v21+s12+$0x0], $0xffff  }
0x133: {  	v14 =	vand.u32 $0x3C, v14;
	v21 =	vmov s15;
	v10 =	vadd.f32 v10, v11  }
0x134: {  	v23 =	vand.u32 $0x3E, v21;
	v21 =	vbroadcast v14, $0x0;
	v12 =	vadd.f32 v12, v17  }
0x135: {  	s16 =	simm.s32 $0x80;
	v14 =	vbroadcast v23, $0x0;
	[tilespmem:s1+$0x10] =	vst v10;
	v10 =	vor.u32 v2, v36  }
0x136: {  	s2 =	sand.u32 $0x280, s16;
	v13 =	vadd.f32 v13, v19;
	v23 =	vor.u32 v0, v21;
	[tilespmem:s31+$0xFFFFFFD0] =	vst v12;
	v15 =	vld.idx.msk [tilespmem:v15+s12+$0x0], $0xffff  }
0x137: {  	s4 =	simm.s32 $0x7;
	s21 =	sor.u32 s2, s0;
	v24 =	vor.u32 v20, v14;
	v22 =	vadd.f32 v22, v16;
	v18 =	vld.idx.msk [tilespmem:v18+s12+$0x0], $0xffff  }
0x138: {  	v12 =	vmov s4;
	[tilespmem:s21+$0x0] =	vst v13;
	v13 =	vor.u32 v0, v14  }
0x139: {  	v29 =	vor.u32 v20, v21;
	v12 =	vand.u32 $0x3F, v12;
	v26 =	vld.idx.msk [tilespmem:v9+s12+$0x0], $0xffff;
	[tilespmem:s30+$0x10] =	vst v22  }
0x13a: {  	s17 =	simm.s32 $0x5;
	v12 =	vbroadcast v12, $0x0;
	v22 =	vld.idx.msk [tilespmem:v10+s12+$0x0], $0xffff;
	v10 =	vor.u32 v3, v33  }
0x13b: {  	v25 =	vor.u32 v3, v30;
	v9 =	vmov s17;
	v23 =	vld.idx.msk [tilespmem:v23+s12+$0x0], $0xffff;
	v28 =	vadd.f32 v15, v11  }
0x13c: {  	v27 =	vor.u32 v20, v12;
	v15 =	vand.u32 $0x3D, v9;
	v9 =	vld.idx.msk [tilespmem:v24+s9+$0x0], $0xffff;
	v18 =	vadd.f32 v18, v17  }
0x13d: {  	v24 =	vor.u32 v0, v12;
	v15 =	vbroadcast v15, $0x0;
	[tilespmem:s1+$0x20] =	vst v28;
	v28 =	vld.idx.msk [tilespmem:v13+s12+$0x0], $0xffff  }
0x13e: {  	v31 =	vor.u32 v2, v37;
	[tilespmem:s31+$0xFFFFFFE0] =	vst v18;
	v13 =	vld.idx.msk [tilespmem:v29+s9+$0x0], $0xffff  }
0x13f: {  	v18 =	vor.u32 v20, v15;
	v32 =	vld.idx.msk [tilespmem:v10+s12+$0x0], $0xffff  }
0x140: {  	s20 =	simm.s32 $0x200;
	v26 =	vadd.f32 v26, v19;
	v25 =	vld.idx.msk [tilespmem:v25+s12+$0x0], $0xffff;
	v34 =	vor.u32 v0, v15  }
0x141: {  	s22 =	simm.s32 $0x300;
	s0 =	sand.u32 $0x1C00, s20;
	v10 =	vld.idx.msk [tilespmem:v27+s9+$0x0], $0xffff;
	v27 =	vor.u32 v1, v14  }
0x142: {  	s8 =	sand.u32 $0x300, s22;
	s3 =	sadd.s32 $0x5900, s0;
	[tilespmem:s21+$0x10] =	vst v26;
	v24 =	vld.idx.msk [tilespmem:v24+s12+$0x0], $0xffff;
	v26 =	vadd.f32 v28, v9;
	v28 =	vor.u32 v4, v33  }
0x143: {  	s0 =	sadd.s32 s8, s3;
	v35 =	vor.u32 v3, v36;
	v31 =	vld.idx.msk [tilespmem:v31+s12+$0x0], $0xffff  }
0x144: {  	v51 =	vor.u32 v1, v21;
	v18 =	vld.idx.msk [tilespmem:v18+s9+$0x0], $0xffff;
	[tilespmem:s0+$0x0] =	vst v26;
	v26 =	vadd.f32 v32, v17  }
0x145: {  	v38 =	vor.u32 v1, v12;
	v22 =	vadd.f32 v22, v16;
	v34 =	vld.idx.msk [tilespmem:v34+s12+$0x0], $0xffff  }
0x146: {  	s10 =	simm.s32 $0x380;
	v23 =	vadd.f32 v23, v13;
	v27 =	vld.idx.msk [tilespmem:v27+s12+$0x0], $0xffff;
	[tilespmem:s31+$0xFFFFFFF0] =	vst v26  }
0x147: {  	s7 =	simm.s32 $0x5B40;
	s2 =	sand.u32 $0x380, s10;
	[tilespmem:s30+$0x20] =	vst v22;
	v22 =	vor.u32 v3, v37;
	v24 =	vadd.f32 v24, v10;
	v26 =	vld.idx.msk [tilespmem:v28+s12+$0x0], $0xffff  }
0x148: {  	v39 =	vor.u32 v4, v30;
	s2 =	sadd.s32 s2, s3;
	[tilespmem:s7+$0xFFFFFFC0] =	vst v23;
	v28 =	vadd.f32 v31, v19;
	v31 =	vld.idx.msk [tilespmem:v35+s12+$0x0], $0xffff  }
0x149: {  	s10 =	simm.s32 $0xB;
	v40 =	vor.u32 v5, v33;
	v52 =	vor.u32 v2, v14;
	[tilespmem:s2+$0x0] =	vst v24;
	v24 =	vld.idx.msk [tilespmem:v51+s12+$0x0], $0xffff  }
0x14a: {  	v41 =	vmov s10;
	v29 =	vor.u32 v1, v15;
	v25 =	vadd.f32 v25, v11;
	v38 =	vld.idx.msk [tilespmem:v38+s12+$0x0], $0xffff  }
0x14b: {  	s8 =	simm.s32 $0x8;
	v55 =	vand.u32 $0x3F, v41;
	v53 =	vor.u32 v4, v36;
	s11 =	simm.s32 $0x280;
	[tilespmem:s21+$0x20] =	vst v28;
	v27 =	vadd.f32 v27, v9  }
0x14c: {  	v54 =	vor.u32 v2, v12;
	[tilespmem:s1+$0x30] =	vst v25;
	v25 =	vmov s8;
	s8 =	sand.u32 $0x280, s11;
	v34 =	vadd.f32 v34, v18;
	v42 =	vld.idx.msk [tilespmem:v22+s12+$0x0], $0xffff  }
0x14d: {  	v39 =	vld.idx.msk [tilespmem:v39+s12+$0x0], $0xffff;
	v25 =	vand.u32 $0x3C, v25;
	s8 =	sor.u32 s8, s3;
	v28 =	vor.u32 v2, v21;
	[tilespmem:s0+$0x10] =	vst v27;
	v22 =	vadd.f32 v26, v17  }
0x14e: {  	v23 =	vor.u32 v4, v37;
	s11 =	simm.s32 $0xA;
	[tilespmem:s8+$0x0] =	vst v34;
	v27 =	vbroadcast v25, $0x0;
	v31 =	vadd.f32 v31, v16;
	v26 =	vld.idx.msk [tilespmem:v52+s12+$0x0], $0xffff  }
0x14f: {  	v56 =	vld.idx.msk [tilespmem:v29+s12+$0x0], $0xffff;
	v25 =	vmov s11;
	v24 =	vadd.f32 v24, v13;
	v38 =	vadd.f32 v38, v10;
	[tilespmem:s31+$0x0] =	vst v22  }
0x150: {  	v29 =	vor.u32 v0, v27;
	v22 =	vand.u32 $0x3E, v25;
	v25 =	vbroadcast v55, $0x0;
	[tilespmem:s30+$0x30] =	vst v31;
	v35 =	vld.idx.msk [tilespmem:v40+s12+$0x0], $0xffff  }
0x151: {  	v31 =	vor.u32 v3, v14;
	[tilespmem:s7+$0xFFFFFFD0] =	vst v24;
	v57 =	vld.idx.msk [tilespmem:v53+s12+$0x0], $0xffff;
	v42 =	vadd.f32 v42, v19  }
0x152: {  	v22 =	vbroadcast v22, $0x0;
	v44 =	vld.idx.msk [tilespmem:v28+s12+$0x0], $0xffff;
	[tilespmem:s2+$0x10] =	vst v38;
	v43 =	vor.u32 v20, v25  }
0x153: {  	v46 =	vld.idx.msk [tilespmem:v54+s12+$0x0], $0xffff;
	v47 =	vor.u32 v0, v25;
	[tilespmem:s21+$0x30] =	vst v42;
	v45 =	vadd.f32 v26, v9  }
0x154: {  	v59 =	vor.u32 v5, v36;
	v63 =	vor.u32 v5, v37;
	s15 =	simm.s32 $0x9;
	v58 =	vor.u32 v20, v22;
	v60 =	vld.idx.msk [tilespmem:v23+s12+$0x0], $0xffff  }
0x155: {  	v39 =	vadd.f32 v39, v11;
	v24 =	vmov s15;
	v48 =	vor.u32 v0, v22;
	v49 =	vld.idx.msk [tilespmem:v29+s12+$0x0], $0xffff;
	[tilespmem:s0+$0x20] =	vst v45  }
0x156: {  	v32 =	vor.u32 v7, v33;
	v24 =	vand.u32 $0x3D, v24;
	v41 =	vadd.f32 v56, v18;
	v52 =	vld.idx.msk [tilespmem:v31+s12+$0x0], $0xffff  }
0x157: {  	[tilespmem:s1+$0x40] =	vst v39;
	v26 =	vbroadcast v24, $0x0;
	v40 =	vadd.f32 v57, v16;
	v57 =	vor.u32 v5, v30;
	v24 =	vld.idx.msk [tilespmem:v43+s9+$0x0], $0xffff  }
0x158: {  	v39 =	vor.u32 v7, v37;
	v61 =	vor.u32 v20, v27;
	v31 =	vor.u32 v2, v15;
	v54 =	vld.idx.msk [tilespmem:v47+s12+$0x0], $0xffff  }
0x159: {  	v28 =	vor.u32 v7, v21;
	v38 =	vor.u32 v7, v36;
	[tilespmem:s8+$0x10] =	vst v41;
	v23 =	vld.idx.msk [tilespmem:v58+s9+$0x0], $0xffff  }
0x15a: {  	v29 =	vor.u32 v7, v27;
	v62 =	vadd.f32 v44, v13;
	[tilespmem:s30+$0x40] =	vst v40;
	v53 =	vld.idx.msk [tilespmem:v48+s12+$0x0], $0xffff  }
0x15b: {  	v50 =	vor.u32 v20, v26;
	v51 =	vor.u32 v0, v26;
	v35 =	vadd.f32 v35, v17;
	v42 =	vld.idx.msk [tilespmem:v59+s12+$0x0], $0xffff  }
0x15c: {  	[tilespmem:s7+$0xFFFFFFE0] =	vst v62;
	v58 =	vor.u32 v3, v21;
	v59 =	vadd.f32 v60, v19;
	v55 =	vld.idx.msk [tilespmem:v57+s12+$0x0], $0xffff  }
0x15d: {  	v34 =	vor.u32 v1, v26;
	v45 =	vor.u32 v3, v15;
	[tilespmem:s31+$0x10] =	vst v35;
	v41 =	vld.idx.msk [tilespmem:v31+s12+$0x0], $0xffff  }
0x15e: {  	v43 =	vor.u32 v3, v22;
	[tilespmem:s21+$0x40] =	vst v59;
	v31 =	vld.idx.msk [tilespmem:v61+s9+$0x0], $0xffff;
	v61 =	vor.u32 v4, v14  }
0x15f: {  	s16 =	simm.s32 $0x400;
	v35 =	vor.u32 v7, v30;
	v60 =	vadd.f32 v46, v10;
	v46 =	vor.u32 v1, v22;
	v44 =	vld.idx.msk [tilespmem:v63+s12+$0x0], $0xffff  }
0x160: {  	s4 =	sand.u32 $0x1C00, s16;
	s17 =	simm.s32 $0x500;
	v48 =	vor.u32 v6, v30;
	v57 =	vor.u32 v6, v33;
	v30 =	vld.idx.msk [tilespmem:v50+s9+$0x0], $0xffff;
	v52 =	vadd.f32 v52, v9  }
0x161: {  	s20 =	sand.u32 $0x300, s17;
	s11 =	sadd.s32 $0x5900, s4;
	v50 =	vor.u32 v6, v36;
	[tilespmem:s2+$0x20] =	vst v60;
	v56 =	vld.idx.msk [tilespmem:v58+s12+$0x0], $0xffff;
	v62 =	vadd.f32 v53, v23  }
0x162: {  	s10 =	sadd.s32 s20, s11;
	v60 =	vor.u32 v6, v37;
	v42 =	vadd.f32 v42, v16;
	[tilespmem:s0+$0x30] =	vst v52;
	v52 =	vld.idx.msk [tilespmem:v51+s12+$0x0], $0xffff  }
0x163: {  	[tilespmem:s10+$0x0] =	vst v62;
	v63 =	vadd.f32 v41, v18;
	v33 =	vld.idx.msk [tilespmem:v61+s12+$0x0], $0xffff;
	v61 =	vor.u32 v3, v12  }
0x164: {  	v58 =	vor.u32 v4, v21;
	v47 =	vld.idx.msk [tilespmem:v46+s12+$0x0], $0xffff;
	[tilespmem:s30+$0x50] =	vst v42;
	v62 =	vadd.f32 v44, v19  }
0x165: {  	v40 =	vor.u32 v1, v25;
	v53 =	vld.idx.msk [tilespmem:v57+s12+$0x0], $0xffff;
	v55 =	vadd.f32 v55, v11;
	[tilespmem:s8+$0x20] =	vst v63  }
0x166: {  	v36 =	vor.u32 v4, v15;
	v46 =	vld.idx.msk [tilespmem:v50+s12+$0x0], $0xffff;
	v63 =	vadd.f32 v56, v13;
	[tilespmem:s21+$0x50] =	vst v62  }
0x167: {  	s17 =	simm.s32 $0x580;
	v37 =	vor.u32 v5, v21;
	v42 =	vor.u32 v2, v22;
	[tilespmem:s1+$0x50] =	vst v55;
	v44 =	vld.idx.msk [tilespmem:v60+s12+$0x0], $0xffff  }
0x168: {  	s22 =	sand.u32 $0x380, s17;
	v49 =	vadd.f32 v49, v31;
	v55 =	vor.u32 v1, v27;
	[tilespmem:s7+$0xFFFFFFF0] =	vst v63;
	v51 =	vld.idx.msk [tilespmem:v61+s12+$0x0], $0xffff  }
0x169: {  	s4 =	simm.s32 $0x5D40;
	s20 =	simm.s32 $0xC;
	s22 =	sadd.s32 s22, s11;
	v41 =	vor.u32 v4, v12;
	v50 =	vor.u32 v2, v27;
	v56 =	vadd.f32 v54, v24;
	v54 =	vld.idx.msk [tilespmem:v58+s12+$0x0], $0xffff  }
.LBB2_4:
0x16a: {  	v57 =	vmov s20;
	s3 =	sadd.s32 $0x1, s20;
	s15 =	sadd.s32 $0x2, s20;
	s16 =	sadd.s32 $0x3, s20;
	[tilespmem:s4+$0xFFFFFFC0] =	vst v49;
	v49 =	vadd.f32 v52, v30;
	v47 =	vadd.f32 v47, v23;
	v48 =	vld.idx.msk [tilespmem:v48+s12+$0x0], $0xffff  }
0x16b: {  	p1 =	slt.u32 s20, $0x3C;
	s20 =	sadd.s32 $0x4, s20;
	v53 =	vadd.f32 v53, v17;
	v52 =	vmov s3;
	v58 =	vmov s16;
	s3 =	sadd.s32 $0xFFFFFF00, s17;
	[tilespmem:s22+$0x0] =	vst v56;
	v56 =	vld.idx.msk [tilespmem:v45+s12+$0x0], $0xffff  }
0x16c: {  	v45 =	vand.u32 $0x3D, v52;
	v52 =	vmov s15;
	s3 =	sand.u32 $0x280, s3;
	[tilespmem:s10+$0x10] =	vst v47;
	v40 =	vld.idx.msk [tilespmem:v40+s12+$0x0], $0xffff;
	v47 =	vadd.f32 v46, v16  }
0x16d: {  	v46 =	vand.u32 $0x3F, v58;
	v45 =	vbroadcast v45, $0x0;
	v55 =	vld.idx.msk [tilespmem:v55+s12+$0x0], $0xffff;
	s11 =	sor.u32 s3, s11;
	[tilespmem:s31+$0x20] =	vst v53;
	v53 =	vadd.f32 v44, v19  }
0x16e: {  	v57 =	vand.u32 $0x3C, v57;
	v44 =	vand.u32 $0x3E, v52;
	v46 =	vbroadcast v46, $0x0;
	[tilespmem:s11+$0x0] =	vst v49;
	v52 =	vld.idx.msk [tilespmem:v42+s12+$0x0], $0xffff  }
0x16f: {  	v44 =	vbroadcast v44, $0x0;
	v54 =	vadd.f32 v54, v13;
	v49 =	vor.u32 v20, v45;
	v58 =	vld.idx.msk [tilespmem:v32+s12+$0x0], $0xffff;
	[tilespmem:s30+$0x60] =	vst v47  }
0x170: {  	v42 =	vbroadcast v57, $0x0;
	v47 =	vor.u32 v0, v45;
	v57 =	vld.idx.msk [tilespmem:v34+s12+$0x0], $0xffff;
	[tilespmem:s21+$0x60] =	vst v53;
	v34 =	vadd.f32 v48, v11  }
0x171: {  	v51 =	vadd.f32 v51, v10;
	v32 =	vmov v28;
	v48 =	vadd.f32 v56, v18;
	[tilespmem:s7+$0x0] =	vst v54;
	v39 =	vld.idx.msk [tilespmem:v39+s12+$0x0], $0xffff  }
0x172: {  	v28 =	vmov v29;
	v53 =	vor.u32 v20, v44;
	v54 =	vor.u32 v2, v25;
	[tilespmem:s1+$0x60] =	vst v34;
	v34 =	vld.idx.msk [tilespmem:v38+s12+$0x0], $0xffff  }
0x173: {  	v56 =	vor.u32 v20, v46;
	v38 =	vor.u32 v0, v42;
	v29 =	vadd.f32 v55, v31;
	v37 =	vld.idx.msk [tilespmem:v37+s12+$0x0], $0xffff  }
0x174: {  	v40 =	vadd.f32 v40, v24;
	v55 =	vor.u32 v0, v46;
	[tilespmem:s2+$0x30] =	vst v51;
	v35 =	vld.idx.msk [tilespmem:v35+s12+$0x0], $0xffff  }
0x175: {  	v51 =	vadd.f32 v52, v23;
	v52 =	vadd.f32 v58, v17;
	v17 =	vmov v13;
	[tilespmem:s4+$0xFFFFFFD0] =	vst v29;
	v41 =	vld.idx.msk [tilespmem:v41+s12+$0x0], $0xffff  }
0x176: {  	v58 =	vor.u32 v0, v44;
	v13 =	vmov v31;
	v29 =	vor.u32 v7, v42;
	v50 =	vld.idx.msk [tilespmem:v50+s12+$0x0], $0xffff;
	[tilespmem:s22+$0x10] =	vst v40  }
0x177: {  	v39 =	vadd.f32 v39, v19;
	v19 =	vmov v18;
	v31 =	vld.idx.msk [tilespmem:v54+s12+$0x0], $0xffff;
	v54 =	vor.u32 v5, v12;
	[tilespmem:s31+$0x30] =	vst v52;
	s31 =	smov.u32 s7;
	s7 =	smov.u32 s4  }
0x178: {  	s17 =	sadd.s32 $0x200, s17;
	v18 =	vadd.f32 v34, v16;
	v16 =	vmov v10;
	v52 =	vld.idx.msk [tilespmem:v38+s12+$0x0], $0xffff;
	v38 =	vor.u32 v2, v26;
	[tilespmem:s8+$0x30] =	vst v48  }
0x179: {  	v33 =	vadd.f32 v33, v9;
	v34 =	vor.u32 v1, v45;
	v10 =	vmov v24;
	[tilespmem:s10+$0x20] =	vst v51;
	v36 =	vld.idx.msk [tilespmem:v36+s12+$0x0], $0xffff  }
0x17a: {  	v48 =	vadd.f32 v57, v30;
	v35 =	vadd.f32 v35, v11;
	v11 =	vmov v9;
	v43 =	vld.idx.msk [tilespmem:v43+s12+$0x0], $0xffff;
	[tilespmem:s21+$0x70] =	vst v39;
	s21 =	smov.u32 s8;
	s8 =	smov.u32 s11  }
0x17b: {  	v9 =	vmov v23;
	v39 =	vor.u32 v20, v42;
	v41 =	vadd.f32 v41, v16;
	v24 =	vld.idx.msk [tilespmem:v56+s9+$0x0], $0xffff;
	[tilespmem:s30+$0x70] =	vst v18;
	s30 =	smov.u32 s2;
	s2 =	smov.u32 s22  }
0x17c: {  	v51 =	vor.u32 v5, v15;
	v50 =	vadd.f32 v50, v13;
	v18 =	vmov v30;
	v23 =	vld.idx.msk [tilespmem:v53+s9+$0x0], $0xffff;
	[tilespmem:s1+$0x70] =	vst v35;
	s1 =	smov.u32 s0;
	s0 =	smov.u32 s10  }
0x17d: {  	v40 =	vor.u32 v1, v46;
	v53 =	vadd.f32 v31, v10;
	v56 =	vld.idx.msk [tilespmem:v55+s12+$0x0], $0xffff;
	[tilespmem:s30+$0x40] =	vst v41  }
0x17e: {  	v30 =	vor.u32 v5, v14;
	[tilespmem:s4+$0xFFFFFFE0] =	vst v50;
	v41 =	vld.idx.msk [tilespmem:v54+s12+$0x0], $0xffff  }
0x17f: {  	v54 =	vor.u32 v3, v27;
	v35 =	vadd.f32 v36, v19;
	v50 =	vld.idx.msk [tilespmem:v58+s12+$0x0], $0xffff;
	[tilespmem:s8+$0x10] =	vst v48  }
0x180: {  	v37 =	vadd.f32 v37, v17;
	v36 =	vld.idx.msk [tilespmem:v38+s12+$0x0], $0xffff;
	[tilespmem:s1+$0x40] =	vst v33  }
0x181: {  	v33 =	vor.u32 v4, v22;
	v31 =	vld.idx.msk [tilespmem:v39+s9+$0x0], $0xffff;
	[tilespmem:s21+$0x40] =	vst v35  }
0x182: {  	v38 =	vor.u32 v7, v12;
	v35 =	vor.u32 v7, v14;
	[tilespmem:s31+$0x10] =	vst v37;
	v37 =	vld.idx.msk [tilespmem:v51+s12+$0x0], $0xffff  }
0x183: {  	s3 =	sadd.s32 $0xFFFFFE80, s17;
	v43 =	vadd.f32 v43, v9;
	v39 =	vor.u32 v7, v15;
	v51 =	vor.u32 v1, v44;
	v55 =	vld.idx.msk [tilespmem:v30+s12+$0x0], $0xffff  }
0x184: {  	v21 =	vor.u32 v6, v21;
	s3 =	sand.u32 $0x1C00, s3;
	s10 =	sadd.s32 $0xFFFFFF80, s17;
	v48 =	vor.u32 v6, v14;
	v14 =	vadd.f32 v41, v16;
	v54 =	vld.idx.msk [tilespmem:v54+s12+$0x0], $0xffff  }
0x185: {  	s15 =	sand.u32 $0x380, s17;
	s11 =	sadd.s32 $0x5900, s3;
	s3 =	sand.u32 $0x300, s10;
	v41 =	vadd.f32 v50, v23;
	v30 =	vld.idx.msk [tilespmem:v49+s9+$0x0], $0xffff;
	[tilespmem:s0+$0x30] =	vst v43;
	v43 =	vor.u32 v6, v12;
	v12 =	vmov v25  }
0x186: {  	s22 =	sadd.s32 s15, s11;
	s10 =	sadd.s32 s3, s11;
	v50 =	vor.u32 v6, v15;
	v15 =	vmov v26;
	v36 =	vadd.f32 v36, v18;
	v33 =	vld.idx.msk [tilespmem:v33+s12+$0x0], $0xffff;
	[tilespmem:s2+$0x20] =	vst v53  }
0x187: {  	s4 =	sadd.s32 $0x200, s4;
	v26 =	vmov v45;
	v49 =	vadd.f32 v52, v31;
	v57 =	vor.u32 v3, v12;
	v52 =	vld.idx.msk [tilespmem:v47+s12+$0x0], $0xffff;
	[tilespmem:s10+$0x0] =	vst v41  }
0x188: {  	v58 =	vor.u32 v4, v27;
	v25 =	vmov v46;
	v37 =	vadd.f32 v37, v19;
	v47 =	vld.idx.msk [tilespmem:v51+s12+$0x0], $0xffff;
	[tilespmem:s8+$0x20] =	vst v36  }
.Ltmp8:
0x189: {  	v36 =	vor.u32 v4, v15;
	v55 =	vadd.f32 v55, v11;
	v53 =	vld.idx.msk [tilespmem:v21+s12+$0x0], $0xffff;
	[tilespmem:s30+$0x50] =	vst v14;
	v14 =	vmov v22;
	(pc) =	sbr.rel @p1 .LBB2_4-.Ltmp8, $4  }
0x18a: {  	v45 =	vor.u32 v3, v15;
	v51 =	vadd.f32 v54, v13;
	v22 =	vmov v44;
	[tilespmem:s21+$0x50] =	vst v37;
	v46 =	vld.idx.msk [tilespmem:v43+s12+$0x0], $0xffff  }
0x18b: {  	v41 =	vor.u32 v4, v12;
	v21 =	vmov v27;
	v37 =	vor.u32 v5, v27;
	v44 =	vld.idx.msk [tilespmem:v50+s12+$0x0], $0xffff;
	[tilespmem:s1+$0x50] =	vst v55  }
0x18c: {  	v56 =	vadd.f32 v56, v24;
	v27 =	vmov v42;
	v55 =	vor.u32 v1, v42;
	[tilespmem:s7+$0xFFFFFFF0] =	vst v51;
	v51 =	vld.idx.msk [tilespmem:v57+s12+$0x0], $0xffff  }
0x18d: {  	v43 =	vor.u32 v3, v22;
	v50 =	vor.u32 v2, v27;
	v42 =	vor.u32 v2, v22;
	v54 =	vld.idx.msk [tilespmem:v58+s12+$0x0], $0xffff  }
0x18e: {  	_ = 	snop  }
0x18f: {  	s3 =	sadd.s32 $0xFFFFFF00, s17  }
0x190: {  	v20 =	vadd.f32 v52, v30;
	s3 =	sand.u32 $0x280, s3  }
0x191: {  	[tilespmem:s4+$0xFFFFFFC0] =	vst v49;
	s20 =	sor.u32 s3, s11  }
0x192: {  	v49 =	vld.idx.msk [tilespmem:v55+s12+$0x0], $0xffff;
	[tilespmem:s20+$0x0] =	vst v20  }
0x193: {  	[tilespmem:s22+$0x0] =	vst v56;
	v20 =	vld.idx.msk [tilespmem:v34+s12+$0x0], $0xffff  }
0x194: {  	v60 =	vld.idx.msk [tilespmem:v40+s12+$0x0], $0xffff  }
0x195: {  	v61 =	vadd.f32 v47, v23  }
0x196: {  	v62 =	vadd.f32 v53, v17;
	v63 =	vor.u32 v2, v26  }
0x197: {  	v53 =	vor.u32 v2, v25;
	[tilespmem:s10+$0x10] =	vst v61;
	v49 =	vadd.f32 v49, v31  }
0x198: {  	[tilespmem:s31+$0x20] =	vst v62;
	v20 =	vadd.f32 v20, v30  }
0x199: {  	v34 =	vadd.f32 v60, v24;
	[tilespmem:s4+$0xFFFFFFD0] =	vst v49  }
0x19a: {  	v33 =	vadd.f32 v33, v9;
	v55 =	vld.idx.msk [tilespmem:v50+s12+$0x0], $0xffff;
	[tilespmem:s20+$0x10] =	vst v20  }
0x19b: {  	v46 =	vadd.f32 v46, v16;
	[tilespmem:s22+$0x10] =	vst v34;
	v57 =	vld.idx.msk [tilespmem:v63+s12+$0x0], $0xffff  }
0x19c: {  	v56 =	vadd.f32 v44, v19;
	[tilespmem:s0+$0x40] =	vst v33;
	v40 =	vld.idx.msk [tilespmem:v53+s12+$0x0], $0xffff  }
0x19d: {  	[tilespmem:s30+$0x60] =	vst v46;
	v42 =	vld.idx.msk [tilespmem:v42+s12+$0x0], $0xffff;
	v61 =	vadd.f32 v51, v10;
	v60 =	vor.u32 v3, v27  }
0x19e: {  	v48 =	vld.idx.msk [tilespmem:v48+s12+$0x0], $0xffff;
	v62 =	vor.u32 v3, v26;
	v58 =	vadd.f32 v54, v13;
	[tilespmem:s21+$0x60] =	vst v56  }
0x19f: {  	v45 =	vld.idx.msk [tilespmem:v45+s12+$0x0], $0xffff;
	[tilespmem:s2+$0x30] =	vst v61;
	v49 =	vor.u32 v3, v25;
	v63 =	vadd.f32 v55, v31  }
0x1a0: {  	v32 =	vld.idx.msk [tilespmem:v32+s12+$0x0], $0xffff;
	[tilespmem:s7+$0x0] =	vst v58;
	v34 =	vadd.f32 v57, v30  }
0x1a1: {  	v39 =	vld.idx.msk [tilespmem:v39+s12+$0x0], $0xffff;
	v40 =	vadd.f32 v40, v24;
	[tilespmem:s4+$0xFFFFFFE0] =	vst v63  }
0x1a2: {  	v50 =	vadd.f32 v42, v23;
	v51 =	vld.idx.msk [tilespmem:v60+s12+$0x0], $0xffff;
	[tilespmem:s20+$0x20] =	vst v34  }
0x1a3: {  	v59 =	vadd.f32 v48, v11;
	[tilespmem:s22+$0x20] =	vst v40;
	v53 =	vld.idx.msk [tilespmem:v62+s12+$0x0], $0xffff  }
0x1a4: {  	v54 =	vadd.f32 v45, v18;
	[tilespmem:s10+$0x20] =	vst v50;
	v55 =	vld.idx.msk [tilespmem:v49+s12+$0x0], $0xffff  }
0x1a5: {  	v58 =	vor.u32 v4, v27;
	[tilespmem:s1+$0x60] =	vst v59;
	v52 =	vadd.f32 v32, v17;
	v57 =	vld.idx.msk [tilespmem:v43+s12+$0x0], $0xffff  }
0x1a6: {  	[tilespmem:s8+$0x30] =	vst v54;
	v35 =	vld.idx.msk [tilespmem:v35+s12+$0x0], $0xffff;
	v56 =	vadd.f32 v39, v19;
	v60 =	vor.u32 v4, v26  }
0x1a7: {  	v36 =	vld.idx.msk [tilespmem:v36+s12+$0x0], $0xffff;
	[tilespmem:s31+$0x30] =	vst v52;
	v62 =	vor.u32 v4, v25;
	v61 =	vadd.f32 v51, v31  }
0x1a8: {  	v44 =	vor.u32 v4, v22;
	[tilespmem:s21+$0x70] =	vst v56;
	v63 =	vld.idx.msk [tilespmem:v41+s12+$0x0], $0xffff;
	v32 =	vadd.f32 v53, v30  }
0x1a9: {  	v38 =	vld.idx.msk [tilespmem:v38+s12+$0x0], $0xffff;
	v45 =	vadd.f32 v55, v24;
	[tilespmem:s4+$0xFFFFFFF0] =	vst v61  }
0x1aa: {  	v46 =	vor.u32 v5, v15;
	v19 =	vadd.f32 v57, v23;
	v39 =	vld.idx.msk [tilespmem:v58+s12+$0x0], $0xffff;
	[tilespmem:s20+$0x30] =	vst v32  }
0x1ab: {  	v47 =	vor.u32 v5, v12;
	v11 =	vadd.f32 v35, v11;
	[tilespmem:s22+$0x30] =	vst v45;
	v48 =	vld.idx.msk [tilespmem:v60+s12+$0x0], $0xffff  }
0x1ac: {  	v50 =	vadd.f32 v36, v18;
	v49 =	vor.u32 v5, v14;
	[tilespmem:s10+$0x30] =	vst v19;
	v51 =	vld.idx.msk [tilespmem:v62+s12+$0x0], $0xffff  }
0x1ad: {  	[tilespmem:s1+$0x70] =	vst v11;
	v52 =	vadd.f32 v63, v10;
	v11 =	vld.idx.msk [tilespmem:v44+s12+$0x0], $0xffff;
	v53 =	vor.u32 v5, v27  }
0x1ae: {  	v37 =	vld.idx.msk [tilespmem:v37+s12+$0x0], $0xffff;
	v54 =	vor.u32 v5, v26;
	v59 =	vadd.f32 v38, v16;
	[tilespmem:s8+$0x40] =	vst v50  }
0x1af: {  	v56 =	vor.u32 v5, v25;
	v20 =	vld.idx.msk [tilespmem:v46+s12+$0x0], $0xffff;
	[tilespmem:s2+$0x40] =	vst v52;
	v55 =	vadd.f32 v39, v31  }
0x1b0: {  	[tilespmem:s30+$0x70] =	vst v59;
	v57 =	vor.u32 v5, v22;
	v32 =	vld.idx.msk [tilespmem:v47+s12+$0x0], $0xffff;
	v17 =	vadd.f32 v48, v30  }
0x1b1: {  	v21 =	vor.u32 v6, v21;
	v34 =	vld.idx.msk [tilespmem:v49+s12+$0x0], $0xffff;
	v19 =	vadd.f32 v51, v24;
	[tilespmem:s4+$0x0] =	vst v55  }
0x1b2: {  	v58 =	vor.u32 v6, v15;
	v11 =	vadd.f32 v11, v23;
	v16 =	vld.idx.msk [tilespmem:v53+s12+$0x0], $0xffff;
	[tilespmem:s20+$0x40] =	vst v17  }
0x1b3: {  	v59 =	vadd.f32 v37, v13;
	v60 =	vor.u32 v6, v12;
	[tilespmem:s22+$0x40] =	vst v19;
	v61 =	vld.idx.msk [tilespmem:v54+s12+$0x0], $0xffff  }
0x1b4: {  	v20 =	vadd.f32 v20, v18;
	v62 =	vor.u32 v6, v14;
	[tilespmem:s10+$0x40] =	vst v11;
	v38 =	vld.idx.msk [tilespmem:v56+s12+$0x0], $0xffff  }
0x1b5: {  	[tilespmem:s7+$0x10] =	vst v59;
	v39 =	vor.u32 v6, v27;
	v11 =	vadd.f32 v32, v10;
	v63 =	vld.idx.msk [tilespmem:v57+s12+$0x0], $0xffff  }
0x1b6: {  	v21 =	vld.idx.msk [tilespmem:v21+s12+$0x0], $0xffff;
	v41 =	vor.u32 v6, v26;
	[tilespmem:s8+$0x50] =	vst v20;
	v40 =	vadd.f32 v34, v9  }
0x1b7: {  	v42 =	vor.u32 v6, v25;
	[tilespmem:s2+$0x50] =	vst v11;
	v11 =	vld.idx.msk [tilespmem:v58+s12+$0x0], $0xffff;
	v16 =	vadd.f32 v16, v31  }
0x1b8: {  	v44 =	vor.u32 v6, v22;
	[tilespmem:s0+$0x50] =	vst v40;
	v43 =	vld.idx.msk [tilespmem:v60+s12+$0x0], $0xffff;
	v19 =	vadd.f32 v61, v30  }
0x1b9: {  	v35 =	vld.idx.msk [tilespmem:v62+s12+$0x0], $0xffff;
	v45 =	vadd.f32 v38, v24;
	[tilespmem:s4+$0x10] =	vst v16  }
0x1ba: {  	v46 =	vor.u32 v7, v15;
	v17 =	vadd.f32 v63, v23;
	v27 =	vld.idx.msk [tilespmem:v39+s12+$0x0], $0xffff;
	[tilespmem:s20+$0x50] =	vst v19  }
0x1bb: {  	v47 =	vor.u32 v7, v12;
	v48 =	vadd.f32 v21, v13;
	[tilespmem:s22+$0x50] =	vst v45;
	v49 =	vld.idx.msk [tilespmem:v41+s12+$0x0], $0xffff  }
0x1bc: {  	v50 =	vor.u32 v7, v14;
	v11 =	vadd.f32 v11, v18;
	[tilespmem:s10+$0x50] =	vst v17;
	v51 =	vld.idx.msk [tilespmem:v42+s12+$0x0], $0xffff  }
0x1bd: {  	[tilespmem:s7+$0x20] =	vst v48;
	v52 =	vadd.f32 v43, v10;
	v53 =	vld.idx.msk [tilespmem:v44+s12+$0x0], $0xffff  }
0x1be: {  	v55 =	vor.u32 v7, v26;
	v54 =	vld.idx.msk [tilespmem:v28+s12+$0x0], $0xffff;
	[tilespmem:s8+$0x60] =	vst v11;
	v11 =	vadd.f32 v35, v9  }
0x1bf: {  	v56 =	vor.u32 v7, v25;
	[tilespmem:s2+$0x60] =	vst v52;
	v15 =	vld.idx.msk [tilespmem:v46+s12+$0x0], $0xffff;
	v57 =	vadd.f32 v27, v31  }
0x1c0: {  	v58 =	vor.u32 v7, v22;
	[tilespmem:s0+$0x60] =	vst v11;
	v11 =	vld.idx.msk [tilespmem:v47+s12+$0x0], $0xffff;
	v16 =	vadd.f32 v49, v30  }
0x1c1: {  	v14 =	vld.idx.msk [tilespmem:v50+s12+$0x0], $0xffff;
	v20 =	vadd.f32 v51, v24;
	[tilespmem:s4+$0x20] =	vst v57  }
0x1c2: {  	v60 =	vadd.f32 v53, v23;
	v59 =	vld.idx.msk [tilespmem:v29+s12+$0x0], $0xffff;
	[tilespmem:s20+$0x60] =	vst v16  }
0x1c3: {  	v61 =	vadd.f32 v54, v13;
	[tilespmem:s22+$0x60] =	vst v20;
	v62 =	vld.idx.msk [tilespmem:v55+s12+$0x0], $0xffff  }
0x1c4: {  	v15 =	vadd.f32 v15, v18;
	[tilespmem:s10+$0x60] =	vst v60;
	v63 =	vld.idx.msk [tilespmem:v56+s12+$0x0], $0xffff  }
0x1c5: {  	[tilespmem:s7+$0x30] =	vst v61;
	v10 =	vadd.f32 v11, v10;
	v11 =	vld.idx.msk [tilespmem:v58+s12+$0x0], $0xffff  }
0x1c6: {  	[tilespmem:s8+$0x70] =	vst v15;
	v9 =	vadd.f32 v14, v9  }
0x1c7: {  	[tilespmem:s2+$0x70] =	vst v10;
	v10 =	vadd.f32 v59, v31  }
0x1c8: {  	[tilespmem:s0+$0x70] =	vst v9;
	v9 =	vadd.f32 v62, v30  }
0x1c9: {  	[tilespmem:s4+$0x30] =	vst v10;
	v10 =	vadd.f32 v63, v24  }
0x1ca: {  	[tilespmem:s20+$0x70] =	vst v9;
	v9 =	vadd.f32 v11, v23  }
0x1cb: {  	[tilespmem:s22+$0x70] =	vst v10  }
0x1cc: {  	s16 =	rddreg [dreg:$0x2];
	[tilespmem:s10+$0x70] =	vst v9  }
.LBB2_10:
0x1cd: {  	p1 =	sne.s32 s23, $0x18  }
.Ltmp9:
0x1ce: {  	s0 =	sshll.u32 s29, $0xD;
	(pc) =	sbr.rel @p1 .LBB2_12-.Ltmp9, $4  }
0x1cf: {  	s1 =	sshll.u32 s28, $0x4;
	s0 =	sand.u32 $0x1FFFC000, s0  }
0x1d0: {  	s31 =	simm.s32 $0x400;
	s1 =	sand.u32 $0x380, s1;
	s0 =	sadd.s32 s16, s0  }
0x1d1: {  	s2 =	simm.s32 $0x2000;
	s3 =	simm.s32 $0x5900;
	s0 =	sadd.s32 s1, s0  }
0x1d2: {  	[hbm4b:s0+s31] =	stream.strided.scatter [tilespmem:s3], [sflag:$0x3], $0x2000, s2, s31, $0x38;
	[tilespmem:$0xCB00] =	vst v63  }
.Ltmp10:
0x1d3: {  	(pc) =	sbr.rel .LBB2_13-.Ltmp10, $4  }
0x1d4: {  	_ = 	snop  }
0x1d5: {  	_ =	swait.ge [sflag:s18], $0x2000  }
0x1d6: {  	[sflag:s18] =	ssyncset.done $0x0  }
0x1d7: {  	[sflag:s18] =	ssyncadd.s32 $0xFFFFE000  }
.LBB2_12:
.Ltmp11:
0x1d8: {  	s0 =	sadd.s32 $0x100, s26;
	s1 =	simm.s32 $0x80;
	(pc) =	sbr.rel @p0 .LBB2_14-.Ltmp11, $4  }
0x1d9: {  	[tilespmem:s12], [sflag:$0x1] =	stream.indirect.gather [hbm4b:s5+s1], $0x40, s0, s1, $0xb8;
	[tilespmem:$0xCB00] =	vst v63  }
0x1da: {  	_ =	swait.ge [sflag:s18], $0x2000  }
0x1db: {  	[sflag:s18] =	ssyncset.done $0x0  }
0x1dc: {  	[sflag:s18] =	ssyncadd.s32 $0xFFFFE000  }
.LBB2_13:
0x1dd: {  	_ =	swait.ge [sflag:s19], $0x2000  }
0x1de: {  	[sflag:s19] =	ssyncset.done $0x0  }
0x1df: {  	[sflag:s19] =	ssyncadd.s32 $0xFFFFE000  }
.LBB2_14:
0x1e0: {  	v9 =	vld [tilespmem:s25+$0x0]  }
0x1e1: {  	v10 =	vld [tilespmem:s25+$0x10]  }
0x1e2: {  	v11 =	vld [tilespmem:s25+$0x20]  }
0x1e3: {  	v12 =	vld [tilespmem:s25+$0x30]  }
0x1e4: {  	v13 =	vld [tilespmem:s25+$0x40]  }
0x1e5: {  	vm7 =	veq.s32 v9, $0x0;
	v9 =	vld [tilespmem:s25+$0x50]  }
0x1e6: {  	vm6 =	veq.s32 v10, $0x0;
	v10 =	vld [tilespmem:s25+$0x60];
	v14 =	vmpcnt.ones.xlane vm7  }
0x1e7: {  	vm5 =	veq.s32 v11, $0x0;
	v11 =	vld [tilespmem:s25+$0x70];
	v15 =	vmpcnt.ones.xlane vm6  }
0x1e8: {  	vm4 =	veq.s32 v12, $0x0;
	v62 =	vmpcnt.ones.xlane vm5;
	(v2sf) =	vpush v14, $0x0  }
0x1e9: {  	vm3 =	veq.s32 v13, $0x0;
	v63 =	vmpcnt.ones.xlane vm4;
	(v2sf) =	vpush v15, $0x0  }
0x1ea: {  	(v2sf) =	vpush v62, $0x0;
	vm2 =	veq.s32 v9, $0x0;
	v9 =	vmpcnt.ones.xlane vm3  }
0x1eb: {  	vm1 =	veq.s32 v10, $0x0;
	(v2sf) =	vpush v63, $0x0;
	v10 =	vmpcnt.ones.xlane vm2  }
0x1ec: {  	vm0 =	veq.s32 v11, $0x0;
	(v2sf) =	vpush v9, $0x0;
	v9 =	vmpcnt.ones.xlane vm1  }
0x1ed: {  	(v2sf) =	vpush v10, $0x0;
	v10 =	vmpcnt.ones.xlane vm0  }
0x1ee: {  	(v2sf) =	vpush v9, $0x0  }
0x1ef: {  	(v2sf) =	vpush v10, $0x0;
	_ =	sdelay $0x7  }
0x1f0: {  	s0 =	spop (v2sf)  }
0x1f1: {  	s1 =	spop (v2sf)  }
0x1f2: {  	s2 =	spop (v2sf);
	s0 =	sadd.s32 s0, s1  }
0x1f3: {  	s25 =	spop (v2sf);
	s0 =	sadd.s32 s2, s0  }
0x1f4: {  	s26 =	spop (v2sf);
	s0 =	sadd.s32 s25, s0  }
0x1f5: {  	s28 =	spop (v2sf);
	s0 =	sadd.s32 s26, s0  }
0x1f6: {  	s29 =	spop (v2sf);
	s0 =	sadd.s32 s28, s0  }
0x1f7: {  	s0 =	sadd.s32 s29, s0;
	s31 =	spop (v2sf)  }
0x1f8: {  	s0 =	sadd.s32 s31, s0  }
0x1f9: {  	s24 =	sadd.s32 s6, s24;
	p0 =	sne.s32 s0, $0x0  }
.Ltmp12:
0x1fa: {  	s3 =	sshrl.u32 s24, $0x3;
	(pc) =	sbr.rel @!p0 .LBB2_15-.Ltmp12, $4  }
0x1fb: {  	s30 =	sand.u32 $0x7, s24;
	s3 =	sand.u32 $0xFFFFFF8, s3  }
0x1fc: {  	s25 =	sor.u32 s30, s3  }
0x1fd: {  	s1 =	sshrl.u32 s25, $0x1  }
0x1fe: {  	v9 =	vmov s1  }
0x1ff: {  	p0 =	slt.s32 s0, $0x1  }
.Ltmp13:
0x200: {  	_ = 	snop;
	(pc) =	sbr.rel @p0 .LBB2_22-.Ltmp13, $1  }
0x201: {  	_ =	sdelay $0x3  }
0x202: {  	s0 =	simm.s32 $0x0  }
0x203: {  	v10 =	vmov s0  }
0x204: {  	s4 =	simm.s32 $0x40;
	v10 =	vand.u32 $0x3E, v10  }
0x205: {  	s7 =	simm.s32 $0x1;
	v11 =	vmov s4;
	v32 =	vbroadcast v10, $0x0  }
0x206: {  	v10 =	vand.u32 $0x7E, v11;
	v11 =	vmov s7  }
0x207: {  	s8 =	simm.s32 $0x41;
	v10 =	vbroadcast v10, $0x0;
	v11 =	vand.u32 $0x3F, v11;
	v13 =	vor.u32 v0, v32  }
0x208: {  	v20 =	vshll.u32 v9, $0x7;
	v9 =	vmov s8;
	v12 =	vbroadcast v11, $0x0  }
0x209: {  	v9 =	vand.u32 $0x7F, v9;
	v10 =	vor.u32 v20, v10  }
0x20a: {  	v9 =	vbroadcast v9, $0x0;
	v11 =	vor.u32 v0, v12;
	_ =	sdelay $0x1  }
0x20b: {  	v14 =	vor.u32 v20, v9;
	v13 =	vld.idx.msk [tilespmem:v13+s13+$0x0], $0xffff;
	_ =	sdelay $0x1  }
0x20c: {  	v9 =	vld.idx.msk [tilespmem:v10+s9+$0x0], $0xffff  }
0x20d: {  	v11 =	vld.idx.msk [tilespmem:v11+s13+$0x0], $0xffff  }
0x20e: {  	v21 =	vsel vm7, $0x0, v8  }
0x20f: {  	v15 =	vor.u32 v1, v32;
	v10 =	vld.idx.msk [tilespmem:v14+s9+$0x0], $0xffff;
	v13 =	vmul.f32 v13, v21;
	_ =	sdelay $0x1  }
0x210: {  	v13 =	vadd.f32 v13, v9  }
0x211: {  	s0 =	simm.s32 $0x7940;
	v16 =	vor.u32 v1, v12;
	v11 =	vmul.f32 v11, v21  }
0x212: {  	s1 =	simm.s32 $0x80;
	s2 =	simm.s32 $0x2;
	s3 =	simm.s32 $0x0;
	[tilespmem:s0+$0xFFFFFFC0] =	vst v13  }
0x213: {  	s10 =	sand.u32 $0x1C00, s3;
	s1 =	sand.u32 $0x380, s1;
	v13 =	vmov s2;
	v11 =	vadd.f32 v11, v10;
	v15 =	vld.idx.msk [tilespmem:v15+s13+$0x0], $0xffff  }
0x214: {  	s11 =	simm.s32 $0x42;
	s1 =	sor.u32 s1, s10;
	v13 =	vand.u32 $0x3E, v13  }
0x215: {  	v17 =	vmov s11;
	v14 =	vbroadcast v13, $0x0;
	[tilespmem:s1+$0x7900] =	vst v11  }
0x216: {  	v11 =	vand.u32 $0x7E, v17;
	v13 =	vld.idx.msk [tilespmem:v16+s13+$0x0], $0xffff  }
0x217: {  	v22 =	vsel vm6, $0x0, v8;
	s15 =	simm.s32 $0x3;
	v11 =	vbroadcast v11, $0x0;
	v16 =	vor.u32 v0, v14  }
0x218: {  	v18 =	vmov s15;
	v17 =	vor.u32 v2, v32;
	v15 =	vmul.f32 v15, v22  }
0x219: {  	s17 =	simm.s32 $0x43;
	v18 =	vand.u32 $0x3F, v18;
	v11 =	vor.u32 v20, v11  }
0x21a: {  	v23 =	vmov s17;
	v19 =	vadd.f32 v15, v9;
	v15 =	vbroadcast v18, $0x0  }
0x21b: {  	v18 =	vand.u32 $0x7F, v23;
	v13 =	vmul.f32 v13, v22;
	v23 =	vor.u32 v2, v12  }
0x21c: {  	v16 =	vld.idx.msk [tilespmem:v16+s13+$0x0], $0xffff;
	v18 =	vbroadcast v18, $0x0;
	[tilespmem:s0+$0xFFFFFFD0] =	vst v19;
	v19 =	vor.u32 v0, v15  }
0x21d: {  	v13 =	vadd.f32 v13, v10;
	v17 =	vld.idx.msk [tilespmem:v17+s13+$0x0], $0xffff  }
0x21e: {  	v11 =	vld.idx.msk [tilespmem:v11+s9+$0x0], $0xffff;
	v18 =	vor.u32 v20, v18  }
0x21f: {  	[tilespmem:s1+$0x7910] =	vst v13  }
0x220: {  	v24 =	vld.idx.msk [tilespmem:v23+s13+$0x0], $0xffff  }
0x221: {  	v23 =	vsel vm5, $0x0, v8;
	v13 =	vmul.f32 v16, v21;
	v16 =	vor.u32 v1, v14;
	v19 =	vld.idx.msk [tilespmem:v19+s13+$0x0], $0xffff  }
0x222: {  	v25 =	vor.u32 v3, v32;
	v17 =	vmul.f32 v17, v23  }
0x223: {  	v26 =	vadd.f32 v13, v11;
	v13 =	vld.idx.msk [tilespmem:v18+s9+$0x0], $0xffff  }
0x224: {  	s20 =	simm.s32 $0x44;
	v27 =	vor.u32 v3, v12;
	s2 =	simm.s32 $0x7A40;
	v17 =	vadd.f32 v17, v9  }
0x225: {  	s4 =	simm.s32 $0x4;
	v28 =	vor.u32 v1, v15;
	v18 =	vmov s20;
	[tilespmem:s2+$0xFFFFFFC0] =	vst v26;
	v24 =	vmul.f32 v24, v23  }
0x226: {  	v18 =	vand.u32 $0x7E, v18;
	v26 =	vmov s4;
	v16 =	vld.idx.msk [tilespmem:v16+s13+$0x0], $0xffff;
	[tilespmem:s0+$0xFFFFFFE0] =	vst v17;
	v19 =	vmul.f32 v19, v21  }
0x227: {  	s21 =	simm.s32 $0x180;
	s22 =	simm.s32 $0x100;
	v18 =	vbroadcast v18, $0x0;
	v17 =	vand.u32 $0x3E, v26;
	v24 =	vadd.f32 v24, v10;
	v26 =	vld.idx.msk [tilespmem:v25+s13+$0x0], $0xffff  }
0x228: {  	s3 =	sand.u32 $0x380, s21;
	s4 =	sand.u32 $0x1C00, s22;
	v17 =	vbroadcast v17, $0x0;
	v19 =	vadd.f32 v19, v13  }
0x229: {  	s7 =	sor.u32 s3, s4;
	v18 =	vor.u32 v20, v18;
	[tilespmem:s1+$0x7920] =	vst v24  }
0x22a: {  	v24 =	vor.u32 v0, v17;
	[tilespmem:s7+$0x7900] =	vst v19;
	v19 =	vld.idx.msk [tilespmem:v27+s13+$0x0], $0xffff  }
0x22b: {  	v25 =	vsel vm4, $0x0, v8;
	v16 =	vmul.f32 v16, v22;
	v27 =	vor.u32 v2, v14;
	v28 =	vld.idx.msk [tilespmem:v28+s13+$0x0], $0xffff  }
0x22c: {  	s26 =	simm.s32 $0x5;
	v26 =	vmul.f32 v26, v25  }
0x22d: {  	s28 =	simm.s32 $0x45;
	v31 =	vmov s26;
	v29 =	vor.u32 v4, v32;
	v30 =	vadd.f32 v16, v11  }
0x22e: {  	v33 =	vmov s28;
	v16 =	vld.idx.msk [tilespmem:v18+s9+$0x0], $0xffff;
	v18 =	vand.u32 $0x3F, v31;
	v26 =	vadd.f32 v26, v9  }
0x22f: {  	v18 =	vbroadcast v18, $0x0;
	v24 =	vld.idx.msk [tilespmem:v24+s13+$0x0], $0xffff;
	[tilespmem:s2+$0xFFFFFFD0] =	vst v30;
	v30 =	vor.u32 v4, v12;
	v19 =	vmul.f32 v19, v25  }
0x230: {  	v31 =	vand.u32 $0x7F, v33;
	v51 =	vld.idx.msk [tilespmem:v27+s13+$0x0], $0xffff;
	[tilespmem:s0+$0xFFFFFFF0] =	vst v26;
	v26 =	vmul.f32 v28, v22;
	v28 =	vor.u32 v2, v15  }
0x231: {  	v27 =	vbroadcast v31, $0x0;
	v31 =	vor.u32 v0, v18;
	v19 =	vadd.f32 v19, v10  }
0x232: {  	v29 =	vld.idx.msk [tilespmem:v29+s13+$0x0], $0xffff;
	v26 =	vadd.f32 v26, v13  }
0x233: {  	v34 =	vor.u32 v20, v27;
	[tilespmem:s1+$0x7930] =	vst v19  }
0x234: {  	v19 =	vmul.f32 v24, v21;
	v24 =	vor.u32 v1, v17;
	[tilespmem:s7+$0x7910] =	vst v26;
	v26 =	vld.idx.msk [tilespmem:v30+s13+$0x0], $0xffff  }
0x235: {  	s29 =	simm.s32 $0x46;
	v30 =	vor.u32 v3, v14;
	v33 =	vmul.f32 v51, v23;
	v28 =	vld.idx.msk [tilespmem:v28+s13+$0x0], $0xffff  }
0x236: {  	v36 =	vmov s29;
	v27 =	vsel vm3, $0x0, v8;
	v31 =	vld.idx.msk [tilespmem:v31+s13+$0x0], $0xffff;
	v19 =	vadd.f32 v19, v16  }
0x237: {  	s17 =	simm.s32 $0x6;
	v35 =	vor.u32 v5, v32;
	s4 =	simm.s32 $0x7B40;
	v29 =	vmul.f32 v29, v27;
	v33 =	vadd.f32 v33, v11  }
0x238: {  	v37 =	vmov s17;
	v36 =	vand.u32 $0x7E, v36;
	v54 =	vor.u32 v5, v12;
	[tilespmem:s4+$0xFFFFFFC0] =	vst v19;
	v19 =	vld.idx.msk [tilespmem:v34+s9+$0x0], $0xffff  }
0x239: {  	v37 =	vand.u32 $0x3E, v37;
	v29 =	vadd.f32 v29, v9;
	v52 =	vld.idx.msk [tilespmem:v24+s13+$0x0], $0xffff;
	[tilespmem:s2+$0xFFFFFFE0] =	vst v33;
	v26 =	vmul.f32 v26, v27  }
0x23a: {  	v55 =	vor.u32 v3, v15;
	v24 =	vbroadcast v37, $0x0;
	v30 =	vld.idx.msk [tilespmem:v30+s13+$0x0], $0xffff;
	v28 =	vmul.f32 v28, v23  }
0x23b: {  	[tilespmem:s0+$0x0] =	vst v29;
	v29 =	vmul.f32 v31, v21;
	v31 =	vor.u32 v1, v18;
	v26 =	vadd.f32 v26, v10  }
0x23c: {  	s30 =	simm.s32 $0x200;
	v53 =	vbroadcast v36, $0x0;
	s20 =	simm.s32 $0x280;
	v38 =	vor.u32 v0, v24;
	v35 =	vld.idx.msk [tilespmem:v35+s13+$0x0], $0xffff;
	v28 =	vadd.f32 v28, v13  }
0x23d: {  	v41 =	vor.u32 v6, v32;
	s8 =	sand.u32 $0x380, s20;
	s3 =	sand.u32 $0x1C00, s30;
	v39 =	vadd.f32 v29, v19;
	[tilespmem:s1+$0x7940] =	vst v26  }
0x23e: {  	s10 =	simm.s32 $0x7;
	s8 =	sor.u32 s8, s3;
	v33 =	vor.u32 v20, v53;
	v26 =	vmul.f32 v52, v22;
	[tilespmem:s7+$0x7920] =	vst v28;
	v36 =	vld.idx.msk [tilespmem:v54+s13+$0x0], $0xffff  }
0x23f: {  	v59 =	vmov s10;
	v56 =	vor.u32 v2, v17;
	[tilespmem:s8+$0x7900] =	vst v39;
	v30 =	vmul.f32 v30, v25;
	v37 =	vld.idx.msk [tilespmem:v55+s13+$0x0], $0xffff  }
0x240: {  	s31 =	simm.s32 $0x47;
	v40 =	vor.u32 v4, v14;
	v29 =	vsel vm2, $0x0, v8;
	v26 =	vadd.f32 v26, v16;
	v39 =	vld.idx.msk [tilespmem:v31+s13+$0x0], $0xffff  }
0x241: {  	v31 =	vmov s31;
	v58 =	vld.idx.msk [tilespmem:v38+s13+$0x0], $0xffff;
	v35 =	vmul.f32 v35, v29;
	v30 =	vadd.f32 v30, v11  }
0x242: {  	v60 =	vor.u32 v6, v12;
	v61 =	vor.u32 v4, v15;
	[tilespmem:s4+$0xFFFFFFD0] =	vst v26;
	v26 =	vand.u32 $0x7F, v31  }
0x243: {  	v28 =	vld.idx.msk [tilespmem:v33+s9+$0x0], $0xffff;
	v31 =	vand.u32 $0x3F, v59;
	v57 =	vadd.f32 v35, v9;
	[tilespmem:s2+$0xFFFFFFF0] =	vst v30;
	v30 =	vmul.f32 v36, v29  }
0x244: {  	v63 =	vor.u32 v2, v18;
	v44 =	vld.idx.msk [tilespmem:v56+s13+$0x0], $0xffff;
	v31 =	vbroadcast v31, $0x0;
	v37 =	vmul.f32 v37, v25  }
0x245: {  	v26 =	vbroadcast v26, $0x0;
	v46 =	vld.idx.msk [tilespmem:v40+s13+$0x0], $0xffff;
	[tilespmem:s0+$0x10] =	vst v57;
	v62 =	vmul.f32 v39, v22;
	v30 =	vadd.f32 v30, v10  }
0x246: {  	v42 =	vor.u32 v0, v31;
	v35 =	vmul.f32 v58, v21;
	v34 =	vld.idx.msk [tilespmem:v41+s13+$0x0], $0xffff;
	v37 =	vadd.f32 v37, v13  }
0x247: {  	v38 =	vor.u32 v3, v17;
	v41 =	vor.u32 v1, v24;
	v47 =	vadd.f32 v62, v19;
	[tilespmem:s1+$0x7950] =	vst v30  }
0x248: {  	v43 =	vor.u32 v20, v26;
	v45 =	vadd.f32 v35, v28;
	[tilespmem:s7+$0x7930] =	vst v37;
	v33 =	vld.idx.msk [tilespmem:v60+s13+$0x0], $0xffff  }
0x249: {  	v26 =	vsel vm0, $0x0, v8;
	v35 =	vor.u32 v7, v32;
	v44 =	vmul.f32 v44, v23;
	[tilespmem:s8+$0x7910] =	vst v47;
	v36 =	vld.idx.msk [tilespmem:v61+s13+$0x0], $0xffff  }
0x24a: {  	s10 =	simm.s32 $0x7C40;
	v30 =	vsel vm1, $0x0, v8;
	v39 =	vmul.f32 v46, v27;
	v37 =	vor.u32 v5, v14;
	v40 =	vld.idx.msk [tilespmem:v63+s13+$0x0], $0xffff  }
.LBB2_20:
0x24b: {  	s3 =	sadd.s32 $0x42, s17;
	[tilespmem:s10+$0xFFFFFFC0] =	vst v45;
	v42 =	vld.idx.msk [tilespmem:v42+s13+$0x0], $0xffff;
	v44 =	vadd.f32 v44, v16;
	v34 =	vmul.f32 v34, v30;
	v32 =	vmov v14;
	s11 =	smov.u32 s17;
	s17 =	sadd.s32 $0x2, s17  }
0x24c: {  	v14 =	vmovc v17;
	v17 =	vmovc v24;
	v45 =	vmov s3;
	v46 =	vmov s17;
	p0 =	slt.u32 s17, $0x3E;
	v41 =	vld.idx.msk [tilespmem:v41+s13+$0x0], $0xffff;
	v39 =	vadd.f32 v39, v11  }
0x24d: {  	v24 =	vand.u32 $0x7E, v45;
	v45 =	vand.u32 $0x3E, v46;
	v46 =	vld.idx.msk [tilespmem:v43+s9+$0x0], $0xffff;
	[tilespmem:s4+$0xFFFFFFE0] =	vst v44;
	v34 =	vadd.f32 v34, v9;
	v43 =	vmovc v28  }
0x24e: {  	v33 =	vmul.f32 v33, v30;
	v28 =	vbroadcast v24, $0x0;
	v38 =	vld.idx.msk [tilespmem:v38+s13+$0x0], $0xffff;
	[tilespmem:s2+$0x0] =	vst v39;
	v39 =	vor.u32 v7, v12  }
0x24f: {  	v24 =	vbroadcast v45, $0x0;
	v47 =	vmul.f32 v36, v27;
	v36 =	vor.u32 v5, v15;
	v37 =	vld.idx.msk [tilespmem:v37+s13+$0x0], $0xffff;
	[tilespmem:s0+$0x20] =	vst v34  }
0x250: {  	v34 =	vmul.f32 v40, v23;
	v40 =	vor.u32 v3, v18;
	v33 =	vadd.f32 v33, v10;
	v35 =	vld.idx.msk [tilespmem:v35+s13+$0x0], $0xffff  }
0x251: {  	s20 =	sadd.s32 $0x100, s20;
	v44 =	vor.u32 v1, v31;
	v12 =	vmovc v15;
	v42 =	vmul.f32 v42, v21;
	v45 =	vadd.f32 v47, v13  }
0x252: {  	s3 =	sadd.s32 $0xFFFFFF80, s20;
	v28 =	vor.u32 v20, v28;
	v47 =	vor.u32 v4, v14;
	v34 =	vadd.f32 v34, v19;
	[tilespmem:s1+$0x7960] =	vst v33  }
0x253: {  	s15 =	sand.u32 $0x380, s20;
	s3 =	sand.u32 $0x1C00, s3;
	v15 =	vmov v18;
	v33 =	vor.u32 v0, v24;
	v42 =	vadd.f32 v42, v46;
	[tilespmem:s7+$0x7940] =	vst v45;
	v39 =	vld.idx.msk [tilespmem:v39+s13+$0x0], $0xffff  }
0x254: {  	s21 =	sor.u32 s15, s3;
	v18 =	vmov v31;
	v41 =	vmul.f32 v41, v22;
	v45 =	vor.u32 v2, v17;
	[tilespmem:s8+$0x7920] =	vst v34;
	v34 =	vld.idx.msk [tilespmem:v36+s13+$0x0], $0xffff  }
0x255: {  	v31 =	vmul.f32 v38, v25;
	v37 =	vmul.f32 v37, v29;
	[tilespmem:s21+$0x7900] =	vst v42;
	v36 =	vld.idx.msk [tilespmem:v40+s13+$0x0], $0xffff  }
0x256: {  	v38 =	vadd.f32 v41, v43;
	v41 =	vor.u32 v6, v32;
	v35 =	vmul.f32 v35, v26;
	v40 =	vld.idx.msk [tilespmem:v44+s13+$0x0], $0xffff  }
0x257: {  	s3 =	sadd.s32 $0x3, s11;
	s11 =	sadd.s32 $0x43, s11;
	v31 =	vadd.f32 v31, v16;
	v37 =	vadd.f32 v37, v11;
	v28 =	vld.idx.msk [tilespmem:v28+s9+$0x0], $0xffff  }
0x258: {  	v42 =	vmov s11;
	v44 =	vmov s3;
	v35 =	vadd.f32 v35, v9;
	v9 =	vmovc v11;
	v11 =	vmovc v16;
	v33 =	vld.idx.msk [tilespmem:v33+s13+$0x0], $0xffff;
	[tilespmem:s10+$0xFFFFFFD0] =	vst v38  }
0x259: {  	v16 =	vmovc v43;
	v38 =	vand.u32 $0x7F, v42;
	v42 =	vand.u32 $0x3F, v44;
	v39 =	vmul.f32 v39, v26;
	v44 =	vld.idx.msk [tilespmem:v45+s13+$0x0], $0xffff;
	[tilespmem:s4+$0xFFFFFFF0] =	vst v31  }
0x25a: {  	v31 =	vbroadcast v42, $0x0;
	v45 =	vor.u32 v6, v12;
	v47 =	vld.idx.msk [tilespmem:v47+s13+$0x0], $0xffff;
	[tilespmem:s2+$0x10] =	vst v37;
	v37 =	vmul.f32 v34, v29  }
0x25b: {  	v48 =	vor.u32 v4, v15;
	v36 =	vmul.f32 v36, v25;
	v34 =	vld.idx.msk [tilespmem:v41+s13+$0x0], $0xffff;
	v41 =	vadd.f32 v39, v10  }
0x25c: {  	v39 =	vmul.f32 v40, v22;
	v40 =	vor.u32 v2, v18;
	v37 =	vadd.f32 v37, v13;
	[tilespmem:s0+$0x30] =	vst v35;
	s0 =	smov.u32 s2;
	s2 =	smov.u32 s4;
	s4 =	smov.u32 s10  }
.Ltmp14:
0x25d: {  	v42 =	vor.u32 v0, v31;
	v10 =	vmovc v13;
	v35 =	vbroadcast v38, $0x0;
	v36 =	vadd.f32 v36, v19;
	[tilespmem:s1+$0x7970] =	vst v41;
	s1 =	smov.u32 s7;
	s7 =	smov.u32 s8;
	(pc) =	sbr.rel @p0 .LBB2_20-.Ltmp14, $4  }
0x25e: {  	v49 =	vmul.f32 v33, v21;
	v41 =	vor.u32 v1, v24;
	v39 =	vadd.f32 v39, v46;
	s8 =	smov.u32 s21;
	[tilespmem:s1+$0x7950] =	vst v37  }
0x25f: {  	v38 =	vor.u32 v3, v17;
	v13 =	vmov v19;
	v43 =	vor.u32 v20, v35;
	[tilespmem:s7+$0x7930] =	vst v36;
	v33 =	vld.idx.msk [tilespmem:v45+s13+$0x0], $0xffff  }
0x260: {  	v19 =	vmov v46;
	v44 =	vmul.f32 v44, v23;
	v45 =	vadd.f32 v49, v28;
	[tilespmem:s8+$0x7910] =	vst v39;
	v36 =	vld.idx.msk [tilespmem:v48+s13+$0x0], $0xffff  }
0x261: {  	s10 =	sadd.s32 $0x100, s10;
	v37 =	vor.u32 v5, v14;
	v35 =	vor.u32 v7, v32;
	v39 =	vmul.f32 v47, v27;
	v40 =	vld.idx.msk [tilespmem:v40+s13+$0x0], $0xffff  }
0x262: {  	_ =	sdelay $0x3  }
0x263: {  	v32 =	vld.idx.msk [tilespmem:v42+s13+$0x0], $0xffff;
	_ =	sdelay $0x1  }
0x264: {  	v20 =	vld.idx.msk [tilespmem:v43+s9+$0x0], $0xffff;
	_ =	sdelay $0x2  }
0x265: {  	v47 =	vor.u32 v1, v31;
	s3 =	sadd.s32 $0x100, s20;
	v21 =	vmul.f32 v32, v21  }
0x266: {  	s11 =	sadd.s32 $0xFFFFFF80, s3  }
0x267: {  	s3 =	sand.u32 $0x380, s3;
	s11 =	sand.u32 $0x1C00, s11;
	v21 =	vadd.f32 v21, v20  }
0x268: {  	[tilespmem:s10+$0xFFFFFFC0] =	vst v45;
	s17 =	sor.u32 s3, s11  }
0x269: {  	v41 =	vld.idx.msk [tilespmem:v41+s13+$0x0], $0xffff;
	[tilespmem:s17+$0x7900] =	vst v21  }
0x26a: {  	v21 =	vld.idx.msk [tilespmem:v47+s13+$0x0], $0xffff;
	_ =	sdelay $0x3  }
0x26b: {  	v49 =	vor.u32 v2, v24;
	v48 =	vmul.f32 v41, v22  }
0x26c: {  	v50 =	vor.u32 v2, v31;
	v21 =	vmul.f32 v21, v22  }
0x26d: {  	v32 =	vadd.f32 v48, v28  }
0x26e: {  	v21 =	vadd.f32 v21, v20  }
0x26f: {  	[tilespmem:s10+$0xFFFFFFD0] =	vst v32  }
0x270: {  	v32 =	vld.idx.msk [tilespmem:v49+s13+$0x0], $0xffff;
	[tilespmem:s17+$0x7910] =	vst v21  }
0x271: {  	v21 =	vld.idx.msk [tilespmem:v50+s13+$0x0], $0xffff;
	_ =	sdelay $0x2  }
0x272: {  	v52 =	vor.u32 v3, v18;
	v51 =	vmul.f32 v40, v23  }
0x273: {  	v53 =	vadd.f32 v44, v16;
	v54 =	vor.u32 v3, v24;
	v32 =	vmul.f32 v32, v23  }
0x274: {  	v55 =	vor.u32 v3, v31;
	v22 =	vadd.f32 v51, v19;
	v21 =	vmul.f32 v21, v23  }
0x275: {  	[tilespmem:s4+$0xFFFFFFE0] =	vst v53;
	v32 =	vadd.f32 v32, v28  }
0x276: {  	v38 =	vld.idx.msk [tilespmem:v38+s13+$0x0], $0xffff;
	[tilespmem:s8+$0x7920] =	vst v22;
	v21 =	vadd.f32 v21, v20  }
0x277: {  	v22 =	vld.idx.msk [tilespmem:v52+s13+$0x0], $0xffff;
	[tilespmem:s10+$0xFFFFFFE0] =	vst v32  }
0x278: {  	v32 =	vld.idx.msk [tilespmem:v54+s13+$0x0], $0xffff;
	[tilespmem:s17+$0x7920] =	vst v21  }
0x279: {  	v21 =	vld.idx.msk [tilespmem:v55+s13+$0x0], $0xffff;
	_ =	sdelay $0x1  }
0x27a: {  	v56 =	vor.u32 v4, v17;
	v38 =	vmul.f32 v38, v25  }
0x27b: {  	v57 =	vor.u32 v4, v18;
	v22 =	vmul.f32 v22, v25  }
0x27c: {  	v58 =	vor.u32 v4, v24;
	v38 =	vadd.f32 v38, v16;
	v32 =	vmul.f32 v32, v25  }
0x27d: {  	v59 =	vor.u32 v4, v31;
	v22 =	vadd.f32 v22, v19;
	v21 =	vmul.f32 v21, v25  }
0x27e: {  	[tilespmem:s4+$0xFFFFFFF0] =	vst v38;
	v32 =	vadd.f32 v32, v28  }
0x27f: {  	v23 =	vld.idx.msk [tilespmem:v56+s13+$0x0], $0xffff;
	[tilespmem:s8+$0x7930] =	vst v22;
	v21 =	vadd.f32 v21, v20  }
0x280: {  	v22 =	vld.idx.msk [tilespmem:v57+s13+$0x0], $0xffff;
	[tilespmem:s10+$0xFFFFFFF0] =	vst v32  }
0x281: {  	v32 =	vld.idx.msk [tilespmem:v58+s13+$0x0], $0xffff;
	[tilespmem:s17+$0x7930] =	vst v21  }
0x282: {  	v21 =	vld.idx.msk [tilespmem:v59+s13+$0x0], $0xffff  }
0x283: {  	v61 =	vor.u32 v5, v15;
	v62 =	vor.u32 v5, v17;
	v36 =	vmul.f32 v36, v27  }
0x284: {  	v44 =	vor.u32 v5, v18;
	v60 =	vadd.f32 v39, v11;
	v23 =	vmul.f32 v23, v27  }
0x285: {  	v45 =	vor.u32 v5, v24;
	v63 =	vadd.f32 v36, v13;
	v22 =	vmul.f32 v22, v27  }
0x286: {  	v46 =	vor.u32 v5, v31;
	[tilespmem:s2+$0x0] =	vst v60;
	v23 =	vadd.f32 v23, v16;
	v32 =	vmul.f32 v32, v27  }
0x287: {  	v37 =	vld.idx.msk [tilespmem:v37+s13+$0x0], $0xffff;
	[tilespmem:s7+$0x7940] =	vst v63;
	v22 =	vadd.f32 v22, v19;
	v21 =	vmul.f32 v21, v27  }
0x288: {  	v48 =	vld.idx.msk [tilespmem:v61+s13+$0x0], $0xffff;
	[tilespmem:s4+$0x0] =	vst v23;
	v49 =	vadd.f32 v32, v28  }
0x289: {  	v50 =	vld.idx.msk [tilespmem:v62+s13+$0x0], $0xffff;
	[tilespmem:s8+$0x7940] =	vst v22;
	v21 =	vadd.f32 v21, v20  }
0x28a: {  	v52 =	vld.idx.msk [tilespmem:v44+s13+$0x0], $0xffff;
	[tilespmem:s10+$0x0] =	vst v49  }
0x28b: {  	v47 =	vmul.f32 v34, v30;
	v55 =	vld.idx.msk [tilespmem:v45+s13+$0x0], $0xffff;
	[tilespmem:s17+$0x7940] =	vst v21  }
0x28c: {  	v40 =	vor.u32 v6, v31;
	v53 =	vmul.f32 v37, v29;
	v54 =	vor.u32 v6, v14;
	v21 =	vld.idx.msk [tilespmem:v46+s13+$0x0], $0xffff  }
0x28d: {  	v51 =	vadd.f32 v47, v9;
	v57 =	vmul.f32 v48, v29;
	v58 =	vor.u32 v6, v15  }
0x28e: {  	v56 =	vadd.f32 v53, v11;
	v32 =	vmul.f32 v50, v29;
	v59 =	vor.u32 v6, v17  }
0x28f: {  	[tilespmem:s0+$0x20] =	vst v51;
	v60 =	vadd.f32 v57, v13;
	v62 =	vor.u32 v6, v18;
	v61 =	vmul.f32 v52, v29  }
0x290: {  	v63 =	vor.u32 v6, v24;
	[tilespmem:s2+$0x10] =	vst v56;
	v32 =	vadd.f32 v32, v16;
	v37 =	vmul.f32 v55, v29  }
0x291: {  	v36 =	vld.idx.msk [tilespmem:v54+s13+$0x0], $0xffff;
	[tilespmem:s7+$0x7950] =	vst v60;
	v39 =	vadd.f32 v61, v19;
	v21 =	vmul.f32 v21, v29  }
0x292: {  	v25 =	vld.idx.msk [tilespmem:v58+s13+$0x0], $0xffff;
	[tilespmem:s4+$0x10] =	vst v32;
	v42 =	vadd.f32 v37, v28  }
0x293: {  	v43 =	vld.idx.msk [tilespmem:v59+s13+$0x0], $0xffff;
	[tilespmem:s8+$0x7950] =	vst v39;
	v21 =	vadd.f32 v21, v20  }
0x294: {  	v12 =	vor.u32 v7, v12;
	v41 =	vmul.f32 v33, v30;
	v27 =	vld.idx.msk [tilespmem:v62+s13+$0x0], $0xffff;
	[tilespmem:s10+$0x10] =	vst v42  }
0x295: {  	v32 =	vld.idx.msk [tilespmem:v63+s13+$0x0], $0xffff;
	[tilespmem:s17+$0x7950] =	vst v21  }
0x296: {  	v44 =	vadd.f32 v41, v10;
	v45 =	vor.u32 v7, v14;
	v46 =	vmul.f32 v36, v30;
	v21 =	vld.idx.msk [tilespmem:v40+s13+$0x0], $0xffff  }
0x297: {  	v34 =	vld.idx.msk [tilespmem:v35+s13+$0x0], $0xffff;
	v54 =	vor.u32 v7, v18;
	v49 =	vor.u32 v7, v15;
	v48 =	vmul.f32 v25, v30  }
0x298: {  	[tilespmem:s1+$0x7960] =	vst v44;
	v50 =	vor.u32 v7, v17;
	v51 =	vmul.f32 v43, v30;
	v47 =	vadd.f32 v46, v11  }
0x299: {  	v58 =	vor.u32 v7, v31;
	v12 =	vld.idx.msk [tilespmem:v12+s13+$0x0], $0xffff;
	v52 =	vadd.f32 v48, v13;
	v53 =	vmul.f32 v27, v30  }
0x29a: {  	v55 =	vor.u32 v7, v24;
	v25 =	vadd.f32 v51, v16;
	[tilespmem:s2+$0x20] =	vst v47;
	v56 =	vmul.f32 v32, v30  }
0x29b: {  	[tilespmem:s7+$0x7960] =	vst v52;
	v14 =	vld.idx.msk [tilespmem:v45+s13+$0x0], $0xffff;
	v57 =	vadd.f32 v53, v19;
	v21 =	vmul.f32 v21, v30  }
0x29c: {  	v15 =	vld.idx.msk [tilespmem:v49+s13+$0x0], $0xffff;
	[tilespmem:s4+$0x20] =	vst v25;
	v59 =	vadd.f32 v56, v28  }
0x29d: {  	v17 =	vld.idx.msk [tilespmem:v50+s13+$0x0], $0xffff;
	[tilespmem:s8+$0x7960] =	vst v57;
	v21 =	vadd.f32 v21, v20  }
0x29e: {  	v60 =	vmul.f32 v34, v26;
	v18 =	vld.idx.msk [tilespmem:v54+s13+$0x0], $0xffff;
	[tilespmem:s10+$0x20] =	vst v59  }
0x29f: {  	v12 =	vmul.f32 v12, v26;
	v24 =	vld.idx.msk [tilespmem:v55+s13+$0x0], $0xffff;
	[tilespmem:s17+$0x7960] =	vst v21  }
0x2a0: {  	v9 =	vadd.f32 v60, v9;
	v14 =	vmul.f32 v14, v26;
	v21 =	vld.idx.msk [tilespmem:v58+s13+$0x0], $0xffff  }
0x2a1: {  	v10 =	vadd.f32 v12, v10;
	v61 =	vmul.f32 v15, v26  }
0x2a2: {  	[tilespmem:s0+$0x30] =	vst v9;
	v9 =	vadd.f32 v14, v11;
	v11 =	vmul.f32 v17, v26  }
0x2a3: {  	[tilespmem:s1+$0x7970] =	vst v10;
	v10 =	vadd.f32 v61, v13;
	v62 =	vmul.f32 v18, v26  }
0x2a4: {  	[tilespmem:s2+$0x30] =	vst v9;
	v9 =	vadd.f32 v11, v16;
	v11 =	vmul.f32 v24, v26  }
.Ltmp15:
0x2a5: {  	[tilespmem:s7+$0x7970] =	vst v10;
	v10 =	vadd.f32 v62, v19;
	v63 =	vmul.f32 v21, v26;
	(pc) =	sbr.rel .LBB2_22-.Ltmp15, $4  }
0x2a6: {  	[tilespmem:s4+$0x30] =	vst v9;
	v9 =	vadd.f32 v11, v28  }
0x2a7: {  	[tilespmem:s8+$0x7970] =	vst v10;
	v10 =	vadd.f32 v63, v20  }
0x2a8: {  	[tilespmem:s10+$0x30] =	vst v9  }
0x2a9: {  	[tilespmem:s17+$0x7970] =	vst v10  }
.LBB2_15:
0x2aa: {  	s0 =	simm.s32 $0x40  }
0x2ab: {  	s2 =	simm.s32 $0x0;
	v10 =	vmov s0  }
0x2ac: {  	v11 =	vmov s2;
	v10 =	vand.u32 $0x7C, v10  }
0x2ad: {  	v11 =	vand.u32 $0x3C, v11;
	v10 =	vbroadcast v10, $0x0  }
0x2ae: {  	v12 =	vshll.u32 v9, $0x7;
	v14 =	vbroadcast v11, $0x0  }
0x2af: {  	v9 =	vor.u32 v12, v10  }
0x2b0: {  	v10 =	vor.u32 v0, v14;
	_ =	sdelay $0x3  }
0x2b1: {  	v22 =	vld.idx.msk [tilespmem:v9+s9+$0x0], $0xffff  }
0x2b2: {  	v9 =	vld.idx.msk [tilespmem:v10+s13+$0x0], $0xffff;
	_ =	sdelay $0x3  }
0x2b3: {  	v10 =	vor.u32 v1, v14  }
0x2b4: {  	s10 =	simm.s32 $0x7940;
	v9 =	vadd.f32 v9, v22  }
0x2b5: {  	s3 =	simm.s32 $0x44;
	s4 =	simm.s32 $0x41;
	s7 =	simm.s32 $0x1  }
0x2b6: {  	s8 =	simm.s32 $0x42;
	s11 =	simm.s32 $0x43;
	v13 =	vmov s4;
	v15 =	vmov s7;
	[tilespmem:s10+$0xFFFFFFC0] =	vst v9;
	v9 =	vmov s3  }
0x2b7: {  	s1 =	simm.s32 $0x4;
	v19 =	vmov s8;
	v20 =	vmov s11;
	v9 =	vand.u32 $0x7C, v9  }
0x2b8: {  	v15 =	vand.u32 $0x3D, v15;
	v11 =	vmov s1;
	v10 =	vld.idx.msk [tilespmem:v10+s13+$0x0], $0xffff;
	v9 =	vbroadcast v9, $0x0  }
0x2b9: {  	v17 =	vbroadcast v15, $0x0;
	v15 =	vand.u32 $0x7F, v20;
	v11 =	vand.u32 $0x3C, v11  }
0x2ba: {  	s15 =	simm.s32 $0x3;
	v16 =	vbroadcast v11, $0x0;
	v11 =	vand.u32 $0x7D, v13;
	v9 =	vor.u32 v12, v9  }
0x2bb: {  	v20 =	vmov s15;
	v18 =	vor.u32 v2, v14;
	v11 =	vbroadcast v11, $0x0  }
0x2bc: {  	v23 =	vbroadcast v15, $0x0;
	v15 =	vand.u32 $0x3F, v20;
	v13 =	vor.u32 v0, v16  }
0x2bd: {  	s16 =	simm.s32 $0x2;
	v20 =	vand.u32 $0x7E, v19;
	v11 =	vor.u32 v12, v11;
	v10 =	vadd.f32 v10, v22  }
0x2be: {  	v21 =	vmov s16;
	v24 =	vor.u32 v0, v17;
	v20 =	vbroadcast v20, $0x0  }
0x2bf: {  	v19 =	vbroadcast v15, $0x0;
	[tilespmem:s10+$0xFFFFFFD0] =	vst v10;
	v15 =	vld.idx.msk [tilespmem:v9+s9+$0x0], $0xffff;
	v9 =	vand.u32 $0x3E, v21;
	v21 =	vor.u32 v12, v23  }
0x2c0: {  	v10 =	vld.idx.msk [tilespmem:v18+s13+$0x0], $0xffff;
	v18 =	vor.u32 v12, v20;
	v28 =	vbroadcast v9, $0x0  }
0x2c1: {  	v13 =	vld.idx.msk [tilespmem:v13+s13+$0x0], $0xffff;
	v9 =	vor.u32 v0, v19  }
0x2c2: {  	s17 =	simm.s32 $0x48;
	s30 =	simm.s32 $0x8;
	v30 =	vld.idx.msk [tilespmem:v11+s9+$0x0], $0xffff;
	v11 =	vor.u32 v0, v28  }
0x2c3: {  	v26 =	vor.u32 v3, v14;
	v24 =	vld.idx.msk [tilespmem:v24+s13+$0x0], $0xffff;
	v20 =	vmov s17;
	v23 =	vmov s30  }
0x2c4: {  	v25 =	vor.u32 v1, v16;
	v20 =	vand.u32 $0x7C, v20;
	v27 =	vand.u32 $0x3C, v23;
	v23 =	vld.idx.msk [tilespmem:v21+s9+$0x0], $0xffff  }
0x2c5: {  	v20 =	vbroadcast v20, $0x0;
	v10 =	vadd.f32 v10, v22;
	v31 =	vld.idx.msk [tilespmem:v18+s9+$0x0], $0xffff  }
0x2c6: {  	v21 =	vadd.f32 v13, v15;
	v9 =	vld.idx.msk [tilespmem:v9+s13+$0x0], $0xffff  }
0x2c7: {  	s28 =	simm.s32 $0x7B40;
	v20 =	vor.u32 v12, v20;
	[tilespmem:s10+$0xFFFFFFE0] =	vst v10;
	v11 =	vld.idx.msk [tilespmem:v11+s13+$0x0], $0xffff  }
0x2c8: {  	s20 =	simm.s32 $0x0;
	v13 =	vbroadcast v27, $0x0;
	v27 =	vor.u32 v1, v17;
	[tilespmem:s28+$0xFFFFFFC0] =	vst v21;
	v26 =	vld.idx.msk [tilespmem:v26+s13+$0x0], $0xffff  }
0x2c9: {  	s0 =	sand.u32 $0x1C00, s20;
	s2 =	simm.s32 $0x80;
	v21 =	vld.idx.msk [tilespmem:v25+s13+$0x0], $0xffff;
	v25 =	vor.u32 v1, v19  }
0x2ca: {  	s21 =	simm.s32 $0x180;
	s0 =	sadd.s32 $0x7900, s0;
	s2 =	sand.u32 $0x280, s2;
	v24 =	vadd.f32 v24, v30;
	v18 =	vor.u32 v0, v13  }
0x2cb: {  	s1 =	sand.u32 $0x380, s21;
	s21 =	sor.u32 s2, s0;
	v29 =	vor.u32 v1, v28;
	v9 =	vadd.f32 v9, v23  }
0x2cc: {  	s29 =	sadd.s32 s1, s0;
	v32 =	vor.u32 v4, v14;
	s3 =	simm.s32 $0x100;
	[tilespmem:s21+$0x0] =	vst v24;
	v10 =	vld.idx.msk [tilespmem:v20+s9+$0x0], $0xffff;
	v20 =	vor.u32 v2, v16  }
0x2cd: {  	s22 =	sand.u32 $0x300, s3;
	v11 =	vadd.f32 v11, v31;
	[tilespmem:s29+$0x0] =	vst v9;
	v24 =	vadd.f32 v26, v22;
	v26 =	vld.idx.msk [tilespmem:v27+s13+$0x0], $0xffff  }
0x2ce: {  	s4 =	simm.s32 $0x6;
	s2 =	simm.s32 $0x45;
	s31 =	sadd.s32 s22, s0;
	v9 =	vadd.f32 v21, v15;
	v21 =	vld.idx.msk [tilespmem:v25+s13+$0x0], $0xffff  }
0x2cf: {  	s11 =	simm.s32 $0x7;
	v35 =	vmov s4;
	s15 =	simm.s32 $0x50;
	v33 =	vmov s2;
	v18 =	vld.idx.msk [tilespmem:v18+s13+$0x0], $0xffff;
	[tilespmem:s31+$0x0] =	vst v11  }
0x2d0: {  	s26 =	simm.s32 $0x4C;
	v38 =	vmov s11;
	v44 =	vmov s15;
	v33 =	vand.u32 $0x7D, v33;
	[tilespmem:s28+$0xFFFFFFD0] =	vst v9;
	v11 =	vld.idx.msk [tilespmem:v29+s13+$0x0], $0xffff  }
0x2d1: {  	v44 =	vand.u32 $0x7C, v44;
	v25 =	vmov s26;
	[tilespmem:s10+$0xFFFFFFF0] =	vst v24;
	v24 =	vor.u32 v2, v19;
	v20 =	vld.idx.msk [tilespmem:v20+s13+$0x0], $0xffff  }
0x2d2: {  	v27 =	vor.u32 v2, v17;
	v9 =	vand.u32 $0x7C, v25;
	v25 =	vld.idx.msk [tilespmem:v32+s13+$0x0], $0xffff;
	v26 =	vadd.f32 v26, v30  }
0x2d3: {  	v51 =	vor.u32 v1, v13;
	v9 =	vbroadcast v9, $0x0;
	v21 =	vadd.f32 v21, v23  }
0x2d4: {  	v59 =	vor.u32 v6, v14;
	v44 =	vbroadcast v44, $0x0;
	v29 =	vor.u32 v2, v28;
	[tilespmem:s21+$0x10] =	vst v26  }
0x2d5: {  	v34 =	vor.u32 v3, v16;
	v18 =	vadd.f32 v18, v10;
	v9 =	vor.u32 v12, v9;
	[tilespmem:s29+$0x10] =	vst v21  }
0x2d6: {  	s3 =	simm.s32 $0x5;
	s26 =	simm.s32 $0x7D40;
	v26 =	vor.u32 v5, v14;
	v11 =	vadd.f32 v11, v31;
	v20 =	vadd.f32 v20, v15;
	v24 =	vld.idx.msk [tilespmem:v24+s13+$0x0], $0xffff  }
0x2d7: {  	[tilespmem:s26+$0xFFFFFFC0] =	vst v18;
	v21 =	vbroadcast v33, $0x0;
	v52 =	vadd.f32 v25, v22;
	v25 =	vmov s3;
	v27 =	vld.idx.msk [tilespmem:v27+s13+$0x0], $0xffff  }
0x2d8: {  	s7 =	simm.s32 $0x46;
	v36 =	vor.u32 v3, v19;
	v32 =	vld.idx.msk [tilespmem:v51+s13+$0x0], $0xffff;
	v51 =	vor.u32 v12, v44;
	v18 =	vand.u32 $0x3D, v25;
	[tilespmem:s31+$0x10] =	vst v11  }
0x2d9: {  	v11 =	vor.u32 v12, v21;
	v21 =	vmov s7;
	v25 =	vbroadcast v18, $0x0;
	[tilespmem:s28+$0xFFFFFFE0] =	vst v20;
	v29 =	vld.idx.msk [tilespmem:v29+s13+$0x0], $0xffff  }
0x2da: {  	v9 =	vld.idx.msk [tilespmem:v9+s9+$0x0], $0xffff;
	v18 =	vand.u32 $0x3E, v35;
	v20 =	vor.u32 v3, v17;
	[tilespmem:s10+$0x0] =	vst v52;
	v21 =	vand.u32 $0x7E, v21  }
0x2db: {  	s8 =	simm.s32 $0x47;
	v21 =	vbroadcast v21, $0x0;
	v33 =	vld.idx.msk [tilespmem:v26+s13+$0x0], $0xffff;
	v26 =	vor.u32 v0, v25;
	v37 =	vadd.f32 v24, v23  }
0x2dc: {  	v34 =	vld.idx.msk [tilespmem:v34+s13+$0x0], $0xffff;
	v24 =	vbroadcast v18, $0x0;
	v18 =	vadd.f32 v27, v30;
	v27 =	vmov s8  }
0x2dd: {  	v53 =	vor.u32 v3, v28;
	v44 =	vor.u32 v7, v14;
	v14 =	vld.idx.msk [tilespmem:v51+s9+$0x0], $0xffff;
	v27 =	vand.u32 $0x7F, v27;
	[tilespmem:s29+$0x20] =	vst v37  }
0x2de: {  	v54 =	vor.u32 v12, v21;
	v29 =	vadd.f32 v29, v31;
	v27 =	vbroadcast v27, $0x0;
	v36 =	vld.idx.msk [tilespmem:v36+s13+$0x0], $0xffff  }
0x2df: {  	v21 =	vld.idx.msk [tilespmem:v11+s9+$0x0], $0xffff;
	v11 =	vand.u32 $0x3F, v38;
	[tilespmem:s21+$0x20] =	vst v18;
	v39 =	vor.u32 v0, v24  }
0x2e0: {  	v20 =	vld.idx.msk [tilespmem:v20+s13+$0x0], $0xffff;
	[tilespmem:s31+$0x20] =	vst v29;
	v29 =	vor.u32 v12, v27;
	v27 =	vbroadcast v11, $0x0  }
0x2e1: {  	s1 =	simm.s32 $0xC;
	v55 =	vor.u32 v4, v19;
	v40 =	vld.idx.msk [tilespmem:v26+s13+$0x0], $0xffff  }
0x2e2: {  	v11 =	vmov s1;
	v35 =	vld.idx.msk [tilespmem:v53+s13+$0x0], $0xffff;
	v41 =	vor.u32 v0, v27  }
0x2e3: {  	v56 =	vor.u32 v4, v17;
	v11 =	vand.u32 $0x3C, v11;
	v18 =	vld.idx.msk [tilespmem:v54+s9+$0x0], $0xffff;
	v36 =	vadd.f32 v36, v23  }
0x2e4: {  	s16 =	simm.s32 $0x200;
	v63 =	vor.u32 v1, v25;
	v34 =	vadd.f32 v34, v15;
	v11 =	vbroadcast v11, $0x0;
	v39 =	vld.idx.msk [tilespmem:v39+s13+$0x0], $0xffff  }
0x2e5: {  	s20 =	simm.s32 $0x280;
	s17 =	sand.u32 $0x1C00, s16;
	v42 =	vor.u32 v4, v28;
	v20 =	vadd.f32 v20, v30;
	v26 =	vld.idx.msk [tilespmem:v29+s9+$0x0], $0xffff;
	[tilespmem:s29+$0x30] =	vst v36  }
0x2e6: {  	s2 =	sand.u32 $0x280, s20;
	s22 =	sadd.s32 $0x7900, s17;
	[tilespmem:s28+$0xFFFFFFF0] =	vst v34;
	v43 =	vor.u32 v0, v11;
	v40 =	vadd.f32 v40, v21;
	v36 =	vld.idx.msk [tilespmem:v55+s13+$0x0], $0xffff  }
0x2e7: {  	s0 =	sor.u32 s2, s22;
	v57 =	vor.u32 v2, v13;
	v29 =	vadd.f32 v35, v31;
	[tilespmem:s21+$0x30] =	vst v20;
	v58 =	vld.idx.msk [tilespmem:v41+s13+$0x0], $0xffff  }
0x2e8: {  	v20 =	vor.u32 v4, v16;
	[tilespmem:s0+$0x0] =	vst v40;
	v37 =	vld.idx.msk [tilespmem:v56+s13+$0x0], $0xffff  }
0x2e9: {  	s4 =	simm.s32 $0x300;
	v34 =	vld.idx.msk [tilespmem:v63+s13+$0x0], $0xffff;
	[tilespmem:s31+$0x30] =	vst v29;
	v29 =	vadd.f32 v32, v10  }
0x2ea: {  	s4 =	sand.u32 $0x300, s4;
	v48 =	vor.u32 v5, v17;
	v61 =	vor.u32 v5, v19;
	v39 =	vadd.f32 v39, v18;
	v60 =	vld.idx.msk [tilespmem:v42+s13+$0x0], $0xffff  }
0x2eb: {  	s2 =	sadd.s32 s4, s22;
	v62 =	vor.u32 v1, v27;
	v43 =	vld.idx.msk [tilespmem:v43+s13+$0x0], $0xffff;
	[tilespmem:s26+$0xFFFFFFD0] =	vst v29;
	v29 =	vadd.f32 v33, v22  }
0x2ec: {  	v49 =	vor.u32 v5, v28;
	s8 =	simm.s32 $0x380;
	[tilespmem:s2+$0x0] =	vst v39;
	v35 =	vld.idx.msk [tilespmem:v57+s13+$0x0], $0xffff;
	v36 =	vadd.f32 v36, v23  }
0x2ed: {  	s11 =	sand.u32 $0x380, s8;
	v20 =	vld.idx.msk [tilespmem:v20+s13+$0x0], $0xffff;
	[tilespmem:s10+$0x10] =	vst v29;
	v29 =	vor.u32 v1, v24;
	v38 =	vadd.f32 v58, v26  }
0x2ee: {  	s7 =	sadd.s32 s11, s22;
	v54 =	vor.u32 v3, v13;
	v37 =	vadd.f32 v37, v30;
	v45 =	vld.idx.msk [tilespmem:v59+s13+$0x0], $0xffff;
	[tilespmem:s29+$0x40] =	vst v36  }
0x2ef: {  	v53 =	vor.u32 v1, v11;
	v34 =	vadd.f32 v34, v21;
	[tilespmem:s7+$0x0] =	vst v38;
	v50 =	vld.idx.msk [tilespmem:v61+s13+$0x0], $0xffff  }
0x2f0: {  	v59 =	vor.u32 v2, v25;
	v52 =	vadd.f32 v60, v31;
	[tilespmem:s21+$0x40] =	vst v37;
	v33 =	vld.idx.msk [tilespmem:v62+s13+$0x0], $0xffff  }
0x2f1: {  	v46 =	vor.u32 v2, v27;
	v55 =	vadd.f32 v43, v9;
	[tilespmem:s0+$0x10] =	vst v34;
	v56 =	vld.idx.msk [tilespmem:v48+s13+$0x0], $0xffff  }
0x2f2: {  	s15 =	simm.s32 $0x49;
	s4 =	simm.s32 $0x7F40;
	v57 =	vor.u32 v6, v19;
	v60 =	vor.u32 v2, v24;
	[tilespmem:s31+$0x40] =	vst v52;
	v29 =	vld.idx.msk [tilespmem:v29+s13+$0x0], $0xffff  }
0x2f3: {  	v61 =	vmov s15;
	v62 =	vor.u32 v6, v17;
	v58 =	vadd.f32 v35, v10;
	[tilespmem:s4+$0xFFFFFFC0] =	vst v55;
	v36 =	vld.idx.msk [tilespmem:v49+s13+$0x0], $0xffff  }
0x2f4: {  	s16 =	simm.s32 $0x9;
	v48 =	vor.u32 v6, v28;
	v35 =	vor.u32 v5, v16;
	v47 =	vld.idx.msk [tilespmem:v53+s13+$0x0], $0xffff;
	v38 =	vadd.f32 v50, v23  }
0x2f5: {  	s17 =	simm.s32 $0xA;
	v63 =	vand.u32 $0x7D, v61;
	v52 =	vmov s16;
	[tilespmem:s26+$0xFFFFFFE0] =	vst v58;
	v37 =	vld.idx.msk [tilespmem:v59+s13+$0x0], $0xffff;
	v33 =	vadd.f32 v33, v26  }
0x2f6: {  	s11 =	simm.s32 $0x4A;
	v32 =	vld.idx.msk [tilespmem:v54+s13+$0x0], $0xffff;
	v54 =	vmov s17;
	v50 =	vadd.f32 v20, v15;
	v20 =	vadd.f32 v56, v30;
	[tilespmem:s29+$0x50] =	vst v38  }
0x2f7: {  	v53 =	vmov s11;
	v56 =	vor.u32 v7, v19;
	v19 =	vand.u32 $0x3E, v54;
	[tilespmem:s7+$0x10] =	vst v33;
	v49 =	vld.idx.msk [tilespmem:v57+s13+$0x0], $0xffff  }
0x2f8: {  	v59 =	vor.u32 v3, v25;
	v19 =	vbroadcast v19, $0x0;
	v29 =	vadd.f32 v29, v18;
	[tilespmem:s21+$0x50] =	vst v20;
	v51 =	vld.idx.msk [tilespmem:v46+s13+$0x0], $0xffff  }
0x2f9: {  	v61 =	vor.u32 v7, v17;
	v55 =	vand.u32 $0x7E, v53;
	v36 =	vadd.f32 v36, v31;
	[tilespmem:s28+$0x0] =	vst v50;
	v42 =	vld.idx.msk [tilespmem:v62+s13+$0x0], $0xffff  }
0x2fa: {  	v43 =	vbroadcast v55, $0x0;
	v33 =	vld.idx.msk [tilespmem:v35+s13+$0x0], $0xffff;
	v37 =	vadd.f32 v37, v21;
	v54 =	vor.u32 v0, v19;
	[tilespmem:s2+$0x10] =	vst v29  }
0x2fb: {  	v38 =	vbroadcast v63, $0x0;
	v20 =	vand.u32 $0x3D, v52;
	v29 =	vadd.f32 v45, v22;
	[tilespmem:s31+$0x50] =	vst v36;
	v41 =	vld.idx.msk [tilespmem:v60+s13+$0x0], $0xffff  }
0x2fc: {  	s20 =	simm.s32 $0x4B;
	v20 =	vbroadcast v20, $0x0;
	v57 =	vor.u32 v3, v27;
	v62 =	vor.u32 v12, v43;
	v58 =	vld.idx.msk [tilespmem:v48+s13+$0x0], $0xffff;
	[tilespmem:s0+$0x20] =	vst v37  }
0x2fd: {  	v48 =	vor.u32 v7, v28;
	v28 =	vmov s20;
	[tilespmem:s10+$0x20] =	vst v29;
	v52 =	vld.idx.msk [tilespmem:v59+s13+$0x0], $0xffff;
	v29 =	vadd.f32 v49, v23  }
0x2fe: {  	s22 =	simm.s32 $0xB;
	v60 =	vor.u32 v3, v24;
	v28 =	vand.u32 $0x7F, v28;
	v44 =	vld.idx.msk [tilespmem:v44+s13+$0x0], $0xffff;
	v34 =	vadd.f32 v51, v26  }
0x2ff: {  	v28 =	vbroadcast v28, $0x0;
	v50 =	vadd.f32 v42, v30;
	v51 =	vmov s22;
	v36 =	vld.idx.msk [tilespmem:v54+s13+$0x0], $0xffff;
	[tilespmem:s29+$0x60] =	vst v29  }
0x300: {  	v42 =	vand.u32 $0x3F, v51;
	v29 =	vor.u32 v0, v20;
	v41 =	vadd.f32 v41, v18;
	[tilespmem:s7+$0x20] =	vst v34;
	v49 =	vld.idx.msk [tilespmem:v56+s13+$0x0], $0xffff  }
0x301: {  	v55 =	vor.u32 v12, v28;
	v53 =	vadd.f32 v58, v31;
	[tilespmem:s21+$0x60] =	vst v50;
	v28 =	vbroadcast v42, $0x0;
	v63 =	vld.idx.msk [tilespmem:v57+s13+$0x0], $0xffff  }
0x302: {  	v38 =	vor.u32 v12, v38;
	v56 =	vld.idx.msk [tilespmem:v61+s13+$0x0], $0xffff;
	[tilespmem:s2+$0x20] =	vst v41  }
0x303: {  	s22 =	simm.s32 $0x10;
	[tilespmem:s31+$0x60] =	vst v53;
	v61 =	vor.u32 v0, v28;
	v39 =	vld.idx.msk [tilespmem:v60+s13+$0x0], $0xffff  }
0x304: {  	v57 =	vmov s22;
	v59 =	vadd.f32 v44, v22;
	v60 =	vld.idx.msk [tilespmem:v48+s13+$0x0], $0xffff  }
0x305: {  	v58 =	vor.u32 v4, v27;
	v22 =	vand.u32 $0x3C, v57;
	v35 =	vld.idx.msk [tilespmem:v29+s13+$0x0], $0xffff;
	v23 =	vadd.f32 v49, v23  }
0x306: {  	v22 =	vbroadcast v22, $0x0;
	v48 =	vor.u32 v4, v25;
	[tilespmem:s10+$0x30] =	vst v59;
	v29 =	vld.idx.msk [tilespmem:v62+s9+$0x0], $0xffff;
	v62 =	vadd.f32 v63, v26  }
0x307: {  	v43 =	vor.u32 v4, v24;
	v17 =	vld.idx.msk [tilespmem:v38+s9+$0x0], $0xffff;
	v63 =	vadd.f32 v52, v21;
	[tilespmem:s29+$0x70] =	vst v23  }
0x308: {  	v42 =	vor.u32 v0, v22;
	v30 =	vadd.f32 v56, v30;
	v38 =	vld.idx.msk [tilespmem:v61+s13+$0x0], $0xffff;
	[tilespmem:s7+$0x30] =	vst v62  }
0x309: {  	v41 =	vor.u32 v2, v11;
	v23 =	vld.idx.msk [tilespmem:v55+s9+$0x0], $0xffff;
	v49 =	vadd.f32 v39, v18;
	[tilespmem:s0+$0x30] =	vst v63  }
0x30a: {  	v40 =	vor.u32 v4, v13;
	v34 =	vadd.f32 v60, v31;
	[tilespmem:s21+$0x70] =	vst v30;
	v39 =	vld.idx.msk [tilespmem:v58+s13+$0x0], $0xffff  }
0x30b: {  	v44 =	vadd.f32 v47, v9;
	v31 =	vor.u32 v6, v16;
	s29 =	simm.s32 $0x7F40;
	v37 =	vld.idx.msk [tilespmem:v48+s13+$0x0], $0xffff;
	[tilespmem:s2+$0x30] =	vst v49  }
.LBB2_16:
0x30c: {  	s3 =	sadd.s32 $0x44, s22;
	v32 =	vadd.f32 v32, v10;
	v43 =	vld.idx.msk [tilespmem:v43+s13+$0x0], $0xffff;
	[tilespmem:s31+$0x70] =	vst v34;
	v30 =	vmov v29;
	s31 =	smov.u32 s2  }
0x30d: {  	v33 =	vadd.f32 v33, v15;
	s8 =	sadd.s32 $0x200, s8;
	v29 =	vmov s3;
	v34 =	vld.idx.msk [tilespmem:v42+s13+$0x0], $0xffff;
	[tilespmem:s4+$0xFFFFFFD0] =	vst v44;
	v42 =	vor.u32 v5, v27  }
0x30e: {  	s2 =	sadd.s32 $0xFFFFFE80, s8;
	s3 =	sadd.s32 $0xFFFFFF00, s8;
	s10 =	sadd.s32 $0xFFFFFF80, s8;
	v29 =	vand.u32 $0x7C, v29;
	v41 =	vld.idx.msk [tilespmem:v41+s13+$0x0], $0xffff;
	[tilespmem:s26+$0xFFFFFFF0] =	vst v32;
	v32 =	vor.u32 v1, v28  }
0x30f: {  	v44 =	vor.u32 v1, v20;
	s2 =	sand.u32 $0x1C00, s2;
	s3 =	sand.u32 $0x280, s3;
	s11 =	sand.u32 $0x300, s10;
	v29 =	vbroadcast v29, $0x0;
	v40 =	vld.idx.msk [tilespmem:v40+s13+$0x0], $0xffff;
	[tilespmem:s28+$0x10] =	vst v33;
	v33 =	vadd.f32 v39, v26  }
0x310: {  	s16 =	sand.u32 $0x380, s8;
	s15 =	sadd.s32 $0x7900, s2;
	v39 =	vor.u32 v1, v19;
	v38 =	vadd.f32 v38, v23;
	v45 =	vld.idx.msk [tilespmem:v31+s13+$0x0], $0xffff;
	v31 =	vor.u32 v5, v25  }
0x311: {  	v35 =	vadd.f32 v35, v17;
	v46 =	vor.u32 v5, v24;
	s10 =	sor.u32 s3, s15;
	s2 =	sadd.s32 s11, s15;
	s17 =	sadd.s32 s16, s15;
	v37 =	vadd.f32 v37, v21;
	[tilespmem:s7+$0x40] =	vst v33  }
0x312: {  	v33 =	vadd.f32 v36, v30;
	v36 =	vadd.f32 v43, v18;
	[tilespmem:s17+$0x0] =	vst v38;
	v38 =	vld.idx.msk [tilespmem:v42+s13+$0x0], $0xffff  }
0x313: {  	v29 =	vor.u32 v12, v29;
	[tilespmem:s10+$0x0] =	vst v35;
	v32 =	vld.idx.msk [tilespmem:v32+s13+$0x0], $0xffff  }
0x314: {  	v35 =	vor.u32 v1, v22;
	v42 =	vld.idx.msk [tilespmem:v44+s13+$0x0], $0xffff;
	[tilespmem:s2+$0x0] =	vst v33  }
0x315: {  	v43 =	vor.u32 v7, v16;
	v16 =	vmov v13;
	v33 =	vor.u32 v3, v11;
	v39 =	vld.idx.msk [tilespmem:v39+s13+$0x0], $0xffff;
	[tilespmem:s0+$0x40] =	vst v37  }
0x316: {  	v13 =	vmov v11;
	v37 =	vadd.f32 v34, v14;
	v44 =	vld.idx.msk [tilespmem:v31+s13+$0x0], $0xffff;
	[tilespmem:s31+$0x40] =	vst v36;
	v36 =	vor.u32 v6, v27  }
0x317: {  	v48 =	vor.u32 v2, v28;
	s4 =	sadd.s32 $0x200, s4;
	v47 =	vor.u32 v5, v16;
	v41 =	vadd.f32 v41, v9;
	v46 =	vld.idx.msk [tilespmem:v46+s13+$0x0], $0xffff  }
0x318: {  	v11 =	vmov v22;
	v34 =	vld.idx.msk [tilespmem:v29+s9+$0x0], $0xffff;
	[tilespmem:s4+$0xFFFFFFC0] =	vst v37;
	v29 =	vor.u32 v2, v20;
	v37 =	vadd.f32 v38, v26  }
0x319: {  	s3 =	sadd.s32 $0x45, s30;
	v22 =	vor.u32 v2, v19;
	v31 =	vld.idx.msk [tilespmem:v35+s13+$0x0], $0xffff;
	[tilespmem:s29+$0xFFFFFFE0] =	vst v41;
	v35 =	vadd.f32 v32, v23  }
0x31a: {  	v38 =	vadd.f32 v42, v17;
	v41 =	vor.u32 v6, v25;
	v32 =	vld.idx.msk [tilespmem:v33+s13+$0x0], $0xffff;
	v33 =	vmov s3;
	[tilespmem:s7+$0x50] =	vst v37  }
0x31b: {  	v37 =	vadd.f32 v39, v30;
	v33 =	vand.u32 $0x7D, v33;
	[tilespmem:s17+$0x10] =	vst v35;
	v35 =	vor.u32 v6, v24;
	v36 =	vld.idx.msk [tilespmem:v36+s13+$0x0], $0xffff  }
0x31c: {  	s3 =	sadd.s32 $0x5, s30;
	v39 =	vadd.f32 v40, v10;
	v40 =	vadd.f32 v44, v21;
	v33 =	vbroadcast v33, $0x0;
	[tilespmem:s10+$0x10] =	vst v38;
	v38 =	vld.idx.msk [tilespmem:v48+s13+$0x0], $0xffff  }
0x31d: {  	s11 =	sadd.s32 $0x46, s30;
	v42 =	vmov s3;
	s3 =	sadd.s32 $0x6, s30;
	v44 =	vadd.f32 v46, v18;
	v29 =	vld.idx.msk [tilespmem:v29+s13+$0x0], $0xffff;
	[tilespmem:s2+$0x10] =	vst v37;
	v37 =	vadd.f32 v45, v15  }
0x31e: {  	v46 =	vmov s3;
	v45 =	vor.u32 v12, v33;
	v33 =	vmov s11;
	v22 =	vld.idx.msk [tilespmem:v22+s13+$0x0], $0xffff;
	[tilespmem:s0+$0x50] =	vst v40  }
0x31f: {  	v40 =	vand.u32 $0x3D, v42;
	v42 =	vor.u32 v7, v27;
	v27 =	vmovc v28;
	v33 =	vand.u32 $0x7E, v33;
	v41 =	vld.idx.msk [tilespmem:v41+s13+$0x0], $0xffff;
	[tilespmem:s31+$0x50] =	vst v44  }
0x320: {  	v28 =	vbroadcast v40, $0x0;
	v40 =	vand.u32 $0x3E, v46;
	[tilespmem:s26+$0x0] =	vst v39;
	v39 =	vor.u32 v3, v27;
	v35 =	vld.idx.msk [tilespmem:v35+s13+$0x0], $0xffff  }
0x321: {  	v46 =	vor.u32 v3, v20;
	v44 =	vbroadcast v33, $0x0;
	v36 =	vadd.f32 v36, v26;
	v33 =	vld.idx.msk [tilespmem:v47+s13+$0x0], $0xffff;
	[tilespmem:s28+$0x20] =	vst v37  }
0x322: {  	v37 =	vor.u32 v3, v19;
	v38 =	vadd.f32 v38, v23;
	v47 =	vor.u32 v7, v25;
	v43 =	vld.idx.msk [tilespmem:v43+s13+$0x0], $0xffff  }
0x323: {  	s3 =	sadd.s32 $0x47, s30;
	v48 =	vor.u32 v7, v24;
	v40 =	vbroadcast v40, $0x0;
	v29 =	vadd.f32 v29, v17;
	v45 =	vld.idx.msk [tilespmem:v45+s9+$0x0], $0xffff;
	[tilespmem:s7+$0x60] =	vst v36  }
0x324: {  	v50 =	vmov s3;
	v25 =	vmovc v20;
	v36 =	vor.u32 v0, v28;
	v22 =	vadd.f32 v22, v30;
	[tilespmem:s17+$0x20] =	vst v38;
	v38 =	vld.idx.msk [tilespmem:v42+s13+$0x0], $0xffff  }
0x325: {  	s3 =	sadd.s32 $0x7, s30;
	s30 =	smov.u32 s1;
	s1 =	smov.u32 s22;
	v49 =	vand.u32 $0x7F, v50;
	v42 =	vor.u32 v12, v44;
	[tilespmem:s10+$0x20] =	vst v29;
	v39 =	vld.idx.msk [tilespmem:v39+s13+$0x0], $0xffff;
	v29 =	vadd.f32 v41, v21  }
0x326: {  	v24 =	vmovc v19;
	v20 =	vmovc v28;
	v44 =	vmov s3;
	v41 =	vbroadcast v49, $0x0;
	v46 =	vld.idx.msk [tilespmem:v46+s13+$0x0], $0xffff;
	[tilespmem:s2+$0x20] =	vst v22;
	v22 =	vadd.f32 v35, v18  }
0x327: {  	v19 =	vmov v40;
	v49 =	vor.u32 v0, v40;
	v28 =	vand.u32 $0x3F, v44;
	v37 =	vld.idx.msk [tilespmem:v37+s13+$0x0], $0xffff;
	[tilespmem:s0+$0x60] =	vst v29  }
0x328: {  	s22 =	sadd.s32 $0x4, s22;
	v28 =	vbroadcast v28, $0x0;
	v40 =	vor.u32 v12, v41;
	v44 =	vld.idx.msk [tilespmem:v47+s13+$0x0], $0xffff;
	[tilespmem:s31+$0x60] =	vst v22  }
0x329: {  	p0 =	slt.u32 s22, $0x3C;
	v41 =	vadd.f32 v43, v15;
	v15 =	vmovc v10;
	v10 =	vmovc v9;
	v22 =	vmov s22;
	v47 =	vor.u32 v4, v27;
	v48 =	vld.idx.msk [tilespmem:v48+s13+$0x0], $0xffff  }
0x32a: {  	v9 =	vmovc v14;
	v50 =	vor.u32 v0, v28;
	v22 =	vand.u32 $0x3C, v22;
	v52 =	vadd.f32 v38, v26;
	v35 =	vld.idx.msk [tilespmem:v36+s13+$0x0], $0xffff  }
0x32b: {  	v51 =	vor.u32 v4, v25;
	v22 =	vbroadcast v22, $0x0;
	v38 =	vadd.f32 v39, v23;
	v29 =	vld.idx.msk [tilespmem:v42+s9+$0x0], $0xffff;
	[tilespmem:s28+$0x30] =	vst v41;
	s28 =	smov.u32 s26;
	s26 =	smov.u32 s29;
	s29 =	smov.u32 s4  }
.Ltmp16:
0x32c: {  	v43 =	vor.u32 v4, v24;
	v14 =	vmov v34;
	v39 =	vadd.f32 v46, v17;
	v36 =	vld.idx.msk [tilespmem:v49+s13+$0x0], $0xffff;
	[tilespmem:s7+$0x70] =	vst v52;
	s7 =	smov.u32 s17;
	(pc) =	sbr.rel @p0 .LBB2_16-.Ltmp16, $4  }
0x32d: {  	v26 =	vmov v23;
	v42 =	vor.u32 v0, v22;
	v34 =	vadd.f32 v37, v30;
	[tilespmem:s7+$0x30] =	vst v38;
	v23 =	vld.idx.msk [tilespmem:v40+s9+$0x0], $0xffff  }
0x32e: {  	v41 =	vor.u32 v2, v11;
	v46 =	vadd.f32 v44, v21;
	v21 =	vmov v17;
	[tilespmem:s10+$0x30] =	vst v39;
	v39 =	vld.idx.msk [tilespmem:v47+s13+$0x0], $0xffff  }
0x32f: {  	v40 =	vor.u32 v4, v13;
	v17 =	vmov v45;
	v38 =	vld.idx.msk [tilespmem:v50+s13+$0x0], $0xffff;
	[tilespmem:s2+$0x30] =	vst v34;
	v34 =	vadd.f32 v48, v18  }
0x330: {  	v44 =	vadd.f32 v31, v9;
	v31 =	vor.u32 v6, v16;
	v18 =	vmov v30;
	v37 =	vld.idx.msk [tilespmem:v51+s13+$0x0], $0xffff;
	[tilespmem:s0+$0x70] =	vst v46;
	s0 =	smov.u32 s10  }
0x331: {  	_ =	sdelay $0x3  }
0x332: {  	v43 =	vld.idx.msk [tilespmem:v43+s13+$0x0], $0xffff  }
0x333: {  	v30 =	vor.u32 v5, v27;
	s17 =	sadd.s32 $0x200, s8;
	v32 =	vadd.f32 v32, v10;
	v45 =	vor.u32 v1, v28;
	v42 =	vld.idx.msk [tilespmem:v42+s13+$0x0], $0xffff  }
0x334: {  	v49 =	vor.u32 v1, v20;
	v50 =	vor.u32 v1, v19;
	v33 =	vadd.f32 v33, v15;
	s3 =	sadd.s32 $0xFFFFFE80, s17;
	[tilespmem:s4+$0xFFFFFFD0] =	vst v44  }
0x335: {  	v46 =	vor.u32 v5, v25;
	s3 =	sand.u32 $0x1C00, s3;
	v39 =	vadd.f32 v39, v26;
	v41 =	vld.idx.msk [tilespmem:v41+s13+$0x0], $0xffff;
	[tilespmem:s26+$0xFFFFFFF0] =	vst v32  }
0x336: {  	v35 =	vadd.f32 v35, v17;
	s8 =	sadd.s32 $0xFFFFFF00, s17;
	s10 =	sand.u32 $0x380, s17;
	[tilespmem:s28+$0x10] =	vst v33;
	s3 =	sadd.s32 $0x7900, s3;
	v38 =	vadd.f32 v38, v23;
	v40 =	vld.idx.msk [tilespmem:v40+s13+$0x0], $0xffff  }
0x337: {  	v51 =	vor.u32 v5, v24;
	v36 =	vadd.f32 v36, v29;
	s11 =	sadd.s32 $0xFFFFFF80, s17;
	s8 =	sand.u32 $0x280, s8;
	v31 =	vld.idx.msk [tilespmem:v31+s13+$0x0], $0xffff;
	s22 =	sadd.s32 s10, s3;
	[tilespmem:s7+$0x40] =	vst v39  }
0x338: {  	v54 =	vor.u32 v1, v22;
	v55 =	vor.u32 v6, v27;
	s11 =	sand.u32 $0x300, s11;
	s21 =	sor.u32 s8, s3;
	[tilespmem:s22+$0x0] =	vst v38;
	v30 =	vld.idx.msk [tilespmem:v30+s13+$0x0], $0xffff  }
0x339: {  	v58 =	vor.u32 v2, v28;
	s10 =	sadd.s32 s11, s3;
	v37 =	vadd.f32 v37, v21;
	[tilespmem:s21+$0x0] =	vst v35;
	v52 =	vld.idx.msk [tilespmem:v45+s13+$0x0], $0xffff  }
0x33a: {  	v16 =	vor.u32 v7, v16;
	v53 =	vadd.f32 v43, v18;
	[tilespmem:s10+$0x0] =	vst v36;
	v44 =	vld.idx.msk [tilespmem:v49+s13+$0x0], $0xffff  }
0x33b: {  	v60 =	vor.u32 v2, v20;
	s15 =	sadd.s32 $0x45, s30;
	v56 =	vadd.f32 v42, v14;
	v32 =	vld.idx.msk [tilespmem:v50+s13+$0x0], $0xffff;
	[tilespmem:s0+$0x40] =	vst v37  }
0x33c: {  	v61 =	vor.u32 v2, v19;
	v62 =	vmov s15;
	s8 =	sadd.s32 $0x200, s4;
	v57 =	vld.idx.msk [tilespmem:v46+s13+$0x0], $0xffff;
	[tilespmem:s2+$0x40] =	vst v53;
	v31 =	vadd.f32 v31, v15  }
0x33d: {  	v63 =	vor.u32 v6, v25;
	s20 =	sadd.s32 $0x46, s30;
	v48 =	vand.u32 $0x7D, v62;
	[tilespmem:s8+$0xFFFFFFC0] =	vst v56;
	v59 =	vld.idx.msk [tilespmem:v51+s13+$0x0], $0xffff;
	v30 =	vadd.f32 v30, v26  }
0x33e: {  	v62 =	vor.u32 v7, v27;
	v43 =	vld.idx.msk [tilespmem:v54+s13+$0x0], $0xffff;
	[tilespmem:s28+$0x20] =	vst v31;
	v35 =	vadd.f32 v52, v23;
	v52 =	vmov s20  }
0x33f: {  	v44 =	vadd.f32 v44, v17;
	v46 =	vld.idx.msk [tilespmem:v16+s13+$0x0], $0xffff;
	[tilespmem:s7+$0x50] =	vst v30;
	v30 =	vbroadcast v48, $0x0;
	v33 =	vand.u32 $0x7E, v52  }
0x340: {  	s4 =	sadd.s32 $0x47, s30;
	v49 =	vor.u32 v6, v24;
	v32 =	vadd.f32 v32, v29;
	[tilespmem:s22+$0x10] =	vst v35;
	v36 =	vld.idx.msk [tilespmem:v55+s13+$0x0], $0xffff;
	v33 =	vbroadcast v33, $0x0  }
0x341: {  	s16 =	sadd.s32 $0x5, s30;
	v47 =	vmov s4;
	v42 =	vadd.f32 v57, v21;
	[tilespmem:s21+$0x10] =	vst v44;
	v38 =	vld.idx.msk [tilespmem:v58+s13+$0x0], $0xffff;
	v30 =	vor.u32 v12, v30  }
0x342: {  	v50 =	vmov s16;
	[tilespmem:s10+$0x10] =	vst v32;
	v51 =	vadd.f32 v59, v18;
	v39 =	vld.idx.msk [tilespmem:v60+s13+$0x0], $0xffff;
	v33 =	vor.u32 v12, v33  }
0x343: {  	v53 =	vand.u32 $0x3D, v50;
	v50 =	vor.u32 v3, v19;
	v56 =	vand.u32 $0x7F, v47;
	v37 =	vld.idx.msk [tilespmem:v61+s13+$0x0], $0xffff;
	[tilespmem:s0+$0x50] =	vst v42  }
0x344: {  	v41 =	vadd.f32 v41, v9;
	v27 =	vbroadcast v53, $0x0;
	v61 =	vor.u32 v3, v28;
	v54 =	vld.idx.msk [tilespmem:v63+s13+$0x0], $0xffff;
	[tilespmem:s2+$0x50] =	vst v51  }
0x345: {  	s11 =	sadd.s32 $0x7, s30;
	v40 =	vadd.f32 v40, v10;
	v63 =	vor.u32 v3, v20;
	v35 =	vld.idx.msk [tilespmem:v49+s13+$0x0], $0xffff;
	v48 =	vadd.f32 v36, v26  }
0x346: {  	[tilespmem:s29+$0xFFFFFFE0] =	vst v41;
	v60 =	vmov s11;
	v51 =	vor.u32 v7, v25;
	v49 =	vadd.f32 v38, v23;
	v16 =	vld.idx.msk [tilespmem:v30+s9+$0x0], $0xffff  }
0x347: {  	v36 =	vand.u32 $0x3F, v60;
	v55 =	vadd.f32 v39, v17;
	v39 =	vor.u32 v0, v27;
	[tilespmem:s7+$0x60] =	vst v48;
	v25 =	vld.idx.msk [tilespmem:v33+s9+$0x0], $0xffff  }
0x348: {  	v57 =	vadd.f32 v37, v29;
	v32 =	vbroadcast v36, $0x0;
	v37 =	vor.u32 v3, v11;
	[tilespmem:s22+$0x20] =	vst v49;
	v45 =	vld.idx.msk [tilespmem:v62+s13+$0x0], $0xffff  }
0x349: {  	s15 =	sadd.s32 $0x6, s30;
	v41 =	vor.u32 v5, v13;
	v59 =	vbroadcast v56, $0x0;
	v56 =	vor.u32 v4, v20;
	[tilespmem:s21+$0x20] =	vst v55;
	v58 =	vld.idx.msk [tilespmem:v61+s13+$0x0], $0xffff  }
0x34a: {  	v62 =	vmov s15;
	[tilespmem:s10+$0x20] =	vst v57;
	v48 =	vor.u32 v0, v32;
	v35 =	vadd.f32 v35, v18;
	v42 =	vld.idx.msk [tilespmem:v63+s13+$0x0], $0xffff  }
0x34b: {  	[tilespmem:s31+$0x70] =	vst v34;
	v61 =	vadd.f32 v54, v21;
	v63 =	vor.u32 v12, v59;
	v52 =	vand.u32 $0x3E, v62;
	v53 =	vld.idx.msk [tilespmem:v50+s13+$0x0], $0xffff  }
0x34c: {  	v54 =	vor.u32 v4, v28;
	v59 =	vor.u32 v4, v19;
	v31 =	vbroadcast v52, $0x0;
	[tilespmem:s2+$0x60] =	vst v35;
	v34 =	vld.idx.msk [tilespmem:v39+s13+$0x0], $0xffff  }
0x34d: {  	v62 =	vadd.f32 v46, v15;
	v35 =	vor.u32 v5, v20;
	[tilespmem:s0+$0x60] =	vst v61;
	v37 =	vld.idx.msk [tilespmem:v37+s13+$0x0], $0xffff  }
0x34e: {  	v61 =	vor.u32 v7, v24;
	v55 =	vld.idx.msk [tilespmem:v51+s13+$0x0], $0xffff;
	v49 =	vor.u32 v0, v31;
	v57 =	vadd.f32 v58, v23  }
0x34f: {  	s31 =	sadd.s32 $0x46, s1;
	[tilespmem:s28+$0x30] =	vst v62;
	v47 =	vor.u32 v1, v31;
	v60 =	vld.idx.msk [tilespmem:v48+s13+$0x0], $0xffff;
	v58 =	vadd.f32 v42, v17  }
0x350: {  	v62 =	vmov s31;
	v30 =	vld.idx.msk [tilespmem:v63+s9+$0x0], $0xffff;
	v36 =	vadd.f32 v53, v29;
	v63 =	vadd.f32 v45, v26;
	[tilespmem:s22+$0x30] =	vst v57  }
0x351: {  	s11 =	sadd.s32 $0x200, s17;
	v53 =	vor.u32 v2, v22;
	v26 =	vor.u32 v5, v19;
	v45 =	vand.u32 $0x7E, v62;
	[tilespmem:s21+$0x30] =	vst v58;
	v38 =	vld.idx.msk [tilespmem:v54+s13+$0x0], $0xffff  }
0x352: {  	s16 =	sadd.s32 $0x45, s1;
	[tilespmem:s26+$0x0] =	vst v40;
	s20 =	sadd.s32 $0xFFFFFE80, s11;
	v45 =	vbroadcast v45, $0x0;
	v57 =	vor.u32 v1, v27;
	v34 =	vadd.f32 v34, v16;
	v39 =	vld.idx.msk [tilespmem:v56+s13+$0x0], $0xffff  }
0x353: {  	s3 =	sand.u32 $0x1C00, s20;
	[tilespmem:s10+$0x30] =	vst v36;
	v58 =	vmov s16;
	v37 =	vadd.f32 v37, v9;
	v52 =	vld.idx.msk [tilespmem:v49+s13+$0x0], $0xffff;
	v44 =	vadd.f32 v55, v21  }
0x354: {  	s3 =	sadd.s32 $0x7900, s3;
	s28 =	sadd.s32 $0xFFFFFF00, s11;
	v54 =	vadd.f32 v43, v14;
	v36 =	vld.idx.msk [tilespmem:v59+s13+$0x0], $0xffff;
	v55 =	vor.u32 v5, v28;
	v56 =	vor.u32 v1, v32  }
0x355: {  	v41 =	vld.idx.msk [tilespmem:v41+s13+$0x0], $0xffff;
	s15 =	sadd.s32 $0x5, s1;
	s20 =	sand.u32 $0x280, s28;
	s28 =	sadd.s32 $0x7, s1;
	[tilespmem:s7+$0x70] =	vst v63;
	v59 =	vand.u32 $0x7D, v58;
	v62 =	vor.u32 v12, v45;
	v33 =	vadd.f32 v60, v30  }
0x356: {  	v24 =	vld.idx.msk [tilespmem:v61+s13+$0x0], $0xffff;
	s7 =	sor.u32 s20, s3;
	v60 =	vmov s15;
	[tilespmem:s8+$0xFFFFFFD0] =	vst v54;
	v54 =	vmov s28;
	v38 =	vadd.f32 v38, v23  }
0x357: {  	s17 =	sadd.s32 $0x47, s1;
	s30 =	sadd.s32 $0xFFFFFF80, s11;
	s16 =	sand.u32 $0x380, s11;
	v15 =	vbroadcast v59, $0x0;
	[tilespmem:s7+$0x0] =	vst v34;
	v46 =	vld.idx.msk [tilespmem:v53+s13+$0x0], $0xffff;
	v63 =	vand.u32 $0x3D, v60;
	v48 =	vand.u32 $0x3F, v54  }
0x358: {  	s30 =	sand.u32 $0x300, s30;
	s4 =	sadd.s32 s16, s3;
	v40 =	vld.idx.msk [tilespmem:v57+s13+$0x0], $0xffff;
	v21 =	vbroadcast v48, $0x0;
	v61 =	vadd.f32 v52, v25;
	v52 =	vmov s17;
	[tilespmem:s22+$0x40] =	vst v38  }
0x359: {  	s31 =	sadd.s32 $0x6, s1;
	s1 =	sadd.s32 s30, s3;
	[tilespmem:s4+$0x0] =	vst v33;
	v39 =	vadd.f32 v39, v17;
	v36 =	vadd.f32 v36, v29;
	v53 =	vand.u32 $0x7F, v52;
	v33 =	vld.idx.msk [tilespmem:v55+s13+$0x0], $0xffff  }
0x35a: {  	v60 =	vor.u32 v0, v21;
	v42 =	vbroadcast v53, $0x0;
	[tilespmem:s1+$0x0] =	vst v61;
	v55 =	vld.idx.msk [tilespmem:v56+s13+$0x0], $0xffff;
	v56 =	vmov s31  }
0x35b: {  	v38 =	vor.u32 v12, v15;
	v15 =	vbroadcast v63, $0x0;
	[tilespmem:s21+$0x40] =	vst v39;
	v58 =	vld.idx.msk [tilespmem:v47+s13+$0x0], $0xffff;
	v43 =	vand.u32 $0x3E, v56  }
0x35c: {  	v59 =	vadd.f32 v24, v18;
	[tilespmem:s10+$0x40] =	vst v36;
	v35 =	vld.idx.msk [tilespmem:v35+s13+$0x0], $0xffff;
	v42 =	vor.u32 v12, v42;
	v24 =	vbroadcast v43, $0x0  }
0x35d: {  	[tilespmem:s29+$0xFFFFFFF0] =	vst v37;
	v61 =	vld.idx.msk [tilespmem:v26+s13+$0x0], $0xffff;
	v57 =	vor.u32 v0, v15  }
0x35e: {  	[tilespmem:s0+$0x70] =	vst v44;
	v63 =	vadd.f32 v41, v10;
	v26 =	vld.idx.msk [tilespmem:v62+s9+$0x0], $0xffff;
	v48 =	vor.u32 v0, v24  }
0x35f: {  	[tilespmem:s2+$0x70] =	vst v59;
	v53 =	vor.u32 v6, v13;
	v51 =	vadd.f32 v46, v14;
	v36 =	vld.idx.msk [tilespmem:v60+s13+$0x0], $0xffff  }
0x360: {  	v50 =	vor.u32 v4, v11;
	[tilespmem:s26+$0x10] =	vst v63;
	v40 =	vadd.f32 v40, v16;
	v12 =	vld.idx.msk [tilespmem:v38+s9+$0x0], $0xffff  }
0x361: {  	v56 =	vor.u32 v2, v27;
	[tilespmem:s8+$0xFFFFFFE0] =	vst v51;
	v33 =	vadd.f32 v33, v23;
	v18 =	vld.idx.msk [tilespmem:v42+s9+$0x0], $0xffff  }
0x362: {  	v54 =	vor.u32 v6, v28;
	[tilespmem:s7+$0x10] =	vst v40;
	v34 =	vadd.f32 v55, v30;
	v52 =	vld.idx.msk [tilespmem:v57+s13+$0x0], $0xffff  }
0x363: {  	s3 =	sadd.s32 $0x200, s11;
	v55 =	vor.u32 v2, v32;
	v39 =	vadd.f32 v58, v25;
	[tilespmem:s22+$0x50] =	vst v33;
	v57 =	vld.idx.msk [tilespmem:v48+s13+$0x0], $0xffff  }
0x364: {  	s11 =	sadd.s32 $0xFFFFFE80, s3;
	v59 =	vor.u32 v1, v21;
	v60 =	vld.idx.msk [tilespmem:v53+s13+$0x0], $0xffff;
	v35 =	vadd.f32 v35, v17;
	[tilespmem:s4+$0x10] =	vst v34  }
0x365: {  	s2 =	sand.u32 $0x1C00, s11;
	v62 =	vor.u32 v1, v15;
	v58 =	vld.idx.msk [tilespmem:v50+s13+$0x0], $0xffff;
	v61 =	vadd.f32 v61, v29;
	[tilespmem:s1+$0x10] =	vst v39  }
0x366: {  	s15 =	sadd.s32 $0xFFFFFF00, s3;
	s17 =	sand.u32 $0x380, s3;
	s16 =	sadd.s32 $0x7900, s2;
	v63 =	vor.u32 v1, v24;
	[tilespmem:s21+$0x50] =	vst v35;
	v33 =	vld.idx.msk [tilespmem:v56+s13+$0x0], $0xffff;
	v36 =	vadd.f32 v36, v18  }
0x367: {  	s20 =	sadd.s32 $0xFFFFFF80, s3;
	s3 =	sand.u32 $0x280, s15;
	s28 =	sadd.s32 s17, s16;
	v50 =	vor.u32 v6, v20;
	[tilespmem:s10+$0x50] =	vst v61;
	v42 =	vld.idx.msk [tilespmem:v54+s13+$0x0], $0xffff;
	v49 =	vadd.f32 v52, v12  }
0x368: {  	s15 =	sand.u32 $0x300, s20;
	s30 =	sor.u32 s3, s16;
	v53 =	vor.u32 v7, v13;
	v37 =	vld.idx.msk [tilespmem:v55+s13+$0x0], $0xffff;
	[tilespmem:s28+$0x0] =	vst v36;
	v34 =	vadd.f32 v57, v26  }
0x369: {  	s31 =	sadd.s32 s15, s16;
	v51 =	vor.u32 v6, v19;
	v54 =	vadd.f32 v60, v10;
	[tilespmem:s30+$0x0] =	vst v49;
	v52 =	vld.idx.msk [tilespmem:v59+s13+$0x0], $0xffff  }
0x36a: {  	v48 =	vor.u32 v2, v31;
	v38 =	vadd.f32 v58, v9;
	v55 =	vld.idx.msk [tilespmem:v62+s13+$0x0], $0xffff;
	[tilespmem:s31+$0x0] =	vst v34  }
0x36b: {  	v56 =	vor.u32 v7, v28;
	[tilespmem:s26+$0x20] =	vst v54;
	v33 =	vadd.f32 v33, v16;
	v35 =	vld.idx.msk [tilespmem:v63+s13+$0x0], $0xffff  }
0x36c: {  	v60 =	vld.idx.msk [tilespmem:v50+s13+$0x0], $0xffff;
	[tilespmem:s29+$0x0] =	vst v38;
	v57 =	vadd.f32 v42, v23;
	v59 =	vor.u32 v2, v21  }
0x36d: {  	v61 =	vor.u32 v2, v15;
	v13 =	vld.idx.msk [tilespmem:v53+s13+$0x0], $0xffff;
	[tilespmem:s7+$0x20] =	vst v33;
	v37 =	vadd.f32 v37, v30  }
0x36e: {  	v36 =	vld.idx.msk [tilespmem:v51+s13+$0x0], $0xffff;
	v62 =	vor.u32 v2, v24;
	[tilespmem:s22+$0x60] =	vst v57;
	v39 =	vadd.f32 v52, v18  }
0x36f: {  	v58 =	vld.idx.msk [tilespmem:v48+s13+$0x0], $0xffff;
	v48 =	vor.u32 v7, v20;
	[tilespmem:s4+$0x20] =	vst v37;
	v44 =	vadd.f32 v55, v12  }
0x370: {  	v63 =	vor.u32 v3, v32;
	v28 =	vld.idx.msk [tilespmem:v56+s13+$0x0], $0xffff;
	[tilespmem:s28+$0x10] =	vst v39;
	v35 =	vadd.f32 v35, v26  }
0x371: {  	v45 =	vor.u32 v3, v27;
	v49 =	vadd.f32 v60, v17;
	[tilespmem:s30+$0x10] =	vst v44;
	v47 =	vld.idx.msk [tilespmem:v59+s13+$0x0], $0xffff  }
0x372: {  	v46 =	vor.u32 v3, v31;
	v10 =	vadd.f32 v13, v10;
	v34 =	vld.idx.msk [tilespmem:v61+s13+$0x0], $0xffff;
	[tilespmem:s31+$0x10] =	vst v35  }
0x373: {  	v50 =	vor.u32 v3, v22;
	[tilespmem:s21+$0x60] =	vst v49;
	v36 =	vadd.f32 v36, v29;
	v37 =	vld.idx.msk [tilespmem:v62+s13+$0x0], $0xffff  }
0x374: {  	v38 =	vadd.f32 v58, v25;
	v52 =	vor.u32 v3, v21;
	[tilespmem:s26+$0x30] =	vst v10;
	v20 =	vld.idx.msk [tilespmem:v48+s13+$0x0], $0xffff  }
0x375: {  	v55 =	vor.u32 v3, v15;
	[tilespmem:s10+$0x60] =	vst v36;
	v51 =	vld.idx.msk [tilespmem:v63+s13+$0x0], $0xffff;
	v54 =	vadd.f32 v28, v23  }
0x376: {  	v53 =	vld.idx.msk [tilespmem:v45+s13+$0x0], $0xffff;
	v10 =	vor.u32 v3, v24;
	[tilespmem:s1+$0x20] =	vst v38;
	v33 =	vadd.f32 v47, v18  }
0x377: {  	v57 =	vor.u32 v7, v19;
	v56 =	vld.idx.msk [tilespmem:v46+s13+$0x0], $0xffff;
	[tilespmem:s22+$0x70] =	vst v54;
	v58 =	vadd.f32 v34, v12  }
0x378: {  	v60 =	vor.u32 v4, v32;
	v59 =	vld.idx.msk [tilespmem:v50+s13+$0x0], $0xffff;
	[tilespmem:s28+$0x20] =	vst v33;
	v37 =	vadd.f32 v37, v26  }
0x379: {  	v61 =	vor.u32 v4, v27;
	v42 =	vadd.f32 v20, v17;
	[tilespmem:s30+$0x20] =	vst v58;
	v13 =	vld.idx.msk [tilespmem:v52+s13+$0x0], $0xffff  }
0x37a: {  	v63 =	vor.u32 v4, v31;
	v38 =	vadd.f32 v51, v30;
	v28 =	vld.idx.msk [tilespmem:v55+s13+$0x0], $0xffff;
	[tilespmem:s31+$0x20] =	vst v37  }
0x37b: {  	v41 =	vor.u32 v4, v22;
	v62 =	vadd.f32 v53, v16;
	[tilespmem:s21+$0x70] =	vst v42;
	v10 =	vld.idx.msk [tilespmem:v10+s13+$0x0], $0xffff  }
0x37c: {  	v43 =	vor.u32 v4, v21;
	v19 =	vld.idx.msk [tilespmem:v57+s13+$0x0], $0xffff;
	v36 =	vadd.f32 v56, v25;
	[tilespmem:s4+$0x30] =	vst v38  }
0x37d: {  	v45 =	vor.u32 v4, v15;
	[tilespmem:s7+$0x30] =	vst v62;
	v34 =	vadd.f32 v59, v14;
	v44 =	vld.idx.msk [tilespmem:v60+s13+$0x0], $0xffff  }
0x37e: {  	v46 =	vor.u32 v4, v24;
	[tilespmem:s1+$0x30] =	vst v36;
	v33 =	vld.idx.msk [tilespmem:v61+s13+$0x0], $0xffff;
	v13 =	vadd.f32 v13, v18  }
0x37f: {  	v47 =	vor.u32 v5, v11;
	[tilespmem:s8+$0xFFFFFFF0] =	vst v34;
	v48 =	vld.idx.msk [tilespmem:v63+s13+$0x0], $0xffff;
	v28 =	vadd.f32 v28, v12  }
0x380: {  	v49 =	vor.u32 v5, v32;
	v37 =	vld.idx.msk [tilespmem:v41+s13+$0x0], $0xffff;
	[tilespmem:s28+$0x30] =	vst v13;
	v10 =	vadd.f32 v10, v26  }
0x381: {  	v50 =	vadd.f32 v19, v29;
	v51 =	vor.u32 v5, v27;
	[tilespmem:s30+$0x30] =	vst v28;
	v20 =	vld.idx.msk [tilespmem:v43+s13+$0x0], $0xffff  }
0x382: {  	v52 =	vor.u32 v5, v31;
	v23 =	vadd.f32 v44, v30;
	[tilespmem:s31+$0x30] =	vst v10;
	v10 =	vld.idx.msk [tilespmem:v45+s13+$0x0], $0xffff  }
0x383: {  	v54 =	vor.u32 v5, v22;
	[tilespmem:s10+$0x70] =	vst v50;
	v53 =	vadd.f32 v33, v16;
	v17 =	vld.idx.msk [tilespmem:v46+s13+$0x0], $0xffff  }
0x384: {  	v57 =	vor.u32 v5, v21;
	v55 =	vld.idx.msk [tilespmem:v47+s13+$0x0], $0xffff;
	v56 =	vadd.f32 v48, v25;
	[tilespmem:s4+$0x40] =	vst v23  }
0x385: {  	v59 =	vor.u32 v5, v15;
	[tilespmem:s7+$0x40] =	vst v53;
	v58 =	vadd.f32 v37, v14;
	v34 =	vld.idx.msk [tilespmem:v49+s13+$0x0], $0xffff  }
0x386: {  	v60 =	vor.u32 v5, v24;
	v19 =	vld.idx.msk [tilespmem:v51+s13+$0x0], $0xffff;
	[tilespmem:s1+$0x40] =	vst v56;
	v20 =	vadd.f32 v20, v18  }
0x387: {  	v61 =	vor.u32 v6, v11;
	v28 =	vld.idx.msk [tilespmem:v52+s13+$0x0], $0xffff;
	[tilespmem:s8+$0x0] =	vst v58;
	v10 =	vadd.f32 v10, v12  }
0x388: {  	v62 =	vor.u32 v6, v32;
	v29 =	vld.idx.msk [tilespmem:v54+s13+$0x0], $0xffff;
	[tilespmem:s28+$0x40] =	vst v20;
	v17 =	vadd.f32 v17, v26  }
0x389: {  	v40 =	vor.u32 v6, v27;
	v63 =	vadd.f32 v55, v9;
	v35 =	vld.idx.msk [tilespmem:v57+s13+$0x0], $0xffff;
	[tilespmem:s30+$0x40] =	vst v10  }
0x38a: {  	v41 =	vor.u32 v6, v31;
	v10 =	vadd.f32 v34, v30;
	v36 =	vld.idx.msk [tilespmem:v59+s13+$0x0], $0xffff;
	[tilespmem:s31+$0x40] =	vst v17  }
0x38b: {  	v43 =	vor.u32 v6, v22;
	[tilespmem:s29+$0x10] =	vst v63;
	v42 =	vadd.f32 v19, v16;
	v44 =	vld.idx.msk [tilespmem:v60+s13+$0x0], $0xffff  }
0x38c: {  	v45 =	vld.idx.msk [tilespmem:v61+s13+$0x0], $0xffff;
	v46 =	vor.u32 v6, v21;
	[tilespmem:s4+$0x50] =	vst v10;
	v10 =	vadd.f32 v28, v25  }
0x38d: {  	v48 =	vor.u32 v6, v15;
	[tilespmem:s7+$0x50] =	vst v42;
	v47 =	vadd.f32 v29, v14;
	v13 =	vld.idx.msk [tilespmem:v62+s13+$0x0], $0xffff  }
0x38e: {  	v49 =	vor.u32 v6, v24;
	v33 =	vld.idx.msk [tilespmem:v40+s13+$0x0], $0xffff;
	[tilespmem:s1+$0x50] =	vst v10;
	v10 =	vadd.f32 v35, v18  }
0x38f: {  	v11 =	vor.u32 v7, v11;
	[tilespmem:s8+$0x10] =	vst v47;
	v34 =	vld.idx.msk [tilespmem:v41+s13+$0x0], $0xffff;
	v50 =	vadd.f32 v36, v12  }
0x390: {  	v32 =	vor.u32 v7, v32;
	v19 =	vld.idx.msk [tilespmem:v43+s13+$0x0], $0xffff;
	[tilespmem:s28+$0x50] =	vst v10;
	v10 =	vadd.f32 v44, v26  }
0x391: {  	v52 =	vor.u32 v7, v27;
	v51 =	vadd.f32 v45, v9;
	v53 =	vld.idx.msk [tilespmem:v46+s13+$0x0], $0xffff;
	[tilespmem:s30+$0x50] =	vst v50  }
0x392: {  	v54 =	vor.u32 v7, v31;
	v13 =	vadd.f32 v13, v30;
	v55 =	vld.idx.msk [tilespmem:v48+s13+$0x0], $0xffff;
	[tilespmem:s31+$0x50] =	vst v10  }
0x393: {  	v56 =	vor.u32 v7, v22;
	[tilespmem:s29+$0x20] =	vst v51;
	v10 =	vadd.f32 v33, v16;
	v57 =	vld.idx.msk [tilespmem:v49+s13+$0x0], $0xffff  }
0x394: {  	v21 =	vor.u32 v7, v21;
	v11 =	vld.idx.msk [tilespmem:v11+s13+$0x0], $0xffff;
	[tilespmem:s4+$0x60] =	vst v13;
	v58 =	vadd.f32 v34, v25  }
0x395: {  	v15 =	vor.u32 v7, v15;
	v59 =	vld.idx.msk [tilespmem:v32+s13+$0x0], $0xffff;
	[tilespmem:s7+$0x60] =	vst v10;
	v10 =	vadd.f32 v19, v14  }
0x396: {  	v62 =	vor.u32 v7, v24;
	v60 =	vld.idx.msk [tilespmem:v52+s13+$0x0], $0xffff;
	[tilespmem:s1+$0x60] =	vst v58;
	v61 =	vadd.f32 v53, v18  }
0x397: {  	v17 =	vld.idx.msk [tilespmem:v54+s13+$0x0], $0xffff;
	[tilespmem:s8+$0x20] =	vst v10;
	v10 =	vadd.f32 v55, v12  }
0x398: {  	v20 =	vld.idx.msk [tilespmem:v56+s13+$0x0], $0xffff;
	[tilespmem:s28+$0x60] =	vst v61;
	v63 =	vadd.f32 v57, v26  }
0x399: {  	v9 =	vadd.f32 v11, v9;
	v11 =	vld.idx.msk [tilespmem:v21+s13+$0x0], $0xffff;
	[tilespmem:s30+$0x60] =	vst v10  }
0x39a: {  	v10 =	vadd.f32 v59, v30;
	v15 =	vld.idx.msk [tilespmem:v15+s13+$0x0], $0xffff;
	[tilespmem:s31+$0x60] =	vst v63  }
0x39b: {  	[tilespmem:s29+$0x30] =	vst v9;
	v9 =	vadd.f32 v60, v16;
	v13 =	vld.idx.msk [tilespmem:v62+s13+$0x0], $0xffff  }
0x39c: {  	[tilespmem:s4+$0x70] =	vst v10;
	v10 =	vadd.f32 v17, v25  }
0x39d: {  	[tilespmem:s7+$0x70] =	vst v9;
	v9 =	vadd.f32 v20, v14  }
.Ltmp17:
0x39e: {  	[tilespmem:s1+$0x70] =	vst v10;
	v10 =	vadd.f32 v11, v18;
	(pc) =	sbr.rel .LBB2_22-.Ltmp17, $4  }
0x39f: {  	[tilespmem:s8+$0x30] =	vst v9;
	v9 =	vadd.f32 v15, v12  }
0x3a0: {  	[tilespmem:s28+$0x70] =	vst v10;
	v10 =	vadd.f32 v13, v26  }
0x3a1: {  	[tilespmem:s30+$0x70] =	vst v9  }
0x3a2: {  	s16 =	rddreg [dreg:$0x2];
	[tilespmem:s31+$0x70] =	vst v10  }
.LBB2_24:
0x3a3: {  	_ =	sfence.sel $0x180000  }
0x3a4: {  	[bflag:$0x0] =	sbarrier.arrive $0xFFFF  }
0x3a5: {  	_ =	strace $0x90000047  }
0x3a6: {  	s0 =	stileid.u32;
	[bflag:$0x2] =	sbarrier.arrive $0xFFFF  }
0x3a7: {  	p0 =	sne.s32 s0, $0x0;
	s0 =	rddreg [dreg:$0x3]  }
0x3a8: {  	s0 =	sadd.s32 @!p0 $0x100000, s0  }
0x3a9: {  	[sflag:s0] =	ssyncadd.tile.s32 @!p0 $0x1;
	_ =	shalt  }
.Lfunc_end2:
_tile_overlayer_lowered:
.L_overlay_start_2:
0x3aa: {  	(tag) =	ssettag $0x2  }
0x3ab: {  	s0 =	rddreg [dreg:$0x0];
	s2 =	stileid.u32  }
0x3ac: {  	s1 =	rddreg [dreg:$0x1];
	p0 =	sne.s32 s2, $0x0  }
0x3ad: {  	s3 =	rddreg [dreg:$0x2];
	[bflag:$0x3] =	sbarrier.arrive $0xFFFF;
	s2 =	simm.s32 @!p0 $0x1C05  }
0x3ae: {  	[timem:s3], [sflag:s2] =	dma.local @!p0 [hbm:s0], s1  }
0x3af: {  	s0 =	simm.s32 @!p0 $0x5  }
0x3b0: {  	_ =	swait.ge @!p0 [sflag:s0], s1  }
0x3b1: {  	s1 =	ssub.s32 @!p0 $0x0, s1;
	[sflag:s0] =	ssyncset.done @!p0 $0x0  }
0x3b2: {  	[sflag:s0] =	ssyncadd.s32 @!p0 s1  }
0x3b3: {  	[bflag:$0x3] =	sbarrier.arrive $0xFFFF  }
0x3b4: {  	_ =	shalt  }

</sc_bundles>
